<compile_context>
chip_gen: v7x
topology: tpu7x:2x2x1
jax: 0.10.2.dev20260603
libtpu: 0.0.44.dev20260713+nightly
codegen_flags: <defaults>
</compile_context>

<pallas_src>
import jax
import jax.numpy as jnp
from jax import lax
from jax.experimental import pallas as pl
from jax.experimental.pallas import tpu as pltpu
from jax.experimental.pallas import tpu_sc as plsc

N = 10000
NC = 2
NS = 16
NW = NC * NS
CW = 128
NPAD = 10240
RPT = NPAD // NS
BM = 256
RW = 2


def _mesh():
    return plsc.VectorSubcoreMesh(
        core_axis_name="c", subcore_axis_name="s", num_cores=NC, num_subcores=NS
    )


def _make_deg_kernel(chunks):
    def body(dst_hbm, zeros_hbm, ones_hbm, out_hbm, idx_v, ones_v, deg_sh):
        c = lax.axis_index("c")
        s = lax.axis_index("s")
        wid = c * NS + s
        pltpu.sync_copy(dst_hbm.at[wid], idx_v)
        pltpu.sync_copy(ones_hbm, ones_v)
        for k in range(RPT // CW):
            pltpu.sync_copy(
                zeros_hbm.at[k], deg_sh.at[pl.ds(s * RPT + k * CW, CW)]
            )
        plsc.subcore_barrier()
        for j in range(chunks):
            pltpu.sync_copy(ones_v, deg_sh.at[idx_v.at[j]], add=True)
        plsc.subcore_barrier()
        pltpu.sync_copy(
            deg_sh.at[pl.ds(s * RPT, RPT)], out_hbm.at[c, pl.ds(s * RPT, RPT)]
        )

    return pl.kernel(
        body,
        out_type=jax.ShapeDtypeStruct((NC, NPAD), jnp.float32),
        mesh=_mesh(),
        scratch_types=[
            pltpu.VMEM((chunks, CW), jnp.int32),
            pltpu.VMEM((CW,), jnp.float32),
            pltpu.VMEM_SHARED((NPAD,), jnp.float32),
        ],
    )


def _make_scatter_kernel(chunks, dh):
    d2 = dh // 2
    assert chunks % 2 == 0

    def body(y_hbm, src_e_hbm, src_o_hbm, dst_hbm, zeros_hbm, out_hbm,
             srcv, dstv, rows0, rows1, zbuf, gs0, gs1, acc_sh):
        c = lax.axis_index("c")
        s = lax.axis_index("s")
        @pl.when(c == 0)
        def _():
            pltpu.sync_copy(src_e_hbm.at[s], srcv)

        @pl.when(c == 1)
        def _():
            pltpu.sync_copy(src_o_hbm.at[s], srcv)

        pltpu.sync_copy(dst_hbm.at[s], dstv)
        pltpu.sync_copy(zeros_hbm, zbuf)
        for k in range(RPT // CW):
            pltpu.sync_copy(zbuf, acc_sh.at[pl.ds(s * RPT + k * CW, CW)])
        plsc.subcore_barrier()

        pltpu.async_copy(y_hbm.at[srcv.at[0]], rows0, gs0)

        def step(t, carry):
            pltpu.async_copy(y_hbm.at[srcv.at[2 * t + 1]], rows1, gs1)
            pltpu.make_async_copy(y_hbm.at[srcv.at[0]], rows0, gs0).wait()
            pltpu.sync_copy(rows0, acc_sh.at[dstv.at[2 * t]], add=True)

            @pl.when(t + 1 < chunks // 2)
            def _():
                pltpu.async_copy(y_hbm.at[srcv.at[2 * t + 2]], rows0, gs0)

            pltpu.make_async_copy(y_hbm.at[srcv.at[0]], rows1, gs1).wait()
            pltpu.sync_copy(rows1, acc_sh.at[dstv.at[2 * t + 1]], add=True)
            return carry

        lax.fori_loop(0, chunks // 2, step, 0)

        plsc.subcore_barrier()
        pltpu.sync_copy(
            acc_sh.at[pl.ds(s * RPT, RPT)], out_hbm.at[c, pl.ds(s * RPT, RPT)]
        )

    return pl.kernel(
        body,
        out_type=jax.ShapeDtypeStruct((NC, NPAD, d2), jnp.float32),
        mesh=_mesh(),
        compiler_params=pltpu.CompilerParams(use_tc_tiling_on_sc=False),
        scratch_types=[
            pltpu.VMEM((chunks, CW), jnp.int32),
            pltpu.VMEM((chunks, CW), jnp.int32),
            pltpu.VMEM((CW, d2), jnp.float32),
            pltpu.VMEM((CW, d2), jnp.float32),
            pltpu.VMEM((CW, d2), jnp.float32),
            pltpu.SemaphoreType.DMA,
            pltpu.SemaphoreType.DMA,
            pltpu.VMEM_SHARED((NPAD, d2), jnp.float32),
        ],
    )


def _mm_scale_body(x_ref, w_ref, deg_ref, y_ref, dinv_ref):
    xw = jnp.dot(x_ref[...], w_ref[...], preferred_element_type=jnp.float32)
    deg = deg_ref[0] + deg_ref[1] + 1.0
    dinv = lax.rsqrt(deg)
    y_ref[...] = xw * dinv
    dinv_ref[...] = dinv


def _layer2_body(acc_ref, y1_ref, dinv_ref, b1_ref, w2_ref, y2_ref):
    dinv = dinv_ref[...]
    agg = jnp.concatenate([acc_ref[0], acc_ref[1]], axis=1)
    pre = (agg + y1_ref[...]) * dinv + b1_ref[...]
    h = jnp.maximum(pre, 0.0)
    y2_ref[...] = (
        jnp.dot(h, w2_ref[...], preferred_element_type=jnp.float32) * dinv
    )


def _final_body(acc_ref, y2_ref, dinv_ref, b2_ref, out_ref):
    agg = jnp.concatenate([acc_ref[0], acc_ref[1]], axis=1)
    out_ref[...] = (agg + y2_ref[...]) * dinv_ref[...] + b2_ref[...]


def _mm_scale_call(xp, w1, degp, di, dh):
    return pl.pallas_call(
        _mm_scale_body,
        grid=(NPAD // BM,),
        in_specs=[
            pl.BlockSpec((BM, di), lambda i: (i, 0)),
            pl.BlockSpec((di, dh), lambda i: (0, 0)),
            pl.BlockSpec((NC, BM, 1), lambda i: (0, i, 0)),
        ],
        out_specs=[
            pl.BlockSpec((BM, dh), lambda i: (i, 0)),
            pl.BlockSpec((BM, 1), lambda i: (i, 0)),
        ],
        out_shape=[
            jax.ShapeDtypeStruct((NPAD, dh), jnp.float32),
            jax.ShapeDtypeStruct((NPAD, 1), jnp.float32),
        ],
    )(xp, w1, degp)


def _layer2_call(acc, y1, dinv, b1, w2, dh, do):
    return pl.pallas_call(
        _layer2_body,
        grid=(NPAD // BM,),
        in_specs=[
            pl.BlockSpec((NC, BM, dh // 2), lambda i: (0, i, 0)),
            pl.BlockSpec((BM, dh), lambda i: (i, 0)),
            pl.BlockSpec((BM, 1), lambda i: (i, 0)),
            pl.BlockSpec((1, dh), lambda i: (0, 0)),
            pl.BlockSpec((dh, do), lambda i: (0, 0)),
        ],
        out_specs=pl.BlockSpec((BM, do), lambda i: (i, 0)),
        out_shape=jax.ShapeDtypeStruct((NPAD, do), jnp.float32),
    )(acc, y1, dinv, b1, w2)


def _final_call(acc, y2, dinv, b2, do):
    return pl.pallas_call(
        _final_body,
        grid=(NPAD // BM,),
        in_specs=[
            pl.BlockSpec((NC, BM, do // 2), lambda i: (0, i, 0)),
            pl.BlockSpec((BM, do), lambda i: (i, 0)),
            pl.BlockSpec((BM, 1), lambda i: (i, 0)),
            pl.BlockSpec((1, do), lambda i: (0, 0)),
        ],
        out_specs=pl.BlockSpec((BM, do), lambda i: (i, 0)),
        out_shape=jax.ShapeDtypeStruct((NPAD, do), jnp.float32),
    )(acc, y2, dinv, b2)


def kernel(x, edge_index, W1, b1, W2, b2):
    di = x.shape[1]
    dh = W1.shape[1]
    do = W2.shape[1]
    e = edge_index.shape[1]
    ew = 2 * RW * NS * CW
    ep = -(-e // ew) * ew
    chunks_sc = ep // (NS * CW)
    chunks_deg = chunks_sc // NC

    src = edge_index[0]
    dst = edge_index[1]
    pad = jnp.full((ep - e,), N, jnp.int32)
    srcp = jnp.concatenate([src, pad])
    dstp = jnp.concatenate([dst, pad])
    src_e = (2 * srcp).reshape(NS, chunks_sc, CW)
    src_o = (2 * srcp + 1).reshape(NS, chunks_sc, CW)
    dst_sc = dstp.reshape(NS, chunks_sc, CW)
    dst_deg = dstp.reshape(NW, chunks_deg, CW)
    xp = jnp.zeros((NPAD, di), jnp.float32).at[:N, :].set(x)
    zeros2d = jnp.zeros((CW, dh // 2), jnp.float32)
    zeros1d = jnp.zeros((CW, CW), jnp.float32)
    ones1d = jnp.ones((CW,), jnp.float32)

    deg_fn = _make_deg_kernel(chunks_deg)
    scat_fn = _make_scatter_kernel(chunks_sc, dh)

    degp = deg_fn(dst_deg, zeros1d, ones1d)
    degp3 = degp.reshape(NC, NPAD, 1)
    y1, dinv = _mm_scale_call(xp, W1, degp3, di, dh)
    y1v = y1.reshape(2 * NPAD, dh // 2)
    acc1 = scat_fn(y1v, src_e, src_o, dst_sc, zeros2d)
    y2 = _layer2_call(acc1, y1, dinv, b1.reshape(1, dh), W2, dh, do)
    y2v = y2.reshape(2 * NPAD, do // 2)
    acc2 = scat_fn(y2v, src_e, src_o, dst_sc, zeros2d)
    outp = _final_call(acc2, y2, dinv, b2.reshape(1, do), do)
    return outp[:N]

# --- scband reference (transcript-rebuilt; emitter-appended) ---
"""Pipeline reference for scband-traditional-gcn-31275951850257 (READ-ONLY COPY).

The authoritative reference and input builder live on the scoring server;
editing this copy changes nothing except your own understanding.
"""

import jax, jax.numpy as jnp
import numpy as np

N = 10000
E = 320000
D_IN = 128
D_H = 128
D_OUT = 128


def setup_inputs(seed: int = 0) -> dict:
    key = jax.random.key(seed)
    k1, k2, k3, k4, k5, k6 = jax.random.split(key, 6)
    x = jax.random.normal(k1, (N, D_IN), dtype=jnp.float32)
    edge_index = jax.random.randint(k2, (2, E), 0, N, dtype=jnp.int32)
    W1 = jax.random.normal(k3, (D_IN, D_H), dtype=jnp.float32) * (1.0 / np.sqrt(D_IN))
    b1 = jnp.zeros((D_H,), dtype=jnp.float32)
    W2 = jax.random.normal(k4, (D_H, D_OUT), dtype=jnp.float32) * (1.0 / np.sqrt(D_H))
    b2 = jnp.zeros((D_OUT,), dtype=jnp.float32)
    return {"x": x, "edge_index": edge_index, "W1": W1, "b1": b1, "W2": W2, "b2": b2}


def _gcn_conv(x, edge_index, W, b, n_nodes):
    # GCNConv: out = D^{-1/2} (A + I) D^{-1/2} X W + b
    src = edge_index[0]
    dst = edge_index[1]
    loop = jnp.arange(n_nodes, dtype=src.dtype)
    src_f = jnp.concatenate([src, loop])
    dst_f = jnp.concatenate([dst, loop])
    # degree (with self loops) over destination nodes
    deg = jnp.zeros((n_nodes,), dtype=x.dtype).at[dst_f].add(1.0)
    dinv = jnp.where(deg > 0, jax.lax.rsqrt(deg), 0.0)
    norm = dinv[src_f] * dinv[dst_f]
    xw = x @ W
    msg = jnp.take(xw, src_f, axis=0) * norm[:, None]
    out = jnp.zeros((n_nodes, W.shape[1]), dtype=x.dtype).at[dst_f].add(msg)
    return out + b


def reference(x, edge_index, W1, b1, W2, b2):
    h = _gcn_conv(x, edge_index, W1, b1, N)
    h = jax.nn.relu(h)
    # dropout p=0.5 is identity in eval mode
    out = _gcn_conv(h, edge_index, W2, b2, N)
    return out

if __name__ == "__main__":
    import jax
    _d = setup_inputs()
    print(jax.jit(kernel)(*tuple(_d.values())))

</pallas_src>

<mosaic_0001>
#map = affine_map<(d0, d1) -> (0, 0)>
#map1 = affine_map<(d0, d1) -> (0, 0, 0)>
module attributes {stable_mosaic.version = 14 : i64} {
  func.func @body(%arg0: i32, %arg1: i32, %arg2: memref<20480x64xf32, #tpu.memory_space<hbm>>, %arg3: memref<16x160x128xi32, #tpu.memory_space<hbm>>, %arg4: memref<16x160x128xi32, #tpu.memory_space<hbm>>, %arg5: memref<16x160x128xi32, #tpu.memory_space<hbm>>, %arg6: memref<128x64xf32, #tpu.memory_space<hbm>>, %arg7: memref<2x10240x64xf32, #tpu.memory_space<hbm>>, %arg8: memref<160x128xi32, #tpu.memory_space<vmem>>, %arg9: memref<160x128xi32, #tpu.memory_space<vmem>>, %arg10: memref<128x64xf32, #tpu.memory_space<vmem>>, %arg11: memref<128x64xf32, #tpu.memory_space<vmem>>, %arg12: memref<128x64xf32, #tpu.memory_space<vmem>>, %arg13: memref<!tpu.dma_semaphore, #tpu.memory_space<semaphore_mem>>, %arg14: memref<!tpu.dma_semaphore, #tpu.memory_space<semaphore_mem>>, %arg15: memref<10240x64xf32, #tpu.memory_space<vmem_shared>>) attributes {dimension_semantics = [#tpu.dimension_semantics<core_parallel>, #tpu.dimension_semantics<subcore_parallel>], iteration_bounds = array<i64: 2, 16>, scalar_prefetch = 0 : i64, scratch_operands = 8 : i64, tpu.core_type = #tpu.core_type<sc_vector_subcore>, window_params = [{transform_indices = #map}, {transform_indices = #map1}, {transform_indices = #map1}, {transform_indices = #map1}, {transform_indices = #map}, {transform_indices = #map1}]} {
    %eq3A = arith.constant 0 : i32
    %eq3A_0 = arith.cmpi eq, %arg0, %eq3A : i32
    %convert_element_type3A = arith.extui %eq3A_0 : i1 to i32
    %cond3A = arith.constant 0 : i32
    %cond3A_1 = arith.cmpi ne, %convert_element_type3A, %cond3A : i32
    scf.if %cond3A_1 {
      "tpu.region"() ({
        %run_scoped3A = tpu.sem_alloc : memref<!tpu.dma_semaphore, #tpu.memory_space<semaphore_mem>>
        %dma_start3A_41 = arith.constant 0 : i32
        %dma_start3A_42 = arith.constant 0 : i32
        %dma_start3A_43 = tpu.memref_slice %arg3[%arg1, %dma_start3A_41, %dma_start3A_42] : memref<16x160x128xi32, #tpu.memory_space<hbm>> -> memref<1x160x128xi32, #tpu.memory_space<hbm>>
        %dma_start3A_44 = tpu.memref_squeeze %dma_start3A_43 : memref<1x160x128xi32, #tpu.memory_space<hbm>> -> memref<160x128xi32, #tpu.memory_space<hbm>>
        %dma_start3A_45 = arith.constant 0 : i32
        %dma_start3A_46 = arith.constant 0 : i32
        %dma_start3A_47 = tpu.memref_slice %arg3[%arg1, %dma_start3A_45, %dma_start3A_46] : memref<16x160x128xi32, #tpu.memory_space<hbm>> -> memref<1x160x128xi32, #tpu.memory_space<hbm>>
        %dma_start3A_48 = tpu.memref_squeeze %dma_start3A_47 : memref<1x160x128xi32, #tpu.memory_space<hbm>> -> memref<160x128xi32, #tpu.memory_space<hbm>>
        tpu.enqueue_dma source(%dma_start3A_48 : memref<160x128xi32, #tpu.memory_space<hbm>>) target(%arg8 : memref<160x128xi32, #tpu.memory_space<vmem>>) target_semaphore(%run_scoped3A : memref<!tpu.dma_semaphore, #tpu.memory_space<semaphore_mem>>)
        %dma_wait3A = arith.constant 0 : i32
        %dma_wait3A_49 = arith.constant 0 : i32
        %dma_wait3A_50 = tpu.memref_slice %arg3[%arg1, %dma_wait3A, %dma_wait3A_49] : memref<16x160x128xi32, #tpu.memory_space<hbm>> -> memref<1x160x128xi32, #tpu.memory_space<hbm>>
        %dma_wait3A_51 = tpu.memref_squeeze %dma_wait3A_50 : memref<1x160x128xi32, #tpu.memory_space<hbm>> -> memref<160x128xi32, #tpu.memory_space<hbm>>
        %dma_wait3A_52 = arith.constant 0 : i32
        %dma_wait3A_53 = arith.constant 0 : i32
        %dma_wait3A_54 = tpu.memref_slice %arg3[%arg1, %dma_wait3A_52, %dma_wait3A_53] : memref<16x160x128xi32, #tpu.memory_space<hbm>> -> memref<1x160x128xi32, #tpu.memory_space<hbm>>
        %dma_wait3A_55 = tpu.memref_squeeze %dma_wait3A_54 : memref<1x160x128xi32, #tpu.memory_space<hbm>> -> memref<160x128xi32, #tpu.memory_space<hbm>>
        tpu.wait_dma2 semaphore(%run_scoped3A : memref<!tpu.dma_semaphore, #tpu.memory_space<semaphore_mem>>) src(%dma_wait3A_55 : memref<160x128xi32, #tpu.memory_space<hbm>>) dst(%arg8 : memref<160x128xi32, #tpu.memory_space<vmem>>)
        tpu.yield
      }) : () -> ()
    } else {
    }
    %eq3A_2 = arith.constant 1 : i32
    %eq3A_3 = arith.cmpi eq, %arg0, %eq3A_2 : i32
    %convert_element_type3A_4 = arith.extui %eq3A_3 : i1 to i32
    %cond3A_5 = arith.constant 0 : i32
    %cond3A_6 = arith.cmpi ne, %convert_element_type3A_4, %cond3A_5 : i32
    scf.if %cond3A_6 {
      "tpu.region"() ({
        %run_scoped3A = tpu.sem_alloc : memref<!tpu.dma_semaphore, #tpu.memory_space<semaphore_mem>>
        %dma_start3A_41 = arith.constant 0 : i32
        %dma_start3A_42 = arith.constant 0 : i32
        %dma_start3A_43 = tpu.memref_slice %arg4[%arg1, %dma_start3A_41, %dma_start3A_42] : memref<16x160x128xi32, #tpu.memory_space<hbm>> -> memref<1x160x128xi32, #tpu.memory_space<hbm>>
        %dma_start3A_44 = tpu.memref_squeeze %dma_start3A_43 : memref<1x160x128xi32, #tpu.memory_space<hbm>> -> memref<160x128xi32, #tpu.memory_space<hbm>>
        %dma_start3A_45 = arith.constant 0 : i32
        %dma_start3A_46 = arith.constant 0 : i32
        %dma_start3A_47 = tpu.memref_slice %arg4[%arg1, %dma_start3A_45, %dma_start3A_46] : memref<16x160x128xi32, #tpu.memory_space<hbm>> -> memref<1x160x128xi32, #tpu.memory_space<hbm>>
        %dma_start3A_48 = tpu.memref_squeeze %dma_start3A_47 : memref<1x160x128xi32, #tpu.memory_space<hbm>> -> memref<160x128xi32, #tpu.memory_space<hbm>>
        tpu.enqueue_dma source(%dma_start3A_48 : memref<160x128xi32, #tpu.memory_space<hbm>>) target(%arg8 : memref<160x128xi32, #tpu.memory_space<vmem>>) target_semaphore(%run_scoped3A : memref<!tpu.dma_semaphore, #tpu.memory_space<semaphore_mem>>)
        %dma_wait3A = arith.constant 0 : i32
        %dma_wait3A_49 = arith.constant 0 : i32
        %dma_wait3A_50 = tpu.memref_slice %arg4[%arg1, %dma_wait3A, %dma_wait3A_49] : memref<16x160x128xi32, #tpu.memory_space<hbm>> -> memref<1x160x128xi32, #tpu.memory_space<hbm>>
        %dma_wait3A_51 = tpu.memref_squeeze %dma_wait3A_50 : memref<1x160x128xi32, #tpu.memory_space<hbm>> -> memref<160x128xi32, #tpu.memory_space<hbm>>
        %dma_wait3A_52 = arith.constant 0 : i32
        %dma_wait3A_53 = arith.constant 0 : i32
        %dma_wait3A_54 = tpu.memref_slice %arg4[%arg1, %dma_wait3A_52, %dma_wait3A_53] : memref<16x160x128xi32, #tpu.memory_space<hbm>> -> memref<1x160x128xi32, #tpu.memory_space<hbm>>
        %dma_wait3A_55 = tpu.memref_squeeze %dma_wait3A_54 : memref<1x160x128xi32, #tpu.memory_space<hbm>> -> memref<160x128xi32, #tpu.memory_space<hbm>>
        tpu.wait_dma2 semaphore(%run_scoped3A : memref<!tpu.dma_semaphore, #tpu.memory_space<semaphore_mem>>) src(%dma_wait3A_55 : memref<160x128xi32, #tpu.memory_space<hbm>>) dst(%arg8 : memref<160x128xi32, #tpu.memory_space<vmem>>)
        tpu.yield
      }) : () -> ()
    } else {
    }
    "tpu.region"() ({
      %run_scoped3A = tpu.sem_alloc : memref<!tpu.dma_semaphore, #tpu.memory_space<semaphore_mem>>
      %dma_start3A_41 = arith.constant 0 : i32
      %dma_start3A_42 = arith.constant 0 : i32
      %dma_start3A_43 = tpu.memref_slice %arg5[%arg1, %dma_start3A_41, %dma_start3A_42] : memref<16x160x128xi32, #tpu.memory_space<hbm>> -> memref<1x160x128xi32, #tpu.memory_space<hbm>>
      %dma_start3A_44 = tpu.memref_squeeze %dma_start3A_43 : memref<1x160x128xi32, #tpu.memory_space<hbm>> -> memref<160x128xi32, #tpu.memory_space<hbm>>
      %dma_start3A_45 = arith.constant 0 : i32
      %dma_start3A_46 = arith.constant 0 : i32
      %dma_start3A_47 = tpu.memref_slice %arg5[%arg1, %dma_start3A_45, %dma_start3A_46] : memref<16x160x128xi32, #tpu.memory_space<hbm>> -> memref<1x160x128xi32, #tpu.memory_space<hbm>>
      %dma_start3A_48 = tpu.memref_squeeze %dma_start3A_47 : memref<1x160x128xi32, #tpu.memory_space<hbm>> -> memref<160x128xi32, #tpu.memory_space<hbm>>
      tpu.enqueue_dma source(%dma_start3A_48 : memref<160x128xi32, #tpu.memory_space<hbm>>) target(%arg9 : memref<160x128xi32, #tpu.memory_space<vmem>>) target_semaphore(%run_scoped3A : memref<!tpu.dma_semaphore, #tpu.memory_space<semaphore_mem>>)
      %dma_wait3A = arith.constant 0 : i32
      %dma_wait3A_49 = arith.constant 0 : i32
      %dma_wait3A_50 = tpu.memref_slice %arg5[%arg1, %dma_wait3A, %dma_wait3A_49] : memref<16x160x128xi32, #tpu.memory_space<hbm>> -> memref<1x160x128xi32, #tpu.memory_space<hbm>>
      %dma_wait3A_51 = tpu.memref_squeeze %dma_wait3A_50 : memref<1x160x128xi32, #tpu.memory_space<hbm>> -> memref<160x128xi32, #tpu.memory_space<hbm>>
      %dma_wait3A_52 = arith.constant 0 : i32
      %dma_wait3A_53 = arith.constant 0 : i32
      %dma_wait3A_54 = tpu.memref_slice %arg5[%arg1, %dma_wait3A_52, %dma_wait3A_53] : memref<16x160x128xi32, #tpu.memory_space<hbm>> -> memref<1x160x128xi32, #tpu.memory_space<hbm>>
      %dma_wait3A_55 = tpu.memref_squeeze %dma_wait3A_54 : memref<1x160x128xi32, #tpu.memory_space<hbm>> -> memref<160x128xi32, #tpu.memory_space<hbm>>
      tpu.wait_dma2 semaphore(%run_scoped3A : memref<!tpu.dma_semaphore, #tpu.memory_space<semaphore_mem>>) src(%dma_wait3A_55 : memref<160x128xi32, #tpu.memory_space<hbm>>) dst(%arg9 : memref<160x128xi32, #tpu.memory_space<vmem>>)
      tpu.yield
    }) : () -> ()
    "tpu.region"() ({
      %run_scoped3A = tpu.sem_alloc : memref<!tpu.dma_semaphore, #tpu.memory_space<semaphore_mem>>
      tpu.enqueue_dma source(%arg6 : memref<128x64xf32, #tpu.memory_space<hbm>>) target(%arg12 : memref<128x64xf32, #tpu.memory_space<vmem>>) target_semaphore(%run_scoped3A : memref<!tpu.dma_semaphore, #tpu.memory_space<semaphore_mem>>)
      tpu.wait_dma2 semaphore(%run_scoped3A : memref<!tpu.dma_semaphore, #tpu.memory_space<semaphore_mem>>) src(%arg6 : memref<128x64xf32, #tpu.memory_space<hbm>>) dst(%arg12 : memref<128x64xf32, #tpu.memory_space<vmem>>)
      tpu.yield
    }) : () -> ()
    %mul3A = arith.constant 640 : i32
    %mul3A_7 = arith.muli %arg1, %mul3A : i32
    %add3A = arith.constant 0 : i32
    %add3A_8 = arith.addi %mul3A_7, %add3A : i32
    "tpu.region"() ({
      %run_scoped3A = tpu.sem_alloc : memref<!tpu.dma_semaphore, #tpu.memory_space<semaphore_mem>>
      %dma_start3A_41 = arith.constant 0 : i32
      %dma_start3A_42 = tpu.memref_slice %arg15[%add3A_8, %dma_start3A_41] : memref<10240x64xf32, #tpu.memory_space<vmem_shared>> -> memref<128x64xf32, #tpu.memory_space<vmem_shared>>
      %dma_start3A_43 = arith.constant 0 : i32
      %dma_start3A_44 = tpu.memref_slice %arg15[%add3A_8, %dma_start3A_43] : memref<10240x64xf32, #tpu.memory_space<vmem_shared>> -> memref<128x64xf32, #tpu.memory_space<vmem_shared>>
      tpu.enqueue_dma source(%arg12 : memref<128x64xf32, #tpu.memory_space<vmem>>) target(%dma_start3A_44 : memref<128x64xf32, #tpu.memory_space<vmem_shared>>) target_semaphore(%run_scoped3A : memref<!tpu.dma_semaphore, #tpu.memory_space<semaphore_mem>>)
      %dma_wait3A = arith.constant 0 : i32
      %dma_wait3A_45 = tpu.memref_slice %arg15[%add3A_8, %dma_wait3A] : memref<10240x64xf32, #tpu.memory_space<vmem_shared>> -> memref<128x64xf32, #tpu.memory_space<vmem_shared>>
      %dma_wait3A_46 = arith.constant 0 : i32
      %dma_wait3A_47 = tpu.memref_slice %arg15[%add3A_8, %dma_wait3A_46] : memref<10240x64xf32, #tpu.memory_space<vmem_shared>> -> memref<128x64xf32, #tpu.memory_space<vmem_shared>>
      tpu.wait_dma2 semaphore(%run_scoped3A : memref<!tpu.dma_semaphore, #tpu.memory_space<semaphore_mem>>) src(%arg12 : memref<128x64xf32, #tpu.memory_space<vmem>>) dst(%dma_wait3A_47 : memref<128x64xf32, #tpu.memory_space<vmem_shared>>)
      tpu.yield
    }) : () -> ()
    %mul3A_9 = arith.constant 640 : i32
    %mul3A_10 = arith.muli %arg1, %mul3A_9 : i32
    %add3A_11 = arith.constant 128 : i32
    %add3A_12 = arith.addi %mul3A_10, %add3A_11 : i32
    "tpu.region"() ({
      %run_scoped3A = tpu.sem_alloc : memref<!tpu.dma_semaphore, #tpu.memory_space<semaphore_mem>>
      %dma_start3A_41 = arith.constant 0 : i32
      %dma_start3A_42 = tpu.memref_slice %arg15[%add3A_12, %dma_start3A_41] : memref<10240x64xf32, #tpu.memory_space<vmem_shared>> -> memref<128x64xf32, #tpu.memory_space<vmem_shared>>
      %dma_start3A_43 = arith.constant 0 : i32
      %dma_start3A_44 = tpu.memref_slice %arg15[%add3A_12, %dma_start3A_43] : memref<10240x64xf32, #tpu.memory_space<vmem_shared>> -> memref<128x64xf32, #tpu.memory_space<vmem_shared>>
      tpu.enqueue_dma source(%arg12 : memref<128x64xf32, #tpu.memory_space<vmem>>) target(%dma_start3A_44 : memref<128x64xf32, #tpu.memory_space<vmem_shared>>) target_semaphore(%run_scoped3A : memref<!tpu.dma_semaphore, #tpu.memory_space<semaphore_mem>>)
      %dma_wait3A = arith.constant 0 : i32
      %dma_wait3A_45 = tpu.memref_slice %arg15[%add3A_12, %dma_wait3A] : memref<10240x64xf32, #tpu.memory_space<vmem_shared>> -> memref<128x64xf32, #tpu.memory_space<vmem_shared>>
      %dma_wait3A_46 = arith.constant 0 : i32
      %dma_wait3A_47 = tpu.memref_slice %arg15[%add3A_12, %dma_wait3A_46] : memref<10240x64xf32, #tpu.memory_space<vmem_shared>> -> memref<128x64xf32, #tpu.memory_space<vmem_shared>>
      tpu.wait_dma2 semaphore(%run_scoped3A : memref<!tpu.dma_semaphore, #tpu.memory_space<semaphore_mem>>) src(%arg12 : memref<128x64xf32, #tpu.memory_space<vmem>>) dst(%dma_wait3A_47 : memref<128x64xf32, #tpu.memory_space<vmem_shared>>)
      tpu.yield
    }) : () -> ()
    %mul3A_13 = arith.constant 640 : i32
    %mul3A_14 = arith.muli %arg1, %mul3A_13 : i32
    %add3A_15 = arith.constant 256 : i32
    %add3A_16 = arith.addi %mul3A_14, %add3A_15 : i32
    "tpu.region"() ({
      %run_scoped3A = tpu.sem_alloc : memref<!tpu.dma_semaphore, #tpu.memory_space<semaphore_mem>>
      %dma_start3A_41 = arith.constant 0 : i32
      %dma_start3A_42 = tpu.memref_slice %arg15[%add3A_16, %dma_start3A_41] : memref<10240x64xf32, #tpu.memory_space<vmem_shared>> -> memref<128x64xf32, #tpu.memory_space<vmem_shared>>
      %dma_start3A_43 = arith.constant 0 : i32
      %dma_start3A_44 = tpu.memref_slice %arg15[%add3A_16, %dma_start3A_43] : memref<10240x64xf32, #tpu.memory_space<vmem_shared>> -> memref<128x64xf32, #tpu.memory_space<vmem_shared>>
      tpu.enqueue_dma source(%arg12 : memref<128x64xf32, #tpu.memory_space<vmem>>) target(%dma_start3A_44 : memref<128x64xf32, #tpu.memory_space<vmem_shared>>) target_semaphore(%run_scoped3A : memref<!tpu.dma_semaphore, #tpu.memory_space<semaphore_mem>>)
      %dma_wait3A = arith.constant 0 : i32
      %dma_wait3A_45 = tpu.memref_slice %arg15[%add3A_16, %dma_wait3A] : memref<10240x64xf32, #tpu.memory_space<vmem_shared>> -> memref<128x64xf32, #tpu.memory_space<vmem_shared>>
      %dma_wait3A_46 = arith.constant 0 : i32
      %dma_wait3A_47 = tpu.memref_slice %arg15[%add3A_16, %dma_wait3A_46] : memref<10240x64xf32, #tpu.memory_space<vmem_shared>> -> memref<128x64xf32, #tpu.memory_space<vmem_shared>>
      tpu.wait_dma2 semaphore(%run_scoped3A : memref<!tpu.dma_semaphore, #tpu.memory_space<semaphore_mem>>) src(%arg12 : memref<128x64xf32, #tpu.memory_space<vmem>>) dst(%dma_wait3A_47 : memref<128x64xf32, #tpu.memory_space<vmem_shared>>)
      tpu.yield
    }) : () -> ()
    %mul3A_17 = arith.constant 640 : i32
    %mul3A_18 = arith.muli %arg1, %mul3A_17 : i32
    %add3A_19 = arith.constant 384 : i32
    %add3A_20 = arith.addi %mul3A_18, %add3A_19 : i32
    "tpu.region"() ({
      %run_scoped3A = tpu.sem_alloc : memref<!tpu.dma_semaphore, #tpu.memory_space<semaphore_mem>>
      %dma_start3A_41 = arith.constant 0 : i32
      %dma_start3A_42 = tpu.memref_slice %arg15[%add3A_20, %dma_start3A_41] : memref<10240x64xf32, #tpu.memory_space<vmem_shared>> -> memref<128x64xf32, #tpu.memory_space<vmem_shared>>
      %dma_start3A_43 = arith.constant 0 : i32
      %dma_start3A_44 = tpu.memref_slice %arg15[%add3A_20, %dma_start3A_43] : memref<10240x64xf32, #tpu.memory_space<vmem_shared>> -> memref<128x64xf32, #tpu.memory_space<vmem_shared>>
      tpu.enqueue_dma source(%arg12 : memref<128x64xf32, #tpu.memory_space<vmem>>) target(%dma_start3A_44 : memref<128x64xf32, #tpu.memory_space<vmem_shared>>) target_semaphore(%run_scoped3A : memref<!tpu.dma_semaphore, #tpu.memory_space<semaphore_mem>>)
      %dma_wait3A = arith.constant 0 : i32
      %dma_wait3A_45 = tpu.memref_slice %arg15[%add3A_20, %dma_wait3A] : memref<10240x64xf32, #tpu.memory_space<vmem_shared>> -> memref<128x64xf32, #tpu.memory_space<vmem_shared>>
      %dma_wait3A_46 = arith.constant 0 : i32
      %dma_wait3A_47 = tpu.memref_slice %arg15[%add3A_20, %dma_wait3A_46] : memref<10240x64xf32, #tpu.memory_space<vmem_shared>> -> memref<128x64xf32, #tpu.memory_space<vmem_shared>>
      tpu.wait_dma2 semaphore(%run_scoped3A : memref<!tpu.dma_semaphore, #tpu.memory_space<semaphore_mem>>) src(%arg12 : memref<128x64xf32, #tpu.memory_space<vmem>>) dst(%dma_wait3A_47 : memref<128x64xf32, #tpu.memory_space<vmem_shared>>)
      tpu.yield
    }) : () -> ()
    %mul3A_21 = arith.constant 640 : i32
    %mul3A_22 = arith.muli %arg1, %mul3A_21 : i32
    %add3A_23 = arith.constant 512 : i32
    %add3A_24 = arith.addi %mul3A_22, %add3A_23 : i32
    "tpu.region"() ({
      %run_scoped3A = tpu.sem_alloc : memref<!tpu.dma_semaphore, #tpu.memory_space<semaphore_mem>>
      %dma_start3A_41 = arith.constant 0 : i32
      %dma_start3A_42 = tpu.memref_slice %arg15[%add3A_24, %dma_start3A_41] : memref<10240x64xf32, #tpu.memory_space<vmem_shared>> -> memref<128x64xf32, #tpu.memory_space<vmem_shared>>
      %dma_start3A_43 = arith.constant 0 : i32
      %dma_start3A_44 = tpu.memref_slice %arg15[%add3A_24, %dma_start3A_43] : memref<10240x64xf32, #tpu.memory_space<vmem_shared>> -> memref<128x64xf32, #tpu.memory_space<vmem_shared>>
      tpu.enqueue_dma source(%arg12 : memref<128x64xf32, #tpu.memory_space<vmem>>) target(%dma_start3A_44 : memref<128x64xf32, #tpu.memory_space<vmem_shared>>) target_semaphore(%run_scoped3A : memref<!tpu.dma_semaphore, #tpu.memory_space<semaphore_mem>>)
      %dma_wait3A = arith.constant 0 : i32
      %dma_wait3A_45 = tpu.memref_slice %arg15[%add3A_24, %dma_wait3A] : memref<10240x64xf32, #tpu.memory_space<vmem_shared>> -> memref<128x64xf32, #tpu.memory_space<vmem_shared>>
      %dma_wait3A_46 = arith.constant 0 : i32
      %dma_wait3A_47 = tpu.memref_slice %arg15[%add3A_24, %dma_wait3A_46] : memref<10240x64xf32, #tpu.memory_space<vmem_shared>> -> memref<128x64xf32, #tpu.memory_space<vmem_shared>>
      tpu.wait_dma2 semaphore(%run_scoped3A : memref<!tpu.dma_semaphore, #tpu.memory_space<semaphore_mem>>) src(%arg12 : memref<128x64xf32, #tpu.memory_space<vmem>>) dst(%dma_wait3A_47 : memref<128x64xf32, #tpu.memory_space<vmem_shared>>)
      tpu.yield
    }) : () -> ()
    %barrier3A = arith.constant 0 : index
    tpu.barrier barrier_id(%barrier3A)
    %dma_start3A = arith.constant 0 : i32
    %dma_start3A_25 = arith.constant 0 : i32
    %dma_start3A_26 = tpu.memref_slice %arg8[%dma_start3A, %dma_start3A_25] : memref<160x128xi32, #tpu.memory_space<vmem>> -> memref<1x128xi32, #tpu.memory_space<vmem>>
    %dma_start3A_27 = tpu.memref_squeeze %dma_start3A_26 : memref<1x128xi32, #tpu.memory_space<vmem>> -> memref<128xi32, #tpu.memory_space<vmem>>
    %dma_start3A_28 = arith.constant 0 : i32
    %dma_start3A_29 = arith.constant 0 : i32
    %dma_start3A_30 = tpu.memref_slice %arg2[%dma_start3A_28, %dma_start3A_29] : memref<20480x64xf32, #tpu.memory_space<hbm>> -> memref<20480x64xf32, #tpu.memory_space<hbm>>
    tpu.enqueue_indirect_dma source(%dma_start3A_30 : memref<20480x64xf32, #tpu.memory_space<hbm>>) target(%arg10 : memref<128x64xf32, #tpu.memory_space<vmem>>) offsets(%dma_start3A_27 : memref<128xi32, #tpu.memory_space<vmem>>) semaphore(%arg13 : memref<!tpu.dma_semaphore, #tpu.memory_space<semaphore_mem>>)
    %scan3A = arith.constant 0 : i32
    %scan3A_31 = arith.constant 0 : i32
    %scan3A_32 = arith.constant 80 : i32
    %scan3A_33 = arith.addi %scan3A_31, %scan3A_32 : i32
    %scan3A_34 = arith.constant 1 : i32
    scf.for %scan3A_41 = %scan3A_31 to %scan3A_33 step %scan3A_34  : i32 {
      %mul3A_42 = arith.constant 2 : i32
      %mul3A_43 = arith.muli %mul3A_42, %scan3A_41 : i32
      %add3A_44 = arith.constant 1 : i32
      %add3A_45 = arith.addi %mul3A_43, %add3A_44 : i32
      %dma_start3A_46 = arith.constant 0 : i32
      %dma_start3A_47 = tpu.memref_slice %arg8[%add3A_45, %dma_start3A_46] : memref<160x128xi32, #tpu.memory_space<vmem>> -> memref<1x128xi32, #tpu.memory_space<vmem>>
      %dma_start3A_48 = tpu.memref_squeeze %dma_start3A_47 : memref<1x128xi32, #tpu.memory_space<vmem>> -> memref<128xi32, #tpu.memory_space<vmem>>
      %dma_start3A_49 = arith.constant 0 : i32
      %dma_start3A_50 = arith.constant 0 : i32
      %dma_start3A_51 = tpu.memref_slice %arg2[%dma_start3A_49, %dma_start3A_50] : memref<20480x64xf32, #tpu.memory_space<hbm>> -> memref<20480x64xf32, #tpu.memory_space<hbm>>
      tpu.enqueue_indirect_dma source(%dma_start3A_51 : memref<20480x64xf32, #tpu.memory_space<hbm>>) target(%arg11 : memref<128x64xf32, #tpu.memory_space<vmem>>) offsets(%dma_start3A_48 : memref<128xi32, #tpu.memory_space<vmem>>) semaphore(%arg14 : memref<!tpu.dma_semaphore, #tpu.memory_space<semaphore_mem>>)
      %dma_wait3A = arith.constant 0 : i32
      %dma_wait3A_52 = arith.constant 0 : i32
      %dma_wait3A_53 = tpu.memref_slice %arg8[%dma_wait3A, %dma_wait3A_52] : memref<160x128xi32, #tpu.memory_space<vmem>> -> memref<1x128xi32, #tpu.memory_space<vmem>>
      %dma_wait3A_54 = tpu.memref_squeeze %dma_wait3A_53 : memref<1x128xi32, #tpu.memory_space<vmem>> -> memref<128xi32, #tpu.memory_space<vmem>>
      %dma_wait3A_55 = arith.constant 0 : i32
      %dma_wait3A_56 = arith.constant 0 : i32
      %dma_wait3A_57 = tpu.memref_slice %arg2[%dma_wait3A_55, %dma_wait3A_56] : memref<20480x64xf32, #tpu.memory_space<hbm>> -> memref<20480x64xf32, #tpu.memory_space<hbm>>
      tpu.wait_indirect_dma semaphore(%arg13 : memref<!tpu.dma_semaphore, #tpu.memory_space<semaphore_mem>>) src(%dma_wait3A_57 : memref<20480x64xf32, #tpu.memory_space<hbm>>) dst(%arg10 : memref<128x64xf32, #tpu.memory_space<vmem>>)
      %mul3A_58 = arith.constant 2 : i32
      %mul3A_59 = arith.muli %mul3A_58, %scan3A_41 : i32
      "tpu.region"() ({
        %run_scoped3A = tpu.sem_alloc : memref<!tpu.dma_semaphore, #tpu.memory_space<semaphore_mem>>
        %dma_start3A_77 = arith.constant 0 : i32
        %dma_start3A_78 = tpu.memref_slice %arg9[%mul3A_59, %dma_start3A_77] : memref<160x128xi32, #tpu.memory_space<vmem>> -> memref<1x128xi32, #tpu.memory_space<vmem>>
        %dma_start3A_79 = tpu.memref_squeeze %dma_start3A_78 : memref<1x128xi32, #tpu.memory_space<vmem>> -> memref<128xi32, #tpu.memory_space<vmem>>
        %dma_start3A_80 = arith.constant 0 : i32
        %dma_start3A_81 = arith.constant 0 : i32
        %dma_start3A_82 = tpu.memref_slice %arg15[%dma_start3A_80, %dma_start3A_81] : memref<10240x64xf32, #tpu.memory_space<vmem_shared>> -> memref<10240x64xf32, #tpu.memory_space<vmem_shared>>
        tpu.enqueue_indirect_dma source(%arg10 : memref<128x64xf32, #tpu.memory_space<vmem>>) target(%dma_start3A_82 : memref<10240x64xf32, #tpu.memory_space<vmem_shared>>) offsets(%dma_start3A_79 : memref<128xi32, #tpu.memory_space<vmem>>) semaphore(%run_scoped3A : memref<!tpu.dma_semaphore, #tpu.memory_space<semaphore_mem>>) {add = true}
        %dma_wait3A_83 = arith.constant 0 : i32
        %dma_wait3A_84 = tpu.memref_slice %arg9[%mul3A_59, %dma_wait3A_83] : memref<160x128xi32, #tpu.memory_space<vmem>> -> memref<1x128xi32, #tpu.memory_space<vmem>>
        %dma_wait3A_85 = tpu.memref_squeeze %dma_wait3A_84 : memref<1x128xi32, #tpu.memory_space<vmem>> -> memref<128xi32, #tpu.memory_space<vmem>>
        %dma_wait3A_86 = arith.constant 0 : i32
        %dma_wait3A_87 = arith.constant 0 : i32
        %dma_wait3A_88 = tpu.memref_slice %arg15[%dma_wait3A_86, %dma_wait3A_87] : memref<10240x64xf32, #tpu.memory_space<vmem_shared>> -> memref<10240x64xf32, #tpu.memory_space<vmem_shared>>
        tpu.wait_indirect_dma semaphore(%run_scoped3A : memref<!tpu.dma_semaphore, #tpu.memory_space<semaphore_mem>>) src(%arg10 : memref<128x64xf32, #tpu.memory_space<vmem>>) dst(%dma_wait3A_88 : memref<10240x64xf32, #tpu.memory_space<vmem_shared>>)
        tpu.yield
      }) : () -> ()
      %add3A_60 = arith.constant 1 : i32
      %add3A_61 = arith.addi %scan3A_41, %add3A_60 : i32
      %lt3A = arith.constant 80 : i32
      %lt3A_62 = arith.cmpi slt, %add3A_61, %lt3A : i32
      %convert_element_type3A_63 = arith.extui %lt3A_62 : i1 to i32
      %cond3A_64 = arith.constant 0 : i32
      %cond3A_65 = arith.cmpi ne, %convert_element_type3A_63, %cond3A_64 : i32
      scf.if %cond3A_65 {
        %mul3A_77 = arith.constant 2 : i32
        %mul3A_78 = arith.muli %mul3A_77, %scan3A_41 : i32
        %add3A_79 = arith.constant 2 : i32
        %add3A_80 = arith.addi %mul3A_78, %add3A_79 : i32
        %dma_start3A_81 = arith.constant 0 : i32
        %dma_start3A_82 = tpu.memref_slice %arg8[%add3A_80, %dma_start3A_81] : memref<160x128xi32, #tpu.memory_space<vmem>> -> memref<1x128xi32, #tpu.memory_space<vmem>>
        %dma_start3A_83 = tpu.memref_squeeze %dma_start3A_82 : memref<1x128xi32, #tpu.memory_space<vmem>> -> memref<128xi32, #tpu.memory_space<vmem>>
        %dma_start3A_84 = arith.constant 0 : i32
        %dma_start3A_85 = arith.constant 0 : i32
        %dma_start3A_86 = tpu.memref_slice %arg2[%dma_start3A_84, %dma_start3A_85] : memref<20480x64xf32, #tpu.memory_space<hbm>> -> memref<20480x64xf32, #tpu.memory_space<hbm>>
        tpu.enqueue_indirect_dma source(%dma_start3A_86 : memref<20480x64xf32, #tpu.memory_space<hbm>>) target(%arg10 : memref<128x64xf32, #tpu.memory_space<vmem>>) offsets(%dma_start3A_83 : memref<128xi32, #tpu.memory_space<vmem>>) semaphore(%arg13 : memref<!tpu.dma_semaphore, #tpu.memory_space<semaphore_mem>>)
      } else {
      }
      %dma_wait3A_66 = arith.constant 0 : i32
      %dma_wait3A_67 = arith.constant 0 : i32
      %dma_wait3A_68 = tpu.memref_slice %arg8[%dma_wait3A_66, %dma_wait3A_67] : memref<160x128xi32, #tpu.memory_space<vmem>> -> memref<1x128xi32, #tpu.memory_space<vmem>>
      %dma_wait3A_69 = tpu.memref_squeeze %dma_wait3A_68 : memref<1x128xi32, #tpu.memory_space<vmem>> -> memref<128xi32, #tpu.memory_space<vmem>>
      %dma_wait3A_70 = arith.constant 0 : i32
      %dma_wait3A_71 = arith.constant 0 : i32
      %dma_wait3A_72 = tpu.memref_slice %arg2[%dma_wait3A_70, %dma_wait3A_71] : memref<20480x64xf32, #tpu.memory_space<hbm>> -> memref<20480x64xf32, #tpu.memory_space<hbm>>
      tpu.wait_indirect_dma semaphore(%arg14 : memref<!tpu.dma_semaphore, #tpu.memory_space<semaphore_mem>>) src(%dma_wait3A_72 : memref<20480x64xf32, #tpu.memory_space<hbm>>) dst(%arg11 : memref<128x64xf32, #tpu.memory_space<vmem>>)
      %mul3A_73 = arith.constant 2 : i32
      %mul3A_74 = arith.muli %mul3A_73, %scan3A_41 : i32
      %add3A_75 = arith.constant 1 : i32
      %add3A_76 = arith.addi %mul3A_74, %add3A_75 : i32
      "tpu.region"() ({
        %run_scoped3A = tpu.sem_alloc : memref<!tpu.dma_semaphore, #tpu.memory_space<semaphore_mem>>
        %dma_start3A_77 = arith.constant 0 : i32
        %dma_start3A_78 = tpu.memref_slice %arg9[%add3A_76, %dma_start3A_77] : memref<160x128xi32, #tpu.memory_space<vmem>> -> memref<1x128xi32, #tpu.memory_space<vmem>>
        %dma_start3A_79 = tpu.memref_squeeze %dma_start3A_78 : memref<1x128xi32, #tpu.memory_space<vmem>> -> memref<128xi32, #tpu.memory_space<vmem>>
        %dma_start3A_80 = arith.constant 0 : i32
        %dma_start3A_81 = arith.constant 0 : i32
        %dma_start3A_82 = tpu.memref_slice %arg15[%dma_start3A_80, %dma_start3A_81] : memref<10240x64xf32, #tpu.memory_space<vmem_shared>> -> memref<10240x64xf32, #tpu.memory_space<vmem_shared>>
        tpu.enqueue_indirect_dma source(%arg11 : memref<128x64xf32, #tpu.memory_space<vmem>>) target(%dma_start3A_82 : memref<10240x64xf32, #tpu.memory_space<vmem_shared>>) offsets(%dma_start3A_79 : memref<128xi32, #tpu.memory_space<vmem>>) semaphore(%run_scoped3A : memref<!tpu.dma_semaphore, #tpu.memory_space<semaphore_mem>>) {add = true}
        %dma_wait3A_83 = arith.constant 0 : i32
        %dma_wait3A_84 = tpu.memref_slice %arg9[%add3A_76, %dma_wait3A_83] : memref<160x128xi32, #tpu.memory_space<vmem>> -> memref<1x128xi32, #tpu.memory_space<vmem>>
        %dma_wait3A_85 = tpu.memref_squeeze %dma_wait3A_84 : memref<1x128xi32, #tpu.memory_space<vmem>> -> memref<128xi32, #tpu.memory_space<vmem>>
        %dma_wait3A_86 = arith.constant 0 : i32
        %dma_wait3A_87 = arith.constant 0 : i32
        %dma_wait3A_88 = tpu.memref_slice %arg15[%dma_wait3A_86, %dma_wait3A_87] : memref<10240x64xf32, #tpu.memory_space<vmem_shared>> -> memref<10240x64xf32, #tpu.memory_space<vmem_shared>>
        tpu.wait_indirect_dma semaphore(%run_scoped3A : memref<!tpu.dma_semaphore, #tpu.memory_space<semaphore_mem>>) src(%arg11 : memref<128x64xf32, #tpu.memory_space<vmem>>) dst(%dma_wait3A_88 : memref<10240x64xf32, #tpu.memory_space<vmem_shared>>)
        tpu.yield
      }) : () -> ()
    }
    %scan3A_35 = arith.constant 80 : i32
    %barrier3A_36 = arith.constant 0 : index
    tpu.barrier barrier_id(%barrier3A_36)
    %mul3A_37 = arith.constant 640 : i32
    %mul3A_38 = arith.muli %arg1, %mul3A_37 : i32
    %mul3A_39 = arith.constant 640 : i32
    %mul3A_40 = arith.muli %arg1, %mul3A_39 : i32
    "tpu.region"() ({
      %run_scoped3A = tpu.sem_alloc : memref<!tpu.dma_semaphore, #tpu.memory_space<semaphore_mem>>
      %dma_start3A_41 = arith.constant 0 : i32
      %dma_start3A_42 = tpu.memref_slice %arg7[%arg0, %mul3A_40, %dma_start3A_41] : memref<2x10240x64xf32, #tpu.memory_space<hbm>> -> memref<1x640x64xf32, #tpu.memory_space<hbm>>
      %dma_start3A_43 = tpu.memref_squeeze %dma_start3A_42 : memref<1x640x64xf32, #tpu.memory_space<hbm>> -> memref<640x64xf32, #tpu.memory_space<hbm>>
      %dma_start3A_44 = arith.constant 0 : i32
      %dma_start3A_45 = tpu.memref_slice %arg15[%mul3A_38, %dma_start3A_44] : memref<10240x64xf32, #tpu.memory_space<vmem_shared>> -> memref<640x64xf32, #tpu.memory_space<vmem_shared>>
      tpu.enqueue_dma source(%dma_start3A_45 : memref<640x64xf32, #tpu.memory_space<vmem_shared>>) target(%dma_start3A_43 : memref<640x64xf32, #tpu.memory_space<hbm>>) target_semaphore(%run_scoped3A : memref<!tpu.dma_semaphore, #tpu.memory_space<semaphore_mem>>)
      %dma_wait3A = arith.constant 0 : i32
      %dma_wait3A_46 = tpu.memref_slice %arg7[%arg0, %mul3A_40, %dma_wait3A] : memref<2x10240x64xf32, #tpu.memory_space<hbm>> -> memref<1x640x64xf32, #tpu.memory_space<hbm>>
      %dma_wait3A_47 = tpu.memref_squeeze %dma_wait3A_46 : memref<1x640x64xf32, #tpu.memory_space<hbm>> -> memref<640x64xf32, #tpu.memory_space<hbm>>
      %dma_wait3A_48 = arith.constant 0 : i32
      %dma_wait3A_49 = tpu.memref_slice %arg15[%mul3A_38, %dma_wait3A_48] : memref<10240x64xf32, #tpu.memory_space<vmem_shared>> -> memref<640x64xf32, #tpu.memory_space<vmem_shared>>
      tpu.wait_dma2 semaphore(%run_scoped3A : memref<!tpu.dma_semaphore, #tpu.memory_space<semaphore_mem>>) src(%dma_wait3A_49 : memref<640x64xf32, #tpu.memory_space<vmem_shared>>) dst(%dma_wait3A_47 : memref<640x64xf32, #tpu.memory_space<hbm>>)
      tpu.yield
    }) : () -> ()
    return
  }
}

#map = affine_map<(d0, d1) -> (0, 0, 0)>
#map1 = affine_map<(d0, d1) -> (0, 0)>
#map2 = affine_map<(d0, d1) -> (0)>
module attributes {stable_mosaic.version = 14 : i64} {
  func.func @body(%arg0: i32, %arg1: i32, %arg2: memref<32x80x128xi32, #tpu.memory_space<hbm>>, %arg3: memref<128x128xf32, #tpu.memory_space<hbm>>, %arg4: memref<128xf32, #tpu.memory_space<hbm>>, %arg5: memref<2x10240xf32, #tpu.memory_space<hbm>>, %arg6: memref<80x128xi32, #tpu.memory_space<vmem>>, %arg7: memref<128xf32, #tpu.memory_space<vmem>>, %arg8: memref<10240xf32, #tpu.memory_space<vmem_shared>>) attributes {dimension_semantics = [#tpu.dimension_semantics<core_parallel>, #tpu.dimension_semantics<subcore_parallel>], iteration_bounds = array<i64: 2, 16>, scalar_prefetch = 0 : i64, scratch_operands = 3 : i64, tpu.core_type = #tpu.core_type<sc_vector_subcore>, window_params = [{transform_indices = #map}, {transform_indices = #map1}, {transform_indices = #map2}, {transform_indices = #map1}]} {
    %mul3A = arith.constant 16 : i32
    %mul3A_0 = arith.muli %arg0, %mul3A : i32
    %add3A = arith.addi %mul3A_0, %arg1 : i32
    "tpu.region"() ({
      %run_scoped3A_110 = tpu.sem_alloc : memref<!tpu.dma_semaphore, #tpu.memory_space<semaphore_mem>>
      %dma_start3A = arith.constant 0 : i32
      %dma_start3A_111 = arith.constant 0 : i32
      %dma_start3A_112 = tpu.memref_slice %arg2[%add3A, %dma_start3A, %dma_start3A_111] : memref<32x80x128xi32, #tpu.memory_space<hbm>> -> memref<1x80x128xi32, #tpu.memory_space<hbm>>
      %dma_start3A_113 = tpu.memref_squeeze %dma_start3A_112 : memref<1x80x128xi32, #tpu.memory_space<hbm>> -> memref<80x128xi32, #tpu.memory_space<hbm>>
      %dma_start3A_114 = arith.constant 0 : i32
      %dma_start3A_115 = arith.constant 0 : i32
      %dma_start3A_116 = tpu.memref_slice %arg2[%add3A, %dma_start3A_114, %dma_start3A_115] : memref<32x80x128xi32, #tpu.memory_space<hbm>> -> memref<1x80x128xi32, #tpu.memory_space<hbm>>
      %dma_start3A_117 = tpu.memref_squeeze %dma_start3A_116 : memref<1x80x128xi32, #tpu.memory_space<hbm>> -> memref<80x128xi32, #tpu.memory_space<hbm>>
      tpu.enqueue_dma source(%dma_start3A_117 : memref<80x128xi32, #tpu.memory_space<hbm>>) target(%arg6 : memref<80x128xi32, #tpu.memory_space<vmem>>) target_semaphore(%run_scoped3A_110 : memref<!tpu.dma_semaphore, #tpu.memory_space<semaphore_mem>>)
      %dma_wait3A = arith.constant 0 : i32
      %dma_wait3A_118 = arith.constant 0 : i32
      %dma_wait3A_119 = tpu.memref_slice %arg2[%add3A, %dma_wait3A, %dma_wait3A_118] : memref<32x80x128xi32, #tpu.memory_space<hbm>> -> memref<1x80x128xi32, #tpu.memory_space<hbm>>
      %dma_wait3A_120 = tpu.memref_squeeze %dma_wait3A_119 : memref<1x80x128xi32, #tpu.memory_space<hbm>> -> memref<80x128xi32, #tpu.memory_space<hbm>>
      %dma_wait3A_121 = arith.constant 0 : i32
      %dma_wait3A_122 = arith.constant 0 : i32
      %dma_wait3A_123 = tpu.memref_slice %arg2[%add3A, %dma_wait3A_121, %dma_wait3A_122] : memref<32x80x128xi32, #tpu.memory_space<hbm>> -> memref<1x80x128xi32, #tpu.memory_space<hbm>>
      %dma_wait3A_124 = tpu.memref_squeeze %dma_wait3A_123 : memref<1x80x128xi32, #tpu.memory_space<hbm>> -> memref<80x128xi32, #tpu.memory_space<hbm>>
      tpu.wait_dma2 semaphore(%run_scoped3A_110 : memref<!tpu.dma_semaphore, #tpu.memory_space<semaphore_mem>>) src(%dma_wait3A_124 : memref<80x128xi32, #tpu.memory_space<hbm>>) dst(%arg6 : memref<80x128xi32, #tpu.memory_space<vmem>>)
      tpu.yield
    }) : () -> ()
    "tpu.region"() ({
      %run_scoped3A_110 = tpu.sem_alloc : memref<!tpu.dma_semaphore, #tpu.memory_space<semaphore_mem>>
      tpu.enqueue_dma source(%arg4 : memref<128xf32, #tpu.memory_space<hbm>>) target(%arg7 : memref<128xf32, #tpu.memory_space<vmem>>) target_semaphore(%run_scoped3A_110 : memref<!tpu.dma_semaphore, #tpu.memory_space<semaphore_mem>>)
      tpu.wait_dma2 semaphore(%run_scoped3A_110 : memref<!tpu.dma_semaphore, #tpu.memory_space<semaphore_mem>>) src(%arg4 : memref<128xf32, #tpu.memory_space<hbm>>) dst(%arg7 : memref<128xf32, #tpu.memory_space<vmem>>)
      tpu.yield
    }) : () -> ()
    %mul3A_1 = arith.constant 640 : i32
    %mul3A_2 = arith.muli %arg1, %mul3A_1 : i32
    %add3A_3 = arith.constant 0 : i32
    %add3A_4 = arith.addi %mul3A_2, %add3A_3 : i32
    %run_scoped3A = arith.constant 0 : i32
    "tpu.region"() ({
      %run_scoped3A_110 = tpu.sem_alloc : memref<!tpu.dma_semaphore, #tpu.memory_space<semaphore_mem>>
      %dma_start3A = tpu.memref_slice %arg8[%add3A_4] : memref<10240xf32, #tpu.memory_space<vmem_shared>> -> memref<128xf32, #tpu.memory_space<vmem_shared>>
      %dma_start3A_111 = arith.constant 0 : i32
      %dma_start3A_112 = tpu.memref_slice %arg3[%run_scoped3A, %dma_start3A_111] : memref<128x128xf32, #tpu.memory_space<hbm>> -> memref<1x128xf32, #tpu.memory_space<hbm>>
      %dma_start3A_113 = tpu.memref_squeeze %dma_start3A_112 : memref<1x128xf32, #tpu.memory_space<hbm>> -> memref<128xf32, #tpu.memory_space<hbm>>
      tpu.enqueue_dma source(%dma_start3A_113 : memref<128xf32, #tpu.memory_space<hbm>>) target(%dma_start3A : memref<128xf32, #tpu.memory_space<vmem_shared>>) target_semaphore(%run_scoped3A_110 : memref<!tpu.dma_semaphore, #tpu.memory_space<semaphore_mem>>)
      %dma_wait3A = tpu.memref_slice %arg8[%add3A_4] : memref<10240xf32, #tpu.memory_space<vmem_shared>> -> memref<128xf32, #tpu.memory_space<vmem_shared>>
      %dma_wait3A_114 = arith.constant 0 : i32
      %dma_wait3A_115 = tpu.memref_slice %arg3[%run_scoped3A, %dma_wait3A_114] : memref<128x128xf32, #tpu.memory_space<hbm>> -> memref<1x128xf32, #tpu.memory_space<hbm>>
      %dma_wait3A_116 = tpu.memref_squeeze %dma_wait3A_115 : memref<1x128xf32, #tpu.memory_space<hbm>> -> memref<128xf32, #tpu.memory_space<hbm>>
      tpu.wait_dma2 semaphore(%run_scoped3A_110 : memref<!tpu.dma_semaphore, #tpu.memory_space<semaphore_mem>>) src(%dma_wait3A_116 : memref<128xf32, #tpu.memory_space<hbm>>) dst(%dma_wait3A : memref<128xf32, #tpu.memory_space<vmem_shared>>)
      tpu.yield
    }) : () -> ()
    %mul3A_5 = arith.constant 640 : i32
    %mul3A_6 = arith.muli %arg1, %mul3A_5 : i32
    %add3A_7 = arith.constant 128 : i32
    %add3A_8 = arith.addi %mul3A_6, %add3A_7 : i32
    %run_scoped3A_9 = arith.constant 1 : i32
    "tpu.region"() ({
      %run_scoped3A_110 = tpu.sem_alloc : memref<!tpu.dma_semaphore, #tpu.memory_space<semaphore_mem>>
      %dma_start3A = tpu.memref_slice %arg8[%add3A_8] : memref<10240xf32, #tpu.memory_space<vmem_shared>> -> memref<128xf32, #tpu.memory_space<vmem_shared>>
      %dma_start3A_111 = arith.constant 0 : i32
      %dma_start3A_112 = tpu.memref_slice %arg3[%run_scoped3A_9, %dma_start3A_111] : memref<128x128xf32, #tpu.memory_space<hbm>> -> memref<1x128xf32, #tpu.memory_space<hbm>>
      %dma_start3A_113 = tpu.memref_squeeze %dma_start3A_112 : memref<1x128xf32, #tpu.memory_space<hbm>> -> memref<128xf32, #tpu.memory_space<hbm>>
      tpu.enqueue_dma source(%dma_start3A_113 : memref<128xf32, #tpu.memory_space<hbm>>) target(%dma_start3A : memref<128xf32, #tpu.memory_space<vmem_shared>>) target_semaphore(%run_scoped3A_110 : memref<!tpu.dma_semaphore, #tpu.memory_space<semaphore_mem>>)
      %dma_wait3A = tpu.memref_slice %arg8[%add3A_8] : memref<10240xf32, #tpu.memory_space<vmem_shared>> -> memref<128xf32, #tpu.memory_space<vmem_shared>>
      %dma_wait3A_114 = arith.constant 0 : i32
      %dma_wait3A_115 = tpu.memref_slice %arg3[%run_scoped3A_9, %dma_wait3A_114] : memref<128x128xf32, #tpu.memory_space<hbm>> -> memref<1x128xf32, #tpu.memory_space<hbm>>
      %dma_wait3A_116 = tpu.memref_squeeze %dma_wait3A_115 : memref<1x128xf32, #tpu.memory_space<hbm>> -> memref<128xf32, #tpu.memory_space<hbm>>
      tpu.wait_dma2 semaphore(%run_scoped3A_110 : memref<!tpu.dma_semaphore, #tpu.memory_space<semaphore_mem>>) src(%dma_wait3A_116 : memref<128xf32, #tpu.memory_space<hbm>>) dst(%dma_wait3A : memref<128xf32, #tpu.memory_space<vmem_shared>>)
      tpu.yield
    }) : () -> ()
    %mul3A_10 = arith.constant 640 : i32
    %mul3A_11 = arith.muli %arg1, %mul3A_10 : i32
    %add3A_12 = arith.constant 256 : i32
    %add3A_13 = arith.addi %mul3A_11, %add3A_12 : i32
    %run_scoped3A_14 = arith.constant 2 : i32
    "tpu.region"() ({
      %run_scoped3A_110 = tpu.sem_alloc : memref<!tpu.dma_semaphore, #tpu.memory_space<semaphore_mem>>
      %dma_start3A = tpu.memref_slice %arg8[%add3A_13] : memref<10240xf32, #tpu.memory_space<vmem_shared>> -> memref<128xf32, #tpu.memory_space<vmem_shared>>
      %dma_start3A_111 = arith.constant 0 : i32
      %dma_start3A_112 = tpu.memref_slice %arg3[%run_scoped3A_14, %dma_start3A_111] : memref<128x128xf32, #tpu.memory_space<hbm>> -> memref<1x128xf32, #tpu.memory_space<hbm>>
      %dma_start3A_113 = tpu.memref_squeeze %dma_start3A_112 : memref<1x128xf32, #tpu.memory_space<hbm>> -> memref<128xf32, #tpu.memory_space<hbm>>
      tpu.enqueue_dma source(%dma_start3A_113 : memref<128xf32, #tpu.memory_space<hbm>>) target(%dma_start3A : memref<128xf32, #tpu.memory_space<vmem_shared>>) target_semaphore(%run_scoped3A_110 : memref<!tpu.dma_semaphore, #tpu.memory_space<semaphore_mem>>)
      %dma_wait3A = tpu.memref_slice %arg8[%add3A_13] : memref<10240xf32, #tpu.memory_space<vmem_shared>> -> memref<128xf32, #tpu.memory_space<vmem_shared>>
      %dma_wait3A_114 = arith.constant 0 : i32
      %dma_wait3A_115 = tpu.memref_slice %arg3[%run_scoped3A_14, %dma_wait3A_114] : memref<128x128xf32, #tpu.memory_space<hbm>> -> memref<1x128xf32, #tpu.memory_space<hbm>>
      %dma_wait3A_116 = tpu.memref_squeeze %dma_wait3A_115 : memref<1x128xf32, #tpu.memory_space<hbm>> -> memref<128xf32, #tpu.memory_space<hbm>>
      tpu.wait_dma2 semaphore(%run_scoped3A_110 : memref<!tpu.dma_semaphore, #tpu.memory_space<semaphore_mem>>) src(%dma_wait3A_116 : memref<128xf32, #tpu.memory_space<hbm>>) dst(%dma_wait3A : memref<128xf32, #tpu.memory_space<vmem_shared>>)
      tpu.yield
    }) : () -> ()
    %mul3A_15 = arith.constant 640 : i32
    %mul3A_16 = arith.muli %arg1, %mul3A_15 : i32
    %add3A_17 = arith.constant 384 : i32
    %add3A_18 = arith.addi %mul3A_16, %add3A_17 : i32
    %run_scoped3A_19 = arith.constant 3 : i32
    "tpu.region"() ({
      %run_scoped3A_110 = tpu.sem_alloc : memref<!tpu.dma_semaphore, #tpu.memory_space<semaphore_mem>>
      %dma_start3A = tpu.memref_slice %arg8[%add3A_18] : memref<10240xf32, #tpu.memory_space<vmem_shared>> -> memref<128xf32, #tpu.memory_space<vmem_shared>>
      %dma_start3A_111 = arith.constant 0 : i32
      %dma_start3A_112 = tpu.memref_slice %arg3[%run_scoped3A_19, %dma_start3A_111] : memref<128x128xf32, #tpu.memory_space<hbm>> -> memref<1x128xf32, #tpu.memory_space<hbm>>
      %dma_start3A_113 = tpu.memref_squeeze %dma_start3A_112 : memref<1x128xf32, #tpu.memory_space<hbm>> -> memref<128xf32, #tpu.memory_space<hbm>>
      tpu.enqueue_dma source(%dma_start3A_113 : memref<128xf32, #tpu.memory_space<hbm>>) target(%dma_start3A : memref<128xf32, #tpu.memory_space<vmem_shared>>) target_semaphore(%run_scoped3A_110 : memref<!tpu.dma_semaphore, #tpu.memory_space<semaphore_mem>>)
      %dma_wait3A = tpu.memref_slice %arg8[%add3A_18] : memref<10240xf32, #tpu.memory_space<vmem_shared>> -> memref<128xf32, #tpu.memory_space<vmem_shared>>
      %dma_wait3A_114 = arith.constant 0 : i32
      %dma_wait3A_115 = tpu.memref_slice %arg3[%run_scoped3A_19, %dma_wait3A_114] : memref<128x128xf32, #tpu.memory_space<hbm>> -> memref<1x128xf32, #tpu.memory_space<hbm>>
      %dma_wait3A_116 = tpu.memref_squeeze %dma_wait3A_115 : memref<1x128xf32, #tpu.memory_space<hbm>> -> memref<128xf32, #tpu.memory_space<hbm>>
      tpu.wait_dma2 semaphore(%run_scoped3A_110 : memref<!tpu.dma_semaphore, #tpu.memory_space<semaphore_mem>>) src(%dma_wait3A_116 : memref<128xf32, #tpu.memory_space<hbm>>) dst(%dma_wait3A : memref<128xf32, #tpu.memory_space<vmem_shared>>)
      tpu.yield
    }) : () -> ()
    %mul3A_20 = arith.constant 640 : i32
    %mul3A_21 = arith.muli %arg1, %mul3A_20 : i32
    %add3A_22 = arith.constant 512 : i32
    %add3A_23 = arith.addi %mul3A_21, %add3A_22 : i32
    %run_scoped3A_24 = arith.constant 4 : i32
    "tpu.region"() ({
      %run_scoped3A_110 = tpu.sem_alloc : memref<!tpu.dma_semaphore, #tpu.memory_space<semaphore_mem>>
      %dma_start3A = tpu.memref_slice %arg8[%add3A_23] : memref<10240xf32, #tpu.memory_space<vmem_shared>> -> memref<128xf32, #tpu.memory_space<vmem_shared>>
      %dma_start3A_111 = arith.constant 0 : i32
      %dma_start3A_112 = tpu.memref_slice %arg3[%run_scoped3A_24, %dma_start3A_111] : memref<128x128xf32, #tpu.memory_space<hbm>> -> memref<1x128xf32, #tpu.memory_space<hbm>>
      %dma_start3A_113 = tpu.memref_squeeze %dma_start3A_112 : memref<1x128xf32, #tpu.memory_space<hbm>> -> memref<128xf32, #tpu.memory_space<hbm>>
      tpu.enqueue_dma source(%dma_start3A_113 : memref<128xf32, #tpu.memory_space<hbm>>) target(%dma_start3A : memref<128xf32, #tpu.memory_space<vmem_shared>>) target_semaphore(%run_scoped3A_110 : memref<!tpu.dma_semaphore, #tpu.memory_space<semaphore_mem>>)
      %dma_wait3A = tpu.memref_slice %arg8[%add3A_23] : memref<10240xf32, #tpu.memory_space<vmem_shared>> -> memref<128xf32, #tpu.memory_space<vmem_shared>>
      %dma_wait3A_114 = arith.constant 0 : i32
      %dma_wait3A_115 = tpu.memref_slice %arg3[%run_scoped3A_24, %dma_wait3A_114] : memref<128x128xf32, #tpu.memory_space<hbm>> -> memref<1x128xf32, #tpu.memory_space<hbm>>
      %dma_wait3A_116 = tpu.memref_squeeze %dma_wait3A_115 : memref<1x128xf32, #tpu.memory_space<hbm>> -> memref<128xf32, #tpu.memory_space<hbm>>
      tpu.wait_dma2 semaphore(%run_scoped3A_110 : memref<!tpu.dma_semaphore, #tpu.memory_space<semaphore_mem>>) src(%dma_wait3A_116 : memref<128xf32, #tpu.memory_space<hbm>>) dst(%dma_wait3A : memref<128xf32, #tpu.memory_space<vmem_shared>>)
      tpu.yield
    }) : () -> ()
    %barrier3A = arith.constant 0 : index
    tpu.barrier barrier_id(%barrier3A)
    %run_scoped3A_25 = arith.constant 0 : i32
    "tpu.region"() ({
      %run_scoped3A_110 = tpu.sem_alloc : memref<!tpu.dma_semaphore, #tpu.memory_space<semaphore_mem>>
      %dma_start3A = arith.constant 0 : i32
      %dma_start3A_111 = tpu.memref_slice %arg6[%run_scoped3A_25, %dma_start3A] : memref<80x128xi32, #tpu.memory_space<vmem>> -> memref<1x128xi32, #tpu.memory_space<vmem>>
      %dma_start3A_112 = tpu.memref_squeeze %dma_start3A_111 : memref<1x128xi32, #tpu.memory_space<vmem>> -> memref<128xi32, #tpu.memory_space<vmem>>
      %dma_start3A_113 = arith.constant 0 : i32
      %dma_start3A_114 = tpu.memref_slice %arg8[%dma_start3A_113] : memref<10240xf32, #tpu.memory_space<vmem_shared>> -> memref<10240xf32, #tpu.memory_space<vmem_shared>>
      tpu.enqueue_indirect_dma source(%arg7 : memref<128xf32, #tpu.memory_space<vmem>>) target(%dma_start3A_114 : memref<10240xf32, #tpu.memory_space<vmem_shared>>) offsets(%dma_start3A_112 : memref<128xi32, #tpu.memory_space<vmem>>) semaphore(%run_scoped3A_110 : memref<!tpu.dma_semaphore, #tpu.memory_space<semaphore_mem>>) {add = true}
      %dma_wait3A = arith.constant 0 : i32
      %dma_wait3A_115 = tpu.memref_slice %arg6[%run_scoped3A_25, %dma_wait3A] : memref<80x128xi32, #tpu.memory_space<vmem>> -> memref<1x128xi32, #tpu.memory_space<vmem>>
      %dma_wait3A_116 = tpu.memref_squeeze %dma_wait3A_115 : memref<1x128xi32, #tpu.memory_space<vmem>> -> memref<128xi32, #tpu.memory_space<vmem>>
      %dma_wait3A_117 = arith.constant 0 : i32
      %dma_wait3A_118 = tpu.memref_slice %arg8[%dma_wait3A_117] : memref<10240xf32, #tpu.memory_space<vmem_shared>> -> memref<10240xf32, #tpu.memory_space<vmem_shared>>
      tpu.wait_indirect_dma semaphore(%run_scoped3A_110 : memref<!tpu.dma_semaphore, #tpu.memory_space<semaphore_mem>>) src(%arg7 : memref<128xf32, #tpu.memory_space<vmem>>) dst(%dma_wait3A_118 : memref<10240xf32, #tpu.memory_space<vmem_shared>>)
      tpu.yield
    }) : () -> ()
    %run_scoped3A_26 = arith.constant 1 : i32
    "tpu.region"() ({
      %run_scoped3A_110 = tpu.sem_alloc : memref<!tpu.dma_semaphore, #tpu.memory_space<semaphore_mem>>
      %dma_start3A = arith.constant 0 : i32
      %dma_start3A_111 = tpu.memref_slice %arg6[%run_scoped3A_26, %dma_start3A] : memref<80x128xi32, #tpu.memory_space<vmem>> -> memref<1x128xi32, #tpu.memory_space<vmem>>
      %dma_start3A_112 = tpu.memref_squeeze %dma_start3A_111 : memref<1x128xi32, #tpu.memory_space<vmem>> -> memref<128xi32, #tpu.memory_space<vmem>>
      %dma_start3A_113 = arith.constant 0 : i32
      %dma_start3A_114 = tpu.memref_slice %arg8[%dma_start3A_113] : memref<10240xf32, #tpu.memory_space<vmem_shared>> -> memref<10240xf32, #tpu.memory_space<vmem_shared>>
      tpu.enqueue_indirect_dma source(%arg7 : memref<128xf32, #tpu.memory_space<vmem>>) target(%dma_start3A_114 : memref<10240xf32, #tpu.memory_space<vmem_shared>>) offsets(%dma_start3A_112 : memref<128xi32, #tpu.memory_space<vmem>>) semaphore(%run_scoped3A_110 : memref<!tpu.dma_semaphore, #tpu.memory_space<semaphore_mem>>) {add = true}
      %dma_wait3A = arith.constant 0 : i32
      %dma_wait3A_115 = tpu.memref_slice %arg6[%run_scoped3A_26, %dma_wait3A] : memref<80x128xi32, #tpu.memory_space<vmem>> -> memref<1x128xi32, #tpu.memory_space<vmem>>
      %dma_wait3A_116 = tpu.memref_squeeze %dma_wait3A_115 : memref<1x128xi32, #tpu.memory_space<vmem>> -> memref<128xi32, #tpu.memory_space<vmem>>
      %dma_wait3A_117 = arith.constant 0 : i32
      %dma_wait3A_118 = tpu.memref_slice %arg8[%dma_wait3A_117] : memref<10240xf32, #tpu.memory_space<vmem_shared>> -> memref<10240xf32, #tpu.memory_space<vmem_shared>>
      tpu.wait_indirect_dma semaphore(%run_scoped3A_110 : memref<!tpu.dma_semaphore, #tpu.memory_space<semaphore_mem>>) src(%arg7 : memref<128xf32, #tpu.memory_space<vmem>>) dst(%dma_wait3A_118 : memref<10240xf32, #tpu.memory_space<vmem_shared>>)
      tpu.yield
    }) : () -> ()
    %run_scoped3A_27 = arith.constant 2 : i32
    "tpu.region"() ({
      %run_scoped3A_110 = tpu.sem_alloc : memref<!tpu.dma_semaphore, #tpu.memory_space<semaphore_mem>>
      %dma_start3A = arith.constant 0 : i32
      %dma_start3A_111 = tpu.memref_slice %arg6[%run_scoped3A_27, %dma_start3A] : memref<80x128xi32, #tpu.memory_space<vmem>> -> memref<1x128xi32, #tpu.memory_space<vmem>>
      %dma_start3A_112 = tpu.memref_squeeze %dma_start3A_111 : memref<1x128xi32, #tpu.memory_space<vmem>> -> memref<128xi32, #tpu.memory_space<vmem>>
      %dma_start3A_113 = arith.constant 0 : i32
      %dma_start3A_114 = tpu.memref_slice %arg8[%dma_start3A_113] : memref<10240xf32, #tpu.memory_space<vmem_shared>> -> memref<10240xf32, #tpu.memory_space<vmem_shared>>
      tpu.enqueue_indirect_dma source(%arg7 : memref<128xf32, #tpu.memory_space<vmem>>) target(%dma_start3A_114 : memref<10240xf32, #tpu.memory_space<vmem_shared>>) offsets(%dma_start3A_112 : memref<128xi32, #tpu.memory_space<vmem>>) semaphore(%run_scoped3A_110 : memref<!tpu.dma_semaphore, #tpu.memory_space<semaphore_mem>>) {add = true}
      %dma_wait3A = arith.constant 0 : i32
      %dma_wait3A_115 = tpu.memref_slice %arg6[%run_scoped3A_27, %dma_wait3A] : memref<80x128xi32, #tpu.memory_space<vmem>> -> memref<1x128xi32, #tpu.memory_space<vmem>>
      %dma_wait3A_116 = tpu.memref_squeeze %dma_wait3A_115 : memref<1x128xi32, #tpu.memory_space<vmem>> -> memref<128xi32, #tpu.memory_space<vmem>>
      %dma_wait3A_117 = arith.constant 0 : i32
      %dma_wait3A_118 = tpu.memref_slice %arg8[%dma_wait3A_117] : memref<10240xf32, #tpu.memory_space<vmem_shared>> -> memref<10240xf32, #tpu.memory_space<vmem_shared>>
      tpu.wait_indirect_dma semaphore(%run_scoped3A_110 : memref<!tpu.dma_semaphore, #tpu.memory_space<semaphore_mem>>) src(%arg7 : memref<128xf32, #tpu.memory_space<vmem>>) dst(%dma_wait3A_118 : memref<10240xf32, #tpu.memory_space<vmem_shared>>)
      tpu.yield
    }) : () -> ()
    %run_scoped3A_28 = arith.constant 3 : i32
    "tpu.region"() ({
      %run_scoped3A_110 = tpu.sem_alloc : memref<!tpu.dma_semaphore, #tpu.memory_space<semaphore_mem>>
      %dma_start3A = arith.constant 0 : i32
      %dma_start3A_111 = tpu.memref_slice %arg6[%run_scoped3A_28, %dma_start3A] : memref<80x128xi32, #tpu.memory_space<vmem>> -> memref<1x128xi32, #tpu.memory_space<vmem>>
      %dma_start3A_112 = tpu.memref_squeeze %dma_start3A_111 : memref<1x128xi32, #tpu.memory_space<vmem>> -> memref<128xi32, #tpu.memory_space<vmem>>
      %dma_start3A_113 = arith.constant 0 : i32
      %dma_start3A_114 = tpu.memref_slice %arg8[%dma_start3A_113] : memref<10240xf32, #tpu.memory_space<vmem_shared>> -> memref<10240xf32, #tpu.memory_space<vmem_shared>>
      tpu.enqueue_indirect_dma source(%arg7 : memref<128xf32, #tpu.memory_space<vmem>>) target(%dma_start3A_114 : memref<10240xf32, #tpu.memory_space<vmem_shared>>) offsets(%dma_start3A_112 : memref<128xi32, #tpu.memory_space<vmem>>) semaphore(%run_scoped3A_110 : memref<!tpu.dma_semaphore, #tpu.memory_space<semaphore_mem>>) {add = true}
      %dma_wait3A = arith.constant 0 : i32
      %dma_wait3A_115 = tpu.memref_slice %arg6[%run_scoped3A_28, %dma_wait3A] : memref<80x128xi32, #tpu.memory_space<vmem>> -> memref<1x128xi32, #tpu.memory_space<vmem>>
      %dma_wait3A_116 = tpu.memref_squeeze %dma_wait3A_115 : memref<1x128xi32, #tpu.memory_space<vmem>> -> memref<128xi32, #tpu.memory_space<vmem>>
      %dma_wait3A_117 = arith.constant 0 : i32
      %dma_wait3A_118 = tpu.memref_slice %arg8[%dma_wait3A_117] : memref<10240xf32, #tpu.memory_space<vmem_shared>> -> memref<10240xf32, #tpu.memory_space<vmem_shared>>
      tpu.wait_indirect_dma semaphore(%run_scoped3A_110 : memref<!tpu.dma_semaphore, #tpu.memory_space<semaphore_mem>>) src(%arg7 : memref<128xf32, #tpu.memory_space<vmem>>) dst(%dma_wait3A_118 : memref<10240xf32, #tpu.memory_space<vmem_shared>>)
      tpu.yield
    }) : () -> ()
    %run_scoped3A_29 = arith.constant 4 : i32
    "tpu.region"() ({
      %run_scoped3A_110 = tpu.sem_alloc : memref<!tpu.dma_semaphore, #tpu.memory_space<semaphore_mem>>
      %dma_start3A = arith.constant 0 : i32
      %dma_start3A_111 = tpu.memref_slice %arg6[%run_scoped3A_29, %dma_start3A] : memref<80x128xi32, #tpu.memory_space<vmem>> -> memref<1x128xi32, #tpu.memory_space<vmem>>
      %dma_start3A_112 = tpu.memref_squeeze %dma_start3A_111 : memref<1x128xi32, #tpu.memory_space<vmem>> -> memref<128xi32, #tpu.memory_space<vmem>>
      %dma_start3A_113 = arith.constant 0 : i32
      %dma_start3A_114 = tpu.memref_slice %arg8[%dma_start3A_113] : memref<10240xf32, #tpu.memory_space<vmem_shared>> -> memref<10240xf32, #tpu.memory_space<vmem_shared>>
      tpu.enqueue_indirect_dma source(%arg7 : memref<128xf32, #tpu.memory_space<vmem>>) target(%dma_start3A_114 : memref<10240xf32, #tpu.memory_space<vmem_shared>>) offsets(%dma_start3A_112 : memref<128xi32, #tpu.memory_space<vmem>>) semaphore(%run_scoped3A_110 : memref<!tpu.dma_semaphore, #tpu.memory_space<semaphore_mem>>) {add = true}
      %dma_wait3A = arith.constant 0 : i32
      %dma_wait3A_115 = tpu.memref_slice %arg6[%run_scoped3A_29, %dma_wait3A] : memref<80x128xi32, #tpu.memory_space<vmem>> -> memref<1x128xi32, #tpu.memory_space<vmem>>
      %dma_wait3A_116 = tpu.memref_squeeze %dma_wait3A_115 : memref<1x128xi32, #tpu.memory_space<vmem>> -> memref<128xi32, #tpu.memory_space<vmem>>
      %dma_wait3A_117 = arith.constant 0 : i32
      %dma_wait3A_118 = tpu.memref_slice %arg8[%dma_wait3A_117] : memref<10240xf32, #tpu.memory_space<vmem_shared>> -> memref<10240xf32, #tpu.memory_space<vmem_shared>>
      tpu.wait_indirect_dma semaphore(%run_scoped3A_110 : memref<!tpu.dma_semaphore, #tpu.memory_space<semaphore_mem>>) src(%arg7 : memref<128xf32, #tpu.memory_space<vmem>>) dst(%dma_wait3A_118 : memref<10240xf32, #tpu.memory_space<vmem_shared>>)
      tpu.yield
    }) : () -> ()
    %run_scoped3A_30 = arith.constant 5 : i32
    "tpu.region"() ({
      %run_scoped3A_110 = tpu.sem_alloc : memref<!tpu.dma_semaphore, #tpu.memory_space<semaphore_mem>>
      %dma_start3A = arith.constant 0 : i32
      %dma_start3A_111 = tpu.memref_slice %arg6[%run_scoped3A_30, %dma_start3A] : memref<80x128xi32, #tpu.memory_space<vmem>> -> memref<1x128xi32, #tpu.memory_space<vmem>>
      %dma_start3A_112 = tpu.memref_squeeze %dma_start3A_111 : memref<1x128xi32, #tpu.memory_space<vmem>> -> memref<128xi32, #tpu.memory_space<vmem>>
      %dma_start3A_113 = arith.constant 0 : i32
      %dma_start3A_114 = tpu.memref_slice %arg8[%dma_start3A_113] : memref<10240xf32, #tpu.memory_space<vmem_shared>> -> memref<10240xf32, #tpu.memory_space<vmem_shared>>
      tpu.enqueue_indirect_dma source(%arg7 : memref<128xf32, #tpu.memory_space<vmem>>) target(%dma_start3A_114 : memref<10240xf32, #tpu.memory_space<vmem_shared>>) offsets(%dma_start3A_112 : memref<128xi32, #tpu.memory_space<vmem>>) semaphore(%run_scoped3A_110 : memref<!tpu.dma_semaphore, #tpu.memory_space<semaphore_mem>>) {add = true}
      %dma_wait3A = arith.constant 0 : i32
      %dma_wait3A_115 = tpu.memref_slice %arg6[%run_scoped3A_30, %dma_wait3A] : memref<80x128xi32, #tpu.memory_space<vmem>> -> memref<1x128xi32, #tpu.memory_space<vmem>>
      %dma_wait3A_116 = tpu.memref_squeeze %dma_wait3A_115 : memref<1x128xi32, #tpu.memory_space<vmem>> -> memref<128xi32, #tpu.memory_space<vmem>>
      %dma_wait3A_117 = arith.constant 0 : i32
      %dma_wait3A_118 = tpu.memref_slice %arg8[%dma_wait3A_117] : memref<10240xf32, #tpu.memory_space<vmem_shared>> -> memref<10240xf32, #tpu.memory_space<vmem_shared>>
      tpu.wait_indirect_dma semaphore(%run_scoped3A_110 : memref<!tpu.dma_semaphore, #tpu.memory_space<semaphore_mem>>) src(%arg7 : memref<128xf32, #tpu.memory_space<vmem>>) dst(%dma_wait3A_118 : memref<10240xf32, #tpu.memory_space<vmem_shared>>)
      tpu.yield
    }) : () -> ()
    %run_scoped3A_31 = arith.constant 6 : i32
    "tpu.region"() ({
      %run_scoped3A_110 = tpu.sem_alloc : memref<!tpu.dma_semaphore, #tpu.memory_space<semaphore_mem>>
      %dma_start3A = arith.constant 0 : i32
      %dma_start3A_111 = tpu.memref_slice %arg6[%run_scoped3A_31, %dma_start3A] : memref<80x128xi32, #tpu.memory_space<vmem>> -> memref<1x128xi32, #tpu.memory_space<vmem>>
      %dma_start3A_112 = tpu.memref_squeeze %dma_start3A_111 : memref<1x128xi32, #tpu.memory_space<vmem>> -> memref<128xi32, #tpu.memory_space<vmem>>
      %dma_start3A_113 = arith.constant 0 : i32
      %dma_start3A_114 = tpu.memref_slice %arg8[%dma_start3A_113] : memref<10240xf32, #tpu.memory_space<vmem_shared>> -> memref<10240xf32, #tpu.memory_space<vmem_shared>>
      tpu.enqueue_indirect_dma source(%arg7 : memref<128xf32, #tpu.memory_space<vmem>>) target(%dma_start3A_114 : memref<10240xf32, #tpu.memory_space<vmem_shared>>) offsets(%dma_start3A_112 : memref<128xi32, #tpu.memory_space<vmem>>) semaphore(%run_scoped3A_110 : memref<!tpu.dma_semaphore, #tpu.memory_space<semaphore_mem>>) {add = true}
      %dma_wait3A = arith.constant 0 : i32
      %dma_wait3A_115 = tpu.memref_slice %arg6[%run_scoped3A_31, %dma_wait3A] : memref<80x128xi32, #tpu.memory_space<vmem>> -> memref<1x128xi32, #tpu.memory_space<vmem>>
      %dma_wait3A_116 = tpu.memref_squeeze %dma_wait3A_115 : memref<1x128xi32, #tpu.memory_space<vmem>> -> memref<128xi32, #tpu.memory_space<vmem>>
      %dma_wait3A_117 = arith.constant 0 : i32
      %dma_wait3A_118 = tpu.memref_slice %arg8[%dma_wait3A_117] : memref<10240xf32, #tpu.memory_space<vmem_shared>> -> memref<10240xf32, #tpu.memory_space<vmem_shared>>
      tpu.wait_indirect_dma semaphore(%run_scoped3A_110 : memref<!tpu.dma_semaphore, #tpu.memory_space<semaphore_mem>>) src(%arg7 : memref<128xf32, #tpu.memory_space<vmem>>) dst(%dma_wait3A_118 : memref<10240xf32, #tpu.memory_space<vmem_shared>>)
      tpu.yield
    }) : () -> ()
    %run_scoped3A_32 = arith.constant 7 : i32
    "tpu.region"() ({
      %run_scoped3A_110 = tpu.sem_alloc : memref<!tpu.dma_semaphore, #tpu.memory_space<semaphore_mem>>
      %dma_start3A = arith.constant 0 : i32
      %dma_start3A_111 = tpu.memref_slice %arg6[%run_scoped3A_32, %dma_start3A] : memref<80x128xi32, #tpu.memory_space<vmem>> -> memref<1x128xi32, #tpu.memory_space<vmem>>
      %dma_start3A_112 = tpu.memref_squeeze %dma_start3A_111 : memref<1x128xi32, #tpu.memory_space<vmem>> -> memref<128xi32, #tpu.memory_space<vmem>>
      %dma_start3A_113 = arith.constant 0 : i32
      %dma_start3A_114 = tpu.memref_slice %arg8[%dma_start3A_113] : memref<10240xf32, #tpu.memory_space<vmem_shared>> -> memref<10240xf32, #tpu.memory_space<vmem_shared>>
      tpu.enqueue_indirect_dma source(%arg7 : memref<128xf32, #tpu.memory_space<vmem>>) target(%dma_start3A_114 : memref<10240xf32, #tpu.memory_space<vmem_shared>>) offsets(%dma_start3A_112 : memref<128xi32, #tpu.memory_space<vmem>>) semaphore(%run_scoped3A_110 : memref<!tpu.dma_semaphore, #tpu.memory_space<semaphore_mem>>) {add = true}
      %dma_wait3A = arith.constant 0 : i32
      %dma_wait3A_115 = tpu.memref_slice %arg6[%run_scoped3A_32, %dma_wait3A] : memref<80x128xi32, #tpu.memory_space<vmem>> -> memref<1x128xi32, #tpu.memory_space<vmem>>
      %dma_wait3A_116 = tpu.memref_squeeze %dma_wait3A_115 : memref<1x128xi32, #tpu.memory_space<vmem>> -> memref<128xi32, #tpu.memory_space<vmem>>
      %dma_wait3A_117 = arith.constant 0 : i32
      %dma_wait3A_118 = tpu.memref_slice %arg8[%dma_wait3A_117] : memref<10240xf32, #tpu.memory_space<vmem_shared>> -> memref<10240xf32, #tpu.memory_space<vmem_shared>>
      tpu.wait_indirect_dma semaphore(%run_scoped3A_110 : memref<!tpu.dma_semaphore, #tpu.memory_space<semaphore_mem>>) src(%arg7 : memref<128xf32, #tpu.memory_space<vmem>>) dst(%dma_wait3A_118 : memref<10240xf32, #tpu.memory_space<vmem_shared>>)
      tpu.yield
    }) : () -> ()
    %run_scoped3A_33 = arith.constant 8 : i32
    "tpu.region"() ({
      %run_scoped3A_110 = tpu.sem_alloc : memref<!tpu.dma_semaphore, #tpu.memory_space<semaphore_mem>>
      %dma_start3A = arith.constant 0 : i32
      %dma_start3A_111 = tpu.memref_slice %arg6[%run_scoped3A_33, %dma_start3A] : memref<80x128xi32, #tpu.memory_space<vmem>> -> memref<1x128xi32, #tpu.memory_space<vmem>>
      %dma_start3A_112 = tpu.memref_squeeze %dma_start3A_111 : memref<1x128xi32, #tpu.memory_space<vmem>> -> memref<128xi32, #tpu.memory_space<vmem>>
      %dma_start3A_113 = arith.constant 0 : i32
      %dma_start3A_114 = tpu.memref_slice %arg8[%dma_start3A_113] : memref<10240xf32, #tpu.memory_space<vmem_shared>> -> memref<10240xf32, #tpu.memory_space<vmem_shared>>
      tpu.enqueue_indirect_dma source(%arg7 : memref<128xf32, #tpu.memory_space<vmem>>) target(%dma_start3A_114 : memref<10240xf32, #tpu.memory_space<vmem_shared>>) offsets(%dma_start3A_112 : memref<128xi32, #tpu.memory_space<vmem>>) semaphore(%run_scoped3A_110 : memref<!tpu.dma_semaphore, #tpu.memory_space<semaphore_mem>>) {add = true}
      %dma_wait3A = arith.constant 0 : i32
      %dma_wait3A_115 = tpu.memref_slice %arg6[%run_scoped3A_33, %dma_wait3A] : memref<80x128xi32, #tpu.memory_space<vmem>> -> memref<1x128xi32, #tpu.memory_space<vmem>>
      %dma_wait3A_116 = tpu.memref_squeeze %dma_wait3A_115 : memref<1x128xi32, #tpu.memory_space<vmem>> -> memref<128xi32, #tpu.memory_space<vmem>>
      %dma_wait3A_117 = arith.constant 0 : i32
      %dma_wait3A_118 = tpu.memref_slice %arg8[%dma_wait3A_117] : memref<10240xf32, #tpu.memory_space<vmem_shared>> -> memref<10240xf32, #tpu.memory_space<vmem_shared>>
      tpu.wait_indirect_dma semaphore(%run_scoped3A_110 : memref<!tpu.dma_semaphore, #tpu.memory_space<semaphore_mem>>) src(%arg7 : memref<128xf32, #tpu.memory_space<vmem>>) dst(%dma_wait3A_118 : memref<10240xf32, #tpu.memory_space<vmem_shared>>)
      tpu.yield
    }) : () -> ()
    %run_scoped3A_34 = arith.constant 9 : i32
    "tpu.region"() ({
      %run_scoped3A_110 = tpu.sem_alloc : memref<!tpu.dma_semaphore, #tpu.memory_space<semaphore_mem>>
      %dma_start3A = arith.constant 0 : i32
      %dma_start3A_111 = tpu.memref_slice %arg6[%run_scoped3A_34, %dma_start3A] : memref<80x128xi32, #tpu.memory_space<vmem>> -> memref<1x128xi32, #tpu.memory_space<vmem>>
      %dma_start3A_112 = tpu.memref_squeeze %dma_start3A_111 : memref<1x128xi32, #tpu.memory_space<vmem>> -> memref<128xi32, #tpu.memory_space<vmem>>
      %dma_start3A_113 = arith.constant 0 : i32
      %dma_start3A_114 = tpu.memref_slice %arg8[%dma_start3A_113] : memref<10240xf32, #tpu.memory_space<vmem_shared>> -> memref<10240xf32, #tpu.memory_space<vmem_shared>>
      tpu.enqueue_indirect_dma source(%arg7 : memref<128xf32, #tpu.memory_space<vmem>>) target(%dma_start3A_114 : memref<10240xf32, #tpu.memory_space<vmem_shared>>) offsets(%dma_start3A_112 : memref<128xi32, #tpu.memory_space<vmem>>) semaphore(%run_scoped3A_110 : memref<!tpu.dma_semaphore, #tpu.memory_space<semaphore_mem>>) {add = true}
      %dma_wait3A = arith.constant 0 : i32
      %dma_wait3A_115 = tpu.memref_slice %arg6[%run_scoped3A_34, %dma_wait3A] : memref<80x128xi32, #tpu.memory_space<vmem>> -> memref<1x128xi32, #tpu.memory_space<vmem>>
      %dma_wait3A_116 = tpu.memref_squeeze %dma_wait3A_115 : memref<1x128xi32, #tpu.memory_space<vmem>> -> memref<128xi32, #tpu.memory_space<vmem>>
      %dma_wait3A_117 = arith.constant 0 : i32
      %dma_wait3A_118 = tpu.memref_slice %arg8[%dma_wait3A_117] : memref<10240xf32, #tpu.memory_space<vmem_shared>> -> memref<10240xf32, #tpu.memory_space<vmem_shared>>
      tpu.wait_indirect_dma semaphore(%run_scoped3A_110 : memref<!tpu.dma_semaphore, #tpu.memory_space<semaphore_mem>>) src(%arg7 : memref<128xf32, #tpu.memory_space<vmem>>) dst(%dma_wait3A_118 : memref<10240xf32, #tpu.memory_space<vmem_shared>>)
      tpu.yield
    }) : () -> ()
    %run_scoped3A_35 = arith.constant 10 : i32
    "tpu.region"() ({
      %run_scoped3A_110 = tpu.sem_alloc : memref<!tpu.dma_semaphore, #tpu.memory_space<semaphore_mem>>
      %dma_start3A = arith.constant 0 : i32
      %dma_start3A_111 = tpu.memref_slice %arg6[%run_scoped3A_35, %dma_start3A] : memref<80x128xi32, #tpu.memory_space<vmem>> -> memref<1x128xi32, #tpu.memory_space<vmem>>
      %dma_start3A_112 = tpu.memref_squeeze %dma_start3A_111 : memref<1x128xi32, #tpu.memory_space<vmem>> -> memref<128xi32, #tpu.memory_space<vmem>>
      %dma_start3A_113 = arith.constant 0 : i32
      %dma_start3A_114 = tpu.memref_slice %arg8[%dma_start3A_113] : memref<10240xf32, #tpu.memory_space<vmem_shared>> -> memref<10240xf32, #tpu.memory_space<vmem_shared>>
      tpu.enqueue_indirect_dma source(%arg7 : memref<128xf32, #tpu.memory_space<vmem>>) target(%dma_start3A_114 : memref<10240xf32, #tpu.memory_space<vmem_shared>>) offsets(%dma_start3A_112 : memref<128xi32, #tpu.memory_space<vmem>>) semaphore(%run_scoped3A_110 : memref<!tpu.dma_semaphore, #tpu.memory_space<semaphore_mem>>) {add = true}
      %dma_wait3A = arith.constant 0 : i32
      %dma_wait3A_115 = tpu.memref_slice %arg6[%run_scoped3A_35, %dma_wait3A] : memref<80x128xi32, #tpu.memory_space<vmem>> -> memref<1x128xi32, #tpu.memory_space<vmem>>
      %dma_wait3A_116 = tpu.memref_squeeze %dma_wait3A_115 : memref<1x128xi32, #tpu.memory_space<vmem>> -> memref<128xi32, #tpu.memory_space<vmem>>
      %dma_wait3A_117 = arith.constant 0 : i32
      %dma_wait3A_118 = tpu.memref_slice %arg8[%dma_wait3A_117] : memref<10240xf32, #tpu.memory_space<vmem_shared>> -> memref<10240xf32, #tpu.memory_space<vmem_shared>>
      tpu.wait_indirect_dma semaphore(%run_scoped3A_110 : memref<!tpu.dma_semaphore, #tpu.memory_space<semaphore_mem>>) src(%arg7 : memref<128xf32, #tpu.memory_space<vmem>>) dst(%dma_wait3A_118 : memref<10240xf32, #tpu.memory_space<vmem_shared>>)
      tpu.yield
    }) : () -> ()
    %run_scoped3A_36 = arith.constant 11 : i32
    "tpu.region"() ({
      %run_scoped3A_110 = tpu.sem_alloc : memref<!tpu.dma_semaphore, #tpu.memory_space<semaphore_mem>>
      %dma_start3A = arith.constant 0 : i32
      %dma_start3A_111 = tpu.memref_slice %arg6[%run_scoped3A_36, %dma_start3A] : memref<80x128xi32, #tpu.memory_space<vmem>> -> memref<1x128xi32, #tpu.memory_space<vmem>>
      %dma_start3A_112 = tpu.memref_squeeze %dma_start3A_111 : memref<1x128xi32, #tpu.memory_space<vmem>> -> memref<128xi32, #tpu.memory_space<vmem>>
      %dma_start3A_113 = arith.constant 0 : i32
      %dma_start3A_114 = tpu.memref_slice %arg8[%dma_start3A_113] : memref<10240xf32, #tpu.memory_space<vmem_shared>> -> memref<10240xf32, #tpu.memory_space<vmem_shared>>
      tpu.enqueue_indirect_dma source(%arg7 : memref<128xf32, #tpu.memory_space<vmem>>) target(%dma_start3A_114 : memref<10240xf32, #tpu.memory_space<vmem_shared>>) offsets(%dma_start3A_112 : memref<128xi32, #tpu.memory_space<vmem>>) semaphore(%run_scoped3A_110 : memref<!tpu.dma_semaphore, #tpu.memory_space<semaphore_mem>>) {add = true}
      %dma_wait3A = arith.constant 0 : i32
      %dma_wait3A_115 = tpu.memref_slice %arg6[%run_scoped3A_36, %dma_wait3A] : memref<80x128xi32, #tpu.memory_space<vmem>> -> memref<1x128xi32, #tpu.memory_space<vmem>>
      %dma_wait3A_116 = tpu.memref_squeeze %dma_wait3A_115 : memref<1x128xi32, #tpu.memory_space<vmem>> -> memref<128xi32, #tpu.memory_space<vmem>>
      %dma_wait3A_117 = arith.constant 0 : i32
      %dma_wait3A_118 = tpu.memref_slice %arg8[%dma_wait3A_117] : memref<10240xf32, #tpu.memory_space<vmem_shared>> -> memref<10240xf32, #tpu.memory_space<vmem_shared>>
      tpu.wait_indirect_dma semaphore(%run_scoped3A_110 : memref<!tpu.dma_semaphore, #tpu.memory_space<semaphore_mem>>) src(%arg7 : memref<128xf32, #tpu.memory_space<vmem>>) dst(%dma_wait3A_118 : memref<10240xf32, #tpu.memory_space<vmem_shared>>)
      tpu.yield
    }) : () -> ()
    %run_scoped3A_37 = arith.constant 12 : i32
    "tpu.region"() ({
      %run_scoped3A_110 = tpu.sem_alloc : memref<!tpu.dma_semaphore, #tpu.memory_space<semaphore_mem>>
      %dma_start3A = arith.constant 0 : i32
      %dma_start3A_111 = tpu.memref_slice %arg6[%run_scoped3A_37, %dma_start3A] : memref<80x128xi32, #tpu.memory_space<vmem>> -> memref<1x128xi32, #tpu.memory_space<vmem>>
      %dma_start3A_112 = tpu.memref_squeeze %dma_start3A_111 : memref<1x128xi32, #tpu.memory_space<vmem>> -> memref<128xi32, #tpu.memory_space<vmem>>
      %dma_start3A_113 = arith.constant 0 : i32
      %dma_start3A_114 = tpu.memref_slice %arg8[%dma_start3A_113] : memref<10240xf32, #tpu.memory_space<vmem_shared>> -> memref<10240xf32, #tpu.memory_space<vmem_shared>>
      tpu.enqueue_indirect_dma source(%arg7 : memref<128xf32, #tpu.memory_space<vmem>>) target(%dma_start3A_114 : memref<10240xf32, #tpu.memory_space<vmem_shared>>) offsets(%dma_start3A_112 : memref<128xi32, #tpu.memory_space<vmem>>) semaphore(%run_scoped3A_110 : memref<!tpu.dma_semaphore, #tpu.memory_space<semaphore_mem>>) {add = true}
      %dma_wait3A = arith.constant 0 : i32
      %dma_wait3A_115 = tpu.memref_slice %arg6[%run_scoped3A_37, %dma_wait3A] : memref<80x128xi32, #tpu.memory_space<vmem>> -> memref<1x128xi32, #tpu.memory_space<vmem>>
      %dma_wait3A_116 = tpu.memref_squeeze %dma_wait3A_115 : memref<1x128xi32, #tpu.memory_space<vmem>> -> memref<128xi32, #tpu.memory_space<vmem>>
      %dma_wait3A_117 = arith.constant 0 : i32
      %dma_wait3A_118 = tpu.memref_slice %arg8[%dma_wait3A_117] : memref<10240xf32, #tpu.memory_space<vmem_shared>> -> memref<10240xf32, #tpu.memory_space<vmem_shared>>
      tpu.wait_indirect_dma semaphore(%run_scoped3A_110 : memref<!tpu.dma_semaphore, #tpu.memory_space<semaphore_mem>>) src(%arg7 : memref<128xf32, #tpu.memory_space<vmem>>) dst(%dma_wait3A_118 : memref<10240xf32, #tpu.memory_space<vmem_shared>>)
      tpu.yield
    }) : () -> ()
    %run_scoped3A_38 = arith.constant 13 : i32
    "tpu.region"() ({
      %run_scoped3A_110 = tpu.sem_alloc : memref<!tpu.dma_semaphore, #tpu.memory_space<semaphore_mem>>
      %dma_start3A = arith.constant 0 : i32
      %dma_start3A_111 = tpu.memref_slice %arg6[%run_scoped3A_38, %dma_start3A] : memref<80x128xi32, #tpu.memory_space<vmem>> -> memref<1x128xi32, #tpu.memory_space<vmem>>
      %dma_start3A_112 = tpu.memref_squeeze %dma_start3A_111 : memref<1x128xi32, #tpu.memory_space<vmem>> -> memref<128xi32, #tpu.memory_space<vmem>>
      %dma_start3A_113 = arith.constant 0 : i32
      %dma_start3A_114 = tpu.memref_slice %arg8[%dma_start3A_113] : memref<10240xf32, #tpu.memory_space<vmem_shared>> -> memref<10240xf32, #tpu.memory_space<vmem_shared>>
      tpu.enqueue_indirect_dma source(%arg7 : memref<128xf32, #tpu.memory_space<vmem>>) target(%dma_start3A_114 : memref<10240xf32, #tpu.memory_space<vmem_shared>>) offsets(%dma_start3A_112 : memref<128xi32, #tpu.memory_space<vmem>>) semaphore(%run_scoped3A_110 : memref<!tpu.dma_semaphore, #tpu.memory_space<semaphore_mem>>) {add = true}
      %dma_wait3A = arith.constant 0 : i32
      %dma_wait3A_115 = tpu.memref_slice %arg6[%run_scoped3A_38, %dma_wait3A] : memref<80x128xi32, #tpu.memory_space<vmem>> -> memref<1x128xi32, #tpu.memory_space<vmem>>
      %dma_wait3A_116 = tpu.memref_squeeze %dma_wait3A_115 : memref<1x128xi32, #tpu.memory_space<vmem>> -> memref<128xi32, #tpu.memory_space<vmem>>
      %dma_wait3A_117 = arith.constant 0 : i32
      %dma_wait3A_118 = tpu.memref_slice %arg8[%dma_wait3A_117] : memref<10240xf32, #tpu.memory_space<vmem_shared>> -> memref<10240xf32, #tpu.memory_space<vmem_shared>>
      tpu.wait_indirect_dma semaphore(%run_scoped3A_110 : memref<!tpu.dma_semaphore, #tpu.memory_space<semaphore_mem>>) src(%arg7 : memref<128xf32, #tpu.memory_space<vmem>>) dst(%dma_wait3A_118 : memref<10240xf32, #tpu.memory_space<vmem_shared>>)
      tpu.yield
    }) : () -> ()
    %run_scoped3A_39 = arith.constant 14 : i32
    "tpu.region"() ({
      %run_scoped3A_110 = tpu.sem_alloc : memref<!tpu.dma_semaphore, #tpu.memory_space<semaphore_mem>>
      %dma_start3A = arith.constant 0 : i32
      %dma_start3A_111 = tpu.memref_slice %arg6[%run_scoped3A_39, %dma_start3A] : memref<80x128xi32, #tpu.memory_space<vmem>> -> memref<1x128xi32, #tpu.memory_space<vmem>>
      %dma_start3A_112 = tpu.memref_squeeze %dma_start3A_111 : memref<1x128xi32, #tpu.memory_space<vmem>> -> memref<128xi32, #tpu.memory_space<vmem>>
      %dma_start3A_113 = arith.constant 0 : i32
      %dma_start3A_114 = tpu.memref_slice %arg8[%dma_start3A_113] : memref<10240xf32, #tpu.memory_space<vmem_shared>> -> memref<10240xf32, #tpu.memory_space<vmem_shared>>
      tpu.enqueue_indirect_dma source(%arg7 : memref<128xf32, #tpu.memory_space<vmem>>) target(%dma_start3A_114 : memref<10240xf32, #tpu.memory_space<vmem_shared>>) offsets(%dma_start3A_112 : memref<128xi32, #tpu.memory_space<vmem>>) semaphore(%run_scoped3A_110 : memref<!tpu.dma_semaphore, #tpu.memory_space<semaphore_mem>>) {add = true}
      %dma_wait3A = arith.constant 0 : i32
      %dma_wait3A_115 = tpu.memref_slice %arg6[%run_scoped3A_39, %dma_wait3A] : memref<80x128xi32, #tpu.memory_space<vmem>> -> memref<1x128xi32, #tpu.memory_space<vmem>>
      %dma_wait3A_116 = tpu.memref_squeeze %dma_wait3A_115 : memref<1x128xi32, #tpu.memory_space<vmem>> -> memref<128xi32, #tpu.memory_space<vmem>>
      %dma_wait3A_117 = arith.constant 0 : i32
      %dma_wait3A_118 = tpu.memref_slice %arg8[%dma_wait3A_117] : memref<10240xf32, #tpu.memory_space<vmem_shared>> -> memref<10240xf32, #tpu.memory_space<vmem_shared>>
      tpu.wait_indirect_dma semaphore(%run_scoped3A_110 : memref<!tpu.dma_semaphore, #tpu.memory_space<semaphore_mem>>) src(%arg7 : memref<128xf32, #tpu.memory_space<vmem>>) dst(%dma_wait3A_118 : memref<10240xf32, #tpu.memory_space<vmem_shared>>)
      tpu.yield
    }) : () -> ()
    %run_scoped3A_40 = arith.constant 15 : i32
    "tpu.region"() ({
      %run_scoped3A_110 = tpu.sem_alloc : memref<!tpu.dma_semaphore, #tpu.memory_space<semaphore_mem>>
      %dma_start3A = arith.constant 0 : i32
      %dma_start3A_111 = tpu.memref_slice %arg6[%run_scoped3A_40, %dma_start3A] : memref<80x128xi32, #tpu.memory_space<vmem>> -> memref<1x128xi32, #tpu.memory_space<vmem>>
      %dma_start3A_112 = tpu.memref_squeeze %dma_start3A_111 : memref<1x128xi32, #tpu.memory_space<vmem>> -> memref<128xi32, #tpu.memory_space<vmem>>
      %dma_start3A_113 = arith.constant 0 : i32
      %dma_start3A_114 = tpu.memref_slice %arg8[%dma_start3A_113] : memref<10240xf32, #tpu.memory_space<vmem_shared>> -> memref<10240xf32, #tpu.memory_space<vmem_shared>>
      tpu.enqueue_indirect_dma source(%arg7 : memref<128xf32, #tpu.memory_space<vmem>>) target(%dma_start3A_114 : memref<10240xf32, #tpu.memory_space<vmem_shared>>) offsets(%dma_start3A_112 : memref<128xi32, #tpu.memory_space<vmem>>) semaphore(%run_scoped3A_110 : memref<!tpu.dma_semaphore, #tpu.memory_space<semaphore_mem>>) {add = true}
      %dma_wait3A = arith.constant 0 : i32
      %dma_wait3A_115 = tpu.memref_slice %arg6[%run_scoped3A_40, %dma_wait3A] : memref<80x128xi32, #tpu.memory_space<vmem>> -> memref<1x128xi32, #tpu.memory_space<vmem>>
      %dma_wait3A_116 = tpu.memref_squeeze %dma_wait3A_115 : memref<1x128xi32, #tpu.memory_space<vmem>> -> memref<128xi32, #tpu.memory_space<vmem>>
      %dma_wait3A_117 = arith.constant 0 : i32
      %dma_wait3A_118 = tpu.memref_slice %arg8[%dma_wait3A_117] : memref<10240xf32, #tpu.memory_space<vmem_shared>> -> memref<10240xf32, #tpu.memory_space<vmem_shared>>
      tpu.wait_indirect_dma semaphore(%run_scoped3A_110 : memref<!tpu.dma_semaphore, #tpu.memory_space<semaphore_mem>>) src(%arg7 : memref<128xf32, #tpu.memory_space<vmem>>) dst(%dma_wait3A_118 : memref<10240xf32, #tpu.memory_space<vmem_shared>>)
      tpu.yield
    }) : () -> ()
    %run_scoped3A_41 = arith.constant 16 : i32
    "tpu.region"() ({
      %run_scoped3A_110 = tpu.sem_alloc : memref<!tpu.dma_semaphore, #tpu.memory_space<semaphore_mem>>
      %dma_start3A = arith.constant 0 : i32
      %dma_start3A_111 = tpu.memref_slice %arg6[%run_scoped3A_41, %dma_start3A] : memref<80x128xi32, #tpu.memory_space<vmem>> -> memref<1x128xi32, #tpu.memory_space<vmem>>
      %dma_start3A_112 = tpu.memref_squeeze %dma_start3A_111 : memref<1x128xi32, #tpu.memory_space<vmem>> -> memref<128xi32, #tpu.memory_space<vmem>>
      %dma_start3A_113 = arith.constant 0 : i32
      %dma_start3A_114 = tpu.memref_slice %arg8[%dma_start3A_113] : memref<10240xf32, #tpu.memory_space<vmem_shared>> -> memref<10240xf32, #tpu.memory_space<vmem_shared>>
      tpu.enqueue_indirect_dma source(%arg7 : memref<128xf32, #tpu.memory_space<vmem>>) target(%dma_start3A_114 : memref<10240xf32, #tpu.memory_space<vmem_shared>>) offsets(%dma_start3A_112 : memref<128xi32, #tpu.memory_space<vmem>>) semaphore(%run_scoped3A_110 : memref<!tpu.dma_semaphore, #tpu.memory_space<semaphore_mem>>) {add = true}
      %dma_wait3A = arith.constant 0 : i32
      %dma_wait3A_115 = tpu.memref_slice %arg6[%run_scoped3A_41, %dma_wait3A] : memref<80x128xi32, #tpu.memory_space<vmem>> -> memref<1x128xi32, #tpu.memory_space<vmem>>
      %dma_wait3A_116 = tpu.memref_squeeze %dma_wait3A_115 : memref<1x128xi32, #tpu.memory_space<vmem>> -> memref<128xi32, #tpu.memory_space<vmem>>
      %dma_wait3A_117 = arith.constant 0 : i32
      %dma_wait3A_118 = tpu.memref_slice %arg8[%dma_wait3A_117] : memref<10240xf32, #tpu.memory_space<vmem_shared>> -> memref<10240xf32, #tpu.memory_space<vmem_shared>>
      tpu.wait_indirect_dma semaphore(%run_scoped3A_110 : memref<!tpu.dma_semaphore, #tpu.memory_space<semaphore_mem>>) src(%arg7 : memref<128xf32, #tpu.memory_space<vmem>>) dst(%dma_wait3A_118 : memref<10240xf32, #tpu.memory_space<vmem_shared>>)
      tpu.yield
    }) : () -> ()
    %run_scoped3A_42 = arith.constant 17 : i32
    "tpu.region"() ({
      %run_scoped3A_110 = tpu.sem_alloc : memref<!tpu.dma_semaphore, #tpu.memory_space<semaphore_mem>>
      %dma_start3A = arith.constant 0 : i32
      %dma_start3A_111 = tpu.memref_slice %arg6[%run_scoped3A_42, %dma_start3A] : memref<80x128xi32, #tpu.memory_space<vmem>> -> memref<1x128xi32, #tpu.memory_space<vmem>>
      %dma_start3A_112 = tpu.memref_squeeze %dma_start3A_111 : memref<1x128xi32, #tpu.memory_space<vmem>> -> memref<128xi32, #tpu.memory_space<vmem>>
      %dma_start3A_113 = arith.constant 0 : i32
      %dma_start3A_114 = tpu.memref_slice %arg8[%dma_start3A_113] : memref<10240xf32, #tpu.memory_space<vmem_shared>> -> memref<10240xf32, #tpu.memory_space<vmem_shared>>
      tpu.enqueue_indirect_dma source(%arg7 : memref<128xf32, #tpu.memory_space<vmem>>) target(%dma_start3A_114 : memref<10240xf32, #tpu.memory_space<vmem_shared>>) offsets(%dma_start3A_112 : memref<128xi32, #tpu.memory_space<vmem>>) semaphore(%run_scoped3A_110 : memref<!tpu.dma_semaphore, #tpu.memory_space<semaphore_mem>>) {add = true}
      %dma_wait3A = arith.constant 0 : i32
      %dma_wait3A_115 = tpu.memref_slice %arg6[%run_scoped3A_42, %dma_wait3A] : memref<80x128xi32, #tpu.memory_space<vmem>> -> memref<1x128xi32, #tpu.memory_space<vmem>>
      %dma_wait3A_116 = tpu.memref_squeeze %dma_wait3A_115 : memref<1x128xi32, #tpu.memory_space<vmem>> -> memref<128xi32, #tpu.memory_space<vmem>>
      %dma_wait3A_117 = arith.constant 0 : i32
      %dma_wait3A_118 = tpu.memref_slice %arg8[%dma_wait3A_117] : memref<10240xf32, #tpu.memory_space<vmem_shared>> -> memref<10240xf32, #tpu.memory_space<vmem_shared>>
      tpu.wait_indirect_dma semaphore(%run_scoped3A_110 : memref<!tpu.dma_semaphore, #tpu.memory_space<semaphore_mem>>) src(%arg7 : memref<128xf32, #tpu.memory_space<vmem>>) dst(%dma_wait3A_118 : memref<10240xf32, #tpu.memory_space<vmem_shared>>)
      tpu.yield
    }) : () -> ()
    %run_scoped3A_43 = arith.constant 18 : i32
    "tpu.region"() ({
      %run_scoped3A_110 = tpu.sem_alloc : memref<!tpu.dma_semaphore, #tpu.memory_space<semaphore_mem>>
      %dma_start3A = arith.constant 0 : i32
      %dma_start3A_111 = tpu.memref_slice %arg6[%run_scoped3A_43, %dma_start3A] : memref<80x128xi32, #tpu.memory_space<vmem>> -> memref<1x128xi32, #tpu.memory_space<vmem>>
      %dma_start3A_112 = tpu.memref_squeeze %dma_start3A_111 : memref<1x128xi32, #tpu.memory_space<vmem>> -> memref<128xi32, #tpu.memory_space<vmem>>
      %dma_start3A_113 = arith.constant 0 : i32
      %dma_start3A_114 = tpu.memref_slice %arg8[%dma_start3A_113] : memref<10240xf32, #tpu.memory_space<vmem_shared>> -> memref<10240xf32, #tpu.memory_space<vmem_shared>>
      tpu.enqueue_indirect_dma source(%arg7 : memref<128xf32, #tpu.memory_space<vmem>>) target(%dma_start3A_114 : memref<10240xf32, #tpu.memory_space<vmem_shared>>) offsets(%dma_start3A_112 : memref<128xi32, #tpu.memory_space<vmem>>) semaphore(%run_scoped3A_110 : memref<!tpu.dma_semaphore, #tpu.memory_space<semaphore_mem>>) {add = true}
      %dma_wait3A = arith.constant 0 : i32
      %dma_wait3A_115 = tpu.memref_slice %arg6[%run_scoped3A_43, %dma_wait3A] : memref<80x128xi32, #tpu.memory_space<vmem>> -> memref<1x128xi32, #tpu.memory_space<vmem>>
      %dma_wait3A_116 = tpu.memref_squeeze %dma_wait3A_115 : memref<1x128xi32, #tpu.memory_space<vmem>> -> memref<128xi32, #tpu.memory_space<vmem>>
      %dma_wait3A_117 = arith.constant 0 : i32
      %dma_wait3A_118 = tpu.memref_slice %arg8[%dma_wait3A_117] : memref<10240xf32, #tpu.memory_space<vmem_shared>> -> memref<10240xf32, #tpu.memory_space<vmem_shared>>
      tpu.wait_indirect_dma semaphore(%run_scoped3A_110 : memref<!tpu.dma_semaphore, #tpu.memory_space<semaphore_mem>>) src(%arg7 : memref<128xf32, #tpu.memory_space<vmem>>) dst(%dma_wait3A_118 : memref<10240xf32, #tpu.memory_space<vmem_shared>>)
      tpu.yield
    }) : () -> ()
    %run_scoped3A_44 = arith.constant 19 : i32
    "tpu.region"() ({
      %run_scoped3A_110 = tpu.sem_alloc : memref<!tpu.dma_semaphore, #tpu.memory_space<semaphore_mem>>
      %dma_start3A = arith.constant 0 : i32
      %dma_start3A_111 = tpu.memref_slice %arg6[%run_scoped3A_44, %dma_start3A] : memref<80x128xi32, #tpu.memory_space<vmem>> -> memref<1x128xi32, #tpu.memory_space<vmem>>
      %dma_start3A_112 = tpu.memref_squeeze %dma_start3A_111 : memref<1x128xi32, #tpu.memory_space<vmem>> -> memref<128xi32, #tpu.memory_space<vmem>>
      %dma_start3A_113 = arith.constant 0 : i32
      %dma_start3A_114 = tpu.memref_slice %arg8[%dma_start3A_113] : memref<10240xf32, #tpu.memory_space<vmem_shared>> -> memref<10240xf32, #tpu.memory_space<vmem_shared>>
      tpu.enqueue_indirect_dma source(%arg7 : memref<128xf32, #tpu.memory_space<vmem>>) target(%dma_start3A_114 : memref<10240xf32, #tpu.memory_space<vmem_shared>>) offsets(%dma_start3A_112 : memref<128xi32, #tpu.memory_space<vmem>>) semaphore(%run_scoped3A_110 : memref<!tpu.dma_semaphore, #tpu.memory_space<semaphore_mem>>) {add = true}
      %dma_wait3A = arith.constant 0 : i32
      %dma_wait3A_115 = tpu.memref_slice %arg6[%run_scoped3A_44, %dma_wait3A] : memref<80x128xi32, #tpu.memory_space<vmem>> -> memref<1x128xi32, #tpu.memory_space<vmem>>
      %dma_wait3A_116 = tpu.memref_squeeze %dma_wait3A_115 : memref<1x128xi32, #tpu.memory_space<vmem>> -> memref<128xi32, #tpu.memory_space<vmem>>
      %dma_wait3A_117 = arith.constant 0 : i32
      %dma_wait3A_118 = tpu.memref_slice %arg8[%dma_wait3A_117] : memref<10240xf32, #tpu.memory_space<vmem_shared>> -> memref<10240xf32, #tpu.memory_space<vmem_shared>>
      tpu.wait_indirect_dma semaphore(%run_scoped3A_110 : memref<!tpu.dma_semaphore, #tpu.memory_space<semaphore_mem>>) src(%arg7 : memref<128xf32, #tpu.memory_space<vmem>>) dst(%dma_wait3A_118 : memref<10240xf32, #tpu.memory_space<vmem_shared>>)
      tpu.yield
    }) : () -> ()
    %run_scoped3A_45 = arith.constant 20 : i32
    "tpu.region"() ({
      %run_scoped3A_110 = tpu.sem_alloc : memref<!tpu.dma_semaphore, #tpu.memory_space<semaphore_mem>>
      %dma_start3A = arith.constant 0 : i32
      %dma_start3A_111 = tpu.memref_slice %arg6[%run_scoped3A_45, %dma_start3A] : memref<80x128xi32, #tpu.memory_space<vmem>> -> memref<1x128xi32, #tpu.memory_space<vmem>>
      %dma_start3A_112 = tpu.memref_squeeze %dma_start3A_111 : memref<1x128xi32, #tpu.memory_space<vmem>> -> memref<128xi32, #tpu.memory_space<vmem>>
      %dma_start3A_113 = arith.constant 0 : i32
      %dma_start3A_114 = tpu.memref_slice %arg8[%dma_start3A_113] : memref<10240xf32, #tpu.memory_space<vmem_shared>> -> memref<10240xf32, #tpu.memory_space<vmem_shared>>
      tpu.enqueue_indirect_dma source(%arg7 : memref<128xf32, #tpu.memory_space<vmem>>) target(%dma_start3A_114 : memref<10240xf32, #tpu.memory_space<vmem_shared>>) offsets(%dma_start3A_112 : memref<128xi32, #tpu.memory_space<vmem>>) semaphore(%run_scoped3A_110 : memref<!tpu.dma_semaphore, #tpu.memory_space<semaphore_mem>>) {add = true}
      %dma_wait3A = arith.constant 0 : i32
      %dma_wait3A_115 = tpu.memref_slice %arg6[%run_scoped3A_45, %dma_wait3A] : memref<80x128xi32, #tpu.memory_space<vmem>> -> memref<1x128xi32, #tpu.memory_space<vmem>>
      %dma_wait3A_116 = tpu.memref_squeeze %dma_wait3A_115 : memref<1x128xi32, #tpu.memory_space<vmem>> -> memref<128xi32, #tpu.memory_space<vmem>>
      %dma_wait3A_117 = arith.constant 0 : i32
      %dma_wait3A_118 = tpu.memref_slice %arg8[%dma_wait3A_117] : memref<10240xf32, #tpu.memory_space<vmem_shared>> -> memref<10240xf32, #tpu.memory_space<vmem_shared>>
      tpu.wait_indirect_dma semaphore(%run_scoped3A_110 : memref<!tpu.dma_semaphore, #tpu.memory_space<semaphore_mem>>) src(%arg7 : memref<128xf32, #tpu.memory_space<vmem>>) dst(%dma_wait3A_118 : memref<10240xf32, #tpu.memory_space<vmem_shared>>)
      tpu.yield
    }) : () -> ()
    %run_scoped3A_46 = arith.constant 21 : i32
    "tpu.region"() ({
      %run_scoped3A_110 = tpu.sem_alloc : memref<!tpu.dma_semaphore, #tpu.memory_space<semaphore_mem>>
      %dma_start3A = arith.constant 0 : i32
      %dma_start3A_111 = tpu.memref_slice %arg6[%run_scoped3A_46, %dma_start3A] : memref<80x128xi32, #tpu.memory_space<vmem>> -> memref<1x128xi32, #tpu.memory_space<vmem>>
      %dma_start3A_112 = tpu.memref_squeeze %dma_start3A_111 : memref<1x128xi32, #tpu.memory_space<vmem>> -> memref<128xi32, #tpu.memory_space<vmem>>
      %dma_start3A_113 = arith.constant 0 : i32
      %dma_start3A_114 = tpu.memref_slice %arg8[%dma_start3A_113] : memref<10240xf32, #tpu.memory_space<vmem_shared>> -> memref<10240xf32, #tpu.memory_space<vmem_shared>>
      tpu.enqueue_indirect_dma source(%arg7 : memref<128xf32, #tpu.memory_space<vmem>>) target(%dma_start3A_114 : memref<10240xf32, #tpu.memory_space<vmem_shared>>) offsets(%dma_start3A_112 : memref<128xi32, #tpu.memory_space<vmem>>) semaphore(%run_scoped3A_110 : memref<!tpu.dma_semaphore, #tpu.memory_space<semaphore_mem>>) {add = true}
      %dma_wait3A = arith.constant 0 : i32
      %dma_wait3A_115 = tpu.memref_slice %arg6[%run_scoped3A_46, %dma_wait3A] : memref<80x128xi32, #tpu.memory_space<vmem>> -> memref<1x128xi32, #tpu.memory_space<vmem>>
      %dma_wait3A_116 = tpu.memref_squeeze %dma_wait3A_115 : memref<1x128xi32, #tpu.memory_space<vmem>> -> memref<128xi32, #tpu.memory_space<vmem>>
      %dma_wait3A_117 = arith.constant 0 : i32
      %dma_wait3A_118 = tpu.memref_slice %arg8[%dma_wait3A_117] : memref<10240xf32, #tpu.memory_space<vmem_shared>> -> memref<10240xf32, #tpu.memory_space<vmem_shared>>
      tpu.wait_indirect_dma semaphore(%run_scoped3A_110 : memref<!tpu.dma_semaphore, #tpu.memory_space<semaphore_mem>>) src(%arg7 : memref<128xf32, #tpu.memory_space<vmem>>) dst(%dma_wait3A_118 : memref<10240xf32, #tpu.memory_space<vmem_shared>>)
      tpu.yield
    }) : () -> ()
    %run_scoped3A_47 = arith.constant 22 : i32
    "tpu.region"() ({
      %run_scoped3A_110 = tpu.sem_alloc : memref<!tpu.dma_semaphore, #tpu.memory_space<semaphore_mem>>
      %dma_start3A = arith.constant 0 : i32
      %dma_start3A_111 = tpu.memref_slice %arg6[%run_scoped3A_47, %dma_start3A] : memref<80x128xi32, #tpu.memory_space<vmem>> -> memref<1x128xi32, #tpu.memory_space<vmem>>
      %dma_start3A_112 = tpu.memref_squeeze %dma_start3A_111 : memref<1x128xi32, #tpu.memory_space<vmem>> -> memref<128xi32, #tpu.memory_space<vmem>>
      %dma_start3A_113 = arith.constant 0 : i32
      %dma_start3A_114 = tpu.memref_slice %arg8[%dma_start3A_113] : memref<10240xf32, #tpu.memory_space<vmem_shared>> -> memref<10240xf32, #tpu.memory_space<vmem_shared>>
      tpu.enqueue_indirect_dma source(%arg7 : memref<128xf32, #tpu.memory_space<vmem>>) target(%dma_start3A_114 : memref<10240xf32, #tpu.memory_space<vmem_shared>>) offsets(%dma_start3A_112 : memref<128xi32, #tpu.memory_space<vmem>>) semaphore(%run_scoped3A_110 : memref<!tpu.dma_semaphore, #tpu.memory_space<semaphore_mem>>) {add = true}
      %dma_wait3A = arith.constant 0 : i32
      %dma_wait3A_115 = tpu.memref_slice %arg6[%run_scoped3A_47, %dma_wait3A] : memref<80x128xi32, #tpu.memory_space<vmem>> -> memref<1x128xi32, #tpu.memory_space<vmem>>
      %dma_wait3A_116 = tpu.memref_squeeze %dma_wait3A_115 : memref<1x128xi32, #tpu.memory_space<vmem>> -> memref<128xi32, #tpu.memory_space<vmem>>
      %dma_wait3A_117 = arith.constant 0 : i32
      %dma_wait3A_118 = tpu.memref_slice %arg8[%dma_wait3A_117] : memref<10240xf32, #tpu.memory_space<vmem_shared>> -> memref<10240xf32, #tpu.memory_space<vmem_shared>>
      tpu.wait_indirect_dma semaphore(%run_scoped3A_110 : memref<!tpu.dma_semaphore, #tpu.memory_space<semaphore_mem>>) src(%arg7 : memref<128xf32, #tpu.memory_space<vmem>>) dst(%dma_wait3A_118 : memref<10240xf32, #tpu.memory_space<vmem_shared>>)
      tpu.yield
    }) : () -> ()
    %run_scoped3A_48 = arith.constant 23 : i32
    "tpu.region"() ({
      %run_scoped3A_110 = tpu.sem_alloc : memref<!tpu.dma_semaphore, #tpu.memory_space<semaphore_mem>>
      %dma_start3A = arith.constant 0 : i32
      %dma_start3A_111 = tpu.memref_slice %arg6[%run_scoped3A_48, %dma_start3A] : memref<80x128xi32, #tpu.memory_space<vmem>> -> memref<1x128xi32, #tpu.memory_space<vmem>>
      %dma_start3A_112 = tpu.memref_squeeze %dma_start3A_111 : memref<1x128xi32, #tpu.memory_space<vmem>> -> memref<128xi32, #tpu.memory_space<vmem>>
      %dma_start3A_113 = arith.constant 0 : i32
      %dma_start3A_114 = tpu.memref_slice %arg8[%dma_start3A_113] : memref<10240xf32, #tpu.memory_space<vmem_shared>> -> memref<10240xf32, #tpu.memory_space<vmem_shared>>
      tpu.enqueue_indirect_dma source(%arg7 : memref<128xf32, #tpu.memory_space<vmem>>) target(%dma_start3A_114 : memref<10240xf32, #tpu.memory_space<vmem_shared>>) offsets(%dma_start3A_112 : memref<128xi32, #tpu.memory_space<vmem>>) semaphore(%run_scoped3A_110 : memref<!tpu.dma_semaphore, #tpu.memory_space<semaphore_mem>>) {add = true}
      %dma_wait3A = arith.constant 0 : i32
      %dma_wait3A_115 = tpu.memref_slice %arg6[%run_scoped3A_48, %dma_wait3A] : memref<80x128xi32, #tpu.memory_space<vmem>> -> memref<1x128xi32, #tpu.memory_space<vmem>>
      %dma_wait3A_116 = tpu.memref_squeeze %dma_wait3A_115 : memref<1x128xi32, #tpu.memory_space<vmem>> -> memref<128xi32, #tpu.memory_space<vmem>>
      %dma_wait3A_117 = arith.constant 0 : i32
      %dma_wait3A_118 = tpu.memref_slice %arg8[%dma_wait3A_117] : memref<10240xf32, #tpu.memory_space<vmem_shared>> -> memref<10240xf32, #tpu.memory_space<vmem_shared>>
      tpu.wait_indirect_dma semaphore(%run_scoped3A_110 : memref<!tpu.dma_semaphore, #tpu.memory_space<semaphore_mem>>) src(%arg7 : memref<128xf32, #tpu.memory_space<vmem>>) dst(%dma_wait3A_118 : memref<10240xf32, #tpu.memory_space<vmem_shared>>)
      tpu.yield
    }) : () -> ()
    %run_scoped3A_49 = arith.constant 24 : i32
    "tpu.region"() ({
      %run_scoped3A_110 = tpu.sem_alloc : memref<!tpu.dma_semaphore, #tpu.memory_space<semaphore_mem>>
      %dma_start3A = arith.constant 0 : i32
      %dma_start3A_111 = tpu.memref_slice %arg6[%run_scoped3A_49, %dma_start3A] : memref<80x128xi32, #tpu.memory_space<vmem>> -> memref<1x128xi32, #tpu.memory_space<vmem>>
      %dma_start3A_112 = tpu.memref_squeeze %dma_start3A_111 : memref<1x128xi32, #tpu.memory_space<vmem>> -> memref<128xi32, #tpu.memory_space<vmem>>
      %dma_start3A_113 = arith.constant 0 : i32
      %dma_start3A_114 = tpu.memref_slice %arg8[%dma_start3A_113] : memref<10240xf32, #tpu.memory_space<vmem_shared>> -> memref<10240xf32, #tpu.memory_space<vmem_shared>>
      tpu.enqueue_indirect_dma source(%arg7 : memref<128xf32, #tpu.memory_space<vmem>>) target(%dma_start3A_114 : memref<10240xf32, #tpu.memory_space<vmem_shared>>) offsets(%dma_start3A_112 : memref<128xi32, #tpu.memory_space<vmem>>) semaphore(%run_scoped3A_110 : memref<!tpu.dma_semaphore, #tpu.memory_space<semaphore_mem>>) {add = true}
      %dma_wait3A = arith.constant 0 : i32
      %dma_wait3A_115 = tpu.memref_slice %arg6[%run_scoped3A_49, %dma_wait3A] : memref<80x128xi32, #tpu.memory_space<vmem>> -> memref<1x128xi32, #tpu.memory_space<vmem>>
      %dma_wait3A_116 = tpu.memref_squeeze %dma_wait3A_115 : memref<1x128xi32, #tpu.memory_space<vmem>> -> memref<128xi32, #tpu.memory_space<vmem>>
      %dma_wait3A_117 = arith.constant 0 : i32
      %dma_wait3A_118 = tpu.memref_slice %arg8[%dma_wait3A_117] : memref<10240xf32, #tpu.memory_space<vmem_shared>> -> memref<10240xf32, #tpu.memory_space<vmem_shared>>
      tpu.wait_indirect_dma semaphore(%run_scoped3A_110 : memref<!tpu.dma_semaphore, #tpu.memory_space<semaphore_mem>>) src(%arg7 : memref<128xf32, #tpu.memory_space<vmem>>) dst(%dma_wait3A_118 : memref<10240xf32, #tpu.memory_space<vmem_shared>>)
      tpu.yield
    }) : () -> ()
    %run_scoped3A_50 = arith.constant 25 : i32
    "tpu.region"() ({
      %run_scoped3A_110 = tpu.sem_alloc : memref<!tpu.dma_semaphore, #tpu.memory_space<semaphore_mem>>
      %dma_start3A = arith.constant 0 : i32
      %dma_start3A_111 = tpu.memref_slice %arg6[%run_scoped3A_50, %dma_start3A] : memref<80x128xi32, #tpu.memory_space<vmem>> -> memref<1x128xi32, #tpu.memory_space<vmem>>
      %dma_start3A_112 = tpu.memref_squeeze %dma_start3A_111 : memref<1x128xi32, #tpu.memory_space<vmem>> -> memref<128xi32, #tpu.memory_space<vmem>>
      %dma_start3A_113 = arith.constant 0 : i32
      %dma_start3A_114 = tpu.memref_slice %arg8[%dma_start3A_113] : memref<10240xf32, #tpu.memory_space<vmem_shared>> -> memref<10240xf32, #tpu.memory_space<vmem_shared>>
      tpu.enqueue_indirect_dma source(%arg7 : memref<128xf32, #tpu.memory_space<vmem>>) target(%dma_start3A_114 : memref<10240xf32, #tpu.memory_space<vmem_shared>>) offsets(%dma_start3A_112 : memref<128xi32, #tpu.memory_space<vmem>>) semaphore(%run_scoped3A_110 : memref<!tpu.dma_semaphore, #tpu.memory_space<semaphore_mem>>) {add = true}
      %dma_wait3A = arith.constant 0 : i32
      %dma_wait3A_115 = tpu.memref_slice %arg6[%run_scoped3A_50, %dma_wait3A] : memref<80x128xi32, #tpu.memory_space<vmem>> -> memref<1x128xi32, #tpu.memory_space<vmem>>
      %dma_wait3A_116 = tpu.memref_squeeze %dma_wait3A_115 : memref<1x128xi32, #tpu.memory_space<vmem>> -> memref<128xi32, #tpu.memory_space<vmem>>
      %dma_wait3A_117 = arith.constant 0 : i32
      %dma_wait3A_118 = tpu.memref_slice %arg8[%dma_wait3A_117] : memref<10240xf32, #tpu.memory_space<vmem_shared>> -> memref<10240xf32, #tpu.memory_space<vmem_shared>>
      tpu.wait_indirect_dma semaphore(%run_scoped3A_110 : memref<!tpu.dma_semaphore, #tpu.memory_space<semaphore_mem>>) src(%arg7 : memref<128xf32, #tpu.memory_space<vmem>>) dst(%dma_wait3A_118 : memref<10240xf32, #tpu.memory_space<vmem_shared>>)
      tpu.yield
    }) : () -> ()
    %run_scoped3A_51 = arith.constant 26 : i32
    "tpu.region"() ({
      %run_scoped3A_110 = tpu.sem_alloc : memref<!tpu.dma_semaphore, #tpu.memory_space<semaphore_mem>>
      %dma_start3A = arith.constant 0 : i32
      %dma_start3A_111 = tpu.memref_slice %arg6[%run_scoped3A_51, %dma_start3A] : memref<80x128xi32, #tpu.memory_space<vmem>> -> memref<1x128xi32, #tpu.memory_space<vmem>>
      %dma_start3A_112 = tpu.memref_squeeze %dma_start3A_111 : memref<1x128xi32, #tpu.memory_space<vmem>> -> memref<128xi32, #tpu.memory_space<vmem>>
      %dma_start3A_113 = arith.constant 0 : i32
      %dma_start3A_114 = tpu.memref_slice %arg8[%dma_start3A_113] : memref<10240xf32, #tpu.memory_space<vmem_shared>> -> memref<10240xf32, #tpu.memory_space<vmem_shared>>
      tpu.enqueue_indirect_dma source(%arg7 : memref<128xf32, #tpu.memory_space<vmem>>) target(%dma_start3A_114 : memref<10240xf32, #tpu.memory_space<vmem_shared>>) offsets(%dma_start3A_112 : memref<128xi32, #tpu.memory_space<vmem>>) semaphore(%run_scoped3A_110 : memref<!tpu.dma_semaphore, #tpu.memory_space<semaphore_mem>>) {add = true}
      %dma_wait3A = arith.constant 0 : i32
      %dma_wait3A_115 = tpu.memref_slice %arg6[%run_scoped3A_51, %dma_wait3A] : memref<80x128xi32, #tpu.memory_space<vmem>> -> memref<1x128xi32, #tpu.memory_space<vmem>>
      %dma_wait3A_116 = tpu.memref_squeeze %dma_wait3A_115 : memref<1x128xi32, #tpu.memory_space<vmem>> -> memref<128xi32, #tpu.memory_space<vmem>>
      %dma_wait3A_117 = arith.constant 0 : i32
      %dma_wait3A_118 = tpu.memref_slice %arg8[%dma_wait3A_117] : memref<10240xf32, #tpu.memory_space<vmem_shared>> -> memref<10240xf32, #tpu.memory_space<vmem_shared>>
      tpu.wait_indirect_dma semaphore(%run_scoped3A_110 : memref<!tpu.dma_semaphore, #tpu.memory_space<semaphore_mem>>) src(%arg7 : memref<128xf32, #tpu.memory_space<vmem>>) dst(%dma_wait3A_118 : memref<10240xf32, #tpu.memory_space<vmem_shared>>)
      tpu.yield
    }) : () -> ()
    %run_scoped3A_52 = arith.constant 27 : i32
    "tpu.region"() ({
      %run_scoped3A_110 = tpu.sem_alloc : memref<!tpu.dma_semaphore, #tpu.memory_space<semaphore_mem>>
      %dma_start3A = arith.constant 0 : i32
      %dma_start3A_111 = tpu.memref_slice %arg6[%run_scoped3A_52, %dma_start3A] : memref<80x128xi32, #tpu.memory_space<vmem>> -> memref<1x128xi32, #tpu.memory_space<vmem>>
      %dma_start3A_112 = tpu.memref_squeeze %dma_start3A_111 : memref<1x128xi32, #tpu.memory_space<vmem>> -> memref<128xi32, #tpu.memory_space<vmem>>
      %dma_start3A_113 = arith.constant 0 : i32
      %dma_start3A_114 = tpu.memref_slice %arg8[%dma_start3A_113] : memref<10240xf32, #tpu.memory_space<vmem_shared>> -> memref<10240xf32, #tpu.memory_space<vmem_shared>>
      tpu.enqueue_indirect_dma source(%arg7 : memref<128xf32, #tpu.memory_space<vmem>>) target(%dma_start3A_114 : memref<10240xf32, #tpu.memory_space<vmem_shared>>) offsets(%dma_start3A_112 : memref<128xi32, #tpu.memory_space<vmem>>) semaphore(%run_scoped3A_110 : memref<!tpu.dma_semaphore, #tpu.memory_space<semaphore_mem>>) {add = true}
      %dma_wait3A = arith.constant 0 : i32
      %dma_wait3A_115 = tpu.memref_slice %arg6[%run_scoped3A_52, %dma_wait3A] : memref<80x128xi32, #tpu.memory_space<vmem>> -> memref<1x128xi32, #tpu.memory_space<vmem>>
      %dma_wait3A_116 = tpu.memref_squeeze %dma_wait3A_115 : memref<1x128xi32, #tpu.memory_space<vmem>> -> memref<128xi32, #tpu.memory_space<vmem>>
      %dma_wait3A_117 = arith.constant 0 : i32
      %dma_wait3A_118 = tpu.memref_slice %arg8[%dma_wait3A_117] : memref<10240xf32, #tpu.memory_space<vmem_shared>> -> memref<10240xf32, #tpu.memory_space<vmem_shared>>
      tpu.wait_indirect_dma semaphore(%run_scoped3A_110 : memref<!tpu.dma_semaphore, #tpu.memory_space<semaphore_mem>>) src(%arg7 : memref<128xf32, #tpu.memory_space<vmem>>) dst(%dma_wait3A_118 : memref<10240xf32, #tpu.memory_space<vmem_shared>>)
      tpu.yield
    }) : () -> ()
    %run_scoped3A_53 = arith.constant 28 : i32
    "tpu.region"() ({
      %run_scoped3A_110 = tpu.sem_alloc : memref<!tpu.dma_semaphore, #tpu.memory_space<semaphore_mem>>
      %dma_start3A = arith.constant 0 : i32
      %dma_start3A_111 = tpu.memref_slice %arg6[%run_scoped3A_53, %dma_start3A] : memref<80x128xi32, #tpu.memory_space<vmem>> -> memref<1x128xi32, #tpu.memory_space<vmem>>
      %dma_start3A_112 = tpu.memref_squeeze %dma_start3A_111 : memref<1x128xi32, #tpu.memory_space<vmem>> -> memref<128xi32, #tpu.memory_space<vmem>>
      %dma_start3A_113 = arith.constant 0 : i32
      %dma_start3A_114 = tpu.memref_slice %arg8[%dma_start3A_113] : memref<10240xf32, #tpu.memory_space<vmem_shared>> -> memref<10240xf32, #tpu.memory_space<vmem_shared>>
      tpu.enqueue_indirect_dma source(%arg7 : memref<128xf32, #tpu.memory_space<vmem>>) target(%dma_start3A_114 : memref<10240xf32, #tpu.memory_space<vmem_shared>>) offsets(%dma_start3A_112 : memref<128xi32, #tpu.memory_space<vmem>>) semaphore(%run_scoped3A_110 : memref<!tpu.dma_semaphore, #tpu.memory_space<semaphore_mem>>) {add = true}
      %dma_wait3A = arith.constant 0 : i32
      %dma_wait3A_115 = tpu.memref_slice %arg6[%run_scoped3A_53, %dma_wait3A] : memref<80x128xi32, #tpu.memory_space<vmem>> -> memref<1x128xi32, #tpu.memory_space<vmem>>
      %dma_wait3A_116 = tpu.memref_squeeze %dma_wait3A_115 : memref<1x128xi32, #tpu.memory_space<vmem>> -> memref<128xi32, #tpu.memory_space<vmem>>
      %dma_wait3A_117 = arith.constant 0 : i32
      %dma_wait3A_118 = tpu.memref_slice %arg8[%dma_wait3A_117] : memref<10240xf32, #tpu.memory_space<vmem_shared>> -> memref<10240xf32, #tpu.memory_space<vmem_shared>>
      tpu.wait_indirect_dma semaphore(%run_scoped3A_110 : memref<!tpu.dma_semaphore, #tpu.memory_space<semaphore_mem>>) src(%arg7 : memref<128xf32, #tpu.memory_space<vmem>>) dst(%dma_wait3A_118 : memref<10240xf32, #tpu.memory_space<vmem_shared>>)
      tpu.yield
    }) : () -> ()
    %run_scoped3A_54 = arith.constant 29 : i32
    "tpu.region"() ({
      %run_scoped3A_110 = tpu.sem_alloc : memref<!tpu.dma_semaphore, #tpu.memory_space<semaphore_mem>>
      %dma_start3A = arith.constant 0 : i32
      %dma_start3A_111 = tpu.memref_slice %arg6[%run_scoped3A_54, %dma_start3A] : memref<80x128xi32, #tpu.memory_space<vmem>> -> memref<1x128xi32, #tpu.memory_space<vmem>>
      %dma_start3A_112 = tpu.memref_squeeze %dma_start3A_111 : memref<1x128xi32, #tpu.memory_space<vmem>> -> memref<128xi32, #tpu.memory_space<vmem>>
      %dma_start3A_113 = arith.constant 0 : i32
      %dma_start3A_114 = tpu.memref_slice %arg8[%dma_start3A_113] : memref<10240xf32, #tpu.memory_space<vmem_shared>> -> memref<10240xf32, #tpu.memory_space<vmem_shared>>
      tpu.enqueue_indirect_dma source(%arg7 : memref<128xf32, #tpu.memory_space<vmem>>) target(%dma_start3A_114 : memref<10240xf32, #tpu.memory_space<vmem_shared>>) offsets(%dma_start3A_112 : memref<128xi32, #tpu.memory_space<vmem>>) semaphore(%run_scoped3A_110 : memref<!tpu.dma_semaphore, #tpu.memory_space<semaphore_mem>>) {add = true}
      %dma_wait3A = arith.constant 0 : i32
      %dma_wait3A_115 = tpu.memref_slice %arg6[%run_scoped3A_54, %dma_wait3A] : memref<80x128xi32, #tpu.memory_space<vmem>> -> memref<1x128xi32, #tpu.memory_space<vmem>>
      %dma_wait3A_116 = tpu.memref_squeeze %dma_wait3A_115 : memref<1x128xi32, #tpu.memory_space<vmem>> -> memref<128xi32, #tpu.memory_space<vmem>>
      %dma_wait3A_117 = arith.constant 0 : i32
      %dma_wait3A_118 = tpu.memref_slice %arg8[%dma_wait3A_117] : memref<10240xf32, #tpu.memory_space<vmem_shared>> -> memref<10240xf32, #tpu.memory_space<vmem_shared>>
      tpu.wait_indirect_dma semaphore(%run_scoped3A_110 : memref<!tpu.dma_semaphore, #tpu.memory_space<semaphore_mem>>) src(%arg7 : memref<128xf32, #tpu.memory_space<vmem>>) dst(%dma_wait3A_118 : memref<10240xf32, #tpu.memory_space<vmem_shared>>)
      tpu.yield
    }) : () -> ()
    %run_scoped3A_55 = arith.constant 30 : i32
    "tpu.region"() ({
      %run_scoped3A_110 = tpu.sem_alloc : memref<!tpu.dma_semaphore, #tpu.memory_space<semaphore_mem>>
      %dma_start3A = arith.constant 0 : i32
      %dma_start3A_111 = tpu.memref_slice %arg6[%run_scoped3A_55, %dma_start3A] : memref<80x128xi32, #tpu.memory_space<vmem>> -> memref<1x128xi32, #tpu.memory_space<vmem>>
      %dma_start3A_112 = tpu.memref_squeeze %dma_start3A_111 : memref<1x128xi32, #tpu.memory_space<vmem>> -> memref<128xi32, #tpu.memory_space<vmem>>
      %dma_start3A_113 = arith.constant 0 : i32
      %dma_start3A_114 = tpu.memref_slice %arg8[%dma_start3A_113] : memref<10240xf32, #tpu.memory_space<vmem_shared>> -> memref<10240xf32, #tpu.memory_space<vmem_shared>>
      tpu.enqueue_indirect_dma source(%arg7 : memref<128xf32, #tpu.memory_space<vmem>>) target(%dma_start3A_114 : memref<10240xf32, #tpu.memory_space<vmem_shared>>) offsets(%dma_start3A_112 : memref<128xi32, #tpu.memory_space<vmem>>) semaphore(%run_scoped3A_110 : memref<!tpu.dma_semaphore, #tpu.memory_space<semaphore_mem>>) {add = true}
      %dma_wait3A = arith.constant 0 : i32
      %dma_wait3A_115 = tpu.memref_slice %arg6[%run_scoped3A_55, %dma_wait3A] : memref<80x128xi32, #tpu.memory_space<vmem>> -> memref<1x128xi32, #tpu.memory_space<vmem>>
      %dma_wait3A_116 = tpu.memref_squeeze %dma_wait3A_115 : memref<1x128xi32, #tpu.memory_space<vmem>> -> memref<128xi32, #tpu.memory_space<vmem>>
      %dma_wait3A_117 = arith.constant 0 : i32
      %dma_wait3A_118 = tpu.memref_slice %arg8[%dma_wait3A_117] : memref<10240xf32, #tpu.memory_space<vmem_shared>> -> memref<10240xf32, #tpu.memory_space<vmem_shared>>
      tpu.wait_indirect_dma semaphore(%run_scoped3A_110 : memref<!tpu.dma_semaphore, #tpu.memory_space<semaphore_mem>>) src(%arg7 : memref<128xf32, #tpu.memory_space<vmem>>) dst(%dma_wait3A_118 : memref<10240xf32, #tpu.memory_space<vmem_shared>>)
      tpu.yield
    }) : () -> ()
    %run_scoped3A_56 = arith.constant 31 : i32
    "tpu.region"() ({
      %run_scoped3A_110 = tpu.sem_alloc : memref<!tpu.dma_semaphore, #tpu.memory_space<semaphore_mem>>
      %dma_start3A = arith.constant 0 : i32
      %dma_start3A_111 = tpu.memref_slice %arg6[%run_scoped3A_56, %dma_start3A] : memref<80x128xi32, #tpu.memory_space<vmem>> -> memref<1x128xi32, #tpu.memory_space<vmem>>
      %dma_start3A_112 = tpu.memref_squeeze %dma_start3A_111 : memref<1x128xi32, #tpu.memory_space<vmem>> -> memref<128xi32, #tpu.memory_space<vmem>>
      %dma_start3A_113 = arith.constant 0 : i32
      %dma_start3A_114 = tpu.memref_slice %arg8[%dma_start3A_113] : memref<10240xf32, #tpu.memory_space<vmem_shared>> -> memref<10240xf32, #tpu.memory_space<vmem_shared>>
      tpu.enqueue_indirect_dma source(%arg7 : memref<128xf32, #tpu.memory_space<vmem>>) target(%dma_start3A_114 : memref<10240xf32, #tpu.memory_space<vmem_shared>>) offsets(%dma_start3A_112 : memref<128xi32, #tpu.memory_space<vmem>>) semaphore(%run_scoped3A_110 : memref<!tpu.dma_semaphore, #tpu.memory_space<semaphore_mem>>) {add = true}
      %dma_wait3A = arith.constant 0 : i32
      %dma_wait3A_115 = tpu.memref_slice %arg6[%run_scoped3A_56, %dma_wait3A] : memref<80x128xi32, #tpu.memory_space<vmem>> -> memref<1x128xi32, #tpu.memory_space<vmem>>
      %dma_wait3A_116 = tpu.memref_squeeze %dma_wait3A_115 : memref<1x128xi32, #tpu.memory_space<vmem>> -> memref<128xi32, #tpu.memory_space<vmem>>
      %dma_wait3A_117 = arith.constant 0 : i32
      %dma_wait3A_118 = tpu.memref_slice %arg8[%dma_wait3A_117] : memref<10240xf32, #tpu.memory_space<vmem_shared>> -> memref<10240xf32, #tpu.memory_space<vmem_shared>>
      tpu.wait_indirect_dma semaphore(%run_scoped3A_110 : memref<!tpu.dma_semaphore, #tpu.memory_space<semaphore_mem>>) src(%arg7 : memref<128xf32, #tpu.memory_space<vmem>>) dst(%dma_wait3A_118 : memref<10240xf32, #tpu.memory_space<vmem_shared>>)
      tpu.yield
    }) : () -> ()
    %run_scoped3A_57 = arith.constant 32 : i32
    "tpu.region"() ({
      %run_scoped3A_110 = tpu.sem_alloc : memref<!tpu.dma_semaphore, #tpu.memory_space<semaphore_mem>>
      %dma_start3A = arith.constant 0 : i32
      %dma_start3A_111 = tpu.memref_slice %arg6[%run_scoped3A_57, %dma_start3A] : memref<80x128xi32, #tpu.memory_space<vmem>> -> memref<1x128xi32, #tpu.memory_space<vmem>>
      %dma_start3A_112 = tpu.memref_squeeze %dma_start3A_111 : memref<1x128xi32, #tpu.memory_space<vmem>> -> memref<128xi32, #tpu.memory_space<vmem>>
      %dma_start3A_113 = arith.constant 0 : i32
      %dma_start3A_114 = tpu.memref_slice %arg8[%dma_start3A_113] : memref<10240xf32, #tpu.memory_space<vmem_shared>> -> memref<10240xf32, #tpu.memory_space<vmem_shared>>
      tpu.enqueue_indirect_dma source(%arg7 : memref<128xf32, #tpu.memory_space<vmem>>) target(%dma_start3A_114 : memref<10240xf32, #tpu.memory_space<vmem_shared>>) offsets(%dma_start3A_112 : memref<128xi32, #tpu.memory_space<vmem>>) semaphore(%run_scoped3A_110 : memref<!tpu.dma_semaphore, #tpu.memory_space<semaphore_mem>>) {add = true}
      %dma_wait3A = arith.constant 0 : i32
      %dma_wait3A_115 = tpu.memref_slice %arg6[%run_scoped3A_57, %dma_wait3A] : memref<80x128xi32, #tpu.memory_space<vmem>> -> memref<1x128xi32, #tpu.memory_space<vmem>>
      %dma_wait3A_116 = tpu.memref_squeeze %dma_wait3A_115 : memref<1x128xi32, #tpu.memory_space<vmem>> -> memref<128xi32, #tpu.memory_space<vmem>>
      %dma_wait3A_117 = arith.constant 0 : i32
      %dma_wait3A_118 = tpu.memref_slice %arg8[%dma_wait3A_117] : memref<10240xf32, #tpu.memory_space<vmem_shared>> -> memref<10240xf32, #tpu.memory_space<vmem_shared>>
      tpu.wait_indirect_dma semaphore(%run_scoped3A_110 : memref<!tpu.dma_semaphore, #tpu.memory_space<semaphore_mem>>) src(%arg7 : memref<128xf32, #tpu.memory_space<vmem>>) dst(%dma_wait3A_118 : memref<10240xf32, #tpu.memory_space<vmem_shared>>)
      tpu.yield
    }) : () -> ()
    %run_scoped3A_58 = arith.constant 33 : i32
    "tpu.region"() ({
      %run_scoped3A_110 = tpu.sem_alloc : memref<!tpu.dma_semaphore, #tpu.memory_space<semaphore_mem>>
      %dma_start3A = arith.constant 0 : i32
      %dma_start3A_111 = tpu.memref_slice %arg6[%run_scoped3A_58, %dma_start3A] : memref<80x128xi32, #tpu.memory_space<vmem>> -> memref<1x128xi32, #tpu.memory_space<vmem>>
      %dma_start3A_112 = tpu.memref_squeeze %dma_start3A_111 : memref<1x128xi32, #tpu.memory_space<vmem>> -> memref<128xi32, #tpu.memory_space<vmem>>
      %dma_start3A_113 = arith.constant 0 : i32
      %dma_start3A_114 = tpu.memref_slice %arg8[%dma_start3A_113] : memref<10240xf32, #tpu.memory_space<vmem_shared>> -> memref<10240xf32, #tpu.memory_space<vmem_shared>>
      tpu.enqueue_indirect_dma source(%arg7 : memref<128xf32, #tpu.memory_space<vmem>>) target(%dma_start3A_114 : memref<10240xf32, #tpu.memory_space<vmem_shared>>) offsets(%dma_start3A_112 : memref<128xi32, #tpu.memory_space<vmem>>) semaphore(%run_scoped3A_110 : memref<!tpu.dma_semaphore, #tpu.memory_space<semaphore_mem>>) {add = true}
      %dma_wait3A = arith.constant 0 : i32
      %dma_wait3A_115 = tpu.memref_slice %arg6[%run_scoped3A_58, %dma_wait3A] : memref<80x128xi32, #tpu.memory_space<vmem>> -> memref<1x128xi32, #tpu.memory_space<vmem>>
      %dma_wait3A_116 = tpu.memref_squeeze %dma_wait3A_115 : memref<1x128xi32, #tpu.memory_space<vmem>> -> memref<128xi32, #tpu.memory_space<vmem>>
      %dma_wait3A_117 = arith.constant 0 : i32
      %dma_wait3A_118 = tpu.memref_slice %arg8[%dma_wait3A_117] : memref<10240xf32, #tpu.memory_space<vmem_shared>> -> memref<10240xf32, #tpu.memory_space<vmem_shared>>
      tpu.wait_indirect_dma semaphore(%run_scoped3A_110 : memref<!tpu.dma_semaphore, #tpu.memory_space<semaphore_mem>>) src(%arg7 : memref<128xf32, #tpu.memory_space<vmem>>) dst(%dma_wait3A_118 : memref<10240xf32, #tpu.memory_space<vmem_shared>>)
      tpu.yield
    }) : () -> ()
    %run_scoped3A_59 = arith.constant 34 : i32
    "tpu.region"() ({
      %run_scoped3A_110 = tpu.sem_alloc : memref<!tpu.dma_semaphore, #tpu.memory_space<semaphore_mem>>
      %dma_start3A = arith.constant 0 : i32
      %dma_start3A_111 = tpu.memref_slice %arg6[%run_scoped3A_59, %dma_start3A] : memref<80x128xi32, #tpu.memory_space<vmem>> -> memref<1x128xi32, #tpu.memory_space<vmem>>
      %dma_start3A_112 = tpu.memref_squeeze %dma_start3A_111 : memref<1x128xi32, #tpu.memory_space<vmem>> -> memref<128xi32, #tpu.memory_space<vmem>>
      %dma_start3A_113 = arith.constant 0 : i32
      %dma_start3A_114 = tpu.memref_slice %arg8[%dma_start3A_113] : memref<10240xf32, #tpu.memory_space<vmem_shared>> -> memref<10240xf32, #tpu.memory_space<vmem_shared>>
      tpu.enqueue_indirect_dma source(%arg7 : memref<128xf32, #tpu.memory_space<vmem>>) target(%dma_start3A_114 : memref<10240xf32, #tpu.memory_space<vmem_shared>>) offsets(%dma_start3A_112 : memref<128xi32, #tpu.memory_space<vmem>>) semaphore(%run_scoped3A_110 : memref<!tpu.dma_semaphore, #tpu.memory_space<semaphore_mem>>) {add = true}
      %dma_wait3A = arith.constant 0 : i32
      %dma_wait3A_115 = tpu.memref_slice %arg6[%run_scoped3A_59, %dma_wait3A] : memref<80x128xi32, #tpu.memory_space<vmem>> -> memref<1x128xi32, #tpu.memory_space<vmem>>
      %dma_wait3A_116 = tpu.memref_squeeze %dma_wait3A_115 : memref<1x128xi32, #tpu.memory_space<vmem>> -> memref<128xi32, #tpu.memory_space<vmem>>
      %dma_wait3A_117 = arith.constant 0 : i32
      %dma_wait3A_118 = tpu.memref_slice %arg8[%dma_wait3A_117] : memref<10240xf32, #tpu.memory_space<vmem_shared>> -> memref<10240xf32, #tpu.memory_space<vmem_shared>>
      tpu.wait_indirect_dma semaphore(%run_scoped3A_110 : memref<!tpu.dma_semaphore, #tpu.memory_space<semaphore_mem>>) src(%arg7 : memref<128xf32, #tpu.memory_space<vmem>>) dst(%dma_wait3A_118 : memref<10240xf32, #tpu.memory_space<vmem_shared>>)
      tpu.yield
    }) : () -> ()
    %run_scoped3A_60 = arith.constant 35 : i32
    "tpu.region"() ({
      %run_scoped3A_110 = tpu.sem_alloc : memref<!tpu.dma_semaphore, #tpu.memory_space<semaphore_mem>>
      %dma_start3A = arith.constant 0 : i32
      %dma_start3A_111 = tpu.memref_slice %arg6[%run_scoped3A_60, %dma_start3A] : memref<80x128xi32, #tpu.memory_space<vmem>> -> memref<1x128xi32, #tpu.memory_space<vmem>>
      %dma_start3A_112 = tpu.memref_squeeze %dma_start3A_111 : memref<1x128xi32, #tpu.memory_space<vmem>> -> memref<128xi32, #tpu.memory_space<vmem>>
      %dma_start3A_113 = arith.constant 0 : i32
      %dma_start3A_114 = tpu.memref_slice %arg8[%dma_start3A_113] : memref<10240xf32, #tpu.memory_space<vmem_shared>> -> memref<10240xf32, #tpu.memory_space<vmem_shared>>
      tpu.enqueue_indirect_dma source(%arg7 : memref<128xf32, #tpu.memory_space<vmem>>) target(%dma_start3A_114 : memref<10240xf32, #tpu.memory_space<vmem_shared>>) offsets(%dma_start3A_112 : memref<128xi32, #tpu.memory_space<vmem>>) semaphore(%run_scoped3A_110 : memref<!tpu.dma_semaphore, #tpu.memory_space<semaphore_mem>>) {add = true}
      %dma_wait3A = arith.constant 0 : i32
      %dma_wait3A_115 = tpu.memref_slice %arg6[%run_scoped3A_60, %dma_wait3A] : memref<80x128xi32, #tpu.memory_space<vmem>> -> memref<1x128xi32, #tpu.memory_space<vmem>>
      %dma_wait3A_116 = tpu.memref_squeeze %dma_wait3A_115 : memref<1x128xi32, #tpu.memory_space<vmem>> -> memref<128xi32, #tpu.memory_space<vmem>>
      %dma_wait3A_117 = arith.constant 0 : i32
      %dma_wait3A_118 = tpu.memref_slice %arg8[%dma_wait3A_117] : memref<10240xf32, #tpu.memory_space<vmem_shared>> -> memref<10240xf32, #tpu.memory_space<vmem_shared>>
      tpu.wait_indirect_dma semaphore(%run_scoped3A_110 : memref<!tpu.dma_semaphore, #tpu.memory_space<semaphore_mem>>) src(%arg7 : memref<128xf32, #tpu.memory_space<vmem>>) dst(%dma_wait3A_118 : memref<10240xf32, #tpu.memory_space<vmem_shared>>)
      tpu.yield
    }) : () -> ()
    %run_scoped3A_61 = arith.constant 36 : i32
    "tpu.region"() ({
      %run_scoped3A_110 = tpu.sem_alloc : memref<!tpu.dma_semaphore, #tpu.memory_space<semaphore_mem>>
      %dma_start3A = arith.constant 0 : i32
      %dma_start3A_111 = tpu.memref_slice %arg6[%run_scoped3A_61, %dma_start3A] : memref<80x128xi32, #tpu.memory_space<vmem>> -> memref<1x128xi32, #tpu.memory_space<vmem>>
      %dma_start3A_112 = tpu.memref_squeeze %dma_start3A_111 : memref<1x128xi32, #tpu.memory_space<vmem>> -> memref<128xi32, #tpu.memory_space<vmem>>
      %dma_start3A_113 = arith.constant 0 : i32
      %dma_start3A_114 = tpu.memref_slice %arg8[%dma_start3A_113] : memref<10240xf32, #tpu.memory_space<vmem_shared>> -> memref<10240xf32, #tpu.memory_space<vmem_shared>>
      tpu.enqueue_indirect_dma source(%arg7 : memref<128xf32, #tpu.memory_space<vmem>>) target(%dma_start3A_114 : memref<10240xf32, #tpu.memory_space<vmem_shared>>) offsets(%dma_start3A_112 : memref<128xi32, #tpu.memory_space<vmem>>) semaphore(%run_scoped3A_110 : memref<!tpu.dma_semaphore, #tpu.memory_space<semaphore_mem>>) {add = true}
      %dma_wait3A = arith.constant 0 : i32
      %dma_wait3A_115 = tpu.memref_slice %arg6[%run_scoped3A_61, %dma_wait3A] : memref<80x128xi32, #tpu.memory_space<vmem>> -> memref<1x128xi32, #tpu.memory_space<vmem>>
      %dma_wait3A_116 = tpu.memref_squeeze %dma_wait3A_115 : memref<1x128xi32, #tpu.memory_space<vmem>> -> memref<128xi32, #tpu.memory_space<vmem>>
      %dma_wait3A_117 = arith.constant 0 : i32
      %dma_wait3A_118 = tpu.memref_slice %arg8[%dma_wait3A_117] : memref<10240xf32, #tpu.memory_space<vmem_shared>> -> memref<10240xf32, #tpu.memory_space<vmem_shared>>
      tpu.wait_indirect_dma semaphore(%run_scoped3A_110 : memref<!tpu.dma_semaphore, #tpu.memory_space<semaphore_mem>>) src(%arg7 : memref<128xf32, #tpu.memory_space<vmem>>) dst(%dma_wait3A_118 : memref<10240xf32, #tpu.memory_space<vmem_shared>>)
      tpu.yield
    }) : () -> ()
    %run_scoped3A_62 = arith.constant 37 : i32
    "tpu.region"() ({
      %run_scoped3A_110 = tpu.sem_alloc : memref<!tpu.dma_semaphore, #tpu.memory_space<semaphore_mem>>
      %dma_start3A = arith.constant 0 : i32
      %dma_start3A_111 = tpu.memref_slice %arg6[%run_scoped3A_62, %dma_start3A] : memref<80x128xi32, #tpu.memory_space<vmem>> -> memref<1x128xi32, #tpu.memory_space<vmem>>
      %dma_start3A_112 = tpu.memref_squeeze %dma_start3A_111 : memref<1x128xi32, #tpu.memory_space<vmem>> -> memref<128xi32, #tpu.memory_space<vmem>>
      %dma_start3A_113 = arith.constant 0 : i32
      %dma_start3A_114 = tpu.memref_slice %arg8[%dma_start3A_113] : memref<10240xf32, #tpu.memory_space<vmem_shared>> -> memref<10240xf32, #tpu.memory_space<vmem_shared>>
      tpu.enqueue_indirect_dma source(%arg7 : memref<128xf32, #tpu.memory_space<vmem>>) target(%dma_start3A_114 : memref<10240xf32, #tpu.memory_space<vmem_shared>>) offsets(%dma_start3A_112 : memref<128xi32, #tpu.memory_space<vmem>>) semaphore(%run_scoped3A_110 : memref<!tpu.dma_semaphore, #tpu.memory_space<semaphore_mem>>) {add = true}
      %dma_wait3A = arith.constant 0 : i32
      %dma_wait3A_115 = tpu.memref_slice %arg6[%run_scoped3A_62, %dma_wait3A] : memref<80x128xi32, #tpu.memory_space<vmem>> -> memref<1x128xi32, #tpu.memory_space<vmem>>
      %dma_wait3A_116 = tpu.memref_squeeze %dma_wait3A_115 : memref<1x128xi32, #tpu.memory_space<vmem>> -> memref<128xi32, #tpu.memory_space<vmem>>
      %dma_wait3A_117 = arith.constant 0 : i32
      %dma_wait3A_118 = tpu.memref_slice %arg8[%dma_wait3A_117] : memref<10240xf32, #tpu.memory_space<vmem_shared>> -> memref<10240xf32, #tpu.memory_space<vmem_shared>>
      tpu.wait_indirect_dma semaphore(%run_scoped3A_110 : memref<!tpu.dma_semaphore, #tpu.memory_space<semaphore_mem>>) src(%arg7 : memref<128xf32, #tpu.memory_space<vmem>>) dst(%dma_wait3A_118 : memref<10240xf32, #tpu.memory_space<vmem_shared>>)
      tpu.yield
    }) : () -> ()
    %run_scoped3A_63 = arith.constant 38 : i32
    "tpu.region"() ({
      %run_scoped3A_110 = tpu.sem_alloc : memref<!tpu.dma_semaphore, #tpu.memory_space<semaphore_mem>>
      %dma_start3A = arith.constant 0 : i32
      %dma_start3A_111 = tpu.memref_slice %arg6[%run_scoped3A_63, %dma_start3A] : memref<80x128xi32, #tpu.memory_space<vmem>> -> memref<1x128xi32, #tpu.memory_space<vmem>>
      %dma_start3A_112 = tpu.memref_squeeze %dma_start3A_111 : memref<1x128xi32, #tpu.memory_space<vmem>> -> memref<128xi32, #tpu.memory_space<vmem>>
      %dma_start3A_113 = arith.constant 0 : i32
      %dma_start3A_114 = tpu.memref_slice %arg8[%dma_start3A_113] : memref<10240xf32, #tpu.memory_space<vmem_shared>> -> memref<10240xf32, #tpu.memory_space<vmem_shared>>
      tpu.enqueue_indirect_dma source(%arg7 : memref<128xf32, #tpu.memory_space<vmem>>) target(%dma_start3A_114 : memref<10240xf32, #tpu.memory_space<vmem_shared>>) offsets(%dma_start3A_112 : memref<128xi32, #tpu.memory_space<vmem>>) semaphore(%run_scoped3A_110 : memref<!tpu.dma_semaphore, #tpu.memory_space<semaphore_mem>>) {add = true}
      %dma_wait3A = arith.constant 0 : i32
      %dma_wait3A_115 = tpu.memref_slice %arg6[%run_scoped3A_63, %dma_wait3A] : memref<80x128xi32, #tpu.memory_space<vmem>> -> memref<1x128xi32, #tpu.memory_space<vmem>>
      %dma_wait3A_116 = tpu.memref_squeeze %dma_wait3A_115 : memref<1x128xi32, #tpu.memory_space<vmem>> -> memref<128xi32, #tpu.memory_space<vmem>>
      %dma_wait3A_117 = arith.constant 0 : i32
      %dma_wait3A_118 = tpu.memref_slice %arg8[%dma_wait3A_117] : memref<10240xf32, #tpu.memory_space<vmem_shared>> -> memref<10240xf32, #tpu.memory_space<vmem_shared>>
      tpu.wait_indirect_dma semaphore(%run_scoped3A_110 : memref<!tpu.dma_semaphore, #tpu.memory_space<semaphore_mem>>) src(%arg7 : memref<128xf32, #tpu.memory_space<vmem>>) dst(%dma_wait3A_118 : memref<10240xf32, #tpu.memory_space<vmem_shared>>)
      tpu.yield
    }) : () -> ()
    %run_scoped3A_64 = arith.constant 39 : i32
    "tpu.region"() ({
      %run_scoped3A_110 = tpu.sem_alloc : memref<!tpu.dma_semaphore, #tpu.memory_space<semaphore_mem>>
      %dma_start3A = arith.constant 0 : i32
      %dma_start3A_111 = tpu.memref_slice %arg6[%run_scoped3A_64, %dma_start3A] : memref<80x128xi32, #tpu.memory_space<vmem>> -> memref<1x128xi32, #tpu.memory_space<vmem>>
      %dma_start3A_112 = tpu.memref_squeeze %dma_start3A_111 : memref<1x128xi32, #tpu.memory_space<vmem>> -> memref<128xi32, #tpu.memory_space<vmem>>
      %dma_start3A_113 = arith.constant 0 : i32
      %dma_start3A_114 = tpu.memref_slice %arg8[%dma_start3A_113] : memref<10240xf32, #tpu.memory_space<vmem_shared>> -> memref<10240xf32, #tpu.memory_space<vmem_shared>>
      tpu.enqueue_indirect_dma source(%arg7 : memref<128xf32, #tpu.memory_space<vmem>>) target(%dma_start3A_114 : memref<10240xf32, #tpu.memory_space<vmem_shared>>) offsets(%dma_start3A_112 : memref<128xi32, #tpu.memory_space<vmem>>) semaphore(%run_scoped3A_110 : memref<!tpu.dma_semaphore, #tpu.memory_space<semaphore_mem>>) {add = true}
      %dma_wait3A = arith.constant 0 : i32
      %dma_wait3A_115 = tpu.memref_slice %arg6[%run_scoped3A_64, %dma_wait3A] : memref<80x128xi32, #tpu.memory_space<vmem>> -> memref<1x128xi32, #tpu.memory_space<vmem>>
      %dma_wait3A_116 = tpu.memref_squeeze %dma_wait3A_115 : memref<1x128xi32, #tpu.memory_space<vmem>> -> memref<128xi32, #tpu.memory_space<vmem>>
      %dma_wait3A_117 = arith.constant 0 : i32
      %dma_wait3A_118 = tpu.memref_slice %arg8[%dma_wait3A_117] : memref<10240xf32, #tpu.memory_space<vmem_shared>> -> memref<10240xf32, #tpu.memory_space<vmem_shared>>
      tpu.wait_indirect_dma semaphore(%run_scoped3A_110 : memref<!tpu.dma_semaphore, #tpu.memory_space<semaphore_mem>>) src(%arg7 : memref<128xf32, #tpu.memory_space<vmem>>) dst(%dma_wait3A_118 : memref<10240xf32, #tpu.memory_space<vmem_shared>>)
      tpu.yield
    }) : () -> ()
    %run_scoped3A_65 = arith.constant 40 : i32
    "tpu.region"() ({
      %run_scoped3A_110 = tpu.sem_alloc : memref<!tpu.dma_semaphore, #tpu.memory_space<semaphore_mem>>
      %dma_start3A = arith.constant 0 : i32
      %dma_start3A_111 = tpu.memref_slice %arg6[%run_scoped3A_65, %dma_start3A] : memref<80x128xi32, #tpu.memory_space<vmem>> -> memref<1x128xi32, #tpu.memory_space<vmem>>
      %dma_start3A_112 = tpu.memref_squeeze %dma_start3A_111 : memref<1x128xi32, #tpu.memory_space<vmem>> -> memref<128xi32, #tpu.memory_space<vmem>>
      %dma_start3A_113 = arith.constant 0 : i32
      %dma_start3A_114 = tpu.memref_slice %arg8[%dma_start3A_113] : memref<10240xf32, #tpu.memory_space<vmem_shared>> -> memref<10240xf32, #tpu.memory_space<vmem_shared>>
      tpu.enqueue_indirect_dma source(%arg7 : memref<128xf32, #tpu.memory_space<vmem>>) target(%dma_start3A_114 : memref<10240xf32, #tpu.memory_space<vmem_shared>>) offsets(%dma_start3A_112 : memref<128xi32, #tpu.memory_space<vmem>>) semaphore(%run_scoped3A_110 : memref<!tpu.dma_semaphore, #tpu.memory_space<semaphore_mem>>) {add = true}
      %dma_wait3A = arith.constant 0 : i32
      %dma_wait3A_115 = tpu.memref_slice %arg6[%run_scoped3A_65, %dma_wait3A] : memref<80x128xi32, #tpu.memory_space<vmem>> -> memref<1x128xi32, #tpu.memory_space<vmem>>
      %dma_wait3A_116 = tpu.memref_squeeze %dma_wait3A_115 : memref<1x128xi32, #tpu.memory_space<vmem>> -> memref<128xi32, #tpu.memory_space<vmem>>
      %dma_wait3A_117 = arith.constant 0 : i32
      %dma_wait3A_118 = tpu.memref_slice %arg8[%dma_wait3A_117] : memref<10240xf32, #tpu.memory_space<vmem_shared>> -> memref<10240xf32, #tpu.memory_space<vmem_shared>>
      tpu.wait_indirect_dma semaphore(%run_scoped3A_110 : memref<!tpu.dma_semaphore, #tpu.memory_space<semaphore_mem>>) src(%arg7 : memref<128xf32, #tpu.memory_space<vmem>>) dst(%dma_wait3A_118 : memref<10240xf32, #tpu.memory_space<vmem_shared>>)
      tpu.yield
    }) : () -> ()
    %run_scoped3A_66 = arith.constant 41 : i32
    "tpu.region"() ({
      %run_scoped3A_110 = tpu.sem_alloc : memref<!tpu.dma_semaphore, #tpu.memory_space<semaphore_mem>>
      %dma_start3A = arith.constant 0 : i32
      %dma_start3A_111 = tpu.memref_slice %arg6[%run_scoped3A_66, %dma_start3A] : memref<80x128xi32, #tpu.memory_space<vmem>> -> memref<1x128xi32, #tpu.memory_space<vmem>>
      %dma_start3A_112 = tpu.memref_squeeze %dma_start3A_111 : memref<1x128xi32, #tpu.memory_space<vmem>> -> memref<128xi32, #tpu.memory_space<vmem>>
      %dma_start3A_113 = arith.constant 0 : i32
      %dma_start3A_114 = tpu.memref_slice %arg8[%dma_start3A_113] : memref<10240xf32, #tpu.memory_space<vmem_shared>> -> memref<10240xf32, #tpu.memory_space<vmem_shared>>
      tpu.enqueue_indirect_dma source(%arg7 : memref<128xf32, #tpu.memory_space<vmem>>) target(%dma_start3A_114 : memref<10240xf32, #tpu.memory_space<vmem_shared>>) offsets(%dma_start3A_112 : memref<128xi32, #tpu.memory_space<vmem>>) semaphore(%run_scoped3A_110 : memref<!tpu.dma_semaphore, #tpu.memory_space<semaphore_mem>>) {add = true}
      %dma_wait3A = arith.constant 0 : i32
      %dma_wait3A_115 = tpu.memref_slice %arg6[%run_scoped3A_66, %dma_wait3A] : memref<80x128xi32, #tpu.memory_space<vmem>> -> memref<1x128xi32, #tpu.memory_space<vmem>>
      %dma_wait3A_116 = tpu.memref_squeeze %dma_wait3A_115 : memref<1x128xi32, #tpu.memory_space<vmem>> -> memref<128xi32, #tpu.memory_space<vmem>>
      %dma_wait3A_117 = arith.constant 0 : i32
      %dma_wait3A_118 = tpu.memref_slice %arg8[%dma_wait3A_117] : memref<10240xf32, #tpu.memory_space<vmem_shared>> -> memref<10240xf32, #tpu.memory_space<vmem_shared>>
      tpu.wait_indirect_dma semaphore(%run_scoped3A_110 : memref<!tpu.dma_semaphore, #tpu.memory_space<semaphore_mem>>) src(%arg7 : memref<128xf32, #tpu.memory_space<vmem>>) dst(%dma_wait3A_118 : memref<10240xf32, #tpu.memory_space<vmem_shared>>)
      tpu.yield
    }) : () -> ()
    %run_scoped3A_67 = arith.constant 42 : i32
    "tpu.region"() ({
      %run_scoped3A_110 = tpu.sem_alloc : memref<!tpu.dma_semaphore, #tpu.memory_space<semaphore_mem>>
      %dma_start3A = arith.constant 0 : i32
      %dma_start3A_111 = tpu.memref_slice %arg6[%run_scoped3A_67, %dma_start3A] : memref<80x128xi32, #tpu.memory_space<vmem>> -> memref<1x128xi32, #tpu.memory_space<vmem>>
      %dma_start3A_112 = tpu.memref_squeeze %dma_start3A_111 : memref<1x128xi32, #tpu.memory_space<vmem>> -> memref<128xi32, #tpu.memory_space<vmem>>
      %dma_start3A_113 = arith.constant 0 : i32
      %dma_start3A_114 = tpu.memref_slice %arg8[%dma_start3A_113] : memref<10240xf32, #tpu.memory_space<vmem_shared>> -> memref<10240xf32, #tpu.memory_space<vmem_shared>>
      tpu.enqueue_indirect_dma source(%arg7 : memref<128xf32, #tpu.memory_space<vmem>>) target(%dma_start3A_114 : memref<10240xf32, #tpu.memory_space<vmem_shared>>) offsets(%dma_start3A_112 : memref<128xi32, #tpu.memory_space<vmem>>) semaphore(%run_scoped3A_110 : memref<!tpu.dma_semaphore, #tpu.memory_space<semaphore_mem>>) {add = true}
      %dma_wait3A = arith.constant 0 : i32
      %dma_wait3A_115 = tpu.memref_slice %arg6[%run_scoped3A_67, %dma_wait3A] : memref<80x128xi32, #tpu.memory_space<vmem>> -> memref<1x128xi32, #tpu.memory_space<vmem>>
      %dma_wait3A_116 = tpu.memref_squeeze %dma_wait3A_115 : memref<1x128xi32, #tpu.memory_space<vmem>> -> memref<128xi32, #tpu.memory_space<vmem>>
      %dma_wait3A_117 = arith.constant 0 : i32
      %dma_wait3A_118 = tpu.memref_slice %arg8[%dma_wait3A_117] : memref<10240xf32, #tpu.memory_space<vmem_shared>> -> memref<10240xf32, #tpu.memory_space<vmem_shared>>
      tpu.wait_indirect_dma semaphore(%run_scoped3A_110 : memref<!tpu.dma_semaphore, #tpu.memory_space<semaphore_mem>>) src(%arg7 : memref<128xf32, #tpu.memory_space<vmem>>) dst(%dma_wait3A_118 : memref<10240xf32, #tpu.memory_space<vmem_shared>>)
      tpu.yield
    }) : () -> ()
    %run_scoped3A_68 = arith.constant 43 : i32
    "tpu.region"() ({
      %run_scoped3A_110 = tpu.sem_alloc : memref<!tpu.dma_semaphore, #tpu.memory_space<semaphore_mem>>
      %dma_start3A = arith.constant 0 : i32
      %dma_start3A_111 = tpu.memref_slice %arg6[%run_scoped3A_68, %dma_start3A] : memref<80x128xi32, #tpu.memory_space<vmem>> -> memref<1x128xi32, #tpu.memory_space<vmem>>
      %dma_start3A_112 = tpu.memref_squeeze %dma_start3A_111 : memref<1x128xi32, #tpu.memory_space<vmem>> -> memref<128xi32, #tpu.memory_space<vmem>>
      %dma_start3A_113 = arith.constant 0 : i32
      %dma_start3A_114 = tpu.memref_slice %arg8[%dma_start3A_113] : memref<10240xf32, #tpu.memory_space<vmem_shared>> -> memref<10240xf32, #tpu.memory_space<vmem_shared>>
      tpu.enqueue_indirect_dma source(%arg7 : memref<128xf32, #tpu.memory_space<vmem>>) target(%dma_start3A_114 : memref<10240xf32, #tpu.memory_space<vmem_shared>>) offsets(%dma_start3A_112 : memref<128xi32, #tpu.memory_space<vmem>>) semaphore(%run_scoped3A_110 : memref<!tpu.dma_semaphore, #tpu.memory_space<semaphore_mem>>) {add = true}
      %dma_wait3A = arith.constant 0 : i32
      %dma_wait3A_115 = tpu.memref_slice %arg6[%run_scoped3A_68, %dma_wait3A] : memref<80x128xi32, #tpu.memory_space<vmem>> -> memref<1x128xi32, #tpu.memory_space<vmem>>
      %dma_wait3A_116 = tpu.memref_squeeze %dma_wait3A_115 : memref<1x128xi32, #tpu.memory_space<vmem>> -> memref<128xi32, #tpu.memory_space<vmem>>
      %dma_wait3A_117 = arith.constant 0 : i32
      %dma_wait3A_118 = tpu.memref_slice %arg8[%dma_wait3A_117] : memref<10240xf32, #tpu.memory_space<vmem_shared>> -> memref<10240xf32, #tpu.memory_space<vmem_shared>>
      tpu.wait_indirect_dma semaphore(%run_scoped3A_110 : memref<!tpu.dma_semaphore, #tpu.memory_space<semaphore_mem>>) src(%arg7 : memref<128xf32, #tpu.memory_space<vmem>>) dst(%dma_wait3A_118 : memref<10240xf32, #tpu.memory_space<vmem_shared>>)
      tpu.yield
    }) : () -> ()
    %run_scoped3A_69 = arith.constant 44 : i32
    "tpu.region"() ({
      %run_scoped3A_110 = tpu.sem_alloc : memref<!tpu.dma_semaphore, #tpu.memory_space<semaphore_mem>>
      %dma_start3A = arith.constant 0 : i32
      %dma_start3A_111 = tpu.memref_slice %arg6[%run_scoped3A_69, %dma_start3A] : memref<80x128xi32, #tpu.memory_space<vmem>> -> memref<1x128xi32, #tpu.memory_space<vmem>>
      %dma_start3A_112 = tpu.memref_squeeze %dma_start3A_111 : memref<1x128xi32, #tpu.memory_space<vmem>> -> memref<128xi32, #tpu.memory_space<vmem>>
      %dma_start3A_113 = arith.constant 0 : i32
      %dma_start3A_114 = tpu.memref_slice %arg8[%dma_start3A_113] : memref<10240xf32, #tpu.memory_space<vmem_shared>> -> memref<10240xf32, #tpu.memory_space<vmem_shared>>
      tpu.enqueue_indirect_dma source(%arg7 : memref<128xf32, #tpu.memory_space<vmem>>) target(%dma_start3A_114 : memref<10240xf32, #tpu.memory_space<vmem_shared>>) offsets(%dma_start3A_112 : memref<128xi32, #tpu.memory_space<vmem>>) semaphore(%run_scoped3A_110 : memref<!tpu.dma_semaphore, #tpu.memory_space<semaphore_mem>>) {add = true}
      %dma_wait3A = arith.constant 0 : i32
      %dma_wait3A_115 = tpu.memref_slice %arg6[%run_scoped3A_69, %dma_wait3A] : memref<80x128xi32, #tpu.memory_space<vmem>> -> memref<1x128xi32, #tpu.memory_space<vmem>>
      %dma_wait3A_116 = tpu.memref_squeeze %dma_wait3A_115 : memref<1x128xi32, #tpu.memory_space<vmem>> -> memref<128xi32, #tpu.memory_space<vmem>>
      %dma_wait3A_117 = arith.constant 0 : i32
      %dma_wait3A_118 = tpu.memref_slice %arg8[%dma_wait3A_117] : memref<10240xf32, #tpu.memory_space<vmem_shared>> -> memref<10240xf32, #tpu.memory_space<vmem_shared>>
      tpu.wait_indirect_dma semaphore(%run_scoped3A_110 : memref<!tpu.dma_semaphore, #tpu.memory_space<semaphore_mem>>) src(%arg7 : memref<128xf32, #tpu.memory_space<vmem>>) dst(%dma_wait3A_118 : memref<10240xf32, #tpu.memory_space<vmem_shared>>)
      tpu.yield
    }) : () -> ()
    %run_scoped3A_70 = arith.constant 45 : i32
    "tpu.region"() ({
      %run_scoped3A_110 = tpu.sem_alloc : memref<!tpu.dma_semaphore, #tpu.memory_space<semaphore_mem>>
      %dma_start3A = arith.constant 0 : i32
      %dma_start3A_111 = tpu.memref_slice %arg6[%run_scoped3A_70, %dma_start3A] : memref<80x128xi32, #tpu.memory_space<vmem>> -> memref<1x128xi32, #tpu.memory_space<vmem>>
      %dma_start3A_112 = tpu.memref_squeeze %dma_start3A_111 : memref<1x128xi32, #tpu.memory_space<vmem>> -> memref<128xi32, #tpu.memory_space<vmem>>
      %dma_start3A_113 = arith.constant 0 : i32
      %dma_start3A_114 = tpu.memref_slice %arg8[%dma_start3A_113] : memref<10240xf32, #tpu.memory_space<vmem_shared>> -> memref<10240xf32, #tpu.memory_space<vmem_shared>>
      tpu.enqueue_indirect_dma source(%arg7 : memref<128xf32, #tpu.memory_space<vmem>>) target(%dma_start3A_114 : memref<10240xf32, #tpu.memory_space<vmem_shared>>) offsets(%dma_start3A_112 : memref<128xi32, #tpu.memory_space<vmem>>) semaphore(%run_scoped3A_110 : memref<!tpu.dma_semaphore, #tpu.memory_space<semaphore_mem>>) {add = true}
      %dma_wait3A = arith.constant 0 : i32
      %dma_wait3A_115 = tpu.memref_slice %arg6[%run_scoped3A_70, %dma_wait3A] : memref<80x128xi32, #tpu.memory_space<vmem>> -> memref<1x128xi32, #tpu.memory_space<vmem>>
      %dma_wait3A_116 = tpu.memref_squeeze %dma_wait3A_115 : memref<1x128xi32, #tpu.memory_space<vmem>> -> memref<128xi32, #tpu.memory_space<vmem>>
      %dma_wait3A_117 = arith.constant 0 : i32
      %dma_wait3A_118 = tpu.memref_slice %arg8[%dma_wait3A_117] : memref<10240xf32, #tpu.memory_space<vmem_shared>> -> memref<10240xf32, #tpu.memory_space<vmem_shared>>
      tpu.wait_indirect_dma semaphore(%run_scoped3A_110 : memref<!tpu.dma_semaphore, #tpu.memory_space<semaphore_mem>>) src(%arg7 : memref<128xf32, #tpu.memory_space<vmem>>) dst(%dma_wait3A_118 : memref<10240xf32, #tpu.memory_space<vmem_shared>>)
      tpu.yield
    }) : () -> ()
    %run_scoped3A_71 = arith.constant 46 : i32
    "tpu.region"() ({
      %run_scoped3A_110 = tpu.sem_alloc : memref<!tpu.dma_semaphore, #tpu.memory_space<semaphore_mem>>
      %dma_start3A = arith.constant 0 : i32
      %dma_start3A_111 = tpu.memref_slice %arg6[%run_scoped3A_71, %dma_start3A] : memref<80x128xi32, #tpu.memory_space<vmem>> -> memref<1x128xi32, #tpu.memory_space<vmem>>
      %dma_start3A_112 = tpu.memref_squeeze %dma_start3A_111 : memref<1x128xi32, #tpu.memory_space<vmem>> -> memref<128xi32, #tpu.memory_space<vmem>>
      %dma_start3A_113 = arith.constant 0 : i32
      %dma_start3A_114 = tpu.memref_slice %arg8[%dma_start3A_113] : memref<10240xf32, #tpu.memory_space<vmem_shared>> -> memref<10240xf32, #tpu.memory_space<vmem_shared>>
      tpu.enqueue_indirect_dma source(%arg7 : memref<128xf32, #tpu.memory_space<vmem>>) target(%dma_start3A_114 : memref<10240xf32, #tpu.memory_space<vmem_shared>>) offsets(%dma_start3A_112 : memref<128xi32, #tpu.memory_space<vmem>>) semaphore(%run_scoped3A_110 : memref<!tpu.dma_semaphore, #tpu.memory_space<semaphore_mem>>) {add = true}
      %dma_wait3A = arith.constant 0 : i32
      %dma_wait3A_115 = tpu.memref_slice %arg6[%run_scoped3A_71, %dma_wait3A] : memref<80x128xi32, #tpu.memory_space<vmem>> -> memref<1x128xi32, #tpu.memory_space<vmem>>
      %dma_wait3A_116 = tpu.memref_squeeze %dma_wait3A_115 : memref<1x128xi32, #tpu.memory_space<vmem>> -> memref<128xi32, #tpu.memory_space<vmem>>
      %dma_wait3A_117 = arith.constant 0 : i32
      %dma_wait3A_118 = tpu.memref_slice %arg8[%dma_wait3A_117] : memref<10240xf32, #tpu.memory_space<vmem_shared>> -> memref<10240xf32, #tpu.memory_space<vmem_shared>>
      tpu.wait_indirect_dma semaphore(%run_scoped3A_110 : memref<!tpu.dma_semaphore, #tpu.memory_space<semaphore_mem>>) src(%arg7 : memref<128xf32, #tpu.memory_space<vmem>>) dst(%dma_wait3A_118 : memref<10240xf32, #tpu.memory_space<vmem_shared>>)
      tpu.yield
    }) : () -> ()
    %run_scoped3A_72 = arith.constant 47 : i32
    "tpu.region"() ({
      %run_scoped3A_110 = tpu.sem_alloc : memref<!tpu.dma_semaphore, #tpu.memory_space<semaphore_mem>>
      %dma_start3A = arith.constant 0 : i32
      %dma_start3A_111 = tpu.memref_slice %arg6[%run_scoped3A_72, %dma_start3A] : memref<80x128xi32, #tpu.memory_space<vmem>> -> memref<1x128xi32, #tpu.memory_space<vmem>>
      %dma_start3A_112 = tpu.memref_squeeze %dma_start3A_111 : memref<1x128xi32, #tpu.memory_space<vmem>> -> memref<128xi32, #tpu.memory_space<vmem>>
      %dma_start3A_113 = arith.constant 0 : i32
      %dma_start3A_114 = tpu.memref_slice %arg8[%dma_start3A_113] : memref<10240xf32, #tpu.memory_space<vmem_shared>> -> memref<10240xf32, #tpu.memory_space<vmem_shared>>
      tpu.enqueue_indirect_dma source(%arg7 : memref<128xf32, #tpu.memory_space<vmem>>) target(%dma_start3A_114 : memref<10240xf32, #tpu.memory_space<vmem_shared>>) offsets(%dma_start3A_112 : memref<128xi32, #tpu.memory_space<vmem>>) semaphore(%run_scoped3A_110 : memref<!tpu.dma_semaphore, #tpu.memory_space<semaphore_mem>>) {add = true}
      %dma_wait3A = arith.constant 0 : i32
      %dma_wait3A_115 = tpu.memref_slice %arg6[%run_scoped3A_72, %dma_wait3A] : memref<80x128xi32, #tpu.memory_space<vmem>> -> memref<1x128xi32, #tpu.memory_space<vmem>>
      %dma_wait3A_116 = tpu.memref_squeeze %dma_wait3A_115 : memref<1x128xi32, #tpu.memory_space<vmem>> -> memref<128xi32, #tpu.memory_space<vmem>>
      %dma_wait3A_117 = arith.constant 0 : i32
      %dma_wait3A_118 = tpu.memref_slice %arg8[%dma_wait3A_117] : memref<10240xf32, #tpu.memory_space<vmem_shared>> -> memref<10240xf32, #tpu.memory_space<vmem_shared>>
      tpu.wait_indirect_dma semaphore(%run_scoped3A_110 : memref<!tpu.dma_semaphore, #tpu.memory_space<semaphore_mem>>) src(%arg7 : memref<128xf32, #tpu.memory_space<vmem>>) dst(%dma_wait3A_118 : memref<10240xf32, #tpu.memory_space<vmem_shared>>)
      tpu.yield
    }) : () -> ()
    %run_scoped3A_73 = arith.constant 48 : i32
    "tpu.region"() ({
      %run_scoped3A_110 = tpu.sem_alloc : memref<!tpu.dma_semaphore, #tpu.memory_space<semaphore_mem>>
      %dma_start3A = arith.constant 0 : i32
      %dma_start3A_111 = tpu.memref_slice %arg6[%run_scoped3A_73, %dma_start3A] : memref<80x128xi32, #tpu.memory_space<vmem>> -> memref<1x128xi32, #tpu.memory_space<vmem>>
      %dma_start3A_112 = tpu.memref_squeeze %dma_start3A_111 : memref<1x128xi32, #tpu.memory_space<vmem>> -> memref<128xi32, #tpu.memory_space<vmem>>
      %dma_start3A_113 = arith.constant 0 : i32
      %dma_start3A_114 = tpu.memref_slice %arg8[%dma_start3A_113] : memref<10240xf32, #tpu.memory_space<vmem_shared>> -> memref<10240xf32, #tpu.memory_space<vmem_shared>>
      tpu.enqueue_indirect_dma source(%arg7 : memref<128xf32, #tpu.memory_space<vmem>>) target(%dma_start3A_114 : memref<10240xf32, #tpu.memory_space<vmem_shared>>) offsets(%dma_start3A_112 : memref<128xi32, #tpu.memory_space<vmem>>) semaphore(%run_scoped3A_110 : memref<!tpu.dma_semaphore, #tpu.memory_space<semaphore_mem>>) {add = true}
      %dma_wait3A = arith.constant 0 : i32
      %dma_wait3A_115 = tpu.memref_slice %arg6[%run_scoped3A_73, %dma_wait3A] : memref<80x128xi32, #tpu.memory_space<vmem>> -> memref<1x128xi32, #tpu.memory_space<vmem>>
      %dma_wait3A_116 = tpu.memref_squeeze %dma_wait3A_115 : memref<1x128xi32, #tpu.memory_space<vmem>> -> memref<128xi32, #tpu.memory_space<vmem>>
      %dma_wait3A_117 = arith.constant 0 : i32
      %dma_wait3A_118 = tpu.memref_slice %arg8[%dma_wait3A_117] : memref<10240xf32, #tpu.memory_space<vmem_shared>> -> memref<10240xf32, #tpu.memory_space<vmem_shared>>
      tpu.wait_indirect_dma semaphore(%run_scoped3A_110 : memref<!tpu.dma_semaphore, #tpu.memory_space<semaphore_mem>>) src(%arg7 : memref<128xf32, #tpu.memory_space<vmem>>) dst(%dma_wait3A_118 : memref<10240xf32, #tpu.memory_space<vmem_shared>>)
      tpu.yield
    }) : () -> ()
    %run_scoped3A_74 = arith.constant 49 : i32
    "tpu.region"() ({
      %run_scoped3A_110 = tpu.sem_alloc : memref<!tpu.dma_semaphore, #tpu.memory_space<semaphore_mem>>
      %dma_start3A = arith.constant 0 : i32
      %dma_start3A_111 = tpu.memref_slice %arg6[%run_scoped3A_74, %dma_start3A] : memref<80x128xi32, #tpu.memory_space<vmem>> -> memref<1x128xi32, #tpu.memory_space<vmem>>
      %dma_start3A_112 = tpu.memref_squeeze %dma_start3A_111 : memref<1x128xi32, #tpu.memory_space<vmem>> -> memref<128xi32, #tpu.memory_space<vmem>>
      %dma_start3A_113 = arith.constant 0 : i32
      %dma_start3A_114 = tpu.memref_slice %arg8[%dma_start3A_113] : memref<10240xf32, #tpu.memory_space<vmem_shared>> -> memref<10240xf32, #tpu.memory_space<vmem_shared>>
      tpu.enqueue_indirect_dma source(%arg7 : memref<128xf32, #tpu.memory_space<vmem>>) target(%dma_start3A_114 : memref<10240xf32, #tpu.memory_space<vmem_shared>>) offsets(%dma_start3A_112 : memref<128xi32, #tpu.memory_space<vmem>>) semaphore(%run_scoped3A_110 : memref<!tpu.dma_semaphore, #tpu.memory_space<semaphore_mem>>) {add = true}
      %dma_wait3A = arith.constant 0 : i32
      %dma_wait3A_115 = tpu.memref_slice %arg6[%run_scoped3A_74, %dma_wait3A] : memref<80x128xi32, #tpu.memory_space<vmem>> -> memref<1x128xi32, #tpu.memory_space<vmem>>
      %dma_wait3A_116 = tpu.memref_squeeze %dma_wait3A_115 : memref<1x128xi32, #tpu.memory_space<vmem>> -> memref<128xi32, #tpu.memory_space<vmem>>
      %dma_wait3A_117 = arith.constant 0 : i32
      %dma_wait3A_118 = tpu.memref_slice %arg8[%dma_wait3A_117] : memref<10240xf32, #tpu.memory_space<vmem_shared>> -> memref<10240xf32, #tpu.memory_space<vmem_shared>>
      tpu.wait_indirect_dma semaphore(%run_scoped3A_110 : memref<!tpu.dma_semaphore, #tpu.memory_space<semaphore_mem>>) src(%arg7 : memref<128xf32, #tpu.memory_space<vmem>>) dst(%dma_wait3A_118 : memref<10240xf32, #tpu.memory_space<vmem_shared>>)
      tpu.yield
    }) : () -> ()
    %run_scoped3A_75 = arith.constant 50 : i32
    "tpu.region"() ({
      %run_scoped3A_110 = tpu.sem_alloc : memref<!tpu.dma_semaphore, #tpu.memory_space<semaphore_mem>>
      %dma_start3A = arith.constant 0 : i32
      %dma_start3A_111 = tpu.memref_slice %arg6[%run_scoped3A_75, %dma_start3A] : memref<80x128xi32, #tpu.memory_space<vmem>> -> memref<1x128xi32, #tpu.memory_space<vmem>>
      %dma_start3A_112 = tpu.memref_squeeze %dma_start3A_111 : memref<1x128xi32, #tpu.memory_space<vmem>> -> memref<128xi32, #tpu.memory_space<vmem>>
      %dma_start3A_113 = arith.constant 0 : i32
      %dma_start3A_114 = tpu.memref_slice %arg8[%dma_start3A_113] : memref<10240xf32, #tpu.memory_space<vmem_shared>> -> memref<10240xf32, #tpu.memory_space<vmem_shared>>
      tpu.enqueue_indirect_dma source(%arg7 : memref<128xf32, #tpu.memory_space<vmem>>) target(%dma_start3A_114 : memref<10240xf32, #tpu.memory_space<vmem_shared>>) offsets(%dma_start3A_112 : memref<128xi32, #tpu.memory_space<vmem>>) semaphore(%run_scoped3A_110 : memref<!tpu.dma_semaphore, #tpu.memory_space<semaphore_mem>>) {add = true}
      %dma_wait3A = arith.constant 0 : i32
      %dma_wait3A_115 = tpu.memref_slice %arg6[%run_scoped3A_75, %dma_wait3A] : memref<80x128xi32, #tpu.memory_space<vmem>> -> memref<1x128xi32, #tpu.memory_space<vmem>>
      %dma_wait3A_116 = tpu.memref_squeeze %dma_wait3A_115 : memref<1x128xi32, #tpu.memory_space<vmem>> -> memref<128xi32, #tpu.memory_space<vmem>>
      %dma_wait3A_117 = arith.constant 0 : i32
      %dma_wait3A_118 = tpu.memref_slice %arg8[%dma_wait3A_117] : memref<10240xf32, #tpu.memory_space<vmem_shared>> -> memref<10240xf32, #tpu.memory_space<vmem_shared>>
      tpu.wait_indirect_dma semaphore(%run_scoped3A_110 : memref<!tpu.dma_semaphore, #tpu.memory_space<semaphore_mem>>) src(%arg7 : memref<128xf32, #tpu.memory_space<vmem>>) dst(%dma_wait3A_118 : memref<10240xf32, #tpu.memory_space<vmem_shared>>)
      tpu.yield
    }) : () -> ()
    %run_scoped3A_76 = arith.constant 51 : i32
    "tpu.region"() ({
      %run_scoped3A_110 = tpu.sem_alloc : memref<!tpu.dma_semaphore, #tpu.memory_space<semaphore_mem>>
      %dma_start3A = arith.constant 0 : i32
      %dma_start3A_111 = tpu.memref_slice %arg6[%run_scoped3A_76, %dma_start3A] : memref<80x128xi32, #tpu.memory_space<vmem>> -> memref<1x128xi32, #tpu.memory_space<vmem>>
      %dma_start3A_112 = tpu.memref_squeeze %dma_start3A_111 : memref<1x128xi32, #tpu.memory_space<vmem>> -> memref<128xi32, #tpu.memory_space<vmem>>
      %dma_start3A_113 = arith.constant 0 : i32
      %dma_start3A_114 = tpu.memref_slice %arg8[%dma_start3A_113] : memref<10240xf32, #tpu.memory_space<vmem_shared>> -> memref<10240xf32, #tpu.memory_space<vmem_shared>>
      tpu.enqueue_indirect_dma source(%arg7 : memref<128xf32, #tpu.memory_space<vmem>>) target(%dma_start3A_114 : memref<10240xf32, #tpu.memory_space<vmem_shared>>) offsets(%dma_start3A_112 : memref<128xi32, #tpu.memory_space<vmem>>) semaphore(%run_scoped3A_110 : memref<!tpu.dma_semaphore, #tpu.memory_space<semaphore_mem>>) {add = true}
      %dma_wait3A = arith.constant 0 : i32
      %dma_wait3A_115 = tpu.memref_slice %arg6[%run_scoped3A_76, %dma_wait3A] : memref<80x128xi32, #tpu.memory_space<vmem>> -> memref<1x128xi32, #tpu.memory_space<vmem>>
      %dma_wait3A_116 = tpu.memref_squeeze %dma_wait3A_115 : memref<1x128xi32, #tpu.memory_space<vmem>> -> memref<128xi32, #tpu.memory_space<vmem>>
      %dma_wait3A_117 = arith.constant 0 : i32
      %dma_wait3A_118 = tpu.memref_slice %arg8[%dma_wait3A_117] : memref<10240xf32, #tpu.memory_space<vmem_shared>> -> memref<10240xf32, #tpu.memory_space<vmem_shared>>
      tpu.wait_indirect_dma semaphore(%run_scoped3A_110 : memref<!tpu.dma_semaphore, #tpu.memory_space<semaphore_mem>>) src(%arg7 : memref<128xf32, #tpu.memory_space<vmem>>) dst(%dma_wait3A_118 : memref<10240xf32, #tpu.memory_space<vmem_shared>>)
      tpu.yield
    }) : () -> ()
    %run_scoped3A_77 = arith.constant 52 : i32
    "tpu.region"() ({
      %run_scoped3A_110 = tpu.sem_alloc : memref<!tpu.dma_semaphore, #tpu.memory_space<semaphore_mem>>
      %dma_start3A = arith.constant 0 : i32
      %dma_start3A_111 = tpu.memref_slice %arg6[%run_scoped3A_77, %dma_start3A] : memref<80x128xi32, #tpu.memory_space<vmem>> -> memref<1x128xi32, #tpu.memory_space<vmem>>
      %dma_start3A_112 = tpu.memref_squeeze %dma_start3A_111 : memref<1x128xi32, #tpu.memory_space<vmem>> -> memref<128xi32, #tpu.memory_space<vmem>>
      %dma_start3A_113 = arith.constant 0 : i32
      %dma_start3A_114 = tpu.memref_slice %arg8[%dma_start3A_113] : memref<10240xf32, #tpu.memory_space<vmem_shared>> -> memref<10240xf32, #tpu.memory_space<vmem_shared>>
      tpu.enqueue_indirect_dma source(%arg7 : memref<128xf32, #tpu.memory_space<vmem>>) target(%dma_start3A_114 : memref<10240xf32, #tpu.memory_space<vmem_shared>>) offsets(%dma_start3A_112 : memref<128xi32, #tpu.memory_space<vmem>>) semaphore(%run_scoped3A_110 : memref<!tpu.dma_semaphore, #tpu.memory_space<semaphore_mem>>) {add = true}
      %dma_wait3A = arith.constant 0 : i32
      %dma_wait3A_115 = tpu.memref_slice %arg6[%run_scoped3A_77, %dma_wait3A] : memref<80x128xi32, #tpu.memory_space<vmem>> -> memref<1x128xi32, #tpu.memory_space<vmem>>
      %dma_wait3A_116 = tpu.memref_squeeze %dma_wait3A_115 : memref<1x128xi32, #tpu.memory_space<vmem>> -> memref<128xi32, #tpu.memory_space<vmem>>
      %dma_wait3A_117 = arith.constant 0 : i32
      %dma_wait3A_118 = tpu.memref_slice %arg8[%dma_wait3A_117] : memref<10240xf32, #tpu.memory_space<vmem_shared>> -> memref<10240xf32, #tpu.memory_space<vmem_shared>>
      tpu.wait_indirect_dma semaphore(%run_scoped3A_110 : memref<!tpu.dma_semaphore, #tpu.memory_space<semaphore_mem>>) src(%arg7 : memref<128xf32, #tpu.memory_space<vmem>>) dst(%dma_wait3A_118 : memref<10240xf32, #tpu.memory_space<vmem_shared>>)
      tpu.yield
    }) : () -> ()
    %run_scoped3A_78 = arith.constant 53 : i32
    "tpu.region"() ({
      %run_scoped3A_110 = tpu.sem_alloc : memref<!tpu.dma_semaphore, #tpu.memory_space<semaphore_mem>>
      %dma_start3A = arith.constant 0 : i32
      %dma_start3A_111 = tpu.memref_slice %arg6[%run_scoped3A_78, %dma_start3A] : memref<80x128xi32, #tpu.memory_space<vmem>> -> memref<1x128xi32, #tpu.memory_space<vmem>>
      %dma_start3A_112 = tpu.memref_squeeze %dma_start3A_111 : memref<1x128xi32, #tpu.memory_space<vmem>> -> memref<128xi32, #tpu.memory_space<vmem>>
      %dma_start3A_113 = arith.constant 0 : i32
      %dma_start3A_114 = tpu.memref_slice %arg8[%dma_start3A_113] : memref<10240xf32, #tpu.memory_space<vmem_shared>> -> memref<10240xf32, #tpu.memory_space<vmem_shared>>
      tpu.enqueue_indirect_dma source(%arg7 : memref<128xf32, #tpu.memory_space<vmem>>) target(%dma_start3A_114 : memref<10240xf32, #tpu.memory_space<vmem_shared>>) offsets(%dma_start3A_112 : memref<128xi32, #tpu.memory_space<vmem>>) semaphore(%run_scoped3A_110 : memref<!tpu.dma_semaphore, #tpu.memory_space<semaphore_mem>>) {add = true}
      %dma_wait3A = arith.constant 0 : i32
      %dma_wait3A_115 = tpu.memref_slice %arg6[%run_scoped3A_78, %dma_wait3A] : memref<80x128xi32, #tpu.memory_space<vmem>> -> memref<1x128xi32, #tpu.memory_space<vmem>>
      %dma_wait3A_116 = tpu.memref_squeeze %dma_wait3A_115 : memref<1x128xi32, #tpu.memory_space<vmem>> -> memref<128xi32, #tpu.memory_space<vmem>>
      %dma_wait3A_117 = arith.constant 0 : i32
      %dma_wait3A_118 = tpu.memref_slice %arg8[%dma_wait3A_117] : memref<10240xf32, #tpu.memory_space<vmem_shared>> -> memref<10240xf32, #tpu.memory_space<vmem_shared>>
      tpu.wait_indirect_dma semaphore(%run_scoped3A_110 : memref<!tpu.dma_semaphore, #tpu.memory_space<semaphore_mem>>) src(%arg7 : memref<128xf32, #tpu.memory_space<vmem>>) dst(%dma_wait3A_118 : memref<10240xf32, #tpu.memory_space<vmem_shared>>)
      tpu.yield
    }) : () -> ()
    %run_scoped3A_79 = arith.constant 54 : i32
    "tpu.region"() ({
      %run_scoped3A_110 = tpu.sem_alloc : memref<!tpu.dma_semaphore, #tpu.memory_space<semaphore_mem>>
      %dma_start3A = arith.constant 0 : i32
      %dma_start3A_111 = tpu.memref_slice %arg6[%run_scoped3A_79, %dma_start3A] : memref<80x128xi32, #tpu.memory_space<vmem>> -> memref<1x128xi32, #tpu.memory_space<vmem>>
      %dma_start3A_112 = tpu.memref_squeeze %dma_start3A_111 : memref<1x128xi32, #tpu.memory_space<vmem>> -> memref<128xi32, #tpu.memory_space<vmem>>
      %dma_start3A_113 = arith.constant 0 : i32
      %dma_start3A_114 = tpu.memref_slice %arg8[%dma_start3A_113] : memref<10240xf32, #tpu.memory_space<vmem_shared>> -> memref<10240xf32, #tpu.memory_space<vmem_shared>>
      tpu.enqueue_indirect_dma source(%arg7 : memref<128xf32, #tpu.memory_space<vmem>>) target(%dma_start3A_114 : memref<10240xf32, #tpu.memory_space<vmem_shared>>) offsets(%dma_start3A_112 : memref<128xi32, #tpu.memory_space<vmem>>) semaphore(%run_scoped3A_110 : memref<!tpu.dma_semaphore, #tpu.memory_space<semaphore_mem>>) {add = true}
      %dma_wait3A = arith.constant 0 : i32
      %dma_wait3A_115 = tpu.memref_slice %arg6[%run_scoped3A_79, %dma_wait3A] : memref<80x128xi32, #tpu.memory_space<vmem>> -> memref<1x128xi32, #tpu.memory_space<vmem>>
      %dma_wait3A_116 = tpu.memref_squeeze %dma_wait3A_115 : memref<1x128xi32, #tpu.memory_space<vmem>> -> memref<128xi32, #tpu.memory_space<vmem>>
      %dma_wait3A_117 = arith.constant 0 : i32
      %dma_wait3A_118 = tpu.memref_slice %arg8[%dma_wait3A_117] : memref<10240xf32, #tpu.memory_space<vmem_shared>> -> memref<10240xf32, #tpu.memory_space<vmem_shared>>
      tpu.wait_indirect_dma semaphore(%run_scoped3A_110 : memref<!tpu.dma_semaphore, #tpu.memory_space<semaphore_mem>>) src(%arg7 : memref<128xf32, #tpu.memory_space<vmem>>) dst(%dma_wait3A_118 : memref<10240xf32, #tpu.memory_space<vmem_shared>>)
      tpu.yield
    }) : () -> ()
    %run_scoped3A_80 = arith.constant 55 : i32
    "tpu.region"() ({
      %run_scoped3A_110 = tpu.sem_alloc : memref<!tpu.dma_semaphore, #tpu.memory_space<semaphore_mem>>
      %dma_start3A = arith.constant 0 : i32
      %dma_start3A_111 = tpu.memref_slice %arg6[%run_scoped3A_80, %dma_start3A] : memref<80x128xi32, #tpu.memory_space<vmem>> -> memref<1x128xi32, #tpu.memory_space<vmem>>
      %dma_start3A_112 = tpu.memref_squeeze %dma_start3A_111 : memref<1x128xi32, #tpu.memory_space<vmem>> -> memref<128xi32, #tpu.memory_space<vmem>>
      %dma_start3A_113 = arith.constant 0 : i32
      %dma_start3A_114 = tpu.memref_slice %arg8[%dma_start3A_113] : memref<10240xf32, #tpu.memory_space<vmem_shared>> -> memref<10240xf32, #tpu.memory_space<vmem_shared>>
      tpu.enqueue_indirect_dma source(%arg7 : memref<128xf32, #tpu.memory_space<vmem>>) target(%dma_start3A_114 : memref<10240xf32, #tpu.memory_space<vmem_shared>>) offsets(%dma_start3A_112 : memref<128xi32, #tpu.memory_space<vmem>>) semaphore(%run_scoped3A_110 : memref<!tpu.dma_semaphore, #tpu.memory_space<semaphore_mem>>) {add = true}
      %dma_wait3A = arith.constant 0 : i32
      %dma_wait3A_115 = tpu.memref_slice %arg6[%run_scoped3A_80, %dma_wait3A] : memref<80x128xi32, #tpu.memory_space<vmem>> -> memref<1x128xi32, #tpu.memory_space<vmem>>
      %dma_wait3A_116 = tpu.memref_squeeze %dma_wait3A_115 : memref<1x128xi32, #tpu.memory_space<vmem>> -> memref<128xi32, #tpu.memory_space<vmem>>
      %dma_wait3A_117 = arith.constant 0 : i32
      %dma_wait3A_118 = tpu.memref_slice %arg8[%dma_wait3A_117] : memref<10240xf32, #tpu.memory_space<vmem_shared>> -> memref<10240xf32, #tpu.memory_space<vmem_shared>>
      tpu.wait_indirect_dma semaphore(%run_scoped3A_110 : memref<!tpu.dma_semaphore, #tpu.memory_space<semaphore_mem>>) src(%arg7 : memref<128xf32, #tpu.memory_space<vmem>>) dst(%dma_wait3A_118 : memref<10240xf32, #tpu.memory_space<vmem_shared>>)
      tpu.yield
    }) : () -> ()
    %run_scoped3A_81 = arith.constant 56 : i32
    "tpu.region"() ({
      %run_scoped3A_110 = tpu.sem_alloc : memref<!tpu.dma_semaphore, #tpu.memory_space<semaphore_mem>>
      %dma_start3A = arith.constant 0 : i32
      %dma_start3A_111 = tpu.memref_slice %arg6[%run_scoped3A_81, %dma_start3A] : memref<80x128xi32, #tpu.memory_space<vmem>> -> memref<1x128xi32, #tpu.memory_space<vmem>>
      %dma_start3A_112 = tpu.memref_squeeze %dma_start3A_111 : memref<1x128xi32, #tpu.memory_space<vmem>> -> memref<128xi32, #tpu.memory_space<vmem>>
      %dma_start3A_113 = arith.constant 0 : i32
      %dma_start3A_114 = tpu.memref_slice %arg8[%dma_start3A_113] : memref<10240xf32, #tpu.memory_space<vmem_shared>> -> memref<10240xf32, #tpu.memory_space<vmem_shared>>
      tpu.enqueue_indirect_dma source(%arg7 : memref<128xf32, #tpu.memory_space<vmem>>) target(%dma_start3A_114 : memref<10240xf32, #tpu.memory_space<vmem_shared>>) offsets(%dma_start3A_112 : memref<128xi32, #tpu.memory_space<vmem>>) semaphore(%run_scoped3A_110 : memref<!tpu.dma_semaphore, #tpu.memory_space<semaphore_mem>>) {add = true}
      %dma_wait3A = arith.constant 0 : i32
      %dma_wait3A_115 = tpu.memref_slice %arg6[%run_scoped3A_81, %dma_wait3A] : memref<80x128xi32, #tpu.memory_space<vmem>> -> memref<1x128xi32, #tpu.memory_space<vmem>>
      %dma_wait3A_116 = tpu.memref_squeeze %dma_wait3A_115 : memref<1x128xi32, #tpu.memory_space<vmem>> -> memref<128xi32, #tpu.memory_space<vmem>>
      %dma_wait3A_117 = arith.constant 0 : i32
      %dma_wait3A_118 = tpu.memref_slice %arg8[%dma_wait3A_117] : memref<10240xf32, #tpu.memory_space<vmem_shared>> -> memref<10240xf32, #tpu.memory_space<vmem_shared>>
      tpu.wait_indirect_dma semaphore(%run_scoped3A_110 : memref<!tpu.dma_semaphore, #tpu.memory_space<semaphore_mem>>) src(%arg7 : memref<128xf32, #tpu.memory_space<vmem>>) dst(%dma_wait3A_118 : memref<10240xf32, #tpu.memory_space<vmem_shared>>)
      tpu.yield
    }) : () -> ()
    %run_scoped3A_82 = arith.constant 57 : i32
    "tpu.region"() ({
      %run_scoped3A_110 = tpu.sem_alloc : memref<!tpu.dma_semaphore, #tpu.memory_space<semaphore_mem>>
      %dma_start3A = arith.constant 0 : i32
      %dma_start3A_111 = tpu.memref_slice %arg6[%run_scoped3A_82, %dma_start3A] : memref<80x128xi32, #tpu.memory_space<vmem>> -> memref<1x128xi32, #tpu.memory_space<vmem>>
      %dma_start3A_112 = tpu.memref_squeeze %dma_start3A_111 : memref<1x128xi32, #tpu.memory_space<vmem>> -> memref<128xi32, #tpu.memory_space<vmem>>
      %dma_start3A_113 = arith.constant 0 : i32
      %dma_start3A_114 = tpu.memref_slice %arg8[%dma_start3A_113] : memref<10240xf32, #tpu.memory_space<vmem_shared>> -> memref<10240xf32, #tpu.memory_space<vmem_shared>>
      tpu.enqueue_indirect_dma source(%arg7 : memref<128xf32, #tpu.memory_space<vmem>>) target(%dma_start3A_114 : memref<10240xf32, #tpu.memory_space<vmem_shared>>) offsets(%dma_start3A_112 : memref<128xi32, #tpu.memory_space<vmem>>) semaphore(%run_scoped3A_110 : memref<!tpu.dma_semaphore, #tpu.memory_space<semaphore_mem>>) {add = true}
      %dma_wait3A = arith.constant 0 : i32
      %dma_wait3A_115 = tpu.memref_slice %arg6[%run_scoped3A_82, %dma_wait3A] : memref<80x128xi32, #tpu.memory_space<vmem>> -> memref<1x128xi32, #tpu.memory_space<vmem>>
      %dma_wait3A_116 = tpu.memref_squeeze %dma_wait3A_115 : memref<1x128xi32, #tpu.memory_space<vmem>> -> memref<128xi32, #tpu.memory_space<vmem>>
      %dma_wait3A_117 = arith.constant 0 : i32
      %dma_wait3A_118 = tpu.memref_slice %arg8[%dma_wait3A_117] : memref<10240xf32, #tpu.memory_space<vmem_shared>> -> memref<10240xf32, #tpu.memory_space<vmem_shared>>
      tpu.wait_indirect_dma semaphore(%run_scoped3A_110 : memref<!tpu.dma_semaphore, #tpu.memory_space<semaphore_mem>>) src(%arg7 : memref<128xf32, #tpu.memory_space<vmem>>) dst(%dma_wait3A_118 : memref<10240xf32, #tpu.memory_space<vmem_shared>>)
      tpu.yield
    }) : () -> ()
    %run_scoped3A_83 = arith.constant 58 : i32
    "tpu.region"() ({
      %run_scoped3A_110 = tpu.sem_alloc : memref<!tpu.dma_semaphore, #tpu.memory_space<semaphore_mem>>
      %dma_start3A = arith.constant 0 : i32
      %dma_start3A_111 = tpu.memref_slice %arg6[%run_scoped3A_83, %dma_start3A] : memref<80x128xi32, #tpu.memory_space<vmem>> -> memref<1x128xi32, #tpu.memory_space<vmem>>
      %dma_start3A_112 = tpu.memref_squeeze %dma_start3A_111 : memref<1x128xi32, #tpu.memory_space<vmem>> -> memref<128xi32, #tpu.memory_space<vmem>>
      %dma_start3A_113 = arith.constant 0 : i32
      %dma_start3A_114 = tpu.memref_slice %arg8[%dma_start3A_113] : memref<10240xf32, #tpu.memory_space<vmem_shared>> -> memref<10240xf32, #tpu.memory_space<vmem_shared>>
      tpu.enqueue_indirect_dma source(%arg7 : memref<128xf32, #tpu.memory_space<vmem>>) target(%dma_start3A_114 : memref<10240xf32, #tpu.memory_space<vmem_shared>>) offsets(%dma_start3A_112 : memref<128xi32, #tpu.memory_space<vmem>>) semaphore(%run_scoped3A_110 : memref<!tpu.dma_semaphore, #tpu.memory_space<semaphore_mem>>) {add = true}
      %dma_wait3A = arith.constant 0 : i32
      %dma_wait3A_115 = tpu.memref_slice %arg6[%run_scoped3A_83, %dma_wait3A] : memref<80x128xi32, #tpu.memory_space<vmem>> -> memref<1x128xi32, #tpu.memory_space<vmem>>
      %dma_wait3A_116 = tpu.memref_squeeze %dma_wait3A_115 : memref<1x128xi32, #tpu.memory_space<vmem>> -> memref<128xi32, #tpu.memory_space<vmem>>
      %dma_wait3A_117 = arith.constant 0 : i32
      %dma_wait3A_118 = tpu.memref_slice %arg8[%dma_wait3A_117] : memref<10240xf32, #tpu.memory_space<vmem_shared>> -> memref<10240xf32, #tpu.memory_space<vmem_shared>>
      tpu.wait_indirect_dma semaphore(%run_scoped3A_110 : memref<!tpu.dma_semaphore, #tpu.memory_space<semaphore_mem>>) src(%arg7 : memref<128xf32, #tpu.memory_space<vmem>>) dst(%dma_wait3A_118 : memref<10240xf32, #tpu.memory_space<vmem_shared>>)
      tpu.yield
    }) : () -> ()
    %run_scoped3A_84 = arith.constant 59 : i32
    "tpu.region"() ({
      %run_scoped3A_110 = tpu.sem_alloc : memref<!tpu.dma_semaphore, #tpu.memory_space<semaphore_mem>>
      %dma_start3A = arith.constant 0 : i32
      %dma_start3A_111 = tpu.memref_slice %arg6[%run_scoped3A_84, %dma_start3A] : memref<80x128xi32, #tpu.memory_space<vmem>> -> memref<1x128xi32, #tpu.memory_space<vmem>>
      %dma_start3A_112 = tpu.memref_squeeze %dma_start3A_111 : memref<1x128xi32, #tpu.memory_space<vmem>> -> memref<128xi32, #tpu.memory_space<vmem>>
      %dma_start3A_113 = arith.constant 0 : i32
      %dma_start3A_114 = tpu.memref_slice %arg8[%dma_start3A_113] : memref<10240xf32, #tpu.memory_space<vmem_shared>> -> memref<10240xf32, #tpu.memory_space<vmem_shared>>
      tpu.enqueue_indirect_dma source(%arg7 : memref<128xf32, #tpu.memory_space<vmem>>) target(%dma_start3A_114 : memref<10240xf32, #tpu.memory_space<vmem_shared>>) offsets(%dma_start3A_112 : memref<128xi32, #tpu.memory_space<vmem>>) semaphore(%run_scoped3A_110 : memref<!tpu.dma_semaphore, #tpu.memory_space<semaphore_mem>>) {add = true}
      %dma_wait3A = arith.constant 0 : i32
      %dma_wait3A_115 = tpu.memref_slice %arg6[%run_scoped3A_84, %dma_wait3A] : memref<80x128xi32, #tpu.memory_space<vmem>> -> memref<1x128xi32, #tpu.memory_space<vmem>>
      %dma_wait3A_116 = tpu.memref_squeeze %dma_wait3A_115 : memref<1x128xi32, #tpu.memory_space<vmem>> -> memref<128xi32, #tpu.memory_space<vmem>>
      %dma_wait3A_117 = arith.constant 0 : i32
      %dma_wait3A_118 = tpu.memref_slice %arg8[%dma_wait3A_117] : memref<10240xf32, #tpu.memory_space<vmem_shared>> -> memref<10240xf32, #tpu.memory_space<vmem_shared>>
      tpu.wait_indirect_dma semaphore(%run_scoped3A_110 : memref<!tpu.dma_semaphore, #tpu.memory_space<semaphore_mem>>) src(%arg7 : memref<128xf32, #tpu.memory_space<vmem>>) dst(%dma_wait3A_118 : memref<10240xf32, #tpu.memory_space<vmem_shared>>)
      tpu.yield
    }) : () -> ()
    %run_scoped3A_85 = arith.constant 60 : i32
    "tpu.region"() ({
      %run_scoped3A_110 = tpu.sem_alloc : memref<!tpu.dma_semaphore, #tpu.memory_space<semaphore_mem>>
      %dma_start3A = arith.constant 0 : i32
      %dma_start3A_111 = tpu.memref_slice %arg6[%run_scoped3A_85, %dma_start3A] : memref<80x128xi32, #tpu.memory_space<vmem>> -> memref<1x128xi32, #tpu.memory_space<vmem>>
      %dma_start3A_112 = tpu.memref_squeeze %dma_start3A_111 : memref<1x128xi32, #tpu.memory_space<vmem>> -> memref<128xi32, #tpu.memory_space<vmem>>
      %dma_start3A_113 = arith.constant 0 : i32
      %dma_start3A_114 = tpu.memref_slice %arg8[%dma_start3A_113] : memref<10240xf32, #tpu.memory_space<vmem_shared>> -> memref<10240xf32, #tpu.memory_space<vmem_shared>>
      tpu.enqueue_indirect_dma source(%arg7 : memref<128xf32, #tpu.memory_space<vmem>>) target(%dma_start3A_114 : memref<10240xf32, #tpu.memory_space<vmem_shared>>) offsets(%dma_start3A_112 : memref<128xi32, #tpu.memory_space<vmem>>) semaphore(%run_scoped3A_110 : memref<!tpu.dma_semaphore, #tpu.memory_space<semaphore_mem>>) {add = true}
      %dma_wait3A = arith.constant 0 : i32
      %dma_wait3A_115 = tpu.memref_slice %arg6[%run_scoped3A_85, %dma_wait3A] : memref<80x128xi32, #tpu.memory_space<vmem>> -> memref<1x128xi32, #tpu.memory_space<vmem>>
      %dma_wait3A_116 = tpu.memref_squeeze %dma_wait3A_115 : memref<1x128xi32, #tpu.memory_space<vmem>> -> memref<128xi32, #tpu.memory_space<vmem>>
      %dma_wait3A_117 = arith.constant 0 : i32
      %dma_wait3A_118 = tpu.memref_slice %arg8[%dma_wait3A_117] : memref<10240xf32, #tpu.memory_space<vmem_shared>> -> memref<10240xf32, #tpu.memory_space<vmem_shared>>
      tpu.wait_indirect_dma semaphore(%run_scoped3A_110 : memref<!tpu.dma_semaphore, #tpu.memory_space<semaphore_mem>>) src(%arg7 : memref<128xf32, #tpu.memory_space<vmem>>) dst(%dma_wait3A_118 : memref<10240xf32, #tpu.memory_space<vmem_shared>>)
      tpu.yield
    }) : () -> ()
    %run_scoped3A_86 = arith.constant 61 : i32
    "tpu.region"() ({
      %run_scoped3A_110 = tpu.sem_alloc : memref<!tpu.dma_semaphore, #tpu.memory_space<semaphore_mem>>
      %dma_start3A = arith.constant 0 : i32
      %dma_start3A_111 = tpu.memref_slice %arg6[%run_scoped3A_86, %dma_start3A] : memref<80x128xi32, #tpu.memory_space<vmem>> -> memref<1x128xi32, #tpu.memory_space<vmem>>
      %dma_start3A_112 = tpu.memref_squeeze %dma_start3A_111 : memref<1x128xi32, #tpu.memory_space<vmem>> -> memref<128xi32, #tpu.memory_space<vmem>>
      %dma_start3A_113 = arith.constant 0 : i32
      %dma_start3A_114 = tpu.memref_slice %arg8[%dma_start3A_113] : memref<10240xf32, #tpu.memory_space<vmem_shared>> -> memref<10240xf32, #tpu.memory_space<vmem_shared>>
      tpu.enqueue_indirect_dma source(%arg7 : memref<128xf32, #tpu.memory_space<vmem>>) target(%dma_start3A_114 : memref<10240xf32, #tpu.memory_space<vmem_shared>>) offsets(%dma_start3A_112 : memref<128xi32, #tpu.memory_space<vmem>>) semaphore(%run_scoped3A_110 : memref<!tpu.dma_semaphore, #tpu.memory_space<semaphore_mem>>) {add = true}
      %dma_wait3A = arith.constant 0 : i32
      %dma_wait3A_115 = tpu.memref_slice %arg6[%run_scoped3A_86, %dma_wait3A] : memref<80x128xi32, #tpu.memory_space<vmem>> -> memref<1x128xi32, #tpu.memory_space<vmem>>
      %dma_wait3A_116 = tpu.memref_squeeze %dma_wait3A_115 : memref<1x128xi32, #tpu.memory_space<vmem>> -> memref<128xi32, #tpu.memory_space<vmem>>
      %dma_wait3A_117 = arith.constant 0 : i32
      %dma_wait3A_118 = tpu.memref_slice %arg8[%dma_wait3A_117] : memref<10240xf32, #tpu.memory_space<vmem_shared>> -> memref<10240xf32, #tpu.memory_space<vmem_shared>>
      tpu.wait_indirect_dma semaphore(%run_scoped3A_110 : memref<!tpu.dma_semaphore, #tpu.memory_space<semaphore_mem>>) src(%arg7 : memref<128xf32, #tpu.memory_space<vmem>>) dst(%dma_wait3A_118 : memref<10240xf32, #tpu.memory_space<vmem_shared>>)
      tpu.yield
    }) : () -> ()
    %run_scoped3A_87 = arith.constant 62 : i32
    "tpu.region"() ({
      %run_scoped3A_110 = tpu.sem_alloc : memref<!tpu.dma_semaphore, #tpu.memory_space<semaphore_mem>>
      %dma_start3A = arith.constant 0 : i32
      %dma_start3A_111 = tpu.memref_slice %arg6[%run_scoped3A_87, %dma_start3A] : memref<80x128xi32, #tpu.memory_space<vmem>> -> memref<1x128xi32, #tpu.memory_space<vmem>>
      %dma_start3A_112 = tpu.memref_squeeze %dma_start3A_111 : memref<1x128xi32, #tpu.memory_space<vmem>> -> memref<128xi32, #tpu.memory_space<vmem>>
      %dma_start3A_113 = arith.constant 0 : i32
      %dma_start3A_114 = tpu.memref_slice %arg8[%dma_start3A_113] : memref<10240xf32, #tpu.memory_space<vmem_shared>> -> memref<10240xf32, #tpu.memory_space<vmem_shared>>
      tpu.enqueue_indirect_dma source(%arg7 : memref<128xf32, #tpu.memory_space<vmem>>) target(%dma_start3A_114 : memref<10240xf32, #tpu.memory_space<vmem_shared>>) offsets(%dma_start3A_112 : memref<128xi32, #tpu.memory_space<vmem>>) semaphore(%run_scoped3A_110 : memref<!tpu.dma_semaphore, #tpu.memory_space<semaphore_mem>>) {add = true}
      %dma_wait3A = arith.constant 0 : i32
      %dma_wait3A_115 = tpu.memref_slice %arg6[%run_scoped3A_87, %dma_wait3A] : memref<80x128xi32, #tpu.memory_space<vmem>> -> memref<1x128xi32, #tpu.memory_space<vmem>>
      %dma_wait3A_116 = tpu.memref_squeeze %dma_wait3A_115 : memref<1x128xi32, #tpu.memory_space<vmem>> -> memref<128xi32, #tpu.memory_space<vmem>>
      %dma_wait3A_117 = arith.constant 0 : i32
      %dma_wait3A_118 = tpu.memref_slice %arg8[%dma_wait3A_117] : memref<10240xf32, #tpu.memory_space<vmem_shared>> -> memref<10240xf32, #tpu.memory_space<vmem_shared>>
      tpu.wait_indirect_dma semaphore(%run_scoped3A_110 : memref<!tpu.dma_semaphore, #tpu.memory_space<semaphore_mem>>) src(%arg7 : memref<128xf32, #tpu.memory_space<vmem>>) dst(%dma_wait3A_118 : memref<10240xf32, #tpu.memory_space<vmem_shared>>)
      tpu.yield
    }) : () -> ()
    %run_scoped3A_88 = arith.constant 63 : i32
    "tpu.region"() ({
      %run_scoped3A_110 = tpu.sem_alloc : memref<!tpu.dma_semaphore, #tpu.memory_space<semaphore_mem>>
      %dma_start3A = arith.constant 0 : i32
      %dma_start3A_111 = tpu.memref_slice %arg6[%run_scoped3A_88, %dma_start3A] : memref<80x128xi32, #tpu.memory_space<vmem>> -> memref<1x128xi32, #tpu.memory_space<vmem>>
      %dma_start3A_112 = tpu.memref_squeeze %dma_start3A_111 : memref<1x128xi32, #tpu.memory_space<vmem>> -> memref<128xi32, #tpu.memory_space<vmem>>
      %dma_start3A_113 = arith.constant 0 : i32
      %dma_start3A_114 = tpu.memref_slice %arg8[%dma_start3A_113] : memref<10240xf32, #tpu.memory_space<vmem_shared>> -> memref<10240xf32, #tpu.memory_space<vmem_shared>>
      tpu.enqueue_indirect_dma source(%arg7 : memref<128xf32, #tpu.memory_space<vmem>>) target(%dma_start3A_114 : memref<10240xf32, #tpu.memory_space<vmem_shared>>) offsets(%dma_start3A_112 : memref<128xi32, #tpu.memory_space<vmem>>) semaphore(%run_scoped3A_110 : memref<!tpu.dma_semaphore, #tpu.memory_space<semaphore_mem>>) {add = true}
      %dma_wait3A = arith.constant 0 : i32
      %dma_wait3A_115 = tpu.memref_slice %arg6[%run_scoped3A_88, %dma_wait3A] : memref<80x128xi32, #tpu.memory_space<vmem>> -> memref<1x128xi32, #tpu.memory_space<vmem>>
      %dma_wait3A_116 = tpu.memref_squeeze %dma_wait3A_115 : memref<1x128xi32, #tpu.memory_space<vmem>> -> memref<128xi32, #tpu.memory_space<vmem>>
      %dma_wait3A_117 = arith.constant 0 : i32
      %dma_wait3A_118 = tpu.memref_slice %arg8[%dma_wait3A_117] : memref<10240xf32, #tpu.memory_space<vmem_shared>> -> memref<10240xf32, #tpu.memory_space<vmem_shared>>
      tpu.wait_indirect_dma semaphore(%run_scoped3A_110 : memref<!tpu.dma_semaphore, #tpu.memory_space<semaphore_mem>>) src(%arg7 : memref<128xf32, #tpu.memory_space<vmem>>) dst(%dma_wait3A_118 : memref<10240xf32, #tpu.memory_space<vmem_shared>>)
      tpu.yield
    }) : () -> ()
    %run_scoped3A_89 = arith.constant 64 : i32
    "tpu.region"() ({
      %run_scoped3A_110 = tpu.sem_alloc : memref<!tpu.dma_semaphore, #tpu.memory_space<semaphore_mem>>
      %dma_start3A = arith.constant 0 : i32
      %dma_start3A_111 = tpu.memref_slice %arg6[%run_scoped3A_89, %dma_start3A] : memref<80x128xi32, #tpu.memory_space<vmem>> -> memref<1x128xi32, #tpu.memory_space<vmem>>
      %dma_start3A_112 = tpu.memref_squeeze %dma_start3A_111 : memref<1x128xi32, #tpu.memory_space<vmem>> -> memref<128xi32, #tpu.memory_space<vmem>>
      %dma_start3A_113 = arith.constant 0 : i32
      %dma_start3A_114 = tpu.memref_slice %arg8[%dma_start3A_113] : memref<10240xf32, #tpu.memory_space<vmem_shared>> -> memref<10240xf32, #tpu.memory_space<vmem_shared>>
      tpu.enqueue_indirect_dma source(%arg7 : memref<128xf32, #tpu.memory_space<vmem>>) target(%dma_start3A_114 : memref<10240xf32, #tpu.memory_space<vmem_shared>>) offsets(%dma_start3A_112 : memref<128xi32, #tpu.memory_space<vmem>>) semaphore(%run_scoped3A_110 : memref<!tpu.dma_semaphore, #tpu.memory_space<semaphore_mem>>) {add = true}
      %dma_wait3A = arith.constant 0 : i32
      %dma_wait3A_115 = tpu.memref_slice %arg6[%run_scoped3A_89, %dma_wait3A] : memref<80x128xi32, #tpu.memory_space<vmem>> -> memref<1x128xi32, #tpu.memory_space<vmem>>
      %dma_wait3A_116 = tpu.memref_squeeze %dma_wait3A_115 : memref<1x128xi32, #tpu.memory_space<vmem>> -> memref<128xi32, #tpu.memory_space<vmem>>
      %dma_wait3A_117 = arith.constant 0 : i32
      %dma_wait3A_118 = tpu.memref_slice %arg8[%dma_wait3A_117] : memref<10240xf32, #tpu.memory_space<vmem_shared>> -> memref<10240xf32, #tpu.memory_space<vmem_shared>>
      tpu.wait_indirect_dma semaphore(%run_scoped3A_110 : memref<!tpu.dma_semaphore, #tpu.memory_space<semaphore_mem>>) src(%arg7 : memref<128xf32, #tpu.memory_space<vmem>>) dst(%dma_wait3A_118 : memref<10240xf32, #tpu.memory_space<vmem_shared>>)
      tpu.yield
    }) : () -> ()
    %run_scoped3A_90 = arith.constant 65 : i32
    "tpu.region"() ({
      %run_scoped3A_110 = tpu.sem_alloc : memref<!tpu.dma_semaphore, #tpu.memory_space<semaphore_mem>>
      %dma_start3A = arith.constant 0 : i32
      %dma_start3A_111 = tpu.memref_slice %arg6[%run_scoped3A_90, %dma_start3A] : memref<80x128xi32, #tpu.memory_space<vmem>> -> memref<1x128xi32, #tpu.memory_space<vmem>>
      %dma_start3A_112 = tpu.memref_squeeze %dma_start3A_111 : memref<1x128xi32, #tpu.memory_space<vmem>> -> memref<128xi32, #tpu.memory_space<vmem>>
      %dma_start3A_113 = arith.constant 0 : i32
      %dma_start3A_114 = tpu.memref_slice %arg8[%dma_start3A_113] : memref<10240xf32, #tpu.memory_space<vmem_shared>> -> memref<10240xf32, #tpu.memory_space<vmem_shared>>
      tpu.enqueue_indirect_dma source(%arg7 : memref<128xf32, #tpu.memory_space<vmem>>) target(%dma_start3A_114 : memref<10240xf32, #tpu.memory_space<vmem_shared>>) offsets(%dma_start3A_112 : memref<128xi32, #tpu.memory_space<vmem>>) semaphore(%run_scoped3A_110 : memref<!tpu.dma_semaphore, #tpu.memory_space<semaphore_mem>>) {add = true}
      %dma_wait3A = arith.constant 0 : i32
      %dma_wait3A_115 = tpu.memref_slice %arg6[%run_scoped3A_90, %dma_wait3A] : memref<80x128xi32, #tpu.memory_space<vmem>> -> memref<1x128xi32, #tpu.memory_space<vmem>>
      %dma_wait3A_116 = tpu.memref_squeeze %dma_wait3A_115 : memref<1x128xi32, #tpu.memory_space<vmem>> -> memref<128xi32, #tpu.memory_space<vmem>>
      %dma_wait3A_117 = arith.constant 0 : i32
      %dma_wait3A_118 = tpu.memref_slice %arg8[%dma_wait3A_117] : memref<10240xf32, #tpu.memory_space<vmem_shared>> -> memref<10240xf32, #tpu.memory_space<vmem_shared>>
      tpu.wait_indirect_dma semaphore(%run_scoped3A_110 : memref<!tpu.dma_semaphore, #tpu.memory_space<semaphore_mem>>) src(%arg7 : memref<128xf32, #tpu.memory_space<vmem>>) dst(%dma_wait3A_118 : memref<10240xf32, #tpu.memory_space<vmem_shared>>)
      tpu.yield
    }) : () -> ()
    %run_scoped3A_91 = arith.constant 66 : i32
    "tpu.region"() ({
      %run_scoped3A_110 = tpu.sem_alloc : memref<!tpu.dma_semaphore, #tpu.memory_space<semaphore_mem>>
      %dma_start3A = arith.constant 0 : i32
      %dma_start3A_111 = tpu.memref_slice %arg6[%run_scoped3A_91, %dma_start3A] : memref<80x128xi32, #tpu.memory_space<vmem>> -> memref<1x128xi32, #tpu.memory_space<vmem>>
      %dma_start3A_112 = tpu.memref_squeeze %dma_start3A_111 : memref<1x128xi32, #tpu.memory_space<vmem>> -> memref<128xi32, #tpu.memory_space<vmem>>
      %dma_start3A_113 = arith.constant 0 : i32
      %dma_start3A_114 = tpu.memref_slice %arg8[%dma_start3A_113] : memref<10240xf32, #tpu.memory_space<vmem_shared>> -> memref<10240xf32, #tpu.memory_space<vmem_shared>>
      tpu.enqueue_indirect_dma source(%arg7 : memref<128xf32, #tpu.memory_space<vmem>>) target(%dma_start3A_114 : memref<10240xf32, #tpu.memory_space<vmem_shared>>) offsets(%dma_start3A_112 : memref<128xi32, #tpu.memory_space<vmem>>) semaphore(%run_scoped3A_110 : memref<!tpu.dma_semaphore, #tpu.memory_space<semaphore_mem>>) {add = true}
      %dma_wait3A = arith.constant 0 : i32
      %dma_wait3A_115 = tpu.memref_slice %arg6[%run_scoped3A_91, %dma_wait3A] : memref<80x128xi32, #tpu.memory_space<vmem>> -> memref<1x128xi32, #tpu.memory_space<vmem>>
      %dma_wait3A_116 = tpu.memref_squeeze %dma_wait3A_115 : memref<1x128xi32, #tpu.memory_space<vmem>> -> memref<128xi32, #tpu.memory_space<vmem>>
      %dma_wait3A_117 = arith.constant 0 : i32
      %dma_wait3A_118 = tpu.memref_slice %arg8[%dma_wait3A_117] : memref<10240xf32, #tpu.memory_space<vmem_shared>> -> memref<10240xf32, #tpu.memory_space<vmem_shared>>
      tpu.wait_indirect_dma semaphore(%run_scoped3A_110 : memref<!tpu.dma_semaphore, #tpu.memory_space<semaphore_mem>>) src(%arg7 : memref<128xf32, #tpu.memory_space<vmem>>) dst(%dma_wait3A_118 : memref<10240xf32, #tpu.memory_space<vmem_shared>>)
      tpu.yield
    }) : () -> ()
    %run_scoped3A_92 = arith.constant 67 : i32
    "tpu.region"() ({
      %run_scoped3A_110 = tpu.sem_alloc : memref<!tpu.dma_semaphore, #tpu.memory_space<semaphore_mem>>
      %dma_start3A = arith.constant 0 : i32
      %dma_start3A_111 = tpu.memref_slice %arg6[%run_scoped3A_92, %dma_start3A] : memref<80x128xi32, #tpu.memory_space<vmem>> -> memref<1x128xi32, #tpu.memory_space<vmem>>
      %dma_start3A_112 = tpu.memref_squeeze %dma_start3A_111 : memref<1x128xi32, #tpu.memory_space<vmem>> -> memref<128xi32, #tpu.memory_space<vmem>>
      %dma_start3A_113 = arith.constant 0 : i32
      %dma_start3A_114 = tpu.memref_slice %arg8[%dma_start3A_113] : memref<10240xf32, #tpu.memory_space<vmem_shared>> -> memref<10240xf32, #tpu.memory_space<vmem_shared>>
      tpu.enqueue_indirect_dma source(%arg7 : memref<128xf32, #tpu.memory_space<vmem>>) target(%dma_start3A_114 : memref<10240xf32, #tpu.memory_space<vmem_shared>>) offsets(%dma_start3A_112 : memref<128xi32, #tpu.memory_space<vmem>>) semaphore(%run_scoped3A_110 : memref<!tpu.dma_semaphore, #tpu.memory_space<semaphore_mem>>) {add = true}
      %dma_wait3A = arith.constant 0 : i32
      %dma_wait3A_115 = tpu.memref_slice %arg6[%run_scoped3A_92, %dma_wait3A] : memref<80x128xi32, #tpu.memory_space<vmem>> -> memref<1x128xi32, #tpu.memory_space<vmem>>
      %dma_wait3A_116 = tpu.memref_squeeze %dma_wait3A_115 : memref<1x128xi32, #tpu.memory_space<vmem>> -> memref<128xi32, #tpu.memory_space<vmem>>
      %dma_wait3A_117 = arith.constant 0 : i32
      %dma_wait3A_118 = tpu.memref_slice %arg8[%dma_wait3A_117] : memref<10240xf32, #tpu.memory_space<vmem_shared>> -> memref<10240xf32, #tpu.memory_space<vmem_shared>>
      tpu.wait_indirect_dma semaphore(%run_scoped3A_110 : memref<!tpu.dma_semaphore, #tpu.memory_space<semaphore_mem>>) src(%arg7 : memref<128xf32, #tpu.memory_space<vmem>>) dst(%dma_wait3A_118 : memref<10240xf32, #tpu.memory_space<vmem_shared>>)
      tpu.yield
    }) : () -> ()
    %run_scoped3A_93 = arith.constant 68 : i32
    "tpu.region"() ({
      %run_scoped3A_110 = tpu.sem_alloc : memref<!tpu.dma_semaphore, #tpu.memory_space<semaphore_mem>>
      %dma_start3A = arith.constant 0 : i32
      %dma_start3A_111 = tpu.memref_slice %arg6[%run_scoped3A_93, %dma_start3A] : memref<80x128xi32, #tpu.memory_space<vmem>> -> memref<1x128xi32, #tpu.memory_space<vmem>>
      %dma_start3A_112 = tpu.memref_squeeze %dma_start3A_111 : memref<1x128xi32, #tpu.memory_space<vmem>> -> memref<128xi32, #tpu.memory_space<vmem>>
      %dma_start3A_113 = arith.constant 0 : i32
      %dma_start3A_114 = tpu.memref_slice %arg8[%dma_start3A_113] : memref<10240xf32, #tpu.memory_space<vmem_shared>> -> memref<10240xf32, #tpu.memory_space<vmem_shared>>
      tpu.enqueue_indirect_dma source(%arg7 : memref<128xf32, #tpu.memory_space<vmem>>) target(%dma_start3A_114 : memref<10240xf32, #tpu.memory_space<vmem_shared>>) offsets(%dma_start3A_112 : memref<128xi32, #tpu.memory_space<vmem>>) semaphore(%run_scoped3A_110 : memref<!tpu.dma_semaphore, #tpu.memory_space<semaphore_mem>>) {add = true}
      %dma_wait3A = arith.constant 0 : i32
      %dma_wait3A_115 = tpu.memref_slice %arg6[%run_scoped3A_93, %dma_wait3A] : memref<80x128xi32, #tpu.memory_space<vmem>> -> memref<1x128xi32, #tpu.memory_space<vmem>>
      %dma_wait3A_116 = tpu.memref_squeeze %dma_wait3A_115 : memref<1x128xi32, #tpu.memory_space<vmem>> -> memref<128xi32, #tpu.memory_space<vmem>>
      %dma_wait3A_117 = arith.constant 0 : i32
      %dma_wait3A_118 = tpu.memref_slice %arg8[%dma_wait3A_117] : memref<10240xf32, #tpu.memory_space<vmem_shared>> -> memref<10240xf32, #tpu.memory_space<vmem_shared>>
      tpu.wait_indirect_dma semaphore(%run_scoped3A_110 : memref<!tpu.dma_semaphore, #tpu.memory_space<semaphore_mem>>) src(%arg7 : memref<128xf32, #tpu.memory_space<vmem>>) dst(%dma_wait3A_118 : memref<10240xf32, #tpu.memory_space<vmem_shared>>)
      tpu.yield
    }) : () -> ()
    %run_scoped3A_94 = arith.constant 69 : i32
    "tpu.region"() ({
      %run_scoped3A_110 = tpu.sem_alloc : memref<!tpu.dma_semaphore, #tpu.memory_space<semaphore_mem>>
      %dma_start3A = arith.constant 0 : i32
      %dma_start3A_111 = tpu.memref_slice %arg6[%run_scoped3A_94, %dma_start3A] : memref<80x128xi32, #tpu.memory_space<vmem>> -> memref<1x128xi32, #tpu.memory_space<vmem>>
      %dma_start3A_112 = tpu.memref_squeeze %dma_start3A_111 : memref<1x128xi32, #tpu.memory_space<vmem>> -> memref<128xi32, #tpu.memory_space<vmem>>
      %dma_start3A_113 = arith.constant 0 : i32
      %dma_start3A_114 = tpu.memref_slice %arg8[%dma_start3A_113] : memref<10240xf32, #tpu.memory_space<vmem_shared>> -> memref<10240xf32, #tpu.memory_space<vmem_shared>>
      tpu.enqueue_indirect_dma source(%arg7 : memref<128xf32, #tpu.memory_space<vmem>>) target(%dma_start3A_114 : memref<10240xf32, #tpu.memory_space<vmem_shared>>) offsets(%dma_start3A_112 : memref<128xi32, #tpu.memory_space<vmem>>) semaphore(%run_scoped3A_110 : memref<!tpu.dma_semaphore, #tpu.memory_space<semaphore_mem>>) {add = true}
      %dma_wait3A = arith.constant 0 : i32
      %dma_wait3A_115 = tpu.memref_slice %arg6[%run_scoped3A_94, %dma_wait3A] : memref<80x128xi32, #tpu.memory_space<vmem>> -> memref<1x128xi32, #tpu.memory_space<vmem>>
      %dma_wait3A_116 = tpu.memref_squeeze %dma_wait3A_115 : memref<1x128xi32, #tpu.memory_space<vmem>> -> memref<128xi32, #tpu.memory_space<vmem>>
      %dma_wait3A_117 = arith.constant 0 : i32
      %dma_wait3A_118 = tpu.memref_slice %arg8[%dma_wait3A_117] : memref<10240xf32, #tpu.memory_space<vmem_shared>> -> memref<10240xf32, #tpu.memory_space<vmem_shared>>
      tpu.wait_indirect_dma semaphore(%run_scoped3A_110 : memref<!tpu.dma_semaphore, #tpu.memory_space<semaphore_mem>>) src(%arg7 : memref<128xf32, #tpu.memory_space<vmem>>) dst(%dma_wait3A_118 : memref<10240xf32, #tpu.memory_space<vmem_shared>>)
      tpu.yield
    }) : () -> ()
    %run_scoped3A_95 = arith.constant 70 : i32
    "tpu.region"() ({
      %run_scoped3A_110 = tpu.sem_alloc : memref<!tpu.dma_semaphore, #tpu.memory_space<semaphore_mem>>
      %dma_start3A = arith.constant 0 : i32
      %dma_start3A_111 = tpu.memref_slice %arg6[%run_scoped3A_95, %dma_start3A] : memref<80x128xi32, #tpu.memory_space<vmem>> -> memref<1x128xi32, #tpu.memory_space<vmem>>
      %dma_start3A_112 = tpu.memref_squeeze %dma_start3A_111 : memref<1x128xi32, #tpu.memory_space<vmem>> -> memref<128xi32, #tpu.memory_space<vmem>>
      %dma_start3A_113 = arith.constant 0 : i32
      %dma_start3A_114 = tpu.memref_slice %arg8[%dma_start3A_113] : memref<10240xf32, #tpu.memory_space<vmem_shared>> -> memref<10240xf32, #tpu.memory_space<vmem_shared>>
      tpu.enqueue_indirect_dma source(%arg7 : memref<128xf32, #tpu.memory_space<vmem>>) target(%dma_start3A_114 : memref<10240xf32, #tpu.memory_space<vmem_shared>>) offsets(%dma_start3A_112 : memref<128xi32, #tpu.memory_space<vmem>>) semaphore(%run_scoped3A_110 : memref<!tpu.dma_semaphore, #tpu.memory_space<semaphore_mem>>) {add = true}
      %dma_wait3A = arith.constant 0 : i32
      %dma_wait3A_115 = tpu.memref_slice %arg6[%run_scoped3A_95, %dma_wait3A] : memref<80x128xi32, #tpu.memory_space<vmem>> -> memref<1x128xi32, #tpu.memory_space<vmem>>
      %dma_wait3A_116 = tpu.memref_squeeze %dma_wait3A_115 : memref<1x128xi32, #tpu.memory_space<vmem>> -> memref<128xi32, #tpu.memory_space<vmem>>
      %dma_wait3A_117 = arith.constant 0 : i32
      %dma_wait3A_118 = tpu.memref_slice %arg8[%dma_wait3A_117] : memref<10240xf32, #tpu.memory_space<vmem_shared>> -> memref<10240xf32, #tpu.memory_space<vmem_shared>>
      tpu.wait_indirect_dma semaphore(%run_scoped3A_110 : memref<!tpu.dma_semaphore, #tpu.memory_space<semaphore_mem>>) src(%arg7 : memref<128xf32, #tpu.memory_space<vmem>>) dst(%dma_wait3A_118 : memref<10240xf32, #tpu.memory_space<vmem_shared>>)
      tpu.yield
    }) : () -> ()
    %run_scoped3A_96 = arith.constant 71 : i32
    "tpu.region"() ({
      %run_scoped3A_110 = tpu.sem_alloc : memref<!tpu.dma_semaphore, #tpu.memory_space<semaphore_mem>>
      %dma_start3A = arith.constant 0 : i32
      %dma_start3A_111 = tpu.memref_slice %arg6[%run_scoped3A_96, %dma_start3A] : memref<80x128xi32, #tpu.memory_space<vmem>> -> memref<1x128xi32, #tpu.memory_space<vmem>>
      %dma_start3A_112 = tpu.memref_squeeze %dma_start3A_111 : memref<1x128xi32, #tpu.memory_space<vmem>> -> memref<128xi32, #tpu.memory_space<vmem>>
      %dma_start3A_113 = arith.constant 0 : i32
      %dma_start3A_114 = tpu.memref_slice %arg8[%dma_start3A_113] : memref<10240xf32, #tpu.memory_space<vmem_shared>> -> memref<10240xf32, #tpu.memory_space<vmem_shared>>
      tpu.enqueue_indirect_dma source(%arg7 : memref<128xf32, #tpu.memory_space<vmem>>) target(%dma_start3A_114 : memref<10240xf32, #tpu.memory_space<vmem_shared>>) offsets(%dma_start3A_112 : memref<128xi32, #tpu.memory_space<vmem>>) semaphore(%run_scoped3A_110 : memref<!tpu.dma_semaphore, #tpu.memory_space<semaphore_mem>>) {add = true}
      %dma_wait3A = arith.constant 0 : i32
      %dma_wait3A_115 = tpu.memref_slice %arg6[%run_scoped3A_96, %dma_wait3A] : memref<80x128xi32, #tpu.memory_space<vmem>> -> memref<1x128xi32, #tpu.memory_space<vmem>>
      %dma_wait3A_116 = tpu.memref_squeeze %dma_wait3A_115 : memref<1x128xi32, #tpu.memory_space<vmem>> -> memref<128xi32, #tpu.memory_space<vmem>>
      %dma_wait3A_117 = arith.constant 0 : i32
      %dma_wait3A_118 = tpu.memref_slice %arg8[%dma_wait3A_117] : memref<10240xf32, #tpu.memory_space<vmem_shared>> -> memref<10240xf32, #tpu.memory_space<vmem_shared>>
      tpu.wait_indirect_dma semaphore(%run_scoped3A_110 : memref<!tpu.dma_semaphore, #tpu.memory_space<semaphore_mem>>) src(%arg7 : memref<128xf32, #tpu.memory_space<vmem>>) dst(%dma_wait3A_118 : memref<10240xf32, #tpu.memory_space<vmem_shared>>)
      tpu.yield
    }) : () -> ()
    %run_scoped3A_97 = arith.constant 72 : i32
    "tpu.region"() ({
      %run_scoped3A_110 = tpu.sem_alloc : memref<!tpu.dma_semaphore, #tpu.memory_space<semaphore_mem>>
      %dma_start3A = arith.constant 0 : i32
      %dma_start3A_111 = tpu.memref_slice %arg6[%run_scoped3A_97, %dma_start3A] : memref<80x128xi32, #tpu.memory_space<vmem>> -> memref<1x128xi32, #tpu.memory_space<vmem>>
      %dma_start3A_112 = tpu.memref_squeeze %dma_start3A_111 : memref<1x128xi32, #tpu.memory_space<vmem>> -> memref<128xi32, #tpu.memory_space<vmem>>
      %dma_start3A_113 = arith.constant 0 : i32
      %dma_start3A_114 = tpu.memref_slice %arg8[%dma_start3A_113] : memref<10240xf32, #tpu.memory_space<vmem_shared>> -> memref<10240xf32, #tpu.memory_space<vmem_shared>>
      tpu.enqueue_indirect_dma source(%arg7 : memref<128xf32, #tpu.memory_space<vmem>>) target(%dma_start3A_114 : memref<10240xf32, #tpu.memory_space<vmem_shared>>) offsets(%dma_start3A_112 : memref<128xi32, #tpu.memory_space<vmem>>) semaphore(%run_scoped3A_110 : memref<!tpu.dma_semaphore, #tpu.memory_space<semaphore_mem>>) {add = true}
      %dma_wait3A = arith.constant 0 : i32
      %dma_wait3A_115 = tpu.memref_slice %arg6[%run_scoped3A_97, %dma_wait3A] : memref<80x128xi32, #tpu.memory_space<vmem>> -> memref<1x128xi32, #tpu.memory_space<vmem>>
      %dma_wait3A_116 = tpu.memref_squeeze %dma_wait3A_115 : memref<1x128xi32, #tpu.memory_space<vmem>> -> memref<128xi32, #tpu.memory_space<vmem>>
      %dma_wait3A_117 = arith.constant 0 : i32
      %dma_wait3A_118 = tpu.memref_slice %arg8[%dma_wait3A_117] : memref<10240xf32, #tpu.memory_space<vmem_shared>> -> memref<10240xf32, #tpu.memory_space<vmem_shared>>
      tpu.wait_indirect_dma semaphore(%run_scoped3A_110 : memref<!tpu.dma_semaphore, #tpu.memory_space<semaphore_mem>>) src(%arg7 : memref<128xf32, #tpu.memory_space<vmem>>) dst(%dma_wait3A_118 : memref<10240xf32, #tpu.memory_space<vmem_shared>>)
      tpu.yield
    }) : () -> ()
    %run_scoped3A_98 = arith.constant 73 : i32
    "tpu.region"() ({
      %run_scoped3A_110 = tpu.sem_alloc : memref<!tpu.dma_semaphore, #tpu.memory_space<semaphore_mem>>
      %dma_start3A = arith.constant 0 : i32
      %dma_start3A_111 = tpu.memref_slice %arg6[%run_scoped3A_98, %dma_start3A] : memref<80x128xi32, #tpu.memory_space<vmem>> -> memref<1x128xi32, #tpu.memory_space<vmem>>
      %dma_start3A_112 = tpu.memref_squeeze %dma_start3A_111 : memref<1x128xi32, #tpu.memory_space<vmem>> -> memref<128xi32, #tpu.memory_space<vmem>>
      %dma_start3A_113 = arith.constant 0 : i32
      %dma_start3A_114 = tpu.memref_slice %arg8[%dma_start3A_113] : memref<10240xf32, #tpu.memory_space<vmem_shared>> -> memref<10240xf32, #tpu.memory_space<vmem_shared>>
      tpu.enqueue_indirect_dma source(%arg7 : memref<128xf32, #tpu.memory_space<vmem>>) target(%dma_start3A_114 : memref<10240xf32, #tpu.memory_space<vmem_shared>>) offsets(%dma_start3A_112 : memref<128xi32, #tpu.memory_space<vmem>>) semaphore(%run_scoped3A_110 : memref<!tpu.dma_semaphore, #tpu.memory_space<semaphore_mem>>) {add = true}
      %dma_wait3A = arith.constant 0 : i32
      %dma_wait3A_115 = tpu.memref_slice %arg6[%run_scoped3A_98, %dma_wait3A] : memref<80x128xi32, #tpu.memory_space<vmem>> -> memref<1x128xi32, #tpu.memory_space<vmem>>
      %dma_wait3A_116 = tpu.memref_squeeze %dma_wait3A_115 : memref<1x128xi32, #tpu.memory_space<vmem>> -> memref<128xi32, #tpu.memory_space<vmem>>
      %dma_wait3A_117 = arith.constant 0 : i32
      %dma_wait3A_118 = tpu.memref_slice %arg8[%dma_wait3A_117] : memref<10240xf32, #tpu.memory_space<vmem_shared>> -> memref<10240xf32, #tpu.memory_space<vmem_shared>>
      tpu.wait_indirect_dma semaphore(%run_scoped3A_110 : memref<!tpu.dma_semaphore, #tpu.memory_space<semaphore_mem>>) src(%arg7 : memref<128xf32, #tpu.memory_space<vmem>>) dst(%dma_wait3A_118 : memref<10240xf32, #tpu.memory_space<vmem_shared>>)
      tpu.yield
    }) : () -> ()
    %run_scoped3A_99 = arith.constant 74 : i32
    "tpu.region"() ({
      %run_scoped3A_110 = tpu.sem_alloc : memref<!tpu.dma_semaphore, #tpu.memory_space<semaphore_mem>>
      %dma_start3A = arith.constant 0 : i32
      %dma_start3A_111 = tpu.memref_slice %arg6[%run_scoped3A_99, %dma_start3A] : memref<80x128xi32, #tpu.memory_space<vmem>> -> memref<1x128xi32, #tpu.memory_space<vmem>>
      %dma_start3A_112 = tpu.memref_squeeze %dma_start3A_111 : memref<1x128xi32, #tpu.memory_space<vmem>> -> memref<128xi32, #tpu.memory_space<vmem>>
      %dma_start3A_113 = arith.constant 0 : i32
      %dma_start3A_114 = tpu.memref_slice %arg8[%dma_start3A_113] : memref<10240xf32, #tpu.memory_space<vmem_shared>> -> memref<10240xf32, #tpu.memory_space<vmem_shared>>
      tpu.enqueue_indirect_dma source(%arg7 : memref<128xf32, #tpu.memory_space<vmem>>) target(%dma_start3A_114 : memref<10240xf32, #tpu.memory_space<vmem_shared>>) offsets(%dma_start3A_112 : memref<128xi32, #tpu.memory_space<vmem>>) semaphore(%run_scoped3A_110 : memref<!tpu.dma_semaphore, #tpu.memory_space<semaphore_mem>>) {add = true}
      %dma_wait3A = arith.constant 0 : i32
      %dma_wait3A_115 = tpu.memref_slice %arg6[%run_scoped3A_99, %dma_wait3A] : memref<80x128xi32, #tpu.memory_space<vmem>> -> memref<1x128xi32, #tpu.memory_space<vmem>>
      %dma_wait3A_116 = tpu.memref_squeeze %dma_wait3A_115 : memref<1x128xi32, #tpu.memory_space<vmem>> -> memref<128xi32, #tpu.memory_space<vmem>>
      %dma_wait3A_117 = arith.constant 0 : i32
      %dma_wait3A_118 = tpu.memref_slice %arg8[%dma_wait3A_117] : memref<10240xf32, #tpu.memory_space<vmem_shared>> -> memref<10240xf32, #tpu.memory_space<vmem_shared>>
      tpu.wait_indirect_dma semaphore(%run_scoped3A_110 : memref<!tpu.dma_semaphore, #tpu.memory_space<semaphore_mem>>) src(%arg7 : memref<128xf32, #tpu.memory_space<vmem>>) dst(%dma_wait3A_118 : memref<10240xf32, #tpu.memory_space<vmem_shared>>)
      tpu.yield
    }) : () -> ()
    %run_scoped3A_100 = arith.constant 75 : i32
    "tpu.region"() ({
      %run_scoped3A_110 = tpu.sem_alloc : memref<!tpu.dma_semaphore, #tpu.memory_space<semaphore_mem>>
      %dma_start3A = arith.constant 0 : i32
      %dma_start3A_111 = tpu.memref_slice %arg6[%run_scoped3A_100, %dma_start3A] : memref<80x128xi32, #tpu.memory_space<vmem>> -> memref<1x128xi32, #tpu.memory_space<vmem>>
      %dma_start3A_112 = tpu.memref_squeeze %dma_start3A_111 : memref<1x128xi32, #tpu.memory_space<vmem>> -> memref<128xi32, #tpu.memory_space<vmem>>
      %dma_start3A_113 = arith.constant 0 : i32
      %dma_start3A_114 = tpu.memref_slice %arg8[%dma_start3A_113] : memref<10240xf32, #tpu.memory_space<vmem_shared>> -> memref<10240xf32, #tpu.memory_space<vmem_shared>>
      tpu.enqueue_indirect_dma source(%arg7 : memref<128xf32, #tpu.memory_space<vmem>>) target(%dma_start3A_114 : memref<10240xf32, #tpu.memory_space<vmem_shared>>) offsets(%dma_start3A_112 : memref<128xi32, #tpu.memory_space<vmem>>) semaphore(%run_scoped3A_110 : memref<!tpu.dma_semaphore, #tpu.memory_space<semaphore_mem>>) {add = true}
      %dma_wait3A = arith.constant 0 : i32
      %dma_wait3A_115 = tpu.memref_slice %arg6[%run_scoped3A_100, %dma_wait3A] : memref<80x128xi32, #tpu.memory_space<vmem>> -> memref<1x128xi32, #tpu.memory_space<vmem>>
      %dma_wait3A_116 = tpu.memref_squeeze %dma_wait3A_115 : memref<1x128xi32, #tpu.memory_space<vmem>> -> memref<128xi32, #tpu.memory_space<vmem>>
      %dma_wait3A_117 = arith.constant 0 : i32
      %dma_wait3A_118 = tpu.memref_slice %arg8[%dma_wait3A_117] : memref<10240xf32, #tpu.memory_space<vmem_shared>> -> memref<10240xf32, #tpu.memory_space<vmem_shared>>
      tpu.wait_indirect_dma semaphore(%run_scoped3A_110 : memref<!tpu.dma_semaphore, #tpu.memory_space<semaphore_mem>>) src(%arg7 : memref<128xf32, #tpu.memory_space<vmem>>) dst(%dma_wait3A_118 : memref<10240xf32, #tpu.memory_space<vmem_shared>>)
      tpu.yield
    }) : () -> ()
    %run_scoped3A_101 = arith.constant 76 : i32
    "tpu.region"() ({
      %run_scoped3A_110 = tpu.sem_alloc : memref<!tpu.dma_semaphore, #tpu.memory_space<semaphore_mem>>
      %dma_start3A = arith.constant 0 : i32
      %dma_start3A_111 = tpu.memref_slice %arg6[%run_scoped3A_101, %dma_start3A] : memref<80x128xi32, #tpu.memory_space<vmem>> -> memref<1x128xi32, #tpu.memory_space<vmem>>
      %dma_start3A_112 = tpu.memref_squeeze %dma_start3A_111 : memref<1x128xi32, #tpu.memory_space<vmem>> -> memref<128xi32, #tpu.memory_space<vmem>>
      %dma_start3A_113 = arith.constant 0 : i32
      %dma_start3A_114 = tpu.memref_slice %arg8[%dma_start3A_113] : memref<10240xf32, #tpu.memory_space<vmem_shared>> -> memref<10240xf32, #tpu.memory_space<vmem_shared>>
      tpu.enqueue_indirect_dma source(%arg7 : memref<128xf32, #tpu.memory_space<vmem>>) target(%dma_start3A_114 : memref<10240xf32, #tpu.memory_space<vmem_shared>>) offsets(%dma_start3A_112 : memref<128xi32, #tpu.memory_space<vmem>>) semaphore(%run_scoped3A_110 : memref<!tpu.dma_semaphore, #tpu.memory_space<semaphore_mem>>) {add = true}
      %dma_wait3A = arith.constant 0 : i32
      %dma_wait3A_115 = tpu.memref_slice %arg6[%run_scoped3A_101, %dma_wait3A] : memref<80x128xi32, #tpu.memory_space<vmem>> -> memref<1x128xi32, #tpu.memory_space<vmem>>
      %dma_wait3A_116 = tpu.memref_squeeze %dma_wait3A_115 : memref<1x128xi32, #tpu.memory_space<vmem>> -> memref<128xi32, #tpu.memory_space<vmem>>
      %dma_wait3A_117 = arith.constant 0 : i32
      %dma_wait3A_118 = tpu.memref_slice %arg8[%dma_wait3A_117] : memref<10240xf32, #tpu.memory_space<vmem_shared>> -> memref<10240xf32, #tpu.memory_space<vmem_shared>>
      tpu.wait_indirect_dma semaphore(%run_scoped3A_110 : memref<!tpu.dma_semaphore, #tpu.memory_space<semaphore_mem>>) src(%arg7 : memref<128xf32, #tpu.memory_space<vmem>>) dst(%dma_wait3A_118 : memref<10240xf32, #tpu.memory_space<vmem_shared>>)
      tpu.yield
    }) : () -> ()
    %run_scoped3A_102 = arith.constant 77 : i32
    "tpu.region"() ({
      %run_scoped3A_110 = tpu.sem_alloc : memref<!tpu.dma_semaphore, #tpu.memory_space<semaphore_mem>>
      %dma_start3A = arith.constant 0 : i32
      %dma_start3A_111 = tpu.memref_slice %arg6[%run_scoped3A_102, %dma_start3A] : memref<80x128xi32, #tpu.memory_space<vmem>> -> memref<1x128xi32, #tpu.memory_space<vmem>>
      %dma_start3A_112 = tpu.memref_squeeze %dma_start3A_111 : memref<1x128xi32, #tpu.memory_space<vmem>> -> memref<128xi32, #tpu.memory_space<vmem>>
      %dma_start3A_113 = arith.constant 0 : i32
      %dma_start3A_114 = tpu.memref_slice %arg8[%dma_start3A_113] : memref<10240xf32, #tpu.memory_space<vmem_shared>> -> memref<10240xf32, #tpu.memory_space<vmem_shared>>
      tpu.enqueue_indirect_dma source(%arg7 : memref<128xf32, #tpu.memory_space<vmem>>) target(%dma_start3A_114 : memref<10240xf32, #tpu.memory_space<vmem_shared>>) offsets(%dma_start3A_112 : memref<128xi32, #tpu.memory_space<vmem>>) semaphore(%run_scoped3A_110 : memref<!tpu.dma_semaphore, #tpu.memory_space<semaphore_mem>>) {add = true}
      %dma_wait3A = arith.constant 0 : i32
      %dma_wait3A_115 = tpu.memref_slice %arg6[%run_scoped3A_102, %dma_wait3A] : memref<80x128xi32, #tpu.memory_space<vmem>> -> memref<1x128xi32, #tpu.memory_space<vmem>>
      %dma_wait3A_116 = tpu.memref_squeeze %dma_wait3A_115 : memref<1x128xi32, #tpu.memory_space<vmem>> -> memref<128xi32, #tpu.memory_space<vmem>>
      %dma_wait3A_117 = arith.constant 0 : i32
      %dma_wait3A_118 = tpu.memref_slice %arg8[%dma_wait3A_117] : memref<10240xf32, #tpu.memory_space<vmem_shared>> -> memref<10240xf32, #tpu.memory_space<vmem_shared>>
      tpu.wait_indirect_dma semaphore(%run_scoped3A_110 : memref<!tpu.dma_semaphore, #tpu.memory_space<semaphore_mem>>) src(%arg7 : memref<128xf32, #tpu.memory_space<vmem>>) dst(%dma_wait3A_118 : memref<10240xf32, #tpu.memory_space<vmem_shared>>)
      tpu.yield
    }) : () -> ()
    %run_scoped3A_103 = arith.constant 78 : i32
    "tpu.region"() ({
      %run_scoped3A_110 = tpu.sem_alloc : memref<!tpu.dma_semaphore, #tpu.memory_space<semaphore_mem>>
      %dma_start3A = arith.constant 0 : i32
      %dma_start3A_111 = tpu.memref_slice %arg6[%run_scoped3A_103, %dma_start3A] : memref<80x128xi32, #tpu.memory_space<vmem>> -> memref<1x128xi32, #tpu.memory_space<vmem>>
      %dma_start3A_112 = tpu.memref_squeeze %dma_start3A_111 : memref<1x128xi32, #tpu.memory_space<vmem>> -> memref<128xi32, #tpu.memory_space<vmem>>
      %dma_start3A_113 = arith.constant 0 : i32
      %dma_start3A_114 = tpu.memref_slice %arg8[%dma_start3A_113] : memref<10240xf32, #tpu.memory_space<vmem_shared>> -> memref<10240xf32, #tpu.memory_space<vmem_shared>>
      tpu.enqueue_indirect_dma source(%arg7 : memref<128xf32, #tpu.memory_space<vmem>>) target(%dma_start3A_114 : memref<10240xf32, #tpu.memory_space<vmem_shared>>) offsets(%dma_start3A_112 : memref<128xi32, #tpu.memory_space<vmem>>) semaphore(%run_scoped3A_110 : memref<!tpu.dma_semaphore, #tpu.memory_space<semaphore_mem>>) {add = true}
      %dma_wait3A = arith.constant 0 : i32
      %dma_wait3A_115 = tpu.memref_slice %arg6[%run_scoped3A_103, %dma_wait3A] : memref<80x128xi32, #tpu.memory_space<vmem>> -> memref<1x128xi32, #tpu.memory_space<vmem>>
      %dma_wait3A_116 = tpu.memref_squeeze %dma_wait3A_115 : memref<1x128xi32, #tpu.memory_space<vmem>> -> memref<128xi32, #tpu.memory_space<vmem>>
      %dma_wait3A_117 = arith.constant 0 : i32
      %dma_wait3A_118 = tpu.memref_slice %arg8[%dma_wait3A_117] : memref<10240xf32, #tpu.memory_space<vmem_shared>> -> memref<10240xf32, #tpu.memory_space<vmem_shared>>
      tpu.wait_indirect_dma semaphore(%run_scoped3A_110 : memref<!tpu.dma_semaphore, #tpu.memory_space<semaphore_mem>>) src(%arg7 : memref<128xf32, #tpu.memory_space<vmem>>) dst(%dma_wait3A_118 : memref<10240xf32, #tpu.memory_space<vmem_shared>>)
      tpu.yield
    }) : () -> ()
    %run_scoped3A_104 = arith.constant 79 : i32
    "tpu.region"() ({
      %run_scoped3A_110 = tpu.sem_alloc : memref<!tpu.dma_semaphore, #tpu.memory_space<semaphore_mem>>
      %dma_start3A = arith.constant 0 : i32
      %dma_start3A_111 = tpu.memref_slice %arg6[%run_scoped3A_104, %dma_start3A] : memref<80x128xi32, #tpu.memory_space<vmem>> -> memref<1x128xi32, #tpu.memory_space<vmem>>
      %dma_start3A_112 = tpu.memref_squeeze %dma_start3A_111 : memref<1x128xi32, #tpu.memory_space<vmem>> -> memref<128xi32, #tpu.memory_space<vmem>>
      %dma_start3A_113 = arith.constant 0 : i32
      %dma_start3A_114 = tpu.memref_slice %arg8[%dma_start3A_113] : memref<10240xf32, #tpu.memory_space<vmem_shared>> -> memref<10240xf32, #tpu.memory_space<vmem_shared>>
      tpu.enqueue_indirect_dma source(%arg7 : memref<128xf32, #tpu.memory_space<vmem>>) target(%dma_start3A_114 : memref<10240xf32, #tpu.memory_space<vmem_shared>>) offsets(%dma_start3A_112 : memref<128xi32, #tpu.memory_space<vmem>>) semaphore(%run_scoped3A_110 : memref<!tpu.dma_semaphore, #tpu.memory_space<semaphore_mem>>) {add = true}
      %dma_wait3A = arith.constant 0 : i32
      %dma_wait3A_115 = tpu.memref_slice %arg6[%run_scoped3A_104, %dma_wait3A] : memref<80x128xi32, #tpu.memory_space<vmem>> -> memref<1x128xi32, #tpu.memory_space<vmem>>
      %dma_wait3A_116 = tpu.memref_squeeze %dma_wait3A_115 : memref<1x128xi32, #tpu.memory_space<vmem>> -> memref<128xi32, #tpu.memory_space<vmem>>
      %dma_wait3A_117 = arith.constant 0 : i32
      %dma_wait3A_118 = tpu.memref_slice %arg8[%dma_wait3A_117] : memref<10240xf32, #tpu.memory_space<vmem_shared>> -> memref<10240xf32, #tpu.memory_space<vmem_shared>>
      tpu.wait_indirect_dma semaphore(%run_scoped3A_110 : memref<!tpu.dma_semaphore, #tpu.memory_space<semaphore_mem>>) src(%arg7 : memref<128xf32, #tpu.memory_space<vmem>>) dst(%dma_wait3A_118 : memref<10240xf32, #tpu.memory_space<vmem_shared>>)
      tpu.yield
    }) : () -> ()
    %barrier3A_105 = arith.constant 0 : index
    tpu.barrier barrier_id(%barrier3A_105)
    %mul3A_106 = arith.constant 640 : i32
    %mul3A_107 = arith.muli %arg1, %mul3A_106 : i32
    %mul3A_108 = arith.constant 640 : i32
    %mul3A_109 = arith.muli %arg1, %mul3A_108 : i32
    "tpu.region"() ({
      %run_scoped3A_110 = tpu.sem_alloc : memref<!tpu.dma_semaphore, #tpu.memory_space<semaphore_mem>>
      %dma_start3A = tpu.memref_slice %arg5[%arg0, %mul3A_109] : memref<2x10240xf32, #tpu.memory_space<hbm>> -> memref<1x640xf32, #tpu.memory_space<hbm>>
      %dma_start3A_111 = tpu.memref_squeeze %dma_start3A : memref<1x640xf32, #tpu.memory_space<hbm>> -> memref<640xf32, #tpu.memory_space<hbm>>
      %dma_start3A_112 = tpu.memref_slice %arg8[%mul3A_107] : memref<10240xf32, #tpu.memory_space<vmem_shared>> -> memref<640xf32, #tpu.memory_space<vmem_shared>>
      tpu.enqueue_dma source(%dma_start3A_112 : memref<640xf32, #tpu.memory_space<vmem_shared>>) target(%dma_start3A_111 : memref<640xf32, #tpu.memory_space<hbm>>) target_semaphore(%run_scoped3A_110 : memref<!tpu.dma_semaphore, #tpu.memory_space<semaphore_mem>>)
      %dma_wait3A = tpu.memref_slice %arg5[%arg0, %mul3A_109] : memref<2x10240xf32, #tpu.memory_space<hbm>> -> memref<1x640xf32, #tpu.memory_space<hbm>>
      %dma_wait3A_113 = tpu.memref_squeeze %dma_wait3A : memref<1x640xf32, #tpu.memory_space<hbm>> -> memref<640xf32, #tpu.memory_space<hbm>>
      %dma_wait3A_114 = tpu.memref_slice %arg8[%mul3A_107] : memref<10240xf32, #tpu.memory_space<vmem_shared>> -> memref<640xf32, #tpu.memory_space<vmem_shared>>
      tpu.wait_dma2 semaphore(%run_scoped3A_110 : memref<!tpu.dma_semaphore, #tpu.memory_space<semaphore_mem>>) src(%dma_wait3A_114 : memref<640xf32, #tpu.memory_space<vmem_shared>>) dst(%dma_wait3A_113 : memref<640xf32, #tpu.memory_space<hbm>>)
      tpu.yield
    }) : () -> ()
    return
  }
}

#map = affine_map<(d0, d1) -> (0, 0)>
#map1 = affine_map<(d0, d1) -> (0, 0, 0)>
module attributes {stable_mosaic.version = 14 : i64} {
  func.func @body(%arg0: i32, %arg1: i32, %arg2: memref<20480x64xf32, #tpu.memory_space<hbm>>, %arg3: memref<16x160x128xi32, #tpu.memory_space<hbm>>, %arg4: memref<16x160x128xi32, #tpu.memory_space<hbm>>, %arg5: memref<16x160x128xi32, #tpu.memory_space<hbm>>, %arg6: memref<128x64xf32, #tpu.memory_space<hbm>>, %arg7: memref<2x10240x64xf32, #tpu.memory_space<hbm>>, %arg8: memref<160x128xi32, #tpu.memory_space<vmem>>, %arg9: memref<160x128xi32, #tpu.memory_space<vmem>>, %arg10: memref<128x64xf32, #tpu.memory_space<vmem>>, %arg11: memref<128x64xf32, #tpu.memory_space<vmem>>, %arg12: memref<128x64xf32, #tpu.memory_space<vmem>>, %arg13: memref<!tpu.dma_semaphore, #tpu.memory_space<semaphore_mem>>, %arg14: memref<!tpu.dma_semaphore, #tpu.memory_space<semaphore_mem>>, %arg15: memref<10240x64xf32, #tpu.memory_space<vmem_shared>>) attributes {dimension_semantics = [#tpu.dimension_semantics<core_parallel>, #tpu.dimension_semantics<subcore_parallel>], iteration_bounds = array<i64: 2, 16>, scalar_prefetch = 0 : i64, scratch_operands = 8 : i64, tpu.core_type = #tpu.core_type<sc_vector_subcore>, window_params = [{transform_indices = #map}, {transform_indices = #map1}, {transform_indices = #map1}, {transform_indices = #map1}, {transform_indices = #map}, {transform_indices = #map1}]} {
    %eq3A = arith.constant 0 : i32
    %eq3A_0 = arith.cmpi eq, %arg0, %eq3A : i32
    %convert_element_type3A = arith.extui %eq3A_0 : i1 to i32
    %cond3A = arith.constant 0 : i32
    %cond3A_1 = arith.cmpi ne, %convert_element_type3A, %cond3A : i32
    scf.if %cond3A_1 {
      "tpu.region"() ({
        %run_scoped3A = tpu.sem_alloc : memref<!tpu.dma_semaphore, #tpu.memory_space<semaphore_mem>>
        %dma_start3A_41 = arith.constant 0 : i32
        %dma_start3A_42 = arith.constant 0 : i32
        %dma_start3A_43 = tpu.memref_slice %arg3[%arg1, %dma_start3A_41, %dma_start3A_42] : memref<16x160x128xi32, #tpu.memory_space<hbm>> -> memref<1x160x128xi32, #tpu.memory_space<hbm>>
        %dma_start3A_44 = tpu.memref_squeeze %dma_start3A_43 : memref<1x160x128xi32, #tpu.memory_space<hbm>> -> memref<160x128xi32, #tpu.memory_space<hbm>>
        %dma_start3A_45 = arith.constant 0 : i32
        %dma_start3A_46 = arith.constant 0 : i32
        %dma_start3A_47 = tpu.memref_slice %arg3[%arg1, %dma_start3A_45, %dma_start3A_46] : memref<16x160x128xi32, #tpu.memory_space<hbm>> -> memref<1x160x128xi32, #tpu.memory_space<hbm>>
        %dma_start3A_48 = tpu.memref_squeeze %dma_start3A_47 : memref<1x160x128xi32, #tpu.memory_space<hbm>> -> memref<160x128xi32, #tpu.memory_space<hbm>>
        tpu.enqueue_dma source(%dma_start3A_48 : memref<160x128xi32, #tpu.memory_space<hbm>>) target(%arg8 : memref<160x128xi32, #tpu.memory_space<vmem>>) target_semaphore(%run_scoped3A : memref<!tpu.dma_semaphore, #tpu.memory_space<semaphore_mem>>)
        %dma_wait3A = arith.constant 0 : i32
        %dma_wait3A_49 = arith.constant 0 : i32
        %dma_wait3A_50 = tpu.memref_slice %arg3[%arg1, %dma_wait3A, %dma_wait3A_49] : memref<16x160x128xi32, #tpu.memory_space<hbm>> -> memref<1x160x128xi32, #tpu.memory_space<hbm>>
        %dma_wait3A_51 = tpu.memref_squeeze %dma_wait3A_50 : memref<1x160x128xi32, #tpu.memory_space<hbm>> -> memref<160x128xi32, #tpu.memory_space<hbm>>
        %dma_wait3A_52 = arith.constant 0 : i32
        %dma_wait3A_53 = arith.constant 0 : i32
        %dma_wait3A_54 = tpu.memref_slice %arg3[%arg1, %dma_wait3A_52, %dma_wait3A_53] : memref<16x160x128xi32, #tpu.memory_space<hbm>> -> memref<1x160x128xi32, #tpu.memory_space<hbm>>
        %dma_wait3A_55 = tpu.memref_squeeze %dma_wait3A_54 : memref<1x160x128xi32, #tpu.memory_space<hbm>> -> memref<160x128xi32, #tpu.memory_space<hbm>>
        tpu.wait_dma2 semaphore(%run_scoped3A : memref<!tpu.dma_semaphore, #tpu.memory_space<semaphore_mem>>) src(%dma_wait3A_55 : memref<160x128xi32, #tpu.memory_space<hbm>>) dst(%arg8 : memref<160x128xi32, #tpu.memory_space<vmem>>)
        tpu.yield
      }) : () -> ()
    } else {
    }
    %eq3A_2 = arith.constant 1 : i32
    %eq3A_3 = arith.cmpi eq, %arg0, %eq3A_2 : i32
    %convert_element_type3A_4 = arith.extui %eq3A_3 : i1 to i32
    %cond3A_5 = arith.constant 0 : i32
    %cond3A_6 = arith.cmpi ne, %convert_element_type3A_4, %cond3A_5 : i32
    scf.if %cond3A_6 {
      "tpu.region"() ({
        %run_scoped3A = tpu.sem_alloc : memref<!tpu.dma_semaphore, #tpu.memory_space<semaphore_mem>>
        %dma_start3A_41 = arith.constant 0 : i32
        %dma_start3A_42 = arith.constant 0 : i32
        %dma_start3A_43 = tpu.memref_slice %arg4[%arg1, %dma_start3A_41, %dma_start3A_42] : memref<16x160x128xi32, #tpu.memory_space<hbm>> -> memref<1x160x128xi32, #tpu.memory_space<hbm>>
        %dma_start3A_44 = tpu.memref_squeeze %dma_start3A_43 : memref<1x160x128xi32, #tpu.memory_space<hbm>> -> memref<160x128xi32, #tpu.memory_space<hbm>>
        %dma_start3A_45 = arith.constant 0 : i32
        %dma_start3A_46 = arith.constant 0 : i32
        %dma_start3A_47 = tpu.memref_slice %arg4[%arg1, %dma_start3A_45, %dma_start3A_46] : memref<16x160x128xi32, #tpu.memory_space<hbm>> -> memref<1x160x128xi32, #tpu.memory_space<hbm>>
        %dma_start3A_48 = tpu.memref_squeeze %dma_start3A_47 : memref<1x160x128xi32, #tpu.memory_space<hbm>> -> memref<160x128xi32, #tpu.memory_space<hbm>>
        tpu.enqueue_dma source(%dma_start3A_48 : memref<160x128xi32, #tpu.memory_space<hbm>>) target(%arg8 : memref<160x128xi32, #tpu.memory_space<vmem>>) target_semaphore(%run_scoped3A : memref<!tpu.dma_semaphore, #tpu.memory_space<semaphore_mem>>)
        %dma_wait3A = arith.constant 0 : i32
        %dma_wait3A_49 = arith.constant 0 : i32
        %dma_wait3A_50 = tpu.memref_slice %arg4[%arg1, %dma_wait3A, %dma_wait3A_49] : memref<16x160x128xi32, #tpu.memory_space<hbm>> -> memref<1x160x128xi32, #tpu.memory_space<hbm>>
        %dma_wait3A_51 = tpu.memref_squeeze %dma_wait3A_50 : memref<1x160x128xi32, #tpu.memory_space<hbm>> -> memref<160x128xi32, #tpu.memory_space<hbm>>
        %dma_wait3A_52 = arith.constant 0 : i32
        %dma_wait3A_53 = arith.constant 0 : i32
        %dma_wait3A_54 = tpu.memref_slice %arg4[%arg1, %dma_wait3A_52, %dma_wait3A_53] : memref<16x160x128xi32, #tpu.memory_space<hbm>> -> memref<1x160x128xi32, #tpu.memory_space<hbm>>
        %dma_wait3A_55 = tpu.memref_squeeze %dma_wait3A_54 : memref<1x160x128xi32, #tpu.memory_space<hbm>> -> memref<160x128xi32, #tpu.memory_space<hbm>>
        tpu.wait_dma2 semaphore(%run_scoped3A : memref<!tpu.dma_semaphore, #tpu.memory_space<semaphore_mem>>) src(%dma_wait3A_55 : memref<160x128xi32, #tpu.memory_space<hbm>>) dst(%arg8 : memref<160x128xi32, #tpu.memory_space<vmem>>)
        tpu.yield
      }) : () -> ()
    } else {
    }
    "tpu.region"() ({
      %run_scoped3A = tpu.sem_alloc : memref<!tpu.dma_semaphore, #tpu.memory_space<semaphore_mem>>
      %dma_start3A_41 = arith.constant 0 : i32
      %dma_start3A_42 = arith.constant 0 : i32
      %dma_start3A_43 = tpu.memref_slice %arg5[%arg1, %dma_start3A_41, %dma_start3A_42] : memref<16x160x128xi32, #tpu.memory_space<hbm>> -> memref<1x160x128xi32, #tpu.memory_space<hbm>>
      %dma_start3A_44 = tpu.memref_squeeze %dma_start3A_43 : memref<1x160x128xi32, #tpu.memory_space<hbm>> -> memref<160x128xi32, #tpu.memory_space<hbm>>
      %dma_start3A_45 = arith.constant 0 : i32
      %dma_start3A_46 = arith.constant 0 : i32
      %dma_start3A_47 = tpu.memref_slice %arg5[%arg1, %dma_start3A_45, %dma_start3A_46] : memref<16x160x128xi32, #tpu.memory_space<hbm>> -> memref<1x160x128xi32, #tpu.memory_space<hbm>>
      %dma_start3A_48 = tpu.memref_squeeze %dma_start3A_47 : memref<1x160x128xi32, #tpu.memory_space<hbm>> -> memref<160x128xi32, #tpu.memory_space<hbm>>
      tpu.enqueue_dma source(%dma_start3A_48 : memref<160x128xi32, #tpu.memory_space<hbm>>) target(%arg9 : memref<160x128xi32, #tpu.memory_space<vmem>>) target_semaphore(%run_scoped3A : memref<!tpu.dma_semaphore, #tpu.memory_space<semaphore_mem>>)
      %dma_wait3A = arith.constant 0 : i32
      %dma_wait3A_49 = arith.constant 0 : i32
      %dma_wait3A_50 = tpu.memref_slice %arg5[%arg1, %dma_wait3A, %dma_wait3A_49] : memref<16x160x128xi32, #tpu.memory_space<hbm>> -> memref<1x160x128xi32, #tpu.memory_space<hbm>>
      %dma_wait3A_51 = tpu.memref_squeeze %dma_wait3A_50 : memref<1x160x128xi32, #tpu.memory_space<hbm>> -> memref<160x128xi32, #tpu.memory_space<hbm>>
      %dma_wait3A_52 = arith.constant 0 : i32
      %dma_wait3A_53 = arith.constant 0 : i32
      %dma_wait3A_54 = tpu.memref_slice %arg5[%arg1, %dma_wait3A_52, %dma_wait3A_53] : memref<16x160x128xi32, #tpu.memory_space<hbm>> -> memref<1x160x128xi32, #tpu.memory_space<hbm>>
      %dma_wait3A_55 = tpu.memref_squeeze %dma_wait3A_54 : memref<1x160x128xi32, #tpu.memory_space<hbm>> -> memref<160x128xi32, #tpu.memory_space<hbm>>
      tpu.wait_dma2 semaphore(%run_scoped3A : memref<!tpu.dma_semaphore, #tpu.memory_space<semaphore_mem>>) src(%dma_wait3A_55 : memref<160x128xi32, #tpu.memory_space<hbm>>) dst(%arg9 : memref<160x128xi32, #tpu.memory_space<vmem>>)
      tpu.yield
    }) : () -> ()
    "tpu.region"() ({
      %run_scoped3A = tpu.sem_alloc : memref<!tpu.dma_semaphore, #tpu.memory_space<semaphore_mem>>
      tpu.enqueue_dma source(%arg6 : memref<128x64xf32, #tpu.memory_space<hbm>>) target(%arg12 : memref<128x64xf32, #tpu.memory_space<vmem>>) target_semaphore(%run_scoped3A : memref<!tpu.dma_semaphore, #tpu.memory_space<semaphore_mem>>)
      tpu.wait_dma2 semaphore(%run_scoped3A : memref<!tpu.dma_semaphore, #tpu.memory_space<semaphore_mem>>) src(%arg6 : memref<128x64xf32, #tpu.memory_space<hbm>>) dst(%arg12 : memref<128x64xf32, #tpu.memory_space<vmem>>)
      tpu.yield
    }) : () -> ()
    %mul3A = arith.constant 640 : i32
    %mul3A_7 = arith.muli %arg1, %mul3A : i32
    %add3A = arith.constant 0 : i32
    %add3A_8 = arith.addi %mul3A_7, %add3A : i32
    "tpu.region"() ({
      %run_scoped3A = tpu.sem_alloc : memref<!tpu.dma_semaphore, #tpu.memory_space<semaphore_mem>>
      %dma_start3A_41 = arith.constant 0 : i32
      %dma_start3A_42 = tpu.memref_slice %arg15[%add3A_8, %dma_start3A_41] : memref<10240x64xf32, #tpu.memory_space<vmem_shared>> -> memref<128x64xf32, #tpu.memory_space<vmem_shared>>
      %dma_start3A_43 = arith.constant 0 : i32
      %dma_start3A_44 = tpu.memref_slice %arg15[%add3A_8, %dma_start3A_43] : memref<10240x64xf32, #tpu.memory_space<vmem_shared>> -> memref<128x64xf32, #tpu.memory_space<vmem_shared>>
      tpu.enqueue_dma source(%arg12 : memref<128x64xf32, #tpu.memory_space<vmem>>) target(%dma_start3A_44 : memref<128x64xf32, #tpu.memory_space<vmem_shared>>) target_semaphore(%run_scoped3A : memref<!tpu.dma_semaphore, #tpu.memory_space<semaphore_mem>>)
      %dma_wait3A = arith.constant 0 : i32
      %dma_wait3A_45 = tpu.memref_slice %arg15[%add3A_8, %dma_wait3A] : memref<10240x64xf32, #tpu.memory_space<vmem_shared>> -> memref<128x64xf32, #tpu.memory_space<vmem_shared>>
      %dma_wait3A_46 = arith.constant 0 : i32
      %dma_wait3A_47 = tpu.memref_slice %arg15[%add3A_8, %dma_wait3A_46] : memref<10240x64xf32, #tpu.memory_space<vmem_shared>> -> memref<128x64xf32, #tpu.memory_space<vmem_shared>>
      tpu.wait_dma2 semaphore(%run_scoped3A : memref<!tpu.dma_semaphore, #tpu.memory_space<semaphore_mem>>) src(%arg12 : memref<128x64xf32, #tpu.memory_space<vmem>>) dst(%dma_wait3A_47 : memref<128x64xf32, #tpu.memory_space<vmem_shared>>)
      tpu.yield
    }) : () -> ()
    %mul3A_9 = arith.constant 640 : i32
    %mul3A_10 = arith.muli %arg1, %mul3A_9 : i32
    %add3A_11 = arith.constant 128 : i32
    %add3A_12 = arith.addi %mul3A_10, %add3A_11 : i32
    "tpu.region"() ({
      %run_scoped3A = tpu.sem_alloc : memref<!tpu.dma_semaphore, #tpu.memory_space<semaphore_mem>>
      %dma_start3A_41 = arith.constant 0 : i32
      %dma_start3A_42 = tpu.memref_slice %arg15[%add3A_12, %dma_start3A_41] : memref<10240x64xf32, #tpu.memory_space<vmem_shared>> -> memref<128x64xf32, #tpu.memory_space<vmem_shared>>
      %dma_start3A_43 = arith.constant 0 : i32
      %dma_start3A_44 = tpu.memref_slice %arg15[%add3A_12, %dma_start3A_43] : memref<10240x64xf32, #tpu.memory_space<vmem_shared>> -> memref<128x64xf32, #tpu.memory_space<vmem_shared>>
      tpu.enqueue_dma source(%arg12 : memref<128x64xf32, #tpu.memory_space<vmem>>) target(%dma_start3A_44 : memref<128x64xf32, #tpu.memory_space<vmem_shared>>) target_semaphore(%run_scoped3A : memref<!tpu.dma_semaphore, #tpu.memory_space<semaphore_mem>>)
      %dma_wait3A = arith.constant 0 : i32
      %dma_wait3A_45 = tpu.memref_slice %arg15[%add3A_12, %dma_wait3A] : memref<10240x64xf32, #tpu.memory_space<vmem_shared>> -> memref<128x64xf32, #tpu.memory_space<vmem_shared>>
      %dma_wait3A_46 = arith.constant 0 : i32
      %dma_wait3A_47 = tpu.memref_slice %arg15[%add3A_12, %dma_wait3A_46] : memref<10240x64xf32, #tpu.memory_space<vmem_shared>> -> memref<128x64xf32, #tpu.memory_space<vmem_shared>>
      tpu.wait_dma2 semaphore(%run_scoped3A : memref<!tpu.dma_semaphore, #tpu.memory_space<semaphore_mem>>) src(%arg12 : memref<128x64xf32, #tpu.memory_space<vmem>>) dst(%dma_wait3A_47 : memref<128x64xf32, #tpu.memory_space<vmem_shared>>)
      tpu.yield
    }) : () -> ()
    %mul3A_13 = arith.constant 640 : i32
    %mul3A_14 = arith.muli %arg1, %mul3A_13 : i32
    %add3A_15 = arith.constant 256 : i32
    %add3A_16 = arith.addi %mul3A_14, %add3A_15 : i32
    "tpu.region"() ({
      %run_scoped3A = tpu.sem_alloc : memref<!tpu.dma_semaphore, #tpu.memory_space<semaphore_mem>>
      %dma_start3A_41 = arith.constant 0 : i32
      %dma_start3A_42 = tpu.memref_slice %arg15[%add3A_16, %dma_start3A_41] : memref<10240x64xf32, #tpu.memory_space<vmem_shared>> -> memref<128x64xf32, #tpu.memory_space<vmem_shared>>
      %dma_start3A_43 = arith.constant 0 : i32
      %dma_start3A_44 = tpu.memref_slice %arg15[%add3A_16, %dma_start3A_43] : memref<10240x64xf32, #tpu.memory_space<vmem_shared>> -> memref<128x64xf32, #tpu.memory_space<vmem_shared>>
      tpu.enqueue_dma source(%arg12 : memref<128x64xf32, #tpu.memory_space<vmem>>) target(%dma_start3A_44 : memref<128x64xf32, #tpu.memory_space<vmem_shared>>) target_semaphore(%run_scoped3A : memref<!tpu.dma_semaphore, #tpu.memory_space<semaphore_mem>>)
      %dma_wait3A = arith.constant 0 : i32
      %dma_wait3A_45 = tpu.memref_slice %arg15[%add3A_16, %dma_wait3A] : memref<10240x64xf32, #tpu.memory_space<vmem_shared>> -> memref<128x64xf32, #tpu.memory_space<vmem_shared>>
      %dma_wait3A_46 = arith.constant 0 : i32
      %dma_wait3A_47 = tpu.memref_slice %arg15[%add3A_16, %dma_wait3A_46] : memref<10240x64xf32, #tpu.memory_space<vmem_shared>> -> memref<128x64xf32, #tpu.memory_space<vmem_shared>>
      tpu.wait_dma2 semaphore(%run_scoped3A : memref<!tpu.dma_semaphore, #tpu.memory_space<semaphore_mem>>) src(%arg12 : memref<128x64xf32, #tpu.memory_space<vmem>>) dst(%dma_wait3A_47 : memref<128x64xf32, #tpu.memory_space<vmem_shared>>)
      tpu.yield
    }) : () -> ()
    %mul3A_17 = arith.constant 640 : i32
    %mul3A_18 = arith.muli %arg1, %mul3A_17 : i32
    %add3A_19 = arith.constant 384 : i32
    %add3A_20 = arith.addi %mul3A_18, %add3A_19 : i32
    "tpu.region"() ({
      %run_scoped3A = tpu.sem_alloc : memref<!tpu.dma_semaphore, #tpu.memory_space<semaphore_mem>>
      %dma_start3A_41 = arith.constant 0 : i32
      %dma_start3A_42 = tpu.memref_slice %arg15[%add3A_20, %dma_start3A_41] : memref<10240x64xf32, #tpu.memory_space<vmem_shared>> -> memref<128x64xf32, #tpu.memory_space<vmem_shared>>
      %dma_start3A_43 = arith.constant 0 : i32
      %dma_start3A_44 = tpu.memref_slice %arg15[%add3A_20, %dma_start3A_43] : memref<10240x64xf32, #tpu.memory_space<vmem_shared>> -> memref<128x64xf32, #tpu.memory_space<vmem_shared>>
      tpu.enqueue_dma source(%arg12 : memref<128x64xf32, #tpu.memory_space<vmem>>) target(%dma_start3A_44 : memref<128x64xf32, #tpu.memory_space<vmem_shared>>) target_semaphore(%run_scoped3A : memref<!tpu.dma_semaphore, #tpu.memory_space<semaphore_mem>>)
      %dma_wait3A = arith.constant 0 : i32
      %dma_wait3A_45 = tpu.memref_slice %arg15[%add3A_20, %dma_wait3A] : memref<10240x64xf32, #tpu.memory_space<vmem_shared>> -> memref<128x64xf32, #tpu.memory_space<vmem_shared>>
      %dma_wait3A_46 = arith.constant 0 : i32
      %dma_wait3A_47 = tpu.memref_slice %arg15[%add3A_20, %dma_wait3A_46] : memref<10240x64xf32, #tpu.memory_space<vmem_shared>> -> memref<128x64xf32, #tpu.memory_space<vmem_shared>>
      tpu.wait_dma2 semaphore(%run_scoped3A : memref<!tpu.dma_semaphore, #tpu.memory_space<semaphore_mem>>) src(%arg12 : memref<128x64xf32, #tpu.memory_space<vmem>>) dst(%dma_wait3A_47 : memref<128x64xf32, #tpu.memory_space<vmem_shared>>)
      tpu.yield
    }) : () -> ()
    %mul3A_21 = arith.constant 640 : i32
    %mul3A_22 = arith.muli %arg1, %mul3A_21 : i32
    %add3A_23 = arith.constant 512 : i32
    %add3A_24 = arith.addi %mul3A_22, %add3A_23 : i32
    "tpu.region"() ({
      %run_scoped3A = tpu.sem_alloc : memref<!tpu.dma_semaphore, #tpu.memory_space<semaphore_mem>>
      %dma_start3A_41 = arith.constant 0 : i32
      %dma_start3A_42 = tpu.memref_slice %arg15[%add3A_24, %dma_start3A_41] : memref<10240x64xf32, #tpu.memory_space<vmem_shared>> -> memref<128x64xf32, #tpu.memory_space<vmem_shared>>
      %dma_start3A_43 = arith.constant 0 : i32
      %dma_start3A_44 = tpu.memref_slice %arg15[%add3A_24, %dma_start3A_43] : memref<10240x64xf32, #tpu.memory_space<vmem_shared>> -> memref<128x64xf32, #tpu.memory_space<vmem_shared>>
      tpu.enqueue_dma source(%arg12 : memref<128x64xf32, #tpu.memory_space<vmem>>) target(%dma_start3A_44 : memref<128x64xf32, #tpu.memory_space<vmem_shared>>) target_semaphore(%run_scoped3A : memref<!tpu.dma_semaphore, #tpu.memory_space<semaphore_mem>>)
      %dma_wait3A = arith.constant 0 : i32
      %dma_wait3A_45 = tpu.memref_slice %arg15[%add3A_24, %dma_wait3A] : memref<10240x64xf32, #tpu.memory_space<vmem_shared>> -> memref<128x64xf32, #tpu.memory_space<vmem_shared>>
      %dma_wait3A_46 = arith.constant 0 : i32
      %dma_wait3A_47 = tpu.memref_slice %arg15[%add3A_24, %dma_wait3A_46] : memref<10240x64xf32, #tpu.memory_space<vmem_shared>> -> memref<128x64xf32, #tpu.memory_space<vmem_shared>>
      tpu.wait_dma2 semaphore(%run_scoped3A : memref<!tpu.dma_semaphore, #tpu.memory_space<semaphore_mem>>) src(%arg12 : memref<128x64xf32, #tpu.memory_space<vmem>>) dst(%dma_wait3A_47 : memref<128x64xf32, #tpu.memory_space<vmem_shared>>)
      tpu.yield
    }) : () -> ()
    %barrier3A = arith.constant 0 : index
    tpu.barrier barrier_id(%barrier3A)
    %dma_start3A = arith.constant 0 : i32
    %dma_start3A_25 = arith.constant 0 : i32
    %dma_start3A_26 = tpu.memref_slice %arg8[%dma_start3A, %dma_start3A_25] : memref<160x128xi32, #tpu.memory_space<vmem>> -> memref<1x128xi32, #tpu.memory_space<vmem>>
    %dma_start3A_27 = tpu.memref_squeeze %dma_start3A_26 : memref<1x128xi32, #tpu.memory_space<vmem>> -> memref<128xi32, #tpu.memory_space<vmem>>
    %dma_start3A_28 = arith.constant 0 : i32
    %dma_start3A_29 = arith.constant 0 : i32
    %dma_start3A_30 = tpu.memref_slice %arg2[%dma_start3A_28, %dma_start3A_29] : memref<20480x64xf32, #tpu.memory_space<hbm>> -> memref<20480x64xf32, #tpu.memory_space<hbm>>
    tpu.enqueue_indirect_dma source(%dma_start3A_30 : memref<20480x64xf32, #tpu.memory_space<hbm>>) target(%arg10 : memref<128x64xf32, #tpu.memory_space<vmem>>) offsets(%dma_start3A_27 : memref<128xi32, #tpu.memory_space<vmem>>) semaphore(%arg13 : memref<!tpu.dma_semaphore, #tpu.memory_space<semaphore_mem>>)
    %scan3A = arith.constant 0 : i32
    %scan3A_31 = arith.constant 0 : i32
    %scan3A_32 = arith.constant 80 : i32
    %scan3A_33 = arith.addi %scan3A_31, %scan3A_32 : i32
    %scan3A_34 = arith.constant 1 : i32
    scf.for %scan3A_41 = %scan3A_31 to %scan3A_33 step %scan3A_34  : i32 {
      %mul3A_42 = arith.constant 2 : i32
      %mul3A_43 = arith.muli %mul3A_42, %scan3A_41 : i32
      %add3A_44 = arith.constant 1 : i32
      %add3A_45 = arith.addi %mul3A_43, %add3A_44 : i32
      %dma_start3A_46 = arith.constant 0 : i32
      %dma_start3A_47 = tpu.memref_slice %arg8[%add3A_45, %dma_start3A_46] : memref<160x128xi32, #tpu.memory_space<vmem>> -> memref<1x128xi32, #tpu.memory_space<vmem>>
      %dma_start3A_48 = tpu.memref_squeeze %dma_start3A_47 : memref<1x128xi32, #tpu.memory_space<vmem>> -> memref<128xi32, #tpu.memory_space<vmem>>
      %dma_start3A_49 = arith.constant 0 : i32
      %dma_start3A_50 = arith.constant 0 : i32
      %dma_start3A_51 = tpu.memref_slice %arg2[%dma_start3A_49, %dma_start3A_50] : memref<20480x64xf32, #tpu.memory_space<hbm>> -> memref<20480x64xf32, #tpu.memory_space<hbm>>
      tpu.enqueue_indirect_dma source(%dma_start3A_51 : memref<20480x64xf32, #tpu.memory_space<hbm>>) target(%arg11 : memref<128x64xf32, #tpu.memory_space<vmem>>) offsets(%dma_start3A_48 : memref<128xi32, #tpu.memory_space<vmem>>) semaphore(%arg14 : memref<!tpu.dma_semaphore, #tpu.memory_space<semaphore_mem>>)
      %dma_wait3A = arith.constant 0 : i32
      %dma_wait3A_52 = arith.constant 0 : i32
      %dma_wait3A_53 = tpu.memref_slice %arg8[%dma_wait3A, %dma_wait3A_52] : memref<160x128xi32, #tpu.memory_space<vmem>> -> memref<1x128xi32, #tpu.memory_space<vmem>>
      %dma_wait3A_54 = tpu.memref_squeeze %dma_wait3A_53 : memref<1x128xi32, #tpu.memory_space<vmem>> -> memref<128xi32, #tpu.memory_space<vmem>>
      %dma_wait3A_55 = arith.constant 0 : i32
      %dma_wait3A_56 = arith.constant 0 : i32
      %dma_wait3A_57 = tpu.memref_slice %arg2[%dma_wait3A_55, %dma_wait3A_56] : memref<20480x64xf32, #tpu.memory_space<hbm>> -> memref<20480x64xf32, #tpu.memory_space<hbm>>
      tpu.wait_indirect_dma semaphore(%arg13 : memref<!tpu.dma_semaphore, #tpu.memory_space<semaphore_mem>>) src(%dma_wait3A_57 : memref<20480x64xf32, #tpu.memory_space<hbm>>) dst(%arg10 : memref<128x64xf32, #tpu.memory_space<vmem>>)
      %mul3A_58 = arith.constant 2 : i32
      %mul3A_59 = arith.muli %mul3A_58, %scan3A_41 : i32
      "tpu.region"() ({
        %run_scoped3A = tpu.sem_alloc : memref<!tpu.dma_semaphore, #tpu.memory_space<semaphore_mem>>
        %dma_start3A_77 = arith.constant 0 : i32
        %dma_start3A_78 = tpu.memref_slice %arg9[%mul3A_59, %dma_start3A_77] : memref<160x128xi32, #tpu.memory_space<vmem>> -> memref<1x128xi32, #tpu.memory_space<vmem>>
        %dma_start3A_79 = tpu.memref_squeeze %dma_start3A_78 : memref<1x128xi32, #tpu.memory_space<vmem>> -> memref<128xi32, #tpu.memory_space<vmem>>
        %dma_start3A_80 = arith.constant 0 : i32
        %dma_start3A_81 = arith.constant 0 : i32
        %dma_start3A_82 = tpu.memref_slice %arg15[%dma_start3A_80, %dma_start3A_81] : memref<10240x64xf32, #tpu.memory_space<vmem_shared>> -> memref<10240x64xf32, #tpu.memory_space<vmem_shared>>
        tpu.enqueue_indirect_dma source(%arg10 : memref<128x64xf32, #tpu.memory_space<vmem>>) target(%dma_start3A_82 : memref<10240x64xf32, #tpu.memory_space<vmem_shared>>) offsets(%dma_start3A_79 : memref<128xi32, #tpu.memory_space<vmem>>) semaphore(%run_scoped3A : memref<!tpu.dma_semaphore, #tpu.memory_space<semaphore_mem>>) {add = true}
        %dma_wait3A_83 = arith.constant 0 : i32
        %dma_wait3A_84 = tpu.memref_slice %arg9[%mul3A_59, %dma_wait3A_83] : memref<160x128xi32, #tpu.memory_space<vmem>> -> memref<1x128xi32, #tpu.memory_space<vmem>>
        %dma_wait3A_85 = tpu.memref_squeeze %dma_wait3A_84 : memref<1x128xi32, #tpu.memory_space<vmem>> -> memref<128xi32, #tpu.memory_space<vmem>>
        %dma_wait3A_86 = arith.constant 0 : i32
        %dma_wait3A_87 = arith.constant 0 : i32
        %dma_wait3A_88 = tpu.memref_slice %arg15[%dma_wait3A_86, %dma_wait3A_87] : memref<10240x64xf32, #tpu.memory_space<vmem_shared>> -> memref<10240x64xf32, #tpu.memory_space<vmem_shared>>
        tpu.wait_indirect_dma semaphore(%run_scoped3A : memref<!tpu.dma_semaphore, #tpu.memory_space<semaphore_mem>>) src(%arg10 : memref<128x64xf32, #tpu.memory_space<vmem>>) dst(%dma_wait3A_88 : memref<10240x64xf32, #tpu.memory_space<vmem_shared>>)
        tpu.yield
      }) : () -> ()
      %add3A_60 = arith.constant 1 : i32
      %add3A_61 = arith.addi %scan3A_41, %add3A_60 : i32
      %lt3A = arith.constant 80 : i32
      %lt3A_62 = arith.cmpi slt, %add3A_61, %lt3A : i32
      %convert_element_type3A_63 = arith.extui %lt3A_62 : i1 to i32
      %cond3A_64 = arith.constant 0 : i32
      %cond3A_65 = arith.cmpi ne, %convert_element_type3A_63, %cond3A_64 : i32
      scf.if %cond3A_65 {
        %mul3A_77 = arith.constant 2 : i32
        %mul3A_78 = arith.muli %mul3A_77, %scan3A_41 : i32
        %add3A_79 = arith.constant 2 : i32
        %add3A_80 = arith.addi %mul3A_78, %add3A_79 : i32
        %dma_start3A_81 = arith.constant 0 : i32
        %dma_start3A_82 = tpu.memref_slice %arg8[%add3A_80, %dma_start3A_81] : memref<160x128xi32, #tpu.memory_space<vmem>> -> memref<1x128xi32, #tpu.memory_space<vmem>>
        %dma_start3A_83 = tpu.memref_squeeze %dma_start3A_82 : memref<1x128xi32, #tpu.memory_space<vmem>> -> memref<128xi32, #tpu.memory_space<vmem>>
        %dma_start3A_84 = arith.constant 0 : i32
        %dma_start3A_85 = arith.constant 0 : i32
        %dma_start3A_86 = tpu.memref_slice %arg2[%dma_start3A_84, %dma_start3A_85] : memref<20480x64xf32, #tpu.memory_space<hbm>> -> memref<20480x64xf32, #tpu.memory_space<hbm>>
        tpu.enqueue_indirect_dma source(%dma_start3A_86 : memref<20480x64xf32, #tpu.memory_space<hbm>>) target(%arg10 : memref<128x64xf32, #tpu.memory_space<vmem>>) offsets(%dma_start3A_83 : memref<128xi32, #tpu.memory_space<vmem>>) semaphore(%arg13 : memref<!tpu.dma_semaphore, #tpu.memory_space<semaphore_mem>>)
      } else {
      }
      %dma_wait3A_66 = arith.constant 0 : i32
      %dma_wait3A_67 = arith.constant 0 : i32
      %dma_wait3A_68 = tpu.memref_slice %arg8[%dma_wait3A_66, %dma_wait3A_67] : memref<160x128xi32, #tpu.memory_space<vmem>> -> memref<1x128xi32, #tpu.memory_space<vmem>>
      %dma_wait3A_69 = tpu.memref_squeeze %dma_wait3A_68 : memref<1x128xi32, #tpu.memory_space<vmem>> -> memref<128xi32, #tpu.memory_space<vmem>>
      %dma_wait3A_70 = arith.constant 0 : i32
      %dma_wait3A_71 = arith.constant 0 : i32
      %dma_wait3A_72 = tpu.memref_slice %arg2[%dma_wait3A_70, %dma_wait3A_71] : memref<20480x64xf32, #tpu.memory_space<hbm>> -> memref<20480x64xf32, #tpu.memory_space<hbm>>
      tpu.wait_indirect_dma semaphore(%arg14 : memref<!tpu.dma_semaphore, #tpu.memory_space<semaphore_mem>>) src(%dma_wait3A_72 : memref<20480x64xf32, #tpu.memory_space<hbm>>) dst(%arg11 : memref<128x64xf32, #tpu.memory_space<vmem>>)
      %mul3A_73 = arith.constant 2 : i32
      %mul3A_74 = arith.muli %mul3A_73, %scan3A_41 : i32
      %add3A_75 = arith.constant 1 : i32
      %add3A_76 = arith.addi %mul3A_74, %add3A_75 : i32
      "tpu.region"() ({
        %run_scoped3A = tpu.sem_alloc : memref<!tpu.dma_semaphore, #tpu.memory_space<semaphore_mem>>
        %dma_start3A_77 = arith.constant 0 : i32
        %dma_start3A_78 = tpu.memref_slice %arg9[%add3A_76, %dma_start3A_77] : memref<160x128xi32, #tpu.memory_space<vmem>> -> memref<1x128xi32, #tpu.memory_space<vmem>>
        %dma_start3A_79 = tpu.memref_squeeze %dma_start3A_78 : memref<1x128xi32, #tpu.memory_space<vmem>> -> memref<128xi32, #tpu.memory_space<vmem>>
        %dma_start3A_80 = arith.constant 0 : i32
        %dma_start3A_81 = arith.constant 0 : i32
        %dma_start3A_82 = tpu.memref_slice %arg15[%dma_start3A_80, %dma_start3A_81] : memref<10240x64xf32, #tpu.memory_space<vmem_shared>> -> memref<10240x64xf32, #tpu.memory_space<vmem_shared>>
        tpu.enqueue_indirect_dma source(%arg11 : memref<128x64xf32, #tpu.memory_space<vmem>>) target(%dma_start3A_82 : memref<10240x64xf32, #tpu.memory_space<vmem_shared>>) offsets(%dma_start3A_79 : memref<128xi32, #tpu.memory_space<vmem>>) semaphore(%run_scoped3A : memref<!tpu.dma_semaphore, #tpu.memory_space<semaphore_mem>>) {add = true}
        %dma_wait3A_83 = arith.constant 0 : i32
        %dma_wait3A_84 = tpu.memref_slice %arg9[%add3A_76, %dma_wait3A_83] : memref<160x128xi32, #tpu.memory_space<vmem>> -> memref<1x128xi32, #tpu.memory_space<vmem>>
        %dma_wait3A_85 = tpu.memref_squeeze %dma_wait3A_84 : memref<1x128xi32, #tpu.memory_space<vmem>> -> memref<128xi32, #tpu.memory_space<vmem>>
        %dma_wait3A_86 = arith.constant 0 : i32
        %dma_wait3A_87 = arith.constant 0 : i32
        %dma_wait3A_88 = tpu.memref_slice %arg15[%dma_wait3A_86, %dma_wait3A_87] : memref<10240x64xf32, #tpu.memory_space<vmem_shared>> -> memref<10240x64xf32, #tpu.memory_space<vmem_shared>>
        tpu.wait_indirect_dma semaphore(%run_scoped3A : memref<!tpu.dma_semaphore, #tpu.memory_space<semaphore_mem>>) src(%arg11 : memref<128x64xf32, #tpu.memory_space<vmem>>) dst(%dma_wait3A_88 : memref<10240x64xf32, #tpu.memory_space<vmem_shared>>)
        tpu.yield
      }) : () -> ()
    }
    %scan3A_35 = arith.constant 80 : i32
    %barrier3A_36 = arith.constant 0 : index
    tpu.barrier barrier_id(%barrier3A_36)
    %mul3A_37 = arith.constant 640 : i32
    %mul3A_38 = arith.muli %arg1, %mul3A_37 : i32
    %mul3A_39 = arith.constant 640 : i32
    %mul3A_40 = arith.muli %arg1, %mul3A_39 : i32
    "tpu.region"() ({
      %run_scoped3A = tpu.sem_alloc : memref<!tpu.dma_semaphore, #tpu.memory_space<semaphore_mem>>
      %dma_start3A_41 = arith.constant 0 : i32
      %dma_start3A_42 = tpu.memref_slice %arg7[%arg0, %mul3A_40, %dma_start3A_41] : memref<2x10240x64xf32, #tpu.memory_space<hbm>> -> memref<1x640x64xf32, #tpu.memory_space<hbm>>
      %dma_start3A_43 = tpu.memref_squeeze %dma_start3A_42 : memref<1x640x64xf32, #tpu.memory_space<hbm>> -> memref<640x64xf32, #tpu.memory_space<hbm>>
      %dma_start3A_44 = arith.constant 0 : i32
      %dma_start3A_45 = tpu.memref_slice %arg15[%mul3A_38, %dma_start3A_44] : memref<10240x64xf32, #tpu.memory_space<vmem_shared>> -> memref<640x64xf32, #tpu.memory_space<vmem_shared>>
      tpu.enqueue_dma source(%dma_start3A_45 : memref<640x64xf32, #tpu.memory_space<vmem_shared>>) target(%dma_start3A_43 : memref<640x64xf32, #tpu.memory_space<hbm>>) target_semaphore(%run_scoped3A : memref<!tpu.dma_semaphore, #tpu.memory_space<semaphore_mem>>)
      %dma_wait3A = arith.constant 0 : i32
      %dma_wait3A_46 = tpu.memref_slice %arg7[%arg0, %mul3A_40, %dma_wait3A] : memref<2x10240x64xf32, #tpu.memory_space<hbm>> -> memref<1x640x64xf32, #tpu.memory_space<hbm>>
      %dma_wait3A_47 = tpu.memref_squeeze %dma_wait3A_46 : memref<1x640x64xf32, #tpu.memory_space<hbm>> -> memref<640x64xf32, #tpu.memory_space<hbm>>
      %dma_wait3A_48 = arith.constant 0 : i32
      %dma_wait3A_49 = tpu.memref_slice %arg15[%mul3A_38, %dma_wait3A_48] : memref<10240x64xf32, #tpu.memory_space<vmem_shared>> -> memref<640x64xf32, #tpu.memory_space<vmem_shared>>
      tpu.wait_dma2 semaphore(%run_scoped3A : memref<!tpu.dma_semaphore, #tpu.memory_space<semaphore_mem>>) src(%dma_wait3A_49 : memref<640x64xf32, #tpu.memory_space<vmem_shared>>) dst(%dma_wait3A_47 : memref<640x64xf32, #tpu.memory_space<hbm>>)
      tpu.yield
    }) : () -> ()
    return
  }
}

module attributes {stable_mosaic.version = 14 : i64} {
  func.func @_mm_scale_body(%arg0: i32, %arg1: memref<256x128xf32, #tpu.memory_space<vmem>>, %arg2: memref<128x128xf32, #tpu.memory_space<vmem>>, %arg3: memref<2x256x1xf32, #tpu.memory_space<vmem>>, %arg4: memref<256x128xf32, #tpu.memory_space<vmem>>, %arg5: memref<256x1xf32, #tpu.memory_space<vmem>>) attributes {dimension_semantics = [#tpu.dimension_semantics<arbitrary>], iteration_bounds = array<i64: 40>, scalar_prefetch = 0 : i64, scratch_operands = 0 : i64, tpu.core_type = #tpu.core_type<tc>, window_params = [{transform_indices = @transform_0, window_bounds = array<i64: 256, 128>}, {pipeline_mode = #tpu.pipeline_mode<synchronous>, transform_indices = @transform_1, window_bounds = array<i64: 128, 128>}, {transform_indices = @transform_2, window_bounds = array<i64: 2, 256, 1>}, {transform_indices = @transform_3, window_bounds = array<i64: 256, 128>}, {transform_indices = @transform_4, window_bounds = array<i64: 256, 1>}]} {
    %get3A = arith.constant 0 : index
    %get3A_0 = arith.constant 0 : index
    %get3A_1 = vector.load %arg1[%get3A, %get3A_0] : memref<256x128xf32, #tpu.memory_space<vmem>>, vector<256x128xf32>
    %get3A_2 = arith.constant 0 : index
    %get3A_3 = arith.constant 0 : index
    %get3A_4 = vector.load %arg2[%get3A_2, %get3A_3] : memref<128x128xf32, #tpu.memory_space<vmem>>, vector<128x128xf32>
    %dot_general3A = arith.constant dense<0.000000e+00> : vector<256x128xf32>
    %dot_general3A_5 = tpu.matmul %get3A_1, %get3A_4, %dot_general3A {dimension_numbers = #tpu.dot_dimension_numbers<[1], [0], [0], [1], [0, 0, 1, 1], [], []>, transpose_lhs_hint = false} : vector<256x128xf32>, vector<128x128xf32>, vector<256x128xf32> -> vector<256x128xf32>
    %get3A_6 = arith.constant 0 : index
    %get3A_7 = arith.constant 0 : index
    %get3A_8 = arith.constant 0 : index
    %get3A_9 = vector.load %arg3[%get3A_6, %get3A_7, %get3A_8] : memref<2x256x1xf32, #tpu.memory_space<vmem>>, vector<1x256x1xf32>
    %get3A_10 = vector.shape_cast %get3A_9 : vector<1x256x1xf32> to vector<256x1xf32>
    %get3A_11 = arith.constant 1 : index
    %get3A_12 = arith.constant 0 : index
    %get3A_13 = arith.constant 0 : index
    %get3A_14 = vector.load %arg3[%get3A_11, %get3A_12, %get3A_13] : memref<2x256x1xf32, #tpu.memory_space<vmem>>, vector<1x256x1xf32>
    %get3A_15 = vector.shape_cast %get3A_14 : vector<1x256x1xf32> to vector<256x1xf32>
    %add3A = arith.addf %get3A_10, %get3A_15 : vector<256x1xf32>
    %add3A_16 = arith.constant 1.000000e+00 : f32
    %add3A_17 = vector.broadcast %add3A_16 : f32 to vector<256x1xf32>
    %add3A_18 = arith.addf %add3A, %add3A_17 : vector<256x1xf32>
    %rsqrt3A = math.rsqrt %add3A_18 : vector<256x1xf32>
    %mul3A = vector.broadcast %rsqrt3A : vector<256x1xf32> to vector<256x128xf32>
    %mul3A_19 = arith.mulf %dot_general3A_5, %mul3A : vector<256x128xf32>
    %swap3A = arith.constant 0 : index
    %swap3A_20 = arith.constant 0 : index
    %swap3A_21 = vector.load %arg4[%swap3A, %swap3A_20] : memref<256x128xf32, #tpu.memory_space<vmem>>, vector<256x128xf32>
    tpu.vector_store %arg4[%swap3A, %swap3A_20], %mul3A_19 {strides = array<i32>} : memref<256x128xf32, #tpu.memory_space<vmem>>, vector<256x128xf32>,
    %swap3A_22 = arith.constant 0 : index
    %swap3A_23 = arith.constant 0 : index
    %swap3A_24 = vector.load %arg5[%swap3A_22, %swap3A_23] : memref<256x1xf32, #tpu.memory_space<vmem>>, vector<256x1xf32>
    tpu.vector_store %arg5[%swap3A_22, %swap3A_23], %rsqrt3A {strides = array<i32>} : memref<256x1xf32, #tpu.memory_space<vmem>>, vector<256x1xf32>,
    return
  }
  func.func @transform_0(%arg0: i32) -> (i32, i32) {
    %c0_i32 = arith.constant 0 : i32
    %c0_i32_0 = arith.constant 0 : i32
    return %arg0, %c0_i32 : i32, i32
  }
  func.func @transform_1(%arg0: i32) -> (i32, i32) {
    %c0_i32 = arith.constant 0 : i32
    %c0_i32_0 = arith.constant 0 : i32
    %c0_i32_1 = arith.constant 0 : i32
    return %c0_i32, %c0_i32_0 : i32, i32
  }
  func.func @transform_2(%arg0: i32) -> (i32, i32, i32) {
    %c0_i32 = arith.constant 0 : i32
    %c0_i32_0 = arith.constant 0 : i32
    %c0_i32_1 = arith.constant 0 : i32
    return %c0_i32, %arg0, %c0_i32_0 : i32, i32, i32
  }
  func.func @transform_3(%arg0: i32) -> (i32, i32) {
    %c0_i32 = arith.constant 0 : i32
    %c0_i32_0 = arith.constant 0 : i32
    return %arg0, %c0_i32 : i32, i32
  }
  func.func @transform_4(%arg0: i32) -> (i32, i32) {
    %c0_i32 = arith.constant 0 : i32
    %c0_i32_0 = arith.constant 0 : i32
    return %arg0, %c0_i32 : i32, i32
  }
}

module attributes {stable_mosaic.version = 14 : i64} {
  func.func @_layer2_body(%arg0: i32, %arg1: memref<2x256x64xf32, #tpu.memory_space<vmem>>, %arg2: memref<256x128xf32, #tpu.memory_space<vmem>>, %arg3: memref<256x1xf32, #tpu.memory_space<vmem>>, %arg4: memref<1x128xf32, #tpu.memory_space<vmem>>, %arg5: memref<128x128xf32, #tpu.memory_space<vmem>>, %arg6: memref<256x128xf32, #tpu.memory_space<vmem>>) attributes {dimension_semantics = [#tpu.dimension_semantics<arbitrary>], iteration_bounds = array<i64: 40>, scalar_prefetch = 0 : i64, scratch_operands = 0 : i64, tpu.core_type = #tpu.core_type<tc>, window_params = [{transform_indices = @transform_0, window_bounds = array<i64: 2, 256, 64>}, {transform_indices = @transform_1, window_bounds = array<i64: 256, 128>}, {transform_indices = @transform_2, window_bounds = array<i64: 256, 1>}, {pipeline_mode = #tpu.pipeline_mode<synchronous>, transform_indices = @transform_3, window_bounds = array<i64: 1, 128>}, {pipeline_mode = #tpu.pipeline_mode<synchronous>, transform_indices = @transform_4, window_bounds = array<i64: 128, 128>}, {transform_indices = @transform_5, window_bounds = array<i64: 256, 128>}]} {
    %get3A = arith.constant 0 : index
    %get3A_0 = arith.constant 0 : index
    %get3A_1 = vector.load %arg3[%get3A, %get3A_0] : memref<256x1xf32, #tpu.memory_space<vmem>>, vector<256x1xf32>
    %get3A_2 = arith.constant 0 : index
    %get3A_3 = arith.constant 0 : index
    %get3A_4 = arith.constant 0 : index
    %get3A_5 = vector.load %arg1[%get3A_2, %get3A_3, %get3A_4] : memref<2x256x64xf32, #tpu.memory_space<vmem>>, vector<1x256x64xf32>
    %get3A_6 = vector.shape_cast %get3A_5 : vector<1x256x64xf32> to vector<256x64xf32>
    %get3A_7 = arith.constant 1 : index
    %get3A_8 = arith.constant 0 : index
    %get3A_9 = arith.constant 0 : index
    %get3A_10 = vector.load %arg1[%get3A_7, %get3A_8, %get3A_9] : memref<2x256x64xf32, #tpu.memory_space<vmem>>, vector<1x256x64xf32>
    %get3A_11 = vector.shape_cast %get3A_10 : vector<1x256x64xf32> to vector<256x64xf32>
    %concatenate3A = tpu.concatenate %get3A_6, %get3A_11 in 1 : vector<256x64xf32>, vector<256x64xf32> -> vector<256x128xf32>
    %get3A_12 = arith.constant 0 : index
    %get3A_13 = arith.constant 0 : index
    %get3A_14 = vector.load %arg2[%get3A_12, %get3A_13] : memref<256x128xf32, #tpu.memory_space<vmem>>, vector<256x128xf32>
    %add3A = arith.addf %concatenate3A, %get3A_14 : vector<256x128xf32>
    %mul3A = vector.broadcast %get3A_1 : vector<256x1xf32> to vector<256x128xf32>
    %mul3A_15 = arith.mulf %add3A, %mul3A : vector<256x128xf32>
    %get3A_16 = arith.constant 0 : index
    %get3A_17 = arith.constant 0 : index
    %get3A_18 = vector.load %arg4[%get3A_16, %get3A_17] : memref<1x128xf32, #tpu.memory_space<vmem>>, vector<1x128xf32>
    %add3A_19 = vector.broadcast %get3A_18 : vector<1x128xf32> to vector<256x128xf32>
    %add3A_20 = arith.addf %mul3A_15, %add3A_19 : vector<256x128xf32>
    %max3A = arith.constant 0.000000e+00 : f32
    %max3A_21 = vector.broadcast %max3A : f32 to vector<256x128xf32>
    %max3A_22 = arith.maximumf %add3A_20, %max3A_21 : vector<256x128xf32>
    %get3A_23 = arith.constant 0 : index
    %get3A_24 = arith.constant 0 : index
    %get3A_25 = vector.load %arg5[%get3A_23, %get3A_24] : memref<128x128xf32, #tpu.memory_space<vmem>>, vector<128x128xf32>
    %dot_general3A = arith.constant dense<0.000000e+00> : vector<256x128xf32>
    %dot_general3A_26 = tpu.matmul %max3A_22, %get3A_25, %dot_general3A {dimension_numbers = #tpu.dot_dimension_numbers<[1], [0], [0], [1], [0, 0, 1, 1], [], []>, transpose_lhs_hint = false} : vector<256x128xf32>, vector<128x128xf32>, vector<256x128xf32> -> vector<256x128xf32>
    %mul3A_27 = vector.broadcast %get3A_1 : vector<256x1xf32> to vector<256x128xf32>
    %mul3A_28 = arith.mulf %dot_general3A_26, %mul3A_27 : vector<256x128xf32>
    %swap3A = arith.constant 0 : index
    %swap3A_29 = arith.constant 0 : index
    %swap3A_30 = vector.load %arg6[%swap3A, %swap3A_29] : memref<256x128xf32, #tpu.memory_space<vmem>>, vector<256x128xf32>
    tpu.vector_store %arg6[%swap3A, %swap3A_29], %mul3A_28 {strides = array<i32>} : memref<256x128xf32, #tpu.memory_space<vmem>>, vector<256x128xf32>,
    return
  }
  func.func @transform_0(%arg0: i32) -> (i32, i32, i32) {
    %c0_i32 = arith.constant 0 : i32
    %c0_i32_0 = arith.constant 0 : i32
    %c0_i32_1 = arith.constant 0 : i32
    return %c0_i32, %arg0, %c0_i32_0 : i32, i32, i32
  }
  func.func @transform_1(%arg0: i32) -> (i32, i32) {
    %c0_i32 = arith.constant 0 : i32
    %c0_i32_0 = arith.constant 0 : i32
    return %arg0, %c0_i32 : i32, i32
  }
  func.func @transform_2(%arg0: i32) -> (i32, i32) {
    %c0_i32 = arith.constant 0 : i32
    %c0_i32_0 = arith.constant 0 : i32
    return %arg0, %c0_i32 : i32, i32
  }
  func.func @transform_3(%arg0: i32) -> (i32, i32) {
    %c0_i32 = arith.constant 0 : i32
    %c0_i32_0 = arith.constant 0 : i32
    %c0_i32_1 = arith.constant 0 : i32
    return %c0_i32, %c0_i32_0 : i32, i32
  }
  func.func @transform_4(%arg0: i32) -> (i32, i32) {
    %c0_i32 = arith.constant 0 : i32
    %c0_i32_0 = arith.constant 0 : i32
    %c0_i32_1 = arith.constant 0 : i32
    return %c0_i32, %c0_i32_0 : i32, i32
  }
  func.func @transform_5(%arg0: i32) -> (i32, i32) {
    %c0_i32 = arith.constant 0 : i32
    %c0_i32_0 = arith.constant 0 : i32
    return %arg0, %c0_i32 : i32, i32
  }
}

module attributes {stable_mosaic.version = 14 : i64} {
  func.func @_final_body(%arg0: i32, %arg1: memref<2x256x64xf32, #tpu.memory_space<vmem>>, %arg2: memref<256x128xf32, #tpu.memory_space<vmem>>, %arg3: memref<256x1xf32, #tpu.memory_space<vmem>>, %arg4: memref<1x128xf32, #tpu.memory_space<vmem>>, %arg5: memref<256x128xf32, #tpu.memory_space<vmem>>) attributes {dimension_semantics = [#tpu.dimension_semantics<arbitrary>], iteration_bounds = array<i64: 40>, scalar_prefetch = 0 : i64, scratch_operands = 0 : i64, tpu.core_type = #tpu.core_type<tc>, window_params = [{transform_indices = @transform_0, window_bounds = array<i64: 2, 256, 64>}, {transform_indices = @transform_1, window_bounds = array<i64: 256, 128>}, {transform_indices = @transform_2, window_bounds = array<i64: 256, 1>}, {pipeline_mode = #tpu.pipeline_mode<synchronous>, transform_indices = @transform_3, window_bounds = array<i64: 1, 128>}, {transform_indices = @transform_4, window_bounds = array<i64: 256, 128>}]} {
    %get3A = arith.constant 0 : index
    %get3A_0 = arith.constant 0 : index
    %get3A_1 = arith.constant 0 : index
    %get3A_2 = vector.load %arg1[%get3A, %get3A_0, %get3A_1] : memref<2x256x64xf32, #tpu.memory_space<vmem>>, vector<1x256x64xf32>
    %get3A_3 = vector.shape_cast %get3A_2 : vector<1x256x64xf32> to vector<256x64xf32>
    %get3A_4 = arith.constant 1 : index
    %get3A_5 = arith.constant 0 : index
    %get3A_6 = arith.constant 0 : index
    %get3A_7 = vector.load %arg1[%get3A_4, %get3A_5, %get3A_6] : memref<2x256x64xf32, #tpu.memory_space<vmem>>, vector<1x256x64xf32>
    %get3A_8 = vector.shape_cast %get3A_7 : vector<1x256x64xf32> to vector<256x64xf32>
    %concatenate3A = tpu.concatenate %get3A_3, %get3A_8 in 1 : vector<256x64xf32>, vector<256x64xf32> -> vector<256x128xf32>
    %get3A_9 = arith.constant 0 : index
    %get3A_10 = arith.constant 0 : index
    %get3A_11 = vector.load %arg2[%get3A_9, %get3A_10] : memref<256x128xf32, #tpu.memory_space<vmem>>, vector<256x128xf32>
    %add3A = arith.addf %concatenate3A, %get3A_11 : vector<256x128xf32>
    %get3A_12 = arith.constant 0 : index
    %get3A_13 = arith.constant 0 : index
    %get3A_14 = vector.load %arg3[%get3A_12, %get3A_13] : memref<256x1xf32, #tpu.memory_space<vmem>>, vector<256x1xf32>
    %mul3A = vector.broadcast %get3A_14 : vector<256x1xf32> to vector<256x128xf32>
    %mul3A_15 = arith.mulf %add3A, %mul3A : vector<256x128xf32>
    %get3A_16 = arith.constant 0 : index
    %get3A_17 = arith.constant 0 : index
    %get3A_18 = vector.load %arg4[%get3A_16, %get3A_17] : memref<1x128xf32, #tpu.memory_space<vmem>>, vector<1x128xf32>
    %add3A_19 = vector.broadcast %get3A_18 : vector<1x128xf32> to vector<256x128xf32>
    %add3A_20 = arith.addf %mul3A_15, %add3A_19 : vector<256x128xf32>
    %swap3A = arith.constant 0 : index
    %swap3A_21 = arith.constant 0 : index
    %swap3A_22 = vector.load %arg5[%swap3A, %swap3A_21] : memref<256x128xf32, #tpu.memory_space<vmem>>, vector<256x128xf32>
    tpu.vector_store %arg5[%swap3A, %swap3A_21], %add3A_20 {strides = array<i32>} : memref<256x128xf32, #tpu.memory_space<vmem>>, vector<256x128xf32>,
    return
  }
  func.func @transform_0(%arg0: i32) -> (i32, i32, i32) {
    %c0_i32 = arith.constant 0 : i32
    %c0_i32_0 = arith.constant 0 : i32
    %c0_i32_1 = arith.constant 0 : i32
    return %c0_i32, %arg0, %c0_i32_0 : i32, i32, i32
  }
  func.func @transform_1(%arg0: i32) -> (i32, i32) {
    %c0_i32 = arith.constant 0 : i32
    %c0_i32_0 = arith.constant 0 : i32
    return %arg0, %c0_i32 : i32, i32
  }
  func.func @transform_2(%arg0: i32) -> (i32, i32) {
    %c0_i32 = arith.constant 0 : i32
    %c0_i32_0 = arith.constant 0 : i32
    return %arg0, %c0_i32 : i32, i32
  }
  func.func @transform_3(%arg0: i32) -> (i32, i32) {
    %c0_i32 = arith.constant 0 : i32
    %c0_i32_0 = arith.constant 0 : i32
    %c0_i32_1 = arith.constant 0 : i32
    return %c0_i32, %c0_i32_0 : i32, i32
  }
  func.func @transform_4(%arg0: i32) -> (i32, i32) {
    %c0_i32 = arith.constant 0 : i32
    %c0_i32_0 = arith.constant 0 : i32
    return %arg0, %c0_i32 : i32, i32
  }
}

</mosaic_0001>

<sc_bundles>
// kernel: kernel.11.cloned.1.call-start
scs
__scs_entry_jumppad:
0x0: {  	(pc) =	sbr.rel $0x88, $3  }
0x1: {  	(tag) =	ssettag $0x0;
	lr =	simm.s32 $0x1  }
0x2: {  	[smem:$0x3F9B] =	sst lr;
	_ =	strace $0xD0000000  }
0x3: {  	_ = 	snop  }
0x4: {  	_ = 	snop  }
0x5: {  	_ = 	snop  }
0x6: {  	_ = 	snop  }
0x7: {  	_ = 	snop  }
__scs_overlays_trampoline_lowered:
0x8: {  	[smem:$0x3FAA] =	sst s0  }
0x9: {  	[smem:$0x3FAB] =	sst s1  }
0xa: {  	[smem:$0x3FAC] =	sst s2  }
0xb: {  	[smem:$0x3FAD] =	sst s3  }
0xc: {  	[smem:$0x3FAE] =	sst s4  }
0xd: {  	[smem:$0x3FAF] =	sst s5  }
0xe: {  	[smem:$0x3FB0] =	sst s6  }
0xf: {  	[smem:$0x3FB1] =	sst s7  }
0x10: {  	[smem:$0x3FB2] =	sst s8  }
0x11: {  	[smem:$0x3FB3] =	sst s9;
	s0 =	simm.s32 @!p0 $0x0  }
0x12: {  	s1 =	sld [smem:$0x3F99];
	s0 =	simm.s32 @p0 $0x1  }
0x13: {  	[smem:$0x3FB4] =	sst s0;
	s0 =	simm.s32 @!p1 $0x0  }
0x14: {  	s2 =	sld [smem:$0x3F98];
	s0 =	simm.s32 @p1 $0x1  }
0x15: {  	[smem:$0x3FB5] =	sst s0;
	s0 =	simm.s32 @!p2 $0x0  }
0x16: {  	s3 =	sld [smem:$0x3FDB];
	s0 =	simm.s32 @p2 $0x1  }
0x17: {  	s4 =	simm.s32 $0x1BF5;
	[smem:$0x3FB7] =	sst s0  }
0x18: {  	s0 =	sld [smem:$0x3F9A];
	_ =	swait.ge [sflag:s4], $0x0  }
0x19: {  	s7 =	sld [smem:$0x3F9B]  }
0x1a: {  	s8 =	sadd.s32 $0xFFFFE003, lr  }
0x1b: {  	s9 =	sadd.s32 $0xFFFFFEF7, lr;
	s5 =	simm.s32 $0xFFFFFFFF;
	p2 =	slt.u32 s8, $0xFFFFF086  }
0x1c: {  	p1 =	slt.u32 s9, $0xF7A;
	s5 =	simm.s32 @!p2 $0x0  }
0x1d: {  	s5 =	simm.s32 @p1 $0x1;
	p0 =	seq.s32 s7, s2  }
0x1e: {  	s7 =	smul.u32 @!p0 $0xF7A, s2;
	p2 =	seq.s32 @!p0 s5, $0x0  }
0x1f: {  	s9 =	smul.u32 $0xF7A, s1;
	s8 =	simm.s32 @!p0 $0x1BF5;
	p2 =	por !p2, p0  }
0x20: {  	[sflag:s8] =	ssyncset.s32 @!p0 $0xFFFFF086;
	s6 =	sadd.s32 @!p0 s3, s7;
	s7 =	simm.s32 @!p0 $0x108  }
0x21: {  	s3 =	sadd.s32 s3, s9;
	s6 =	sadd.s32 @!p0 $0x88, s6;
	s7 =	simm.s32 @p2 $0x1082  }
0x22: {  	[simem:s7], [sflag:s8] =	dma.local @!p0 [hbm:s6], $0xF7A  }
0x23: {  	s9 =	sor.u32 $0xD0000000, s2;
	s6 =	simm.s32 $0x108;
	_ =	swait.ge @!p0 [sflag:s8], $0x0  }
0x24: {  	s3 =	sadd.s32 $0x88, s3;
	s6 =	simm.s32 @!p1 $0x1082;
	[sflag:s4] =	ssyncset.s32 $0xFFFFF086  }
0x25: {  	[simem:s6], [sflag:s4] =	dma.local [hbm:s3], $0xF7A  }
0x26: {  	[smem:$0x3F9B] =	sst s1;
	(tag) =	ssettag s2;
	_ =	strace s9  }
0x27: {  	s1 =	sld [smem:$0x3FAB]  }
0x28: {  	s2 =	sld [smem:$0x3FAC]  }
0x29: {  	s4 =	sld [smem:$0x3FAE]  }
0x2a: {  	p0 =	seq.s32 s5, $0x0;
	s5 =	sld [smem:$0x3FAF]  }
0x2b: {  	s6 =	sld [smem:$0x3FB0]  }
0x2c: {  	s7 =	sld [smem:$0x3FB1]  }
0x2d: {  	s3 =	simm.s32 $0x108;
	s8 =	sld [smem:$0x3FB2]  }
0x2e: {  	s3 =	simm.s32 @!p0 $0x1082;
	s9 =	sld [smem:$0x3FB3]  }
0x2f: {  	lr =	sadd.s32 s0, s3;
	s0 =	sld [smem:$0x3FAA]  }
0x30: {  	s3 =	sld [smem:$0x3FAD]  }
0x31: {  	[smem:$0x3FB6] =	sst s10  }
0x32: {  	s10 =	sld [smem:$0x3FB4];
	_ =	sdelay $0x3  }
0x33: {  	p0 =	seq.s32 s10, $0x1;
	s10 =	sld [smem:$0x3FB6];
	_ =	sdelay $0x3  }
0x34: {  	[smem:$0x3FB6] =	sst s10  }
0x35: {  	s10 =	sld [smem:$0x3FB5];
	_ =	sdelay $0x3  }
0x36: {  	p1 =	seq.s32 s10, $0x1;
	s10 =	sld [smem:$0x3FB6];
	_ =	sdelay $0x3  }
0x37: {  	[smem:$0x3FB6] =	sst s10  }
0x38: {  	s10 =	sld [smem:$0x3FB7]  }
0x39: {  	_ = 	snop;
	(pc) =	sbr.ind lr, $3  }
0x3a: {  	_ = 	snop  }
0x3b: {  	_ = 	snop  }
0x3c: {  	p2 =	seq.s32 s10, $0x1;
	s10 =	sld [smem:$0x3FB6]  }
0x3d: {  	_ =	shalt  }
0x3e: {  	_ =	shalt  }
0x3f: {  	_ =	shalt  }
0x40: {  	_ =	shalt  }
0x41: {  	_ =	shalt  }
0x42: {  	_ =	shalt  }
0x43: {  	_ =	shalt  }
0x44: {  	_ =	shalt  }
0x45: {  	_ =	shalt  }
0x46: {  	_ =	shalt  }
0x47: {  	_ =	shalt  }
0x48: {  	_ =	shalt  }
0x49: {  	_ =	shalt  }
0x4a: {  	_ =	shalt  }
0x4b: {  	_ =	shalt  }
0x4c: {  	_ =	shalt  }
0x4d: {  	_ =	shalt  }
0x4e: {  	_ =	shalt  }
0x4f: {  	_ =	shalt  }
0x50: {  	_ =	shalt  }
0x51: {  	_ =	shalt  }
0x52: {  	_ =	shalt  }
0x53: {  	_ =	shalt  }
0x54: {  	_ =	shalt  }
0x55: {  	_ =	shalt  }
0x56: {  	_ =	shalt  }
0x57: {  	_ =	shalt  }
0x58: {  	_ =	shalt  }
0x59: {  	_ =	shalt  }
0x5a: {  	_ =	shalt  }
0x5b: {  	_ =	shalt  }
0x5c: {  	_ =	shalt  }
0x5d: {  	_ =	shalt  }
0x5e: {  	_ =	shalt  }
0x5f: {  	_ =	shalt  }
0x60: {  	_ =	shalt  }
0x61: {  	_ =	shalt  }
0x62: {  	_ =	shalt  }
0x63: {  	_ =	shalt  }
0x64: {  	_ =	shalt  }
0x65: {  	_ =	shalt  }
0x66: {  	_ =	shalt  }
0x67: {  	_ =	shalt  }
0x68: {  	_ =	shalt  }
0x69: {  	_ =	shalt  }
0x6a: {  	_ =	shalt  }
0x6b: {  	_ =	shalt  }
0x6c: {  	_ =	shalt  }
0x6d: {  	_ =	shalt  }
0x6e: {  	_ =	shalt  }
0x6f: {  	_ =	shalt  }
0x70: {  	_ =	shalt  }
0x71: {  	_ =	shalt  }
0x72: {  	_ =	shalt  }
0x73: {  	_ =	shalt  }
0x74: {  	_ =	shalt  }
0x75: {  	_ =	shalt  }
0x76: {  	_ =	shalt  }
0x77: {  	_ =	shalt  }
0x78: {  	_ =	shalt  }
0x79: {  	_ =	shalt  }
0x7a: {  	_ =	shalt  }
0x7b: {  	_ =	shalt  }
0x7c: {  	_ =	shalt  }
0x7d: {  	_ =	shalt  }
0x7e: {  	_ =	shalt  }
0x7f: {  	_ =	shalt  }
0x80: {  	_ =	shalt  }
0x81: {  	_ =	shalt  }
0x82: {  	_ =	shalt  }
0x83: {  	_ =	shalt  }
0x84: {  	_ =	shalt  }
0x85: {  	_ =	shalt  }
0x86: {  	_ =	shalt  }
0x87: {  	_ =	shalt  }
.Lfunc_end0:
.L_simem_size_0:
called_computation.1_lowered:
.L_overlay_start_0:
0x88: {  	s2 =	sld [smem:$0x3FD9]  }
0x89: {  	s3 =	sld [smem:$0x3FFE];
	_ =	sdelay $0x1  }
0x8a: {  	s1 =	srdreg.scid  }
0x8b: {  	s0 =	sand.u32 $0x1, s1  }
0x8c: {  	s17 =	sshll.u32 s0, $0xA;
	s2 =	sadd.s32 s3, s2  }
0x8d: {  	s2 =	sadd.s32 s2, s17  }
0x8e: {  	[smem:$0x3FC2] =	sst s2  }
0x8f: {  	_ = 	snop  }
0x90: {  	s2 =	sld [smem:$0x3FD0];
	(tm) =	ssettm $0x1  }
0x91: {  	s18 =	sld [smem:$0x3FFB];
	_ =	sdelay $0x3  }
0x92: {  	_ =	strace s18  }
0x93: {  	s3 =	sld [smem:$0x3FFC];
	_ =	sdelay $0x3  }
0x94: {  	_ =	strace s3  }
0x95: {  	s3 =	sld [smem:$0x3FFD];
	_ =	sdelay $0x3  }
0x96: {  	_ =	strace s3  }
0x97: {  	_ =	strace $0x8FFFFFFF  }
0x98: {  	s19 =	sld [smem:$0x3FDB];
	_ =	sdelay $0x1  }
0x99: {  	s4 =	simm.s32 $_scs_section_size  }
0x9a: {  	s5 =	simm.s32 $_size__tile_overlayer_lowered;
	s6 =	simm.s32 $_tile_overlayer_lowered  }
0x9b: {  	s22 =	simm.s32 $0x1BFF;
	s21 =	sshll.u32 s6, $0x1;
	s3 =	sadd.s32 s4, s19  }
0x9c: {  	s7 =	simm.s32 $0x0;
	s20 =	sshll.u32 s5, $0x1;
	s5 =	sadd.s32 s21, s3  }
0x9d: {  	[timem:s7], [sflag:s22] =	dma.local [hbm:s5], s20  }
0x9e: {  	_ =	swait.ge [sflag:s22], s20  }
0x9f: {  	s4 =	ssub.s32 $0x0, s20;
	[sflag:s22] =	ssyncset.done $0x0  }
0xa0: {  	[sflag:s22] =	ssyncadd.s32 s4;
	_ =	sdelay $0x1  }
0xa1: {  	s23 =	simm.s32 $0x1B8B  }
0xa2: {  	_ =	swait.ge [sflag:s23], $0x1  }
0xa3: {  	[sflag:s23] =	ssyncset.done $0x0  }
0xa4: {  	s25 =	simm.s32 $0x1B8E;
	s24 =	sld [smem:$0x3FFE];
	[sflag:s23] =	ssyncadd.s32 $0xFFFFFFFF  }
0xa5: {  	s26 =	simm.s32 $execute0_lowered;
	[smem:$0x3FD2] =	sst s25  }
0xa6: {  	s5 =	sshll.u32 s26, $0x1;
	_ =	strace $0x80000049;
	[dreg:$0x1] =	wrdreg $0xFFFFFFFF  }
0xa7: {  	s28 =	simm.s32 $_size_execute0_lowered;
	s3 =	sadd.s32 s3, s5;
	[dreg:$0x0] =	wrdreg $0x0  }
0xa8: {  	s5 =	sshll.u32 s28, $0x1;
	[dreg:$0x2] =	wrdreg s3  }
0xa9: {  	[dreg:$0x3] =	wrdreg s5  }
0xaa: {  	[dreg:$0x4] =	wrdreg $0xC0  }
0xab: {  	_ =	task [dreg:s7], $0x5FFFF  }
0xac: {  	[dreg:$0x1] =	wrdreg $0xFFFFFFFF  }
0xad: {  	[dreg:$0x0] =	wrdreg $0x60  }
0xae: {  	[dreg:$0x2] =	wrdreg s24  }
0xaf: {  	[dreg:$0x3] =	wrdreg s2  }
0xb0: {  	[dreg:$0x4] =	wrdreg $0x100000  }
0xb1: {  	[dreg:$0x5] =	wrdreg $0x9  }
0xb2: {  	_ =	task.clear_ibuf [dreg:s7], $0x6FFFF;
	_ =	strace $0x90000049  }
0xb3: {  	s29 =	simm.s32 $0x9;
	_ =	strace $0x8000004B  }
0xb4: {  	_ =	swait.ge [sflag:s29], $0x1  }
0xb5: {  	[sflag:s29] =	ssyncadd.s32 $0xFFFFFFFF  }
0xb6: {  	_ =	strace $0x9000004B  }
0xb7: {  	_ =	sfence  }
0xb8: {  	s30 =	sld [smem:$0x0];
	_ =	sdelay $0x2  }
0xb9: {  	s31 =	sshll.u32 s1, $0xD;
	s1 =	sshrl.u32 s1, $0x2  }
0xba: {  	s3 =	sand.u32 $0x4000, s31;
	s1 =	sadd.s32 s1, s30  }
0xbb: {  	s0 =	sor.u32 s3, s0;
	s1 =	sshll.u32 s1, $0x11  }
0xbc: {  	s0 =	sor.u32 s1, s0  }
0xbd: {  	s0 =	sadd.s32 $0x8F2B, s0  }
0xbe: {  	[sflag:s0] =	ssyncadd.remote.s32 $0x1  }
0xbf: {  	_ =	sfence.sel $0xFFFF  }
0xc0: {  	[dreg:$0x0] =	wrdreg $0xFFFFFFFF;
	(pc) =	sbr.abs _section_cstart, $3  }
0xc1: {  	[dreg:$0x1] =	wrdreg $0xFFFFFFFF  }
0xc2: {  	_ =	task.clear_ibuf [dreg:s7], $0x2FFFF;
	_ =	strace $0x9FFFFFFF  }
0xc3: {  	(tm) =	ssettm $0x7FFFFFFF  }
tec
execute0_lowered:
.L_overlay_start_1:
0x0: {  	(tag) =	ssettag $0x1  }
0x1: {  	s12 =	rddreg [dreg:$0x0]  }
0x2: {  	s6 =	rddreg [dreg:$0x1]  }
0x3: {  	s2 =	rddreg [dreg:$0x2]  }
0x4: {  	s4 =	srdreg.scid;
	s1 =	stileid.u32;
	s3 =	simm.s32 $0x0  }
0x5: {  	s18 =	simm.s32 $0x80;
	s19 =	simm.s32 $0xA000;
	s20 =	simm.s32 $0xC000  }
0x6: {  	s21 =	simm.s32 $0x1;
	s22 =	simm.s32 $0x2;
	s23 =	simm.s32 $0x4F80  }
0x7: {  	s24 =	simm.s32 $0x9F00;
	s25 =	simm.s32 $0x9F80;
	s8 =	smul.u32 $0xA000, s1  }
0x8: {  	s26 =	simm.s32 $0x0;
	s7 =	sand.u32 $0x1, s4;
	s14 =	smul.u32 $0xA00, s1  }
0x9: {  	[smem:$0x7FF] =	sst s3;
	s4 =	sadd.s32 $0x17400, s12;
	s13 =	smul.u32 $0x28000, s1  }
0xa: {  	s5 =	smul.u32 $0xA0000, s7;
	_ =	strace $0x8000004A;
	s9 =	ssub.s32 $0x2, s7  }
0xb: {  	p0 =	seq.s32 s7, $0x1;
	s11 =	sshrl.u32 s9, $0x1;
	s6 =	sadd.s32 s6, s14  }
0xc: {  	s30 =	sshrl.u32 s13, $0x2;
	s7 =	sadd.s32 s8, s2;
	s13 =	simm.s32 $0x3400  }
0xd: {  	s5 =	sadd.s32 s8, s5;
	s16 =	ssub.s32 s9, s11;
	s31 =	sadd.s32 s30, s2  }
0xe: {  	s13 =	simm.s32 @!p0 $0xD400;
	s10 =	sshrl.u32 s5, $0x3;
	s5 =	sadd.s32 $0x2000, s12  }
0xf: {  	s8 =	sadd.s32 $0x2000, s31;
	s9 =	sadd.s32 $0x4000, s31;
	s11 =	sadd.s32 $0x8000, s31  }
0x10: {  	s17 =	sadd.s32 s13, s12;
	s13 =	smax.u32 s16, $0x1;
	s16 =	simm.s32 $0x5000  }
0x11: {  	s15 =	sadd.s32 s10, s12;
	s10 =	sadd.s32 $0x6000, s31;
	s14 =	sadd.s32 s17, s14  }
0x12: {  	s17 =	simm.s32 $0xE000;
	s12 =	sadd.s32 $0x3F400, s15;
	s15 =	simm.s32 $0x3  }
.LBB2_1:
0x13: {  	[tilespmem:s3], [sflag:$0x3] =	stream.linear.gather [hbm4b:s14+s3], $0x5000, $0x38;
	[tilespmem:$0x1A000] =	vst v63  }
0x14: {  	_ =	swait.ge [sflag:s15], $0x5000  }
0x15: {  	[sflag:s15] =	ssyncset.done $0x0  }
0x16: {  	[sflag:s15] =	ssyncadd.s32 $0xFFFFB000  }
0x17: {  	[tilespmem:s16], [sflag:$0x3] =	stream.linear.gather [hbm4b:s6+s3], $0x5000, $0x38;
	[tilespmem:$0x1A000] =	vst v63  }
0x18: {  	_ =	swait.ge [sflag:s15], $0x5000  }
0x19: {  	[sflag:s15] =	ssyncset.done $0x0  }
0x1a: {  	[sflag:s15] =	ssyncadd.s32 $0xFFFFB000  }
0x1b: {  	[tilespmem:s17], [sflag:$0x3] =	stream.linear.gather [hbm4b:s5+s3], $0x2000, $0x38;
	[tilespmem:$0x1A000] =	vst v63  }
0x1c: {  	_ =	swait.ge [sflag:s15], $0x2000  }
0x1d: {  	[sflag:s15] =	ssyncset.done $0x0  }
0x1e: {  	[sflag:s15] =	ssyncadd.s32 $0xFFFFE000  }
0x1f: {  	[spmem:s7] =	stream.linear.scatter [tilespmem:s17], [sflag:$0x3], $0x2000, $0x38;
	[tilespmem:$0x1A000] =	vst v63  }
0x20: {  	_ =	swait.ge [sflag:s15], $0x2000  }
0x21: {  	[sflag:s15] =	ssyncset.done $0x0  }
0x22: {  	[sflag:s15] =	ssyncadd.s32 $0xFFFFE000  }
0x23: {  	[spmem:s8] =	stream.linear.scatter [tilespmem:s17], [sflag:$0x3], $0x2000, $0x38;
	[tilespmem:$0x1A000] =	vst v63  }
0x24: {  	_ =	swait.ge [sflag:s15], $0x2000  }
0x25: {  	[sflag:s15] =	ssyncset.done $0x0  }
0x26: {  	[sflag:s15] =	ssyncadd.s32 $0xFFFFE000  }
0x27: {  	[spmem:s9] =	stream.linear.scatter [tilespmem:s17], [sflag:$0x3], $0x2000, $0x38;
	[tilespmem:$0x1A000] =	vst v63  }
0x28: {  	_ =	swait.ge [sflag:s15], $0x2000  }
0x29: {  	[sflag:s15] =	ssyncset.done $0x0  }
0x2a: {  	[sflag:s15] =	ssyncadd.s32 $0xFFFFE000  }
0x2b: {  	[spmem:s10] =	stream.linear.scatter [tilespmem:s17], [sflag:$0x3], $0x2000, $0x38;
	[tilespmem:$0x1A000] =	vst v63  }
0x2c: {  	_ =	swait.ge [sflag:s15], $0x2000  }
0x2d: {  	[sflag:s15] =	ssyncset.done $0x0  }
0x2e: {  	[sflag:s15] =	ssyncadd.s32 $0xFFFFE000  }
0x2f: {  	[spmem:s11] =	stream.linear.scatter [tilespmem:s17], [sflag:$0x3], $0x2000, $0x38;
	[tilespmem:$0x1A000] =	vst v63  }
0x30: {  	_ =	swait.ge [sflag:s15], $0x2000  }
0x31: {  	[sflag:s15] =	ssyncset.done $0x0  }
0x32: {  	[sflag:s15] =	ssyncadd.s32 $0xFFFFE000  }
0x33: {  	[bflag:$0x0] =	sbarrier.arrive $0xFFFF  }
0x34: {  	[tilespmem:s19], [sflag:$0x1] =	stream.indirect.gather [hbm4b:s4+s18], $0x40, s3, s18, $0xb8;
	[tilespmem:$0x1A000] =	vst v63  }
0x35: {  	s28 =	simm.s32 $0x80  }
0x36: {  	[tilespmem:s20], [sflag:$0x2] =	stream.indirect.gather [hbm4b:s4+s18], $0x40, s28, s18, $0xb8;
	[tilespmem:$0x1A000] =	vst v63  }
0x37: {  	_ =	swait.ge [sflag:s21], $0x2000  }
0x38: {  	[sflag:s21] =	ssyncset.done $0x0  }
0x39: {  	s28 =	simm.s32 $0x5000;
	[sflag:s21] =	ssyncadd.s32 $0xFFFFE000  }
0x3a: {  	[spmem:s2] =	stream.indirect.scatter.add.f32 [tilespmem:s19], [sflag:$0x3], $0x40, s28, s18, $0xb8;
	[tilespmem:$0x1A000] =	vst v63  }
0x3b: {  	_ =	swait.ge [sflag:s15], $0x2000  }
0x3c: {  	[sflag:s15] =	ssyncset.done $0x0  }
0x3d: {  	s28 =	simm.s32 $0x100;
	[sflag:s15] =	ssyncadd.s32 $0xFFFFE000  }
0x3e: {  	[tilespmem:s19], [sflag:$0x1] =	stream.indirect.gather [hbm4b:s4+s18], $0x40, s28, s18, $0xb8;
	[tilespmem:$0x1A000] =	vst v63  }
0x3f: {  	_ =	swait.ge [sflag:s22], $0x2000  }
0x40: {  	[sflag:s22] =	ssyncset.done $0x0  }
0x41: {  	s28 =	simm.s32 $0x5080;
	[sflag:s22] =	ssyncadd.s32 $0xFFFFE000  }
0x42: {  	[spmem:s2] =	stream.indirect.scatter.add.f32 [tilespmem:s20], [sflag:$0x3], $0x40, s28, s18, $0xb8;
	[tilespmem:$0x1A000] =	vst v63  }
0x43: {  	_ =	swait.ge [sflag:s15], $0x2000  }
0x44: {  	s29 =	simm.s32 $0x800;
	s28 =	simm.s32 $0x100;
	[sflag:s15] =	ssyncset.done $0x0  }
.LBB2_2:
0x45: {  	s30 =	sadd.s32 $0x80, s28  }
0x46: {  	[sflag:s15] =	ssyncadd.s32 $0xFFFFE000;
	s31 =	smov.u32 s29;
	s0 =	sadd.s32 $0x400, s29  }
0x47: {  	[tilespmem:s20], [sflag:$0x2] =	stream.indirect.gather [hbm4b:s4+s18], $0x40, s30, s18, $0xb8;
	[tilespmem:$0x1A000] =	vst v63  }
0x48: {  	p0 =	sne.s32 s29, $0x13800;
	_ =	swait.ge [sflag:s21], $0x2000  }
0x49: {  	[sflag:s21] =	ssyncset.done $0x0  }
0x4a: {  	s29 =	sadd.s32 $0x5000, s28;
	[sflag:s21] =	ssyncadd.s32 $0xFFFFE000  }
0x4b: {  	[spmem:s2] =	stream.indirect.scatter.add.f32 [tilespmem:s19], [sflag:$0x3], $0x40, s29, s18, $0xb8;
	[tilespmem:$0x1A000] =	vst v63  }
0x4c: {  	_ =	swait.ge [sflag:s15], $0x2000  }
0x4d: {  	[sflag:s15] =	ssyncset.done $0x0  }
0x4e: {  	s29 =	sadd.s32 $0x100, s28;
	[sflag:s15] =	ssyncadd.s32 $0xFFFFE000  }
0x4f: {  	[tilespmem:s19], [sflag:$0x1] =	stream.indirect.gather [hbm4b:s4+s18], $0x40, s29, s18, $0xb8;
	[tilespmem:$0x1A000] =	vst v63  }
0x50: {  	_ =	swait.ge [sflag:s22], $0x2000  }
.Ltmp0:
0x51: {  	[sflag:s22] =	ssyncset.done $0x0;
	(pc) =	sbr.rel @p0 .LBB2_2-.Ltmp0, $4  }
0x52: {  	s28 =	sadd.s32 $0x5080, s28;
	[sflag:s22] =	ssyncadd.s32 $0xFFFFE000  }
0x53: {  	[spmem:s2] =	stream.indirect.scatter.add.f32 [tilespmem:s20], [sflag:$0x3], $0x40, s28, s18, $0xb8;
	[tilespmem:$0x1A000] =	vst v63  }
0x54: {  	_ =	swait.ge [sflag:s15], $0x2000  }
0x55: {  	s29 =	smov.u32 s0;
	s28 =	sshra.s32 s31, $0x2;
	[sflag:s15] =	ssyncset.done $0x0  }
0x56: {  	s0 =	sadd.s32 $0x80, s28;
	[sflag:s15] =	ssyncadd.s32 $0xFFFFE000  }
0x57: {  	[tilespmem:s20], [sflag:$0x2] =	stream.indirect.gather [hbm4b:s4+s18], $0x40, s0, s18, $0xb8;
	[tilespmem:$0x1A000] =	vst v63  }
0x58: {  	_ =	swait.ge [sflag:s21], $0x2000  }
0x59: {  	[sflag:s21] =	ssyncset.done $0x0  }
0x5a: {  	s30 =	sadd.s32 $0x5000, s28;
	[sflag:s21] =	ssyncadd.s32 $0xFFFFE000  }
0x5b: {  	[spmem:s2] =	stream.indirect.scatter.add.f32 [tilespmem:s19], [sflag:$0x3], $0x40, s30, s18, $0xb8;
	[tilespmem:$0x1A000] =	vst v63  }
0x5c: {  	_ =	swait.ge [sflag:s15], $0x2000  }
0x5d: {  	[sflag:s15] =	ssyncset.done $0x0  }
0x5e: {  	s31 =	sadd.s32 $0x100, s28;
	[sflag:s15] =	ssyncadd.s32 $0xFFFFE000  }
0x5f: {  	[tilespmem:s19], [sflag:$0x1] =	stream.indirect.gather [hbm4b:s4+s18], $0x40, s31, s18, $0xb8;
	[tilespmem:$0x1A000] =	vst v63  }
0x60: {  	_ =	swait.ge [sflag:s22], $0x2000  }
0x61: {  	[sflag:s22] =	ssyncset.done $0x0  }
0x62: {  	s29 =	sadd.s32 $0x5080, s28;
	[sflag:s22] =	ssyncadd.s32 $0xFFFFE000  }
0x63: {  	[spmem:s2] =	stream.indirect.scatter.add.f32 [tilespmem:s20], [sflag:$0x3], $0x40, s29, s18, $0xb8;
	[tilespmem:$0x1A000] =	vst v63  }
0x64: {  	_ =	swait.ge [sflag:s15], $0x2000  }
0x65: {  	[sflag:s15] =	ssyncset.done $0x0  }
0x66: {  	[sflag:s15] =	ssyncadd.s32 $0xFFFFE000  }
0x67: {  	[tilespmem:s20], [sflag:$0x2] =	stream.indirect.gather [hbm4b:s4+s18], $0x40, s23, s18, $0xb8;
	[tilespmem:$0x1A000] =	vst v63  }
0x68: {  	_ =	swait.ge [sflag:s21], $0x2000  }
0x69: {  	[sflag:s21] =	ssyncset.done $0x0  }
0x6a: {  	[sflag:s21] =	ssyncadd.s32 $0xFFFFE000  }
0x6b: {  	[spmem:s2] =	stream.indirect.scatter.add.f32 [tilespmem:s19], [sflag:$0x3], $0x40, s24, s18, $0xb8;
	[tilespmem:$0x1A000] =	vst v63  }
0x6c: {  	_ =	swait.ge [sflag:s15], $0x2000  }
0x6d: {  	[sflag:s15] =	ssyncset.done $0x0  }
0x6e: {  	[sflag:s15] =	ssyncadd.s32 $0xFFFFE000  }
0x6f: {  	_ =	swait.ge [sflag:s22], $0x2000  }
0x70: {  	[sflag:s22] =	ssyncset.done $0x0  }
0x71: {  	[sflag:s22] =	ssyncadd.s32 $0xFFFFE000  }
0x72: {  	[spmem:s2] =	stream.indirect.scatter.add.f32 [tilespmem:s20], [sflag:$0x3], $0x40, s25, s18, $0xb8;
	[tilespmem:$0x1A000] =	vst v63  }
0x73: {  	_ =	swait.ge [sflag:s15], $0x2000  }
0x74: {  	s26 =	sadd.s32 $0x1, s26;
	s30 =	sshll.u32 s1, $0x6;
	[sflag:s15] =	ssyncset.done $0x0  }
0x75: {  	p0 =	sne.s32 s26, s13;
	s0 =	sor.u32 $0x1C03, s30;
	[sflag:s15] =	ssyncadd.s32 $0xFFFFE000  }
.Ltmp1:
0x76: {  	s31 =	sshrl.u32 s7, $0x3;
	[bflag:$0x0] =	sbarrier.arrive $0xFFFF;
	(pc) =	sbr.rel @p0 .LBB2_1-.Ltmp1, $4  }
0x77: {  	[hbm:s12], [sflag:s0] =	dma.local [spmem:s31], $0x1400  }
0x78: {  	_ =	swait.ge [sflag:s15], $0x1400  }
0x79: {  	[sflag:s15] =	ssyncset.done $0x0  }
0x7a: {  	[sflag:s15] =	ssyncadd.s32 $0xFFFFEC00  }
0x7b: {  	_ =	sfence.sel $0x180000  }
0x7c: {  	[bflag:$0x0] =	sbarrier.arrive $0xFFFF  }
0x7d: {  	_ =	strace $0x9000004A  }
0x7e: {  	[bflag:$0x2] =	sbarrier.arrive $0xFFFF  }
0x7f: {  	p0 =	sne.s32 s1, $0x0;
	s0 =	rddreg [dreg:$0x3]  }
0x80: {  	s0 =	sadd.s32 @!p0 $0x100000, s0  }
0x81: {  	[sflag:s0] =	ssyncadd.tile.s32 @!p0 $0x1;
	_ =	shalt  }
.Lfunc_end2:
_tile_overlayer_lowered:
.L_overlay_start_2:
0x82: {  	(tag) =	ssettag $0x2  }
0x83: {  	s0 =	rddreg [dreg:$0x0];
	s2 =	stileid.u32  }
0x84: {  	s1 =	rddreg [dreg:$0x1];
	p0 =	sne.s32 s2, $0x0  }
0x85: {  	s3 =	rddreg [dreg:$0x2];
	[bflag:$0x3] =	sbarrier.arrive $0xFFFF;
	s2 =	simm.s32 @!p0 $0x1C03  }
0x86: {  	[timem:s3], [sflag:s2] =	dma.local @!p0 [hbm:s0], s1  }
0x87: {  	s0 =	simm.s32 @!p0 $0x3  }
0x88: {  	_ =	swait.ge @!p0 [sflag:s0], s1  }
0x89: {  	s1 =	ssub.s32 @!p0 $0x0, s1;
	[sflag:s0] =	ssyncset.done @!p0 $0x0  }
0x8a: {  	[sflag:s0] =	ssyncadd.s32 @!p0 s1  }
0x8b: {  	[bflag:$0x3] =	sbarrier.arrive $0xFFFF  }
0x8c: {  	_ =	shalt  }

// kernel: kernel.14.cloned.1.call-start
scs
__scs_entry_jumppad:
0x0: {  	(pc) =	sbr.rel $0x88, $3  }
0x1: {  	(tag) =	ssettag $0x0;
	lr =	simm.s32 $0x1  }
0x2: {  	[smem:$0x3F9B] =	sst lr;
	_ =	strace $0xD0000000  }
0x3: {  	_ = 	snop  }
0x4: {  	_ = 	snop  }
0x5: {  	_ = 	snop  }
0x6: {  	_ = 	snop  }
0x7: {  	_ = 	snop  }
__scs_overlays_trampoline_lowered:
0x8: {  	[smem:$0x3FAA] =	sst s0  }
0x9: {  	[smem:$0x3FAB] =	sst s1  }
0xa: {  	[smem:$0x3FAC] =	sst s2  }
0xb: {  	[smem:$0x3FAD] =	sst s3  }
0xc: {  	[smem:$0x3FAE] =	sst s4  }
0xd: {  	[smem:$0x3FAF] =	sst s5  }
0xe: {  	[smem:$0x3FB0] =	sst s6  }
0xf: {  	[smem:$0x3FB1] =	sst s7  }
0x10: {  	[smem:$0x3FB2] =	sst s8  }
0x11: {  	[smem:$0x3FB3] =	sst s9;
	s0 =	simm.s32 @!p0 $0x0  }
0x12: {  	s1 =	sld [smem:$0x3F99];
	s0 =	simm.s32 @p0 $0x1  }
0x13: {  	[smem:$0x3FB4] =	sst s0;
	s0 =	simm.s32 @!p1 $0x0  }
0x14: {  	s2 =	sld [smem:$0x3F98];
	s0 =	simm.s32 @p1 $0x1  }
0x15: {  	[smem:$0x3FB5] =	sst s0;
	s0 =	simm.s32 @!p2 $0x0  }
0x16: {  	s3 =	sld [smem:$0x3FDB];
	s0 =	simm.s32 @p2 $0x1  }
0x17: {  	s4 =	simm.s32 $0x1BF5;
	[smem:$0x3FB7] =	sst s0  }
0x18: {  	s0 =	sld [smem:$0x3F9A];
	_ =	swait.ge [sflag:s4], $0x0  }
0x19: {  	s7 =	sld [smem:$0x3F9B]  }
0x1a: {  	s8 =	sadd.s32 $0xFFFFE003, lr  }
0x1b: {  	s9 =	sadd.s32 $0xFFFFFEF7, lr;
	s5 =	simm.s32 $0xFFFFFFFF;
	p2 =	slt.u32 s8, $0xFFFFF086  }
0x1c: {  	p1 =	slt.u32 s9, $0xF7A;
	s5 =	simm.s32 @!p2 $0x0  }
0x1d: {  	s5 =	simm.s32 @p1 $0x1;
	p0 =	seq.s32 s7, s2  }
0x1e: {  	s7 =	smul.u32 @!p0 $0xF7A, s2;
	p2 =	seq.s32 @!p0 s5, $0x0  }
0x1f: {  	s9 =	smul.u32 $0xF7A, s1;
	s8 =	simm.s32 @!p0 $0x1BF5;
	p2 =	por !p2, p0  }
0x20: {  	[sflag:s8] =	ssyncset.s32 @!p0 $0xFFFFF086;
	s6 =	sadd.s32 @!p0 s3, s7;
	s7 =	simm.s32 @!p0 $0x108  }
0x21: {  	s3 =	sadd.s32 s3, s9;
	s6 =	sadd.s32 @!p0 $0x88, s6;
	s7 =	simm.s32 @p2 $0x1082  }
0x22: {  	[simem:s7], [sflag:s8] =	dma.local @!p0 [hbm:s6], $0xF7A  }
0x23: {  	s9 =	sor.u32 $0xD0000000, s2;
	s6 =	simm.s32 $0x108;
	_ =	swait.ge @!p0 [sflag:s8], $0x0  }
0x24: {  	s3 =	sadd.s32 $0x88, s3;
	s6 =	simm.s32 @!p1 $0x1082;
	[sflag:s4] =	ssyncset.s32 $0xFFFFF086  }
0x25: {  	[simem:s6], [sflag:s4] =	dma.local [hbm:s3], $0xF7A  }
0x26: {  	[smem:$0x3F9B] =	sst s1;
	(tag) =	ssettag s2;
	_ =	strace s9  }
0x27: {  	s1 =	sld [smem:$0x3FAB]  }
0x28: {  	s2 =	sld [smem:$0x3FAC]  }
0x29: {  	s4 =	sld [smem:$0x3FAE]  }
0x2a: {  	p0 =	seq.s32 s5, $0x0;
	s5 =	sld [smem:$0x3FAF]  }
0x2b: {  	s6 =	sld [smem:$0x3FB0]  }
0x2c: {  	s7 =	sld [smem:$0x3FB1]  }
0x2d: {  	s3 =	simm.s32 $0x108;
	s8 =	sld [smem:$0x3FB2]  }
0x2e: {  	s3 =	simm.s32 @!p0 $0x1082;
	s9 =	sld [smem:$0x3FB3]  }
0x2f: {  	lr =	sadd.s32 s0, s3;
	s0 =	sld [smem:$0x3FAA]  }
0x30: {  	s3 =	sld [smem:$0x3FAD]  }
0x31: {  	[smem:$0x3FB6] =	sst s10  }
0x32: {  	s10 =	sld [smem:$0x3FB4];
	_ =	sdelay $0x3  }
0x33: {  	p0 =	seq.s32 s10, $0x1;
	s10 =	sld [smem:$0x3FB6];
	_ =	sdelay $0x3  }
0x34: {  	[smem:$0x3FB6] =	sst s10  }
0x35: {  	s10 =	sld [smem:$0x3FB5];
	_ =	sdelay $0x3  }
0x36: {  	p1 =	seq.s32 s10, $0x1;
	s10 =	sld [smem:$0x3FB6];
	_ =	sdelay $0x3  }
0x37: {  	[smem:$0x3FB6] =	sst s10  }
0x38: {  	s10 =	sld [smem:$0x3FB7]  }
0x39: {  	_ = 	snop;
	(pc) =	sbr.ind lr, $3  }
0x3a: {  	_ = 	snop  }
0x3b: {  	_ = 	snop  }
0x3c: {  	p2 =	seq.s32 s10, $0x1;
	s10 =	sld [smem:$0x3FB6]  }
0x3d: {  	_ =	shalt  }
0x3e: {  	_ =	shalt  }
0x3f: {  	_ =	shalt  }
0x40: {  	_ =	shalt  }
0x41: {  	_ =	shalt  }
0x42: {  	_ =	shalt  }
0x43: {  	_ =	shalt  }
0x44: {  	_ =	shalt  }
0x45: {  	_ =	shalt  }
0x46: {  	_ =	shalt  }
0x47: {  	_ =	shalt  }
0x48: {  	_ =	shalt  }
0x49: {  	_ =	shalt  }
0x4a: {  	_ =	shalt  }
0x4b: {  	_ =	shalt  }
0x4c: {  	_ =	shalt  }
0x4d: {  	_ =	shalt  }
0x4e: {  	_ =	shalt  }
0x4f: {  	_ =	shalt  }
0x50: {  	_ =	shalt  }
0x51: {  	_ =	shalt  }
0x52: {  	_ =	shalt  }
0x53: {  	_ =	shalt  }
0x54: {  	_ =	shalt  }
0x55: {  	_ =	shalt  }
0x56: {  	_ =	shalt  }
0x57: {  	_ =	shalt  }
0x58: {  	_ =	shalt  }
0x59: {  	_ =	shalt  }
0x5a: {  	_ =	shalt  }
0x5b: {  	_ =	shalt  }
0x5c: {  	_ =	shalt  }
0x5d: {  	_ =	shalt  }
0x5e: {  	_ =	shalt  }
0x5f: {  	_ =	shalt  }
0x60: {  	_ =	shalt  }
0x61: {  	_ =	shalt  }
0x62: {  	_ =	shalt  }
0x63: {  	_ =	shalt  }
0x64: {  	_ =	shalt  }
0x65: {  	_ =	shalt  }
0x66: {  	_ =	shalt  }
0x67: {  	_ =	shalt  }
0x68: {  	_ =	shalt  }
0x69: {  	_ =	shalt  }
0x6a: {  	_ =	shalt  }
0x6b: {  	_ =	shalt  }
0x6c: {  	_ =	shalt  }
0x6d: {  	_ =	shalt  }
0x6e: {  	_ =	shalt  }
0x6f: {  	_ =	shalt  }
0x70: {  	_ =	shalt  }
0x71: {  	_ =	shalt  }
0x72: {  	_ =	shalt  }
0x73: {  	_ =	shalt  }
0x74: {  	_ =	shalt  }
0x75: {  	_ =	shalt  }
0x76: {  	_ =	shalt  }
0x77: {  	_ =	shalt  }
0x78: {  	_ =	shalt  }
0x79: {  	_ =	shalt  }
0x7a: {  	_ =	shalt  }
0x7b: {  	_ =	shalt  }
0x7c: {  	_ =	shalt  }
0x7d: {  	_ =	shalt  }
0x7e: {  	_ =	shalt  }
0x7f: {  	_ =	shalt  }
0x80: {  	_ =	shalt  }
0x81: {  	_ =	shalt  }
0x82: {  	_ =	shalt  }
0x83: {  	_ =	shalt  }
0x84: {  	_ =	shalt  }
0x85: {  	_ =	shalt  }
0x86: {  	_ =	shalt  }
0x87: {  	_ =	shalt  }
.Lfunc_end0:
.L_simem_size_0:
called_computation.2_lowered:
.L_overlay_start_0:
0x88: {  	s2 =	sld [smem:$0x3FD9]  }
0x89: {  	s3 =	sld [smem:$0x3FFE];
	_ =	sdelay $0x1  }
0x8a: {  	s1 =	srdreg.scid  }
0x8b: {  	s0 =	sand.u32 $0x1, s1  }
0x8c: {  	s17 =	sshll.u32 s0, $0xA;
	s2 =	sadd.s32 s3, s2  }
0x8d: {  	s2 =	sadd.s32 s2, s17  }
0x8e: {  	[smem:$0x3FC2] =	sst s2  }
0x8f: {  	_ = 	snop  }
0x90: {  	s2 =	sld [smem:$0x3FD0];
	(tm) =	ssettm $0x1  }
0x91: {  	s18 =	sld [smem:$0x3FFB];
	_ =	sdelay $0x3  }
0x92: {  	_ =	strace s18  }
0x93: {  	s3 =	sld [smem:$0x3FFC];
	_ =	sdelay $0x3  }
0x94: {  	_ =	strace s3  }
0x95: {  	s3 =	sld [smem:$0x3FFD];
	_ =	sdelay $0x3  }
0x96: {  	_ =	strace s3  }
0x97: {  	_ =	strace $0x8FFFFFFF  }
0x98: {  	s19 =	sld [smem:$0x3FDB];
	_ =	sdelay $0x1  }
0x99: {  	s4 =	simm.s32 $_scs_section_size  }
0x9a: {  	s5 =	simm.s32 $_size__tile_overlayer_lowered;
	s6 =	simm.s32 $_tile_overlayer_lowered  }
0x9b: {  	s22 =	simm.s32 $0x1BFF;
	s21 =	sshll.u32 s6, $0x1;
	s3 =	sadd.s32 s4, s19  }
0x9c: {  	s7 =	simm.s32 $0x0;
	s20 =	sshll.u32 s5, $0x1;
	s5 =	sadd.s32 s21, s3  }
0x9d: {  	[timem:s7], [sflag:s22] =	dma.local [hbm:s5], s20  }
0x9e: {  	_ =	swait.ge [sflag:s22], s20  }
0x9f: {  	s4 =	ssub.s32 $0x0, s20;
	[sflag:s22] =	ssyncset.done $0x0  }
0xa0: {  	[sflag:s22] =	ssyncadd.s32 s4;
	_ =	sdelay $0x1  }
0xa1: {  	s23 =	simm.s32 $0x1B8B  }
0xa2: {  	_ =	swait.ge [sflag:s23], $0x1  }
0xa3: {  	[sflag:s23] =	ssyncset.done $0x0  }
0xa4: {  	s25 =	simm.s32 $0x1B8E;
	s24 =	sld [smem:$0x3FFE];
	[sflag:s23] =	ssyncadd.s32 $0xFFFFFFFF  }
0xa5: {  	s26 =	simm.s32 $execute0_lowered;
	[smem:$0x3FD2] =	sst s25  }
0xa6: {  	s5 =	sshll.u32 s26, $0x1;
	_ =	strace $0x8000004C;
	[dreg:$0x1] =	wrdreg $0xFFFFFFFF  }
0xa7: {  	s28 =	simm.s32 $_size_execute0_lowered;
	s3 =	sadd.s32 s3, s5;
	[dreg:$0x0] =	wrdreg $0x0  }
0xa8: {  	s5 =	sshll.u32 s28, $0x1;
	[dreg:$0x2] =	wrdreg s3  }
0xa9: {  	[dreg:$0x3] =	wrdreg s5  }
0xaa: {  	[dreg:$0x4] =	wrdreg $0xC0  }
0xab: {  	_ =	task [dreg:s7], $0x5FFFF  }
0xac: {  	[dreg:$0x1] =	wrdreg $0xFFFFFFFF  }
0xad: {  	[dreg:$0x0] =	wrdreg $0x60  }
0xae: {  	[dreg:$0x2] =	wrdreg s24  }
0xaf: {  	[dreg:$0x3] =	wrdreg s2  }
0xb0: {  	[dreg:$0x4] =	wrdreg $0x100000  }
0xb1: {  	[dreg:$0x5] =	wrdreg $0x9  }
0xb2: {  	_ =	task.clear_ibuf [dreg:s7], $0x6FFFF;
	_ =	strace $0x9000004C  }
0xb3: {  	s29 =	simm.s32 $0x9;
	_ =	strace $0x8000004E  }
0xb4: {  	_ =	swait.ge [sflag:s29], $0x1  }
0xb5: {  	[sflag:s29] =	ssyncadd.s32 $0xFFFFFFFF  }
0xb6: {  	_ =	strace $0x9000004E  }
0xb7: {  	_ =	sfence  }
0xb8: {  	s30 =	sld [smem:$0x0];
	_ =	sdelay $0x2  }
0xb9: {  	s31 =	sshll.u32 s1, $0xD;
	s1 =	sshrl.u32 s1, $0x2  }
0xba: {  	s3 =	sand.u32 $0x4000, s31;
	s1 =	sadd.s32 s1, s30  }
0xbb: {  	s0 =	sor.u32 s3, s0;
	s1 =	sshll.u32 s1, $0x11  }
0xbc: {  	s0 =	sor.u32 s1, s0  }
0xbd: {  	s0 =	sadd.s32 $0x8F2B, s0  }
0xbe: {  	[sflag:s0] =	ssyncadd.remote.s32 $0x1  }
0xbf: {  	_ =	sfence.sel $0xFFFF  }
0xc0: {  	[dreg:$0x0] =	wrdreg $0xFFFFFFFF;
	(pc) =	sbr.abs _section_cstart, $3  }
0xc1: {  	[dreg:$0x1] =	wrdreg $0xFFFFFFFF  }
0xc2: {  	_ =	task.clear_ibuf [dreg:s7], $0x2FFFF;
	_ =	strace $0x9FFFFFFF  }
0xc3: {  	(tm) =	ssettm $0x7FFFFFFF  }
tec
execute0_lowered:
.L_overlay_start_1:
0x0: {  	(tag) =	ssettag $0x1  }
0x1: {  	s12 =	rddreg [dreg:$0x0]  }
0x2: {  	s6 =	rddreg [dreg:$0x1]  }
0x3: {  	s2 =	rddreg [dreg:$0x2]  }
0x4: {  	s4 =	srdreg.scid;
	s1 =	stileid.u32;
	s3 =	simm.s32 $0x0  }
0x5: {  	s18 =	simm.s32 $0x80;
	s19 =	simm.s32 $0xA000;
	s20 =	simm.s32 $0xC000  }
0x6: {  	s21 =	simm.s32 $0x1;
	s22 =	simm.s32 $0x2;
	s23 =	simm.s32 $0x4F80  }
0x7: {  	s24 =	simm.s32 $0x9F00;
	s25 =	simm.s32 $0x9F80;
	s8 =	smul.u32 $0xA000, s1  }
0x8: {  	s26 =	simm.s32 $0x0;
	s7 =	sand.u32 $0x1, s4;
	s14 =	smul.u32 $0xA00, s1  }
0x9: {  	[smem:$0x7FF] =	sst s3;
	s4 =	sadd.s32 $0x17400, s12;
	s13 =	smul.u32 $0x28000, s1  }
0xa: {  	s5 =	smul.u32 $0xA0000, s7;
	_ =	strace $0x8000004D;
	s9 =	ssub.s32 $0x2, s7  }
0xb: {  	p0 =	seq.s32 s7, $0x1;
	s11 =	sshrl.u32 s9, $0x1;
	s6 =	sadd.s32 s6, s14  }
0xc: {  	s30 =	sshrl.u32 s13, $0x2;
	s7 =	sadd.s32 s8, s2;
	s13 =	simm.s32 $0x3400  }
0xd: {  	s5 =	sadd.s32 s8, s5;
	s16 =	ssub.s32 s9, s11;
	s31 =	sadd.s32 s30, s2  }
0xe: {  	s13 =	simm.s32 @!p0 $0xD400;
	s10 =	sshrl.u32 s5, $0x3;
	s5 =	sadd.s32 $0x2000, s12  }
0xf: {  	s8 =	sadd.s32 $0x2000, s31;
	s9 =	sadd.s32 $0x4000, s31;
	s11 =	sadd.s32 $0x8000, s31  }
0x10: {  	s17 =	sadd.s32 s13, s12;
	s13 =	smax.u32 s16, $0x1;
	s16 =	simm.s32 $0x5000  }
0x11: {  	s15 =	sadd.s32 s10, s12;
	s10 =	sadd.s32 $0x6000, s31;
	s14 =	sadd.s32 s17, s14  }
0x12: {  	s17 =	simm.s32 $0xE000;
	s12 =	sadd.s32 $0x3F400, s15;
	s15 =	simm.s32 $0x3  }
.LBB2_1:
0x13: {  	[tilespmem:s3], [sflag:$0x3] =	stream.linear.gather [hbm4b:s14+s3], $0x5000, $0x38;
	[tilespmem:$0x1A000] =	vst v63  }
0x14: {  	_ =	swait.ge [sflag:s15], $0x5000  }
0x15: {  	[sflag:s15] =	ssyncset.done $0x0  }
0x16: {  	[sflag:s15] =	ssyncadd.s32 $0xFFFFB000  }
0x17: {  	[tilespmem:s16], [sflag:$0x3] =	stream.linear.gather [hbm4b:s6+s3], $0x5000, $0x38;
	[tilespmem:$0x1A000] =	vst v63  }
0x18: {  	_ =	swait.ge [sflag:s15], $0x5000  }
0x19: {  	[sflag:s15] =	ssyncset.done $0x0  }
0x1a: {  	[sflag:s15] =	ssyncadd.s32 $0xFFFFB000  }
0x1b: {  	[tilespmem:s17], [sflag:$0x3] =	stream.linear.gather [hbm4b:s5+s3], $0x2000, $0x38;
	[tilespmem:$0x1A000] =	vst v63  }
0x1c: {  	_ =	swait.ge [sflag:s15], $0x2000  }
0x1d: {  	[sflag:s15] =	ssyncset.done $0x0  }
0x1e: {  	[sflag:s15] =	ssyncadd.s32 $0xFFFFE000  }
0x1f: {  	[spmem:s7] =	stream.linear.scatter [tilespmem:s17], [sflag:$0x3], $0x2000, $0x38;
	[tilespmem:$0x1A000] =	vst v63  }
0x20: {  	_ =	swait.ge [sflag:s15], $0x2000  }
0x21: {  	[sflag:s15] =	ssyncset.done $0x0  }
0x22: {  	[sflag:s15] =	ssyncadd.s32 $0xFFFFE000  }
0x23: {  	[spmem:s8] =	stream.linear.scatter [tilespmem:s17], [sflag:$0x3], $0x2000, $0x38;
	[tilespmem:$0x1A000] =	vst v63  }
0x24: {  	_ =	swait.ge [sflag:s15], $0x2000  }
0x25: {  	[sflag:s15] =	ssyncset.done $0x0  }
0x26: {  	[sflag:s15] =	ssyncadd.s32 $0xFFFFE000  }
0x27: {  	[spmem:s9] =	stream.linear.scatter [tilespmem:s17], [sflag:$0x3], $0x2000, $0x38;
	[tilespmem:$0x1A000] =	vst v63  }
0x28: {  	_ =	swait.ge [sflag:s15], $0x2000  }
0x29: {  	[sflag:s15] =	ssyncset.done $0x0  }
0x2a: {  	[sflag:s15] =	ssyncadd.s32 $0xFFFFE000  }
0x2b: {  	[spmem:s10] =	stream.linear.scatter [tilespmem:s17], [sflag:$0x3], $0x2000, $0x38;
	[tilespmem:$0x1A000] =	vst v63  }
0x2c: {  	_ =	swait.ge [sflag:s15], $0x2000  }
0x2d: {  	[sflag:s15] =	ssyncset.done $0x0  }
0x2e: {  	[sflag:s15] =	ssyncadd.s32 $0xFFFFE000  }
0x2f: {  	[spmem:s11] =	stream.linear.scatter [tilespmem:s17], [sflag:$0x3], $0x2000, $0x38;
	[tilespmem:$0x1A000] =	vst v63  }
0x30: {  	_ =	swait.ge [sflag:s15], $0x2000  }
0x31: {  	[sflag:s15] =	ssyncset.done $0x0  }
0x32: {  	[sflag:s15] =	ssyncadd.s32 $0xFFFFE000  }
0x33: {  	[bflag:$0x0] =	sbarrier.arrive $0xFFFF  }
0x34: {  	[tilespmem:s19], [sflag:$0x1] =	stream.indirect.gather [hbm4b:s4+s18], $0x40, s3, s18, $0xb8;
	[tilespmem:$0x1A000] =	vst v63  }
0x35: {  	s28 =	simm.s32 $0x80  }
0x36: {  	[tilespmem:s20], [sflag:$0x2] =	stream.indirect.gather [hbm4b:s4+s18], $0x40, s28, s18, $0xb8;
	[tilespmem:$0x1A000] =	vst v63  }
0x37: {  	_ =	swait.ge [sflag:s21], $0x2000  }
0x38: {  	[sflag:s21] =	ssyncset.done $0x0  }
0x39: {  	s28 =	simm.s32 $0x5000;
	[sflag:s21] =	ssyncadd.s32 $0xFFFFE000  }
0x3a: {  	[spmem:s2] =	stream.indirect.scatter.add.f32 [tilespmem:s19], [sflag:$0x3], $0x40, s28, s18, $0xb8;
	[tilespmem:$0x1A000] =	vst v63  }
0x3b: {  	_ =	swait.ge [sflag:s15], $0x2000  }
0x3c: {  	[sflag:s15] =	ssyncset.done $0x0  }
0x3d: {  	s28 =	simm.s32 $0x100;
	[sflag:s15] =	ssyncadd.s32 $0xFFFFE000  }
0x3e: {  	[tilespmem:s19], [sflag:$0x1] =	stream.indirect.gather [hbm4b:s4+s18], $0x40, s28, s18, $0xb8;
	[tilespmem:$0x1A000] =	vst v63  }
0x3f: {  	_ =	swait.ge [sflag:s22], $0x2000  }
0x40: {  	[sflag:s22] =	ssyncset.done $0x0  }
0x41: {  	s28 =	simm.s32 $0x5080;
	[sflag:s22] =	ssyncadd.s32 $0xFFFFE000  }
0x42: {  	[spmem:s2] =	stream.indirect.scatter.add.f32 [tilespmem:s20], [sflag:$0x3], $0x40, s28, s18, $0xb8;
	[tilespmem:$0x1A000] =	vst v63  }
0x43: {  	_ =	swait.ge [sflag:s15], $0x2000  }
0x44: {  	s29 =	simm.s32 $0x800;
	s28 =	simm.s32 $0x100;
	[sflag:s15] =	ssyncset.done $0x0  }
.LBB2_2:
0x45: {  	s30 =	sadd.s32 $0x80, s28  }
0x46: {  	[sflag:s15] =	ssyncadd.s32 $0xFFFFE000;
	s31 =	smov.u32 s29;
	s0 =	sadd.s32 $0x400, s29  }
0x47: {  	[tilespmem:s20], [sflag:$0x2] =	stream.indirect.gather [hbm4b:s4+s18], $0x40, s30, s18, $0xb8;
	[tilespmem:$0x1A000] =	vst v63  }
0x48: {  	p0 =	sne.s32 s29, $0x13800;
	_ =	swait.ge [sflag:s21], $0x2000  }
0x49: {  	[sflag:s21] =	ssyncset.done $0x0  }
0x4a: {  	s29 =	sadd.s32 $0x5000, s28;
	[sflag:s21] =	ssyncadd.s32 $0xFFFFE000  }
0x4b: {  	[spmem:s2] =	stream.indirect.scatter.add.f32 [tilespmem:s19], [sflag:$0x3], $0x40, s29, s18, $0xb8;
	[tilespmem:$0x1A000] =	vst v63  }
0x4c: {  	_ =	swait.ge [sflag:s15], $0x2000  }
0x4d: {  	[sflag:s15] =	ssyncset.done $0x0  }
0x4e: {  	s29 =	sadd.s32 $0x100, s28;
	[sflag:s15] =	ssyncadd.s32 $0xFFFFE000  }
0x4f: {  	[tilespmem:s19], [sflag:$0x1] =	stream.indirect.gather [hbm4b:s4+s18], $0x40, s29, s18, $0xb8;
	[tilespmem:$0x1A000] =	vst v63  }
0x50: {  	_ =	swait.ge [sflag:s22], $0x2000  }
.Ltmp0:
0x51: {  	[sflag:s22] =	ssyncset.done $0x0;
	(pc) =	sbr.rel @p0 .LBB2_2-.Ltmp0, $4  }
0x52: {  	s28 =	sadd.s32 $0x5080, s28;
	[sflag:s22] =	ssyncadd.s32 $0xFFFFE000  }
0x53: {  	[spmem:s2] =	stream.indirect.scatter.add.f32 [tilespmem:s20], [sflag:$0x3], $0x40, s28, s18, $0xb8;
	[tilespmem:$0x1A000] =	vst v63  }
0x54: {  	_ =	swait.ge [sflag:s15], $0x2000  }
0x55: {  	s29 =	smov.u32 s0;
	s28 =	sshra.s32 s31, $0x2;
	[sflag:s15] =	ssyncset.done $0x0  }
0x56: {  	s0 =	sadd.s32 $0x80, s28;
	[sflag:s15] =	ssyncadd.s32 $0xFFFFE000  }
0x57: {  	[tilespmem:s20], [sflag:$0x2] =	stream.indirect.gather [hbm4b:s4+s18], $0x40, s0, s18, $0xb8;
	[tilespmem:$0x1A000] =	vst v63  }
0x58: {  	_ =	swait.ge [sflag:s21], $0x2000  }
0x59: {  	[sflag:s21] =	ssyncset.done $0x0  }
0x5a: {  	s30 =	sadd.s32 $0x5000, s28;
	[sflag:s21] =	ssyncadd.s32 $0xFFFFE000  }
0x5b: {  	[spmem:s2] =	stream.indirect.scatter.add.f32 [tilespmem:s19], [sflag:$0x3], $0x40, s30, s18, $0xb8;
	[tilespmem:$0x1A000] =	vst v63  }
0x5c: {  	_ =	swait.ge [sflag:s15], $0x2000  }
0x5d: {  	[sflag:s15] =	ssyncset.done $0x0  }
0x5e: {  	s31 =	sadd.s32 $0x100, s28;
	[sflag:s15] =	ssyncadd.s32 $0xFFFFE000  }
0x5f: {  	[tilespmem:s19], [sflag:$0x1] =	stream.indirect.gather [hbm4b:s4+s18], $0x40, s31, s18, $0xb8;
	[tilespmem:$0x1A000] =	vst v63  }
0x60: {  	_ =	swait.ge [sflag:s22], $0x2000  }
0x61: {  	[sflag:s22] =	ssyncset.done $0x0  }
0x62: {  	s29 =	sadd.s32 $0x5080, s28;
	[sflag:s22] =	ssyncadd.s32 $0xFFFFE000  }
0x63: {  	[spmem:s2] =	stream.indirect.scatter.add.f32 [tilespmem:s20], [sflag:$0x3], $0x40, s29, s18, $0xb8;
	[tilespmem:$0x1A000] =	vst v63  }
0x64: {  	_ =	swait.ge [sflag:s15], $0x2000  }
0x65: {  	[sflag:s15] =	ssyncset.done $0x0  }
0x66: {  	[sflag:s15] =	ssyncadd.s32 $0xFFFFE000  }
0x67: {  	[tilespmem:s20], [sflag:$0x2] =	stream.indirect.gather [hbm4b:s4+s18], $0x40, s23, s18, $0xb8;
	[tilespmem:$0x1A000] =	vst v63  }
0x68: {  	_ =	swait.ge [sflag:s21], $0x2000  }
0x69: {  	[sflag:s21] =	ssyncset.done $0x0  }
0x6a: {  	[sflag:s21] =	ssyncadd.s32 $0xFFFFE000  }
0x6b: {  	[spmem:s2] =	stream.indirect.scatter.add.f32 [tilespmem:s19], [sflag:$0x3], $0x40, s24, s18, $0xb8;
	[tilespmem:$0x1A000] =	vst v63  }
0x6c: {  	_ =	swait.ge [sflag:s15], $0x2000  }
0x6d: {  	[sflag:s15] =	ssyncset.done $0x0  }
0x6e: {  	[sflag:s15] =	ssyncadd.s32 $0xFFFFE000  }
0x6f: {  	_ =	swait.ge [sflag:s22], $0x2000  }
0x70: {  	[sflag:s22] =	ssyncset.done $0x0  }
0x71: {  	[sflag:s22] =	ssyncadd.s32 $0xFFFFE000  }
0x72: {  	[spmem:s2] =	stream.indirect.scatter.add.f32 [tilespmem:s20], [sflag:$0x3], $0x40, s25, s18, $0xb8;
	[tilespmem:$0x1A000] =	vst v63  }
0x73: {  	_ =	swait.ge [sflag:s15], $0x2000  }
0x74: {  	s26 =	sadd.s32 $0x1, s26;
	s30 =	sshll.u32 s1, $0x6;
	[sflag:s15] =	ssyncset.done $0x0  }
0x75: {  	p0 =	sne.s32 s26, s13;
	s0 =	sor.u32 $0x1C03, s30;
	[sflag:s15] =	ssyncadd.s32 $0xFFFFE000  }
.Ltmp1:
0x76: {  	s31 =	sshrl.u32 s7, $0x3;
	[bflag:$0x0] =	sbarrier.arrive $0xFFFF;
	(pc) =	sbr.rel @p0 .LBB2_1-.Ltmp1, $4  }
0x77: {  	[hbm:s12], [sflag:s0] =	dma.local [spmem:s31], $0x1400  }
0x78: {  	_ =	swait.ge [sflag:s15], $0x1400  }
0x79: {  	[sflag:s15] =	ssyncset.done $0x0  }
0x7a: {  	[sflag:s15] =	ssyncadd.s32 $0xFFFFEC00  }
0x7b: {  	_ =	sfence.sel $0x180000  }
0x7c: {  	[bflag:$0x0] =	sbarrier.arrive $0xFFFF  }
0x7d: {  	_ =	strace $0x9000004D  }
0x7e: {  	[bflag:$0x2] =	sbarrier.arrive $0xFFFF  }
0x7f: {  	p0 =	sne.s32 s1, $0x0;
	s0 =	rddreg [dreg:$0x3]  }
0x80: {  	s0 =	sadd.s32 @!p0 $0x100000, s0  }
0x81: {  	[sflag:s0] =	ssyncadd.tile.s32 @!p0 $0x1;
	_ =	shalt  }
.Lfunc_end2:
_tile_overlayer_lowered:
.L_overlay_start_2:
0x82: {  	(tag) =	ssettag $0x2  }
0x83: {  	s0 =	rddreg [dreg:$0x0];
	s2 =	stileid.u32  }
0x84: {  	s1 =	rddreg [dreg:$0x1];
	p0 =	sne.s32 s2, $0x0  }
0x85: {  	s3 =	rddreg [dreg:$0x2];
	[bflag:$0x3] =	sbarrier.arrive $0xFFFF;
	s2 =	simm.s32 @!p0 $0x1C03  }
0x86: {  	[timem:s3], [sflag:s2] =	dma.local @!p0 [hbm:s0], s1  }
0x87: {  	s0 =	simm.s32 @!p0 $0x3  }
0x88: {  	_ =	swait.ge @!p0 [sflag:s0], s1  }
0x89: {  	s1 =	ssub.s32 @!p0 $0x0, s1;
	[sflag:s0] =	ssyncset.done @!p0 $0x0  }
0x8a: {  	[sflag:s0] =	ssyncadd.s32 @!p0 s1  }
0x8b: {  	[bflag:$0x3] =	sbarrier.arrive $0xFFFF  }
0x8c: {  	_ =	shalt  }

// kernel: kernel.8.cloned.1.call-start
scs
__scs_entry_jumppad:
0x0: {  	(pc) =	sbr.rel $0x88, $3  }
0x1: {  	(tag) =	ssettag $0x0;
	lr =	simm.s32 $0x1  }
0x2: {  	[smem:$0x3F9B] =	sst lr;
	_ =	strace $0xD0000000  }
0x3: {  	_ = 	snop  }
0x4: {  	_ = 	snop  }
0x5: {  	_ = 	snop  }
0x6: {  	_ = 	snop  }
0x7: {  	_ = 	snop  }
__scs_overlays_trampoline_lowered:
0x8: {  	[smem:$0x3FAA] =	sst s0  }
0x9: {  	[smem:$0x3FAB] =	sst s1  }
0xa: {  	[smem:$0x3FAC] =	sst s2  }
0xb: {  	[smem:$0x3FAD] =	sst s3  }
0xc: {  	[smem:$0x3FAE] =	sst s4  }
0xd: {  	[smem:$0x3FAF] =	sst s5  }
0xe: {  	[smem:$0x3FB0] =	sst s6  }
0xf: {  	[smem:$0x3FB1] =	sst s7  }
0x10: {  	[smem:$0x3FB2] =	sst s8  }
0x11: {  	[smem:$0x3FB3] =	sst s9;
	s0 =	simm.s32 @!p0 $0x0  }
0x12: {  	s1 =	sld [smem:$0x3F99];
	s0 =	simm.s32 @p0 $0x1  }
0x13: {  	[smem:$0x3FB4] =	sst s0;
	s0 =	simm.s32 @!p1 $0x0  }
0x14: {  	s2 =	sld [smem:$0x3F98];
	s0 =	simm.s32 @p1 $0x1  }
0x15: {  	[smem:$0x3FB5] =	sst s0;
	s0 =	simm.s32 @!p2 $0x0  }
0x16: {  	s3 =	sld [smem:$0x3FDB];
	s0 =	simm.s32 @p2 $0x1  }
0x17: {  	s4 =	simm.s32 $0x1BF5;
	[smem:$0x3FB7] =	sst s0  }
0x18: {  	s0 =	sld [smem:$0x3F9A];
	_ =	swait.ge [sflag:s4], $0x0  }
0x19: {  	s7 =	sld [smem:$0x3F9B]  }
0x1a: {  	s8 =	sadd.s32 $0xFFFFE003, lr  }
0x1b: {  	s9 =	sadd.s32 $0xFFFFFEF7, lr;
	s5 =	simm.s32 $0xFFFFFFFF;
	p2 =	slt.u32 s8, $0xFFFFF086  }
0x1c: {  	p1 =	slt.u32 s9, $0xF7A;
	s5 =	simm.s32 @!p2 $0x0  }
0x1d: {  	s5 =	simm.s32 @p1 $0x1;
	p0 =	seq.s32 s7, s2  }
0x1e: {  	s7 =	smul.u32 @!p0 $0xF7A, s2;
	p2 =	seq.s32 @!p0 s5, $0x0  }
0x1f: {  	s9 =	smul.u32 $0xF7A, s1;
	s8 =	simm.s32 @!p0 $0x1BF5;
	p2 =	por !p2, p0  }
0x20: {  	[sflag:s8] =	ssyncset.s32 @!p0 $0xFFFFF086;
	s6 =	sadd.s32 @!p0 s3, s7;
	s7 =	simm.s32 @!p0 $0x108  }
0x21: {  	s3 =	sadd.s32 s3, s9;
	s6 =	sadd.s32 @!p0 $0x88, s6;
	s7 =	simm.s32 @p2 $0x1082  }
0x22: {  	[simem:s7], [sflag:s8] =	dma.local @!p0 [hbm:s6], $0xF7A  }
0x23: {  	s9 =	sor.u32 $0xD0000000, s2;
	s6 =	simm.s32 $0x108;
	_ =	swait.ge @!p0 [sflag:s8], $0x0  }
0x24: {  	s3 =	sadd.s32 $0x88, s3;
	s6 =	simm.s32 @!p1 $0x1082;
	[sflag:s4] =	ssyncset.s32 $0xFFFFF086  }
0x25: {  	[simem:s6], [sflag:s4] =	dma.local [hbm:s3], $0xF7A  }
0x26: {  	[smem:$0x3F9B] =	sst s1;
	(tag) =	ssettag s2;
	_ =	strace s9  }
0x27: {  	s1 =	sld [smem:$0x3FAB]  }
0x28: {  	s2 =	sld [smem:$0x3FAC]  }
0x29: {  	s4 =	sld [smem:$0x3FAE]  }
0x2a: {  	p0 =	seq.s32 s5, $0x0;
	s5 =	sld [smem:$0x3FAF]  }
0x2b: {  	s6 =	sld [smem:$0x3FB0]  }
0x2c: {  	s7 =	sld [smem:$0x3FB1]  }
0x2d: {  	s3 =	simm.s32 $0x108;
	s8 =	sld [smem:$0x3FB2]  }
0x2e: {  	s3 =	simm.s32 @!p0 $0x1082;
	s9 =	sld [smem:$0x3FB3]  }
0x2f: {  	lr =	sadd.s32 s0, s3;
	s0 =	sld [smem:$0x3FAA]  }
0x30: {  	s3 =	sld [smem:$0x3FAD]  }
0x31: {  	[smem:$0x3FB6] =	sst s10  }
0x32: {  	s10 =	sld [smem:$0x3FB4];
	_ =	sdelay $0x3  }
0x33: {  	p0 =	seq.s32 s10, $0x1;
	s10 =	sld [smem:$0x3FB6];
	_ =	sdelay $0x3  }
0x34: {  	[smem:$0x3FB6] =	sst s10  }
0x35: {  	s10 =	sld [smem:$0x3FB5];
	_ =	sdelay $0x3  }
0x36: {  	p1 =	seq.s32 s10, $0x1;
	s10 =	sld [smem:$0x3FB6];
	_ =	sdelay $0x3  }
0x37: {  	[smem:$0x3FB6] =	sst s10  }
0x38: {  	s10 =	sld [smem:$0x3FB7]  }
0x39: {  	_ = 	snop;
	(pc) =	sbr.ind lr, $3  }
0x3a: {  	_ = 	snop  }
0x3b: {  	_ = 	snop  }
0x3c: {  	p2 =	seq.s32 s10, $0x1;
	s10 =	sld [smem:$0x3FB6]  }
0x3d: {  	_ =	shalt  }
0x3e: {  	_ =	shalt  }
0x3f: {  	_ =	shalt  }
0x40: {  	_ =	shalt  }
0x41: {  	_ =	shalt  }
0x42: {  	_ =	shalt  }
0x43: {  	_ =	shalt  }
0x44: {  	_ =	shalt  }
0x45: {  	_ =	shalt  }
0x46: {  	_ =	shalt  }
0x47: {  	_ =	shalt  }
0x48: {  	_ =	shalt  }
0x49: {  	_ =	shalt  }
0x4a: {  	_ =	shalt  }
0x4b: {  	_ =	shalt  }
0x4c: {  	_ =	shalt  }
0x4d: {  	_ =	shalt  }
0x4e: {  	_ =	shalt  }
0x4f: {  	_ =	shalt  }
0x50: {  	_ =	shalt  }
0x51: {  	_ =	shalt  }
0x52: {  	_ =	shalt  }
0x53: {  	_ =	shalt  }
0x54: {  	_ =	shalt  }
0x55: {  	_ =	shalt  }
0x56: {  	_ =	shalt  }
0x57: {  	_ =	shalt  }
0x58: {  	_ =	shalt  }
0x59: {  	_ =	shalt  }
0x5a: {  	_ =	shalt  }
0x5b: {  	_ =	shalt  }
0x5c: {  	_ =	shalt  }
0x5d: {  	_ =	shalt  }
0x5e: {  	_ =	shalt  }
0x5f: {  	_ =	shalt  }
0x60: {  	_ =	shalt  }
0x61: {  	_ =	shalt  }
0x62: {  	_ =	shalt  }
0x63: {  	_ =	shalt  }
0x64: {  	_ =	shalt  }
0x65: {  	_ =	shalt  }
0x66: {  	_ =	shalt  }
0x67: {  	_ =	shalt  }
0x68: {  	_ =	shalt  }
0x69: {  	_ =	shalt  }
0x6a: {  	_ =	shalt  }
0x6b: {  	_ =	shalt  }
0x6c: {  	_ =	shalt  }
0x6d: {  	_ =	shalt  }
0x6e: {  	_ =	shalt  }
0x6f: {  	_ =	shalt  }
0x70: {  	_ =	shalt  }
0x71: {  	_ =	shalt  }
0x72: {  	_ =	shalt  }
0x73: {  	_ =	shalt  }
0x74: {  	_ =	shalt  }
0x75: {  	_ =	shalt  }
0x76: {  	_ =	shalt  }
0x77: {  	_ =	shalt  }
0x78: {  	_ =	shalt  }
0x79: {  	_ =	shalt  }
0x7a: {  	_ =	shalt  }
0x7b: {  	_ =	shalt  }
0x7c: {  	_ =	shalt  }
0x7d: {  	_ =	shalt  }
0x7e: {  	_ =	shalt  }
0x7f: {  	_ =	shalt  }
0x80: {  	_ =	shalt  }
0x81: {  	_ =	shalt  }
0x82: {  	_ =	shalt  }
0x83: {  	_ =	shalt  }
0x84: {  	_ =	shalt  }
0x85: {  	_ =	shalt  }
0x86: {  	_ =	shalt  }
0x87: {  	_ =	shalt  }
.Lfunc_end0:
.L_simem_size_0:
called_computation_lowered:
.L_overlay_start_0:
0x88: {  	s2 =	sld [smem:$0x3FD9]  }
0x89: {  	s3 =	sld [smem:$0x3FFE];
	_ =	sdelay $0x1  }
0x8a: {  	s1 =	srdreg.scid  }
0x8b: {  	s0 =	sand.u32 $0x1, s1  }
0x8c: {  	s17 =	sshll.u32 s0, $0xA;
	s2 =	sadd.s32 s3, s2  }
0x8d: {  	s2 =	sadd.s32 s2, s17  }
0x8e: {  	[smem:$0x3FC2] =	sst s2  }
0x8f: {  	_ = 	snop  }
0x90: {  	s2 =	sld [smem:$0x3FD0];
	(tm) =	ssettm $0x1  }
0x91: {  	s18 =	sld [smem:$0x3FFB];
	_ =	sdelay $0x3  }
0x92: {  	_ =	strace s18  }
0x93: {  	s3 =	sld [smem:$0x3FFC];
	_ =	sdelay $0x3  }
0x94: {  	_ =	strace s3  }
0x95: {  	s3 =	sld [smem:$0x3FFD];
	_ =	sdelay $0x3  }
0x96: {  	_ =	strace s3  }
0x97: {  	_ =	strace $0x8FFFFFFF  }
0x98: {  	s19 =	sld [smem:$0x3FDB];
	_ =	sdelay $0x1  }
0x99: {  	s4 =	simm.s32 $_scs_section_size  }
0x9a: {  	s5 =	simm.s32 $_size__tile_overlayer_lowered;
	s6 =	simm.s32 $_tile_overlayer_lowered  }
0x9b: {  	s22 =	simm.s32 $0x1BFF;
	s21 =	sshll.u32 s6, $0x1;
	s3 =	sadd.s32 s4, s19  }
0x9c: {  	s7 =	simm.s32 $0x0;
	s20 =	sshll.u32 s5, $0x1;
	s5 =	sadd.s32 s21, s3  }
0x9d: {  	[timem:s7], [sflag:s22] =	dma.local [hbm:s5], s20  }
0x9e: {  	_ =	swait.ge [sflag:s22], s20  }
0x9f: {  	s4 =	ssub.s32 $0x0, s20;
	[sflag:s22] =	ssyncset.done $0x0  }
0xa0: {  	[sflag:s22] =	ssyncadd.s32 s4;
	_ =	sdelay $0x1  }
0xa1: {  	s23 =	simm.s32 $0x1B8B  }
0xa2: {  	_ =	swait.ge [sflag:s23], $0x1  }
0xa3: {  	[sflag:s23] =	ssyncset.done $0x0  }
0xa4: {  	s25 =	simm.s32 $0x1B8E;
	s24 =	sld [smem:$0x3FFE];
	[sflag:s23] =	ssyncadd.s32 $0xFFFFFFFF  }
0xa5: {  	s26 =	simm.s32 $execute0_lowered;
	[smem:$0x3FD2] =	sst s25  }
0xa6: {  	s5 =	sshll.u32 s26, $0x1;
	_ =	strace $0x80000046;
	[dreg:$0x1] =	wrdreg $0xFFFFFFFF  }
0xa7: {  	s28 =	simm.s32 $_size_execute0_lowered;
	s3 =	sadd.s32 s3, s5;
	[dreg:$0x0] =	wrdreg $0x0  }
0xa8: {  	s5 =	sshll.u32 s28, $0x1;
	[dreg:$0x2] =	wrdreg s3  }
0xa9: {  	[dreg:$0x3] =	wrdreg s5  }
0xaa: {  	[dreg:$0x4] =	wrdreg $0xC0  }
0xab: {  	_ =	task [dreg:s7], $0x5FFFF  }
0xac: {  	[dreg:$0x1] =	wrdreg $0xFFFFFFFF  }
0xad: {  	[dreg:$0x0] =	wrdreg $0x60  }
0xae: {  	[dreg:$0x2] =	wrdreg s2  }
0xaf: {  	[dreg:$0x3] =	wrdreg s24  }
0xb0: {  	[dreg:$0x4] =	wrdreg $0x28800  }
0xb1: {  	[dreg:$0x5] =	wrdreg $0x9  }
0xb2: {  	_ =	task.clear_ibuf [dreg:s7], $0x6FFFF;
	_ =	strace $0x90000046  }
0xb3: {  	s29 =	simm.s32 $0x9;
	_ =	strace $0x80000048  }
0xb4: {  	_ =	swait.ge [sflag:s29], $0x1  }
0xb5: {  	[sflag:s29] =	ssyncadd.s32 $0xFFFFFFFF  }
0xb6: {  	_ =	strace $0x90000048  }
0xb7: {  	_ =	sfence  }
0xb8: {  	s30 =	sld [smem:$0x0];
	_ =	sdelay $0x2  }
0xb9: {  	s31 =	sshll.u32 s1, $0xD;
	s1 =	sshrl.u32 s1, $0x2  }
0xba: {  	s3 =	sand.u32 $0x4000, s31;
	s1 =	sadd.s32 s1, s30  }
0xbb: {  	s0 =	sor.u32 s3, s0;
	s1 =	sshll.u32 s1, $0x11  }
0xbc: {  	s0 =	sor.u32 s1, s0  }
0xbd: {  	s0 =	sadd.s32 $0x8F2B, s0  }
0xbe: {  	[sflag:s0] =	ssyncadd.remote.s32 $0x1  }
0xbf: {  	_ =	sfence.sel $0xFFFF  }
0xc0: {  	[dreg:$0x0] =	wrdreg $0xFFFFFFFF;
	(pc) =	sbr.abs _section_cstart, $3  }
0xc1: {  	[dreg:$0x1] =	wrdreg $0xFFFFFFFF  }
0xc2: {  	_ =	task.clear_ibuf [dreg:s7], $0x2FFFF;
	_ =	strace $0x9FFFFFFF  }
0xc3: {  	(tm) =	ssettm $0x7FFFFFFF  }
tec
execute0_lowered:
.L_overlay_start_1:
0x0: {  	(tag) =	ssettag $0x1  }
0x1: {  	s1 =	rddreg [dreg:$0x0]  }
0x2: {  	s4 =	rddreg [dreg:$0x1]  }
0x3: {  	s2 =	rddreg [dreg:$0x2];
	s3 =	simm.s32 $0x0  }
0x4: {  	[smem:$0x7FF] =	sst s3;
	s7 =	sadd.s32 $0x2200, s4  }
0x5: {  	s20 =	sadd.s32 $0x2000, s4;
	_ =	strace $0x80000047;
	[dreg:$0x4] =	wrdreg s7  }
0x6: {  	s22 =	sadd.s32 $0x2210, s4;
	[dreg:$0x5] =	wrdreg s20  }
0x7: {  	s23 =	sadd.s32 $0x2220, s4;
	[dreg:$0x7] =	wrdreg s22  }
0x8: {  	s24 =	sadd.s32 $0x2230, s4;
	[dreg:$0x8] =	wrdreg s23  }
0x9: {  	s25 =	sadd.s32 $0x2240, s4;
	[dreg:$0x9] =	wrdreg s24  }
0xa: {  	s15 =	simm.s32 $0x100;
	[dreg:$0xa] =	wrdreg s25  }
0xb: {  	s16 =	simm.s32 $0x180;
	[dreg:$0x10] =	wrdreg s15  }
0xc: {  	s17 =	simm.s32 $0x200;
	[dreg:$0x11] =	wrdreg s16  }
0xd: {  	s18 =	simm.s32 $0x280;
	[dreg:$0x12] =	wrdreg s17  }
0xe: {  	s19 =	simm.s32 $0x300;
	[dreg:$0x13] =	wrdreg s18  }
0xf: {  	[dreg:$0x14] =	wrdreg s19;
	s20 =	simm.s32 $0x380  }
0x10: {  	s22 =	simm.s32 $0x480;
	[dreg:$0x15] =	wrdreg s20  }
0x11: {  	s23 =	simm.s32 $0x500;
	[dreg:$0x17] =	wrdreg s22  }
0x12: {  	s24 =	simm.s32 $0x580;
	[dreg:$0x18] =	wrdreg s23  }
0x13: {  	s25 =	simm.s32 $0x600;
	[dreg:$0x19] =	wrdreg s24  }
0x14: {  	s15 =	simm.s32 $0xB80;
	[dreg:$0x1a] =	wrdreg s25  }
0x15: {  	s16 =	simm.s32 $0xC00;
	[smem:$0x7D9] =	sst s15  }
0x16: {  	s17 =	simm.s32 $0xC80;
	[smem:$0x7DA] =	sst s16  }
0x17: {  	s18 =	simm.s32 $0xD00;
	[smem:$0x7DB] =	sst s17  }
0x18: {  	s19 =	simm.s32 $0xD80;
	[smem:$0x7DC] =	sst s18  }
0x19: {  	[smem:$0x7DD] =	sst s19;
	s20 =	simm.s32 $0xE00  }
0x1a: {  	s22 =	simm.s32 $0xF00;
	[smem:$0x7DE] =	sst s20  }
0x1b: {  	s23 =	simm.s32 $0xF80;
	[smem:$0x7E0] =	sst s22  }
0x1c: {  	s24 =	simm.s32 $0x1000;
	[smem:$0x7E1] =	sst s23  }
0x1d: {  	s25 =	simm.s32 $0x1080;
	[smem:$0x7E2] =	sst s24  }
0x1e: {  	s0 =	srdreg.scid;
	s15 =	simm.s32 $0x1600;
	[smem:$0x7E3] =	sst s25  }
0x1f: {  	s9 =	stileid.u32;
	s16 =	simm.s32 $0x1680;
	[smem:$0x7EE] =	sst s15  }
0x20: {  	s0 =	sand.u32 $0x1, s0;
	s17 =	simm.s32 $0x1700;
	[smem:$0x7EF] =	sst s16  }
0x21: {  	s6 =	smul.u32 $0x500, s9;
	s18 =	simm.s32 $0x1780;
	[smem:$0x7F0] =	sst s17  }
0x22: {  	s5 =	sshll.u32 s0, $0x4;
	s19 =	simm.s32 $0x1800;
	[smem:$0x7F1] =	sst s18  }
0x23: {  	s8 =	sshll.u32 s0, $0x7;
	[smem:$0x7F2] =	sst s19;
	s20 =	simm.s32 $0x1880  }
0x24: {  	s5 =	sor.u32 s9, s5;
	s22 =	simm.s32 $0x1980;
	[smem:$0x7F3] =	sst s20  }
0x25: {  	s6 =	sor.u32 s8, s6;
	s23 =	simm.s32 $0x1A00;
	[smem:$0x7F5] =	sst s22  }
0x26: {  	s5 =	smul.u32 $0x500, s5;
	s24 =	simm.s32 $0x1A80;
	[smem:$0x7F6] =	sst s23  }
0x27: {  	s6 =	sshrl.u32 s6, $0x3;
	s25 =	simm.s32 $0x1B00;
	[smem:$0x7F7] =	sst s24  }
0x28: {  	s6 =	sadd.s32 s6, s4;
	s4 =	simm.s32 $0x700;
	[smem:$0x7F8] =	sst s25  }
0x29: {  	s1 =	sadd.s32 s1, s5;
	[dreg:$0x1c] =	wrdreg s4  }
0x2a: {  	s21 =	smul.u32 $0xA00, s9;
	s5 =	sadd.s32 $0x2A00, s6;
	[dreg:$0x6] =	wrdreg s1  }
0x2b: {  	s4 =	simm.s32 $0x1180;
	[dreg:$0xb] =	wrdreg s5  }
0x2c: {  	s1 =	sshrl.u32 s21, $0x2;
	s21 =	simm.s32 $0x400;
	[smem:$0x7E5] =	sst s4  }
0x2d: {  	s5 =	simm.s32 $0x780;
	[dreg:$0x16] =	wrdreg s21  }
0x2e: {  	s4 =	simm.s32 $0x1C00;
	[dreg:$0x1d] =	wrdreg s5  }
0x2f: {  	s21 =	simm.s32 $0xE80;
	[smem:$0x7FA] =	sst s4  }
0x30: {  	s5 =	simm.s32 $0x1200;
	[smem:$0x7DF] =	sst s21  }
0x31: {  	s7 =	sadd.s32 s1, s2;
	[smem:$0x7E6] =	sst s5;
	s21 =	simm.s32 $0x1900  }
0x32: {  	s26 =	sadd.s32 $0x80, s7;
	s5 =	simm.s32 $0x1C80;
	[smem:$0x7F4] =	sst s21  }
0x33: {  	s6 =	sadd.s32 $0x100, s7;
	s8 =	sshrl.u32 s26, $0x3;
	[smem:$0x7FB] =	sst s5  }
0x34: {  	s10 =	sadd.s32 $0x180, s7;
	s11 =	sshrl.u32 s6, $0x3;
	[dreg:$0xc] =	wrdreg s8  }
0x35: {  	s12 =	sadd.s32 $0x200, s7;
	s13 =	sshrl.u32 s10, $0x3;
	[dreg:$0xd] =	wrdreg s11  }
0x36: {  	s14 =	sshrl.u32 s12, $0x3;
	[dreg:$0xe] =	wrdreg s13  }
0x37: {  	s26 =	simm.s32 $0x680;
	[dreg:$0xf] =	wrdreg s14  }
0x38: {  	s6 =	simm.s32 $0x800;
	[dreg:$0x1b] =	wrdreg s26  }
0x39: {  	s10 =	simm.s32 $0x900;
	[dreg:$0x1e] =	wrdreg s6  }
0x3a: {  	s12 =	simm.s32 $0xA00;
	[smem:$0x7D4] =	sst s10  }
0x3b: {  	s8 =	simm.s32 $0x880;
	[smem:$0x7D6] =	sst s12  }
0x3c: {  	s11 =	simm.s32 $0x980;
	[dreg:$0x1f] =	wrdreg s8  }
0x3d: {  	s13 =	simm.s32 $0xA80;
	[smem:$0x7D5] =	sst s11  }
0x3e: {  	s14 =	simm.s32 $0xB00;
	[smem:$0x7D7] =	sst s13  }
0x3f: {  	s26 =	simm.s32 $0x1100;
	[smem:$0x7D8] =	sst s14  }
0x40: {  	s6 =	simm.s32 $0x1280;
	[smem:$0x7E4] =	sst s26  }
0x41: {  	s10 =	simm.s32 $0x1380;
	[smem:$0x7E7] =	sst s6  }
0x42: {  	s12 =	simm.s32 $0x1480;
	[smem:$0x7E9] =	sst s10  }
0x43: {  	s8 =	simm.s32 $0x1300;
	[smem:$0x7EB] =	sst s12  }
0x44: {  	s11 =	simm.s32 $0x1400;
	[smem:$0x7E8] =	sst s8  }
0x45: {  	s13 =	simm.s32 $0x1500;
	[smem:$0x7EA] =	sst s11  }
0x46: {  	s14 =	simm.s32 $0x1580;
	[smem:$0x7EC] =	sst s13  }
0x47: {  	s26 =	simm.s32 $0x1B80;
	[smem:$0x7ED] =	sst s14  }
0x48: {  	[smem:$0x7F9] =	sst s26  }
0x49: {  	s6 =	simm.s32 $0x1D00;
	s8 =	rddreg [dreg:$0x6]  }
0x4a: {  	s10 =	simm.s32 $0x1D80;
	[smem:$0x7FC] =	sst s6  }
0x4b: {  	s4 =	simm.s32 $0x1;
	[smem:$0x7FD] =	sst s10  }
0x4c: {  	[tilespmem:s3], [sflag:$0x1] =	stream.linear.gather [hbm4b:s8+s3], $0x2800, $0x38;
	[tilespmem:$0x2B00] =	vst v63  }
0x4d: {  	_ =	swait.ge [sflag:s4], $0x2800  }
0x4e: {  	[sflag:s4] =	ssyncset.done $0x0  }
0x4f: {  	s5 =	simm.s32 $0x2800;
	s11 =	rddreg [dreg:$0x5];
	[sflag:s4] =	ssyncadd.s32 $0xFFFFD800  }
0x50: {  	[tilespmem:s5], [sflag:$0x1] =	stream.linear.gather [hbm4b:s11+s3], $0x80, $0x38;
	[tilespmem:$0x2B00] =	vst v63  }
0x51: {  	_ =	swait.ge [sflag:s4], $0x80  }
0x52: {  	s7 =	sshrl.u32 s7, $0x3;
	s13 =	sshll.u32 s9, $0x6;
	[sflag:s4] =	ssyncset.done $0x0  }
0x53: {  	s6 =	sor.u32 $0x1C01, s13;
	s12 =	rddreg [dreg:$0x4];
	[sflag:s4] =	ssyncadd.s32 $0xFFFFFF80  }
0x54: {  	[spmem:s7], [sflag:s6] =	dma.local [hbm:s12], $0x10  }
0x55: {  	_ =	swait.ge [sflag:s4], $0x10  }
0x56: {  	s14 =	rddreg [dreg:$0x7];
	[sflag:s4] =	ssyncset.done $0x0  }
0x57: {  	s15 =	rddreg [dreg:$0xc];
	[sflag:s4] =	ssyncadd.s32 $0xFFFFFFF0  }
0x58: {  	[spmem:s15], [sflag:s6] =	dma.local [hbm:s14], $0x10  }
0x59: {  	_ =	swait.ge [sflag:s4], $0x10  }
0x5a: {  	s16 =	rddreg [dreg:$0x8];
	[sflag:s4] =	ssyncset.done $0x0  }
0x5b: {  	s17 =	rddreg [dreg:$0xd];
	[sflag:s4] =	ssyncadd.s32 $0xFFFFFFF0  }
0x5c: {  	[spmem:s17], [sflag:s6] =	dma.local [hbm:s16], $0x10  }
0x5d: {  	_ =	swait.ge [sflag:s4], $0x10  }
0x5e: {  	s18 =	rddreg [dreg:$0x9];
	[sflag:s4] =	ssyncset.done $0x0  }
0x5f: {  	s19 =	rddreg [dreg:$0xe];
	[sflag:s4] =	ssyncadd.s32 $0xFFFFFFF0  }
0x60: {  	[spmem:s19], [sflag:s6] =	dma.local [hbm:s18], $0x10  }
0x61: {  	_ =	swait.ge [sflag:s4], $0x10  }
0x62: {  	s20 =	rddreg [dreg:$0xa];
	[sflag:s4] =	ssyncset.done $0x0  }
0x63: {  	s21 =	rddreg [dreg:$0xf];
	[sflag:s4] =	ssyncadd.s32 $0xFFFFFFF0  }
0x64: {  	[spmem:s21], [sflag:s6] =	dma.local [hbm:s20], $0x10  }
0x65: {  	_ =	swait.ge [sflag:s4], $0x10  }
0x66: {  	[sflag:s4] =	ssyncset.done $0x0  }
0x67: {  	[sflag:s4] =	ssyncadd.s32 $0xFFFFFFF0  }
0x68: {  	s8 =	simm.s32 $0x80;
	[bflag:$0x0] =	sbarrier.arrive $0xFFFF  }
0x69: {  	[spmem:s2] =	stream.indirect.scatter.add.f32 [tilespmem:s5], [sflag:$0x1], $0x1, s3, s8, $0xb8;
	[tilespmem:$0x2B00] =	vst v63  }
0x6a: {  	_ =	swait.ge [sflag:s4], $0x80  }
0x6b: {  	[sflag:s4] =	ssyncset.done $0x0  }
0x6c: {  	[sflag:s4] =	ssyncadd.s32 $0xFFFFFF80  }
0x6d: {  	[spmem:s2] =	stream.indirect.scatter.add.f32 [tilespmem:s5], [sflag:$0x1], $0x1, s8, s8, $0xb8;
	[tilespmem:$0x2B00] =	vst v63  }
0x6e: {  	_ =	swait.ge [sflag:s4], $0x80  }
0x6f: {  	[sflag:s4] =	ssyncset.done $0x0  }
0x70: {  	s22 =	rddreg [dreg:$0x10];
	[sflag:s4] =	ssyncadd.s32 $0xFFFFFF80  }
0x71: {  	[spmem:s2] =	stream.indirect.scatter.add.f32 [tilespmem:s5], [sflag:$0x1], $0x1, s22, s8, $0xb8;
	[tilespmem:$0x2B00] =	vst v63  }
0x72: {  	_ =	swait.ge [sflag:s4], $0x80  }
0x73: {  	[sflag:s4] =	ssyncset.done $0x0  }
0x74: {  	s23 =	rddreg [dreg:$0x11];
	[sflag:s4] =	ssyncadd.s32 $0xFFFFFF80  }
0x75: {  	[spmem:s2] =	stream.indirect.scatter.add.f32 [tilespmem:s5], [sflag:$0x1], $0x1, s23, s8, $0xb8;
	[tilespmem:$0x2B00] =	vst v63  }
0x76: {  	_ =	swait.ge [sflag:s4], $0x80  }
0x77: {  	[sflag:s4] =	ssyncset.done $0x0  }
0x78: {  	s24 =	rddreg [dreg:$0x12];
	[sflag:s4] =	ssyncadd.s32 $0xFFFFFF80  }
0x79: {  	[spmem:s2] =	stream.indirect.scatter.add.f32 [tilespmem:s5], [sflag:$0x1], $0x1, s24, s8, $0xb8;
	[tilespmem:$0x2B00] =	vst v63  }
0x7a: {  	_ =	swait.ge [sflag:s4], $0x80  }
0x7b: {  	[sflag:s4] =	ssyncset.done $0x0  }
0x7c: {  	s25 =	rddreg [dreg:$0x13];
	[sflag:s4] =	ssyncadd.s32 $0xFFFFFF80  }
0x7d: {  	[spmem:s2] =	stream.indirect.scatter.add.f32 [tilespmem:s5], [sflag:$0x1], $0x1, s25, s8, $0xb8;
	[tilespmem:$0x2B00] =	vst v63  }
0x7e: {  	_ =	swait.ge [sflag:s4], $0x80  }
0x7f: {  	[sflag:s4] =	ssyncset.done $0x0  }
0x80: {  	s26 =	rddreg [dreg:$0x14];
	[sflag:s4] =	ssyncadd.s32 $0xFFFFFF80  }
0x81: {  	[spmem:s2] =	stream.indirect.scatter.add.f32 [tilespmem:s5], [sflag:$0x1], $0x1, s26, s8, $0xb8;
	[tilespmem:$0x2B00] =	vst v63  }
0x82: {  	_ =	swait.ge [sflag:s4], $0x80  }
0x83: {  	[sflag:s4] =	ssyncset.done $0x0  }
0x84: {  	s9 =	rddreg [dreg:$0x15];
	[sflag:s4] =	ssyncadd.s32 $0xFFFFFF80  }
0x85: {  	[spmem:s2] =	stream.indirect.scatter.add.f32 [tilespmem:s5], [sflag:$0x1], $0x1, s9, s8, $0xb8;
	[tilespmem:$0x2B00] =	vst v63  }
0x86: {  	_ =	swait.ge [sflag:s4], $0x80  }
0x87: {  	[sflag:s4] =	ssyncset.done $0x0  }
0x88: {  	s10 =	rddreg [dreg:$0x16];
	[sflag:s4] =	ssyncadd.s32 $0xFFFFFF80  }
0x89: {  	[spmem:s2] =	stream.indirect.scatter.add.f32 [tilespmem:s5], [sflag:$0x1], $0x1, s10, s8, $0xb8;
	[tilespmem:$0x2B00] =	vst v63  }
0x8a: {  	_ =	swait.ge [sflag:s4], $0x80  }
0x8b: {  	[sflag:s4] =	ssyncset.done $0x0  }
0x8c: {  	s11 =	rddreg [dreg:$0x17];
	[sflag:s4] =	ssyncadd.s32 $0xFFFFFF80  }
0x8d: {  	[spmem:s2] =	stream.indirect.scatter.add.f32 [tilespmem:s5], [sflag:$0x1], $0x1, s11, s8, $0xb8;
	[tilespmem:$0x2B00] =	vst v63  }
0x8e: {  	_ =	swait.ge [sflag:s4], $0x80  }
0x8f: {  	[sflag:s4] =	ssyncset.done $0x0  }
0x90: {  	s12 =	rddreg [dreg:$0x18];
	[sflag:s4] =	ssyncadd.s32 $0xFFFFFF80  }
0x91: {  	[spmem:s2] =	stream.indirect.scatter.add.f32 [tilespmem:s5], [sflag:$0x1], $0x1, s12, s8, $0xb8;
	[tilespmem:$0x2B00] =	vst v63  }
0x92: {  	_ =	swait.ge [sflag:s4], $0x80  }
0x93: {  	[sflag:s4] =	ssyncset.done $0x0  }
0x94: {  	s13 =	rddreg [dreg:$0x19];
	[sflag:s4] =	ssyncadd.s32 $0xFFFFFF80  }
0x95: {  	[spmem:s2] =	stream.indirect.scatter.add.f32 [tilespmem:s5], [sflag:$0x1], $0x1, s13, s8, $0xb8;
	[tilespmem:$0x2B00] =	vst v63  }
0x96: {  	_ =	swait.ge [sflag:s4], $0x80  }
0x97: {  	[sflag:s4] =	ssyncset.done $0x0  }
0x98: {  	s14 =	rddreg [dreg:$0x1a];
	[sflag:s4] =	ssyncadd.s32 $0xFFFFFF80  }
0x99: {  	[spmem:s2] =	stream.indirect.scatter.add.f32 [tilespmem:s5], [sflag:$0x1], $0x1, s14, s8, $0xb8;
	[tilespmem:$0x2B00] =	vst v63  }
0x9a: {  	_ =	swait.ge [sflag:s4], $0x80  }
0x9b: {  	[sflag:s4] =	ssyncset.done $0x0  }
0x9c: {  	s15 =	rddreg [dreg:$0x1b];
	[sflag:s4] =	ssyncadd.s32 $0xFFFFFF80  }
0x9d: {  	[spmem:s2] =	stream.indirect.scatter.add.f32 [tilespmem:s5], [sflag:$0x1], $0x1, s15, s8, $0xb8;
	[tilespmem:$0x2B00] =	vst v63  }
0x9e: {  	_ =	swait.ge [sflag:s4], $0x80  }
0x9f: {  	[sflag:s4] =	ssyncset.done $0x0  }
0xa0: {  	s16 =	rddreg [dreg:$0x1c];
	[sflag:s4] =	ssyncadd.s32 $0xFFFFFF80  }
0xa1: {  	[spmem:s2] =	stream.indirect.scatter.add.f32 [tilespmem:s5], [sflag:$0x1], $0x1, s16, s8, $0xb8;
	[tilespmem:$0x2B00] =	vst v63  }
0xa2: {  	_ =	swait.ge [sflag:s4], $0x80  }
0xa3: {  	[sflag:s4] =	ssyncset.done $0x0  }
0xa4: {  	s17 =	rddreg [dreg:$0x1d];
	[sflag:s4] =	ssyncadd.s32 $0xFFFFFF80  }
0xa5: {  	[spmem:s2] =	stream.indirect.scatter.add.f32 [tilespmem:s5], [sflag:$0x1], $0x1, s17, s8, $0xb8;
	[tilespmem:$0x2B00] =	vst v63  }
0xa6: {  	_ =	swait.ge [sflag:s4], $0x80  }
0xa7: {  	[sflag:s4] =	ssyncset.done $0x0  }
0xa8: {  	s18 =	rddreg [dreg:$0x1e];
	[sflag:s4] =	ssyncadd.s32 $0xFFFFFF80  }
0xa9: {  	[spmem:s2] =	stream.indirect.scatter.add.f32 [tilespmem:s5], [sflag:$0x1], $0x1, s18, s8, $0xb8;
	[tilespmem:$0x2B00] =	vst v63  }
0xaa: {  	_ =	swait.ge [sflag:s4], $0x80  }
0xab: {  	[sflag:s4] =	ssyncset.done $0x0  }
0xac: {  	s19 =	rddreg [dreg:$0x1f];
	[sflag:s4] =	ssyncadd.s32 $0xFFFFFF80  }
0xad: {  	[spmem:s2] =	stream.indirect.scatter.add.f32 [tilespmem:s5], [sflag:$0x1], $0x1, s19, s8, $0xb8;
	[tilespmem:$0x2B00] =	vst v63  }
0xae: {  	_ =	swait.ge [sflag:s4], $0x80  }
0xaf: {  	s20 =	sld [smem:$0x7D4]  }
0xb0: {  	[sflag:s4] =	ssyncset.done $0x0  }
0xb1: {  	[sflag:s4] =	ssyncadd.s32 $0xFFFFFF80  }
0xb2: {  	[spmem:s2] =	stream.indirect.scatter.add.f32 [tilespmem:s5], [sflag:$0x1], $0x1, s20, s8, $0xb8;
	[tilespmem:$0x2B00] =	vst v63  }
0xb3: {  	_ =	swait.ge [sflag:s4], $0x80  }
0xb4: {  	s21 =	sld [smem:$0x7D5]  }
0xb5: {  	[sflag:s4] =	ssyncset.done $0x0  }
0xb6: {  	[sflag:s4] =	ssyncadd.s32 $0xFFFFFF80  }
0xb7: {  	[spmem:s2] =	stream.indirect.scatter.add.f32 [tilespmem:s5], [sflag:$0x1], $0x1, s21, s8, $0xb8;
	[tilespmem:$0x2B00] =	vst v63  }
0xb8: {  	_ =	swait.ge [sflag:s4], $0x80  }
0xb9: {  	s22 =	sld [smem:$0x7D6]  }
0xba: {  	[sflag:s4] =	ssyncset.done $0x0  }
0xbb: {  	[sflag:s4] =	ssyncadd.s32 $0xFFFFFF80  }
0xbc: {  	[spmem:s2] =	stream.indirect.scatter.add.f32 [tilespmem:s5], [sflag:$0x1], $0x1, s22, s8, $0xb8;
	[tilespmem:$0x2B00] =	vst v63  }
0xbd: {  	_ =	swait.ge [sflag:s4], $0x80  }
0xbe: {  	s23 =	sld [smem:$0x7D7]  }
0xbf: {  	[sflag:s4] =	ssyncset.done $0x0  }
0xc0: {  	[sflag:s4] =	ssyncadd.s32 $0xFFFFFF80  }
0xc1: {  	[spmem:s2] =	stream.indirect.scatter.add.f32 [tilespmem:s5], [sflag:$0x1], $0x1, s23, s8, $0xb8;
	[tilespmem:$0x2B00] =	vst v63  }
0xc2: {  	_ =	swait.ge [sflag:s4], $0x80  }
0xc3: {  	s24 =	sld [smem:$0x7D8]  }
0xc4: {  	[sflag:s4] =	ssyncset.done $0x0  }
0xc5: {  	[sflag:s4] =	ssyncadd.s32 $0xFFFFFF80  }
0xc6: {  	[spmem:s2] =	stream.indirect.scatter.add.f32 [tilespmem:s5], [sflag:$0x1], $0x1, s24, s8, $0xb8;
	[tilespmem:$0x2B00] =	vst v63  }
0xc7: {  	_ =	swait.ge [sflag:s4], $0x80  }
0xc8: {  	s25 =	sld [smem:$0x7D9]  }
0xc9: {  	[sflag:s4] =	ssyncset.done $0x0  }
0xca: {  	[sflag:s4] =	ssyncadd.s32 $0xFFFFFF80  }
0xcb: {  	[spmem:s2] =	stream.indirect.scatter.add.f32 [tilespmem:s5], [sflag:$0x1], $0x1, s25, s8, $0xb8;
	[tilespmem:$0x2B00] =	vst v63  }
0xcc: {  	_ =	swait.ge [sflag:s4], $0x80  }
0xcd: {  	s26 =	sld [smem:$0x7DA]  }
0xce: {  	[sflag:s4] =	ssyncset.done $0x0  }
0xcf: {  	[sflag:s4] =	ssyncadd.s32 $0xFFFFFF80  }
0xd0: {  	[spmem:s2] =	stream.indirect.scatter.add.f32 [tilespmem:s5], [sflag:$0x1], $0x1, s26, s8, $0xb8;
	[tilespmem:$0x2B00] =	vst v63  }
0xd1: {  	_ =	swait.ge [sflag:s4], $0x80  }
0xd2: {  	s9 =	sld [smem:$0x7DB]  }
0xd3: {  	[sflag:s4] =	ssyncset.done $0x0  }
0xd4: {  	[sflag:s4] =	ssyncadd.s32 $0xFFFFFF80  }
0xd5: {  	[spmem:s2] =	stream.indirect.scatter.add.f32 [tilespmem:s5], [sflag:$0x1], $0x1, s9, s8, $0xb8;
	[tilespmem:$0x2B00] =	vst v63  }
0xd6: {  	_ =	swait.ge [sflag:s4], $0x80  }
0xd7: {  	s10 =	sld [smem:$0x7DC]  }
0xd8: {  	[sflag:s4] =	ssyncset.done $0x0  }
0xd9: {  	[sflag:s4] =	ssyncadd.s32 $0xFFFFFF80  }
0xda: {  	[spmem:s2] =	stream.indirect.scatter.add.f32 [tilespmem:s5], [sflag:$0x1], $0x1, s10, s8, $0xb8;
	[tilespmem:$0x2B00] =	vst v63  }
0xdb: {  	_ =	swait.ge [sflag:s4], $0x80  }
0xdc: {  	s11 =	sld [smem:$0x7DD]  }
0xdd: {  	[sflag:s4] =	ssyncset.done $0x0  }
0xde: {  	[sflag:s4] =	ssyncadd.s32 $0xFFFFFF80  }
0xdf: {  	[spmem:s2] =	stream.indirect.scatter.add.f32 [tilespmem:s5], [sflag:$0x1], $0x1, s11, s8, $0xb8;
	[tilespmem:$0x2B00] =	vst v63  }
0xe0: {  	_ =	swait.ge [sflag:s4], $0x80  }
0xe1: {  	s12 =	sld [smem:$0x7DE]  }
0xe2: {  	[sflag:s4] =	ssyncset.done $0x0  }
0xe3: {  	[sflag:s4] =	ssyncadd.s32 $0xFFFFFF80  }
0xe4: {  	[spmem:s2] =	stream.indirect.scatter.add.f32 [tilespmem:s5], [sflag:$0x1], $0x1, s12, s8, $0xb8;
	[tilespmem:$0x2B00] =	vst v63  }
0xe5: {  	_ =	swait.ge [sflag:s4], $0x80  }
0xe6: {  	s13 =	sld [smem:$0x7DF]  }
0xe7: {  	[sflag:s4] =	ssyncset.done $0x0  }
0xe8: {  	[sflag:s4] =	ssyncadd.s32 $0xFFFFFF80  }
0xe9: {  	[spmem:s2] =	stream.indirect.scatter.add.f32 [tilespmem:s5], [sflag:$0x1], $0x1, s13, s8, $0xb8;
	[tilespmem:$0x2B00] =	vst v63  }
0xea: {  	_ =	swait.ge [sflag:s4], $0x80  }
0xeb: {  	s14 =	sld [smem:$0x7E0]  }
0xec: {  	[sflag:s4] =	ssyncset.done $0x0  }
0xed: {  	[sflag:s4] =	ssyncadd.s32 $0xFFFFFF80  }
0xee: {  	[spmem:s2] =	stream.indirect.scatter.add.f32 [tilespmem:s5], [sflag:$0x1], $0x1, s14, s8, $0xb8;
	[tilespmem:$0x2B00] =	vst v63  }
0xef: {  	_ =	swait.ge [sflag:s4], $0x80  }
0xf0: {  	s15 =	sld [smem:$0x7E1]  }
0xf1: {  	[sflag:s4] =	ssyncset.done $0x0  }
0xf2: {  	[sflag:s4] =	ssyncadd.s32 $0xFFFFFF80  }
0xf3: {  	[spmem:s2] =	stream.indirect.scatter.add.f32 [tilespmem:s5], [sflag:$0x1], $0x1, s15, s8, $0xb8;
	[tilespmem:$0x2B00] =	vst v63  }
0xf4: {  	_ =	swait.ge [sflag:s4], $0x80  }
0xf5: {  	s16 =	sld [smem:$0x7E2]  }
0xf6: {  	[sflag:s4] =	ssyncset.done $0x0  }
0xf7: {  	[sflag:s4] =	ssyncadd.s32 $0xFFFFFF80  }
0xf8: {  	[spmem:s2] =	stream.indirect.scatter.add.f32 [tilespmem:s5], [sflag:$0x1], $0x1, s16, s8, $0xb8;
	[tilespmem:$0x2B00] =	vst v63  }
0xf9: {  	_ =	swait.ge [sflag:s4], $0x80  }
0xfa: {  	s17 =	sld [smem:$0x7E3]  }
0xfb: {  	[sflag:s4] =	ssyncset.done $0x0  }
0xfc: {  	[sflag:s4] =	ssyncadd.s32 $0xFFFFFF80  }
0xfd: {  	[spmem:s2] =	stream.indirect.scatter.add.f32 [tilespmem:s5], [sflag:$0x1], $0x1, s17, s8, $0xb8;
	[tilespmem:$0x2B00] =	vst v63  }
0xfe: {  	_ =	swait.ge [sflag:s4], $0x80  }
0xff: {  	s18 =	sld [smem:$0x7E4]  }
0x100: {  	[sflag:s4] =	ssyncset.done $0x0  }
0x101: {  	[sflag:s4] =	ssyncadd.s32 $0xFFFFFF80  }
0x102: {  	[spmem:s2] =	stream.indirect.scatter.add.f32 [tilespmem:s5], [sflag:$0x1], $0x1, s18, s8, $0xb8;
	[tilespmem:$0x2B00] =	vst v63  }
0x103: {  	_ =	swait.ge [sflag:s4], $0x80  }
0x104: {  	s19 =	sld [smem:$0x7E5]  }
0x105: {  	[sflag:s4] =	ssyncset.done $0x0  }
0x106: {  	[sflag:s4] =	ssyncadd.s32 $0xFFFFFF80  }
0x107: {  	[spmem:s2] =	stream.indirect.scatter.add.f32 [tilespmem:s5], [sflag:$0x1], $0x1, s19, s8, $0xb8;
	[tilespmem:$0x2B00] =	vst v63  }
0x108: {  	_ =	swait.ge [sflag:s4], $0x80  }
0x109: {  	s20 =	sld [smem:$0x7E6]  }
0x10a: {  	[sflag:s4] =	ssyncset.done $0x0  }
0x10b: {  	[sflag:s4] =	ssyncadd.s32 $0xFFFFFF80  }
0x10c: {  	[spmem:s2] =	stream.indirect.scatter.add.f32 [tilespmem:s5], [sflag:$0x1], $0x1, s20, s8, $0xb8;
	[tilespmem:$0x2B00] =	vst v63  }
0x10d: {  	_ =	swait.ge [sflag:s4], $0x80  }
0x10e: {  	s21 =	sld [smem:$0x7E7]  }
0x10f: {  	[sflag:s4] =	ssyncset.done $0x0  }
0x110: {  	[sflag:s4] =	ssyncadd.s32 $0xFFFFFF80  }
0x111: {  	[spmem:s2] =	stream.indirect.scatter.add.f32 [tilespmem:s5], [sflag:$0x1], $0x1, s21, s8, $0xb8;
	[tilespmem:$0x2B00] =	vst v63  }
0x112: {  	_ =	swait.ge [sflag:s4], $0x80  }
0x113: {  	s22 =	sld [smem:$0x7E8]  }
0x114: {  	[sflag:s4] =	ssyncset.done $0x0  }
0x115: {  	[sflag:s4] =	ssyncadd.s32 $0xFFFFFF80  }
0x116: {  	[spmem:s2] =	stream.indirect.scatter.add.f32 [tilespmem:s5], [sflag:$0x1], $0x1, s22, s8, $0xb8;
	[tilespmem:$0x2B00] =	vst v63  }
0x117: {  	_ =	swait.ge [sflag:s4], $0x80  }
0x118: {  	s23 =	sld [smem:$0x7E9]  }
0x119: {  	[sflag:s4] =	ssyncset.done $0x0  }
0x11a: {  	[sflag:s4] =	ssyncadd.s32 $0xFFFFFF80  }
0x11b: {  	[spmem:s2] =	stream.indirect.scatter.add.f32 [tilespmem:s5], [sflag:$0x1], $0x1, s23, s8, $0xb8;
	[tilespmem:$0x2B00] =	vst v63  }
0x11c: {  	_ =	swait.ge [sflag:s4], $0x80  }
0x11d: {  	s24 =	sld [smem:$0x7EA]  }
0x11e: {  	[sflag:s4] =	ssyncset.done $0x0  }
0x11f: {  	[sflag:s4] =	ssyncadd.s32 $0xFFFFFF80  }
0x120: {  	[spmem:s2] =	stream.indirect.scatter.add.f32 [tilespmem:s5], [sflag:$0x1], $0x1, s24, s8, $0xb8;
	[tilespmem:$0x2B00] =	vst v63  }
0x121: {  	_ =	swait.ge [sflag:s4], $0x80  }
0x122: {  	s25 =	sld [smem:$0x7EB]  }
0x123: {  	[sflag:s4] =	ssyncset.done $0x0  }
0x124: {  	[sflag:s4] =	ssyncadd.s32 $0xFFFFFF80  }
0x125: {  	[spmem:s2] =	stream.indirect.scatter.add.f32 [tilespmem:s5], [sflag:$0x1], $0x1, s25, s8, $0xb8;
	[tilespmem:$0x2B00] =	vst v63  }
0x126: {  	_ =	swait.ge [sflag:s4], $0x80  }
0x127: {  	s26 =	sld [smem:$0x7EC]  }
0x128: {  	[sflag:s4] =	ssyncset.done $0x0  }
0x129: {  	[sflag:s4] =	ssyncadd.s32 $0xFFFFFF80  }
0x12a: {  	[spmem:s2] =	stream.indirect.scatter.add.f32 [tilespmem:s5], [sflag:$0x1], $0x1, s26, s8, $0xb8;
	[tilespmem:$0x2B00] =	vst v63  }
0x12b: {  	_ =	swait.ge [sflag:s4], $0x80  }
0x12c: {  	s9 =	sld [smem:$0x7ED]  }
0x12d: {  	[sflag:s4] =	ssyncset.done $0x0  }
0x12e: {  	[sflag:s4] =	ssyncadd.s32 $0xFFFFFF80  }
0x12f: {  	[spmem:s2] =	stream.indirect.scatter.add.f32 [tilespmem:s5], [sflag:$0x1], $0x1, s9, s8, $0xb8;
	[tilespmem:$0x2B00] =	vst v63  }
0x130: {  	_ =	swait.ge [sflag:s4], $0x80  }
0x131: {  	s10 =	sld [smem:$0x7EE]  }
0x132: {  	[sflag:s4] =	ssyncset.done $0x0  }
0x133: {  	[sflag:s4] =	ssyncadd.s32 $0xFFFFFF80  }
0x134: {  	[spmem:s2] =	stream.indirect.scatter.add.f32 [tilespmem:s5], [sflag:$0x1], $0x1, s10, s8, $0xb8;
	[tilespmem:$0x2B00] =	vst v63  }
0x135: {  	_ =	swait.ge [sflag:s4], $0x80  }
0x136: {  	s11 =	sld [smem:$0x7EF]  }
0x137: {  	[sflag:s4] =	ssyncset.done $0x0  }
0x138: {  	[sflag:s4] =	ssyncadd.s32 $0xFFFFFF80  }
0x139: {  	[spmem:s2] =	stream.indirect.scatter.add.f32 [tilespmem:s5], [sflag:$0x1], $0x1, s11, s8, $0xb8;
	[tilespmem:$0x2B00] =	vst v63  }
0x13a: {  	_ =	swait.ge [sflag:s4], $0x80  }
0x13b: {  	s12 =	sld [smem:$0x7F0]  }
0x13c: {  	[sflag:s4] =	ssyncset.done $0x0  }
0x13d: {  	[sflag:s4] =	ssyncadd.s32 $0xFFFFFF80  }
0x13e: {  	[spmem:s2] =	stream.indirect.scatter.add.f32 [tilespmem:s5], [sflag:$0x1], $0x1, s12, s8, $0xb8;
	[tilespmem:$0x2B00] =	vst v63  }
0x13f: {  	_ =	swait.ge [sflag:s4], $0x80  }
0x140: {  	s13 =	sld [smem:$0x7F1]  }
0x141: {  	[sflag:s4] =	ssyncset.done $0x0  }
0x142: {  	[sflag:s4] =	ssyncadd.s32 $0xFFFFFF80  }
0x143: {  	[spmem:s2] =	stream.indirect.scatter.add.f32 [tilespmem:s5], [sflag:$0x1], $0x1, s13, s8, $0xb8;
	[tilespmem:$0x2B00] =	vst v63  }
0x144: {  	_ =	swait.ge [sflag:s4], $0x80  }
0x145: {  	s14 =	sld [smem:$0x7F2]  }
0x146: {  	[sflag:s4] =	ssyncset.done $0x0  }
0x147: {  	[sflag:s4] =	ssyncadd.s32 $0xFFFFFF80  }
0x148: {  	[spmem:s2] =	stream.indirect.scatter.add.f32 [tilespmem:s5], [sflag:$0x1], $0x1, s14, s8, $0xb8;
	[tilespmem:$0x2B00] =	vst v63  }
0x149: {  	_ =	swait.ge [sflag:s4], $0x80  }
0x14a: {  	s15 =	sld [smem:$0x7F3]  }
0x14b: {  	[sflag:s4] =	ssyncset.done $0x0  }
0x14c: {  	[sflag:s4] =	ssyncadd.s32 $0xFFFFFF80  }
0x14d: {  	[spmem:s2] =	stream.indirect.scatter.add.f32 [tilespmem:s5], [sflag:$0x1], $0x1, s15, s8, $0xb8;
	[tilespmem:$0x2B00] =	vst v63  }
0x14e: {  	_ =	swait.ge [sflag:s4], $0x80  }
0x14f: {  	s16 =	sld [smem:$0x7F4]  }
0x150: {  	[sflag:s4] =	ssyncset.done $0x0  }
0x151: {  	[sflag:s4] =	ssyncadd.s32 $0xFFFFFF80  }
0x152: {  	[spmem:s2] =	stream.indirect.scatter.add.f32 [tilespmem:s5], [sflag:$0x1], $0x1, s16, s8, $0xb8;
	[tilespmem:$0x2B00] =	vst v63  }
0x153: {  	_ =	swait.ge [sflag:s4], $0x80  }
0x154: {  	s17 =	sld [smem:$0x7F5]  }
0x155: {  	[sflag:s4] =	ssyncset.done $0x0  }
0x156: {  	[sflag:s4] =	ssyncadd.s32 $0xFFFFFF80  }
0x157: {  	[spmem:s2] =	stream.indirect.scatter.add.f32 [tilespmem:s5], [sflag:$0x1], $0x1, s17, s8, $0xb8;
	[tilespmem:$0x2B00] =	vst v63  }
0x158: {  	_ =	swait.ge [sflag:s4], $0x80  }
0x159: {  	s18 =	sld [smem:$0x7F6]  }
0x15a: {  	[sflag:s4] =	ssyncset.done $0x0  }
0x15b: {  	[sflag:s4] =	ssyncadd.s32 $0xFFFFFF80  }
0x15c: {  	[spmem:s2] =	stream.indirect.scatter.add.f32 [tilespmem:s5], [sflag:$0x1], $0x1, s18, s8, $0xb8;
	[tilespmem:$0x2B00] =	vst v63  }
0x15d: {  	_ =	swait.ge [sflag:s4], $0x80  }
0x15e: {  	s19 =	sld [smem:$0x7F7]  }
0x15f: {  	[sflag:s4] =	ssyncset.done $0x0  }
0x160: {  	[sflag:s4] =	ssyncadd.s32 $0xFFFFFF80  }
0x161: {  	[spmem:s2] =	stream.indirect.scatter.add.f32 [tilespmem:s5], [sflag:$0x1], $0x1, s19, s8, $0xb8;
	[tilespmem:$0x2B00] =	vst v63  }
0x162: {  	_ =	swait.ge [sflag:s4], $0x80  }
0x163: {  	s20 =	sld [smem:$0x7F8]  }
0x164: {  	[sflag:s4] =	ssyncset.done $0x0  }
0x165: {  	[sflag:s4] =	ssyncadd.s32 $0xFFFFFF80  }
0x166: {  	[spmem:s2] =	stream.indirect.scatter.add.f32 [tilespmem:s5], [sflag:$0x1], $0x1, s20, s8, $0xb8;
	[tilespmem:$0x2B00] =	vst v63  }
0x167: {  	_ =	swait.ge [sflag:s4], $0x80  }
0x168: {  	s21 =	sld [smem:$0x7F9]  }
0x169: {  	[sflag:s4] =	ssyncset.done $0x0  }
0x16a: {  	[sflag:s4] =	ssyncadd.s32 $0xFFFFFF80  }
0x16b: {  	[spmem:s2] =	stream.indirect.scatter.add.f32 [tilespmem:s5], [sflag:$0x1], $0x1, s21, s8, $0xb8;
	[tilespmem:$0x2B00] =	vst v63  }
0x16c: {  	_ =	swait.ge [sflag:s4], $0x80  }
0x16d: {  	s22 =	sld [smem:$0x7FA]  }
0x16e: {  	[sflag:s4] =	ssyncset.done $0x0  }
0x16f: {  	[sflag:s4] =	ssyncadd.s32 $0xFFFFFF80  }
0x170: {  	[spmem:s2] =	stream.indirect.scatter.add.f32 [tilespmem:s5], [sflag:$0x1], $0x1, s22, s8, $0xb8;
	[tilespmem:$0x2B00] =	vst v63  }
0x171: {  	_ =	swait.ge [sflag:s4], $0x80  }
0x172: {  	s23 =	sld [smem:$0x7FB]  }
0x173: {  	[sflag:s4] =	ssyncset.done $0x0  }
0x174: {  	[sflag:s4] =	ssyncadd.s32 $0xFFFFFF80  }
0x175: {  	[spmem:s2] =	stream.indirect.scatter.add.f32 [tilespmem:s5], [sflag:$0x1], $0x1, s23, s8, $0xb8;
	[tilespmem:$0x2B00] =	vst v63  }
0x176: {  	_ =	swait.ge [sflag:s4], $0x80  }
0x177: {  	s24 =	sld [smem:$0x7FC]  }
0x178: {  	[sflag:s4] =	ssyncset.done $0x0  }
0x179: {  	[sflag:s4] =	ssyncadd.s32 $0xFFFFFF80  }
0x17a: {  	[spmem:s2] =	stream.indirect.scatter.add.f32 [tilespmem:s5], [sflag:$0x1], $0x1, s24, s8, $0xb8;
	[tilespmem:$0x2B00] =	vst v63  }
0x17b: {  	_ =	swait.ge [sflag:s4], $0x80  }
0x17c: {  	s25 =	sld [smem:$0x7FD]  }
0x17d: {  	[sflag:s4] =	ssyncset.done $0x0  }
0x17e: {  	[sflag:s4] =	ssyncadd.s32 $0xFFFFFF80  }
0x17f: {  	[spmem:s2] =	stream.indirect.scatter.add.f32 [tilespmem:s5], [sflag:$0x1], $0x1, s25, s8, $0xb8;
	[tilespmem:$0x2B00] =	vst v63  }
0x180: {  	_ =	swait.ge [sflag:s4], $0x80  }
0x181: {  	[sflag:s4] =	ssyncset.done $0x0  }
0x182: {  	s26 =	simm.s32 $0x1E00;
	[sflag:s4] =	ssyncadd.s32 $0xFFFFFF80  }
0x183: {  	[spmem:s2] =	stream.indirect.scatter.add.f32 [tilespmem:s5], [sflag:$0x1], $0x1, s26, s8, $0xb8;
	[tilespmem:$0x2B00] =	vst v63  }
0x184: {  	_ =	swait.ge [sflag:s4], $0x80  }
0x185: {  	[sflag:s4] =	ssyncset.done $0x0  }
0x186: {  	s10 =	simm.s32 $0x1E80;
	[sflag:s4] =	ssyncadd.s32 $0xFFFFFF80  }
0x187: {  	[spmem:s2] =	stream.indirect.scatter.add.f32 [tilespmem:s5], [sflag:$0x1], $0x1, s10, s8, $0xb8;
	[tilespmem:$0x2B00] =	vst v63  }
0x188: {  	_ =	swait.ge [sflag:s4], $0x80  }
0x189: {  	[sflag:s4] =	ssyncset.done $0x0  }
0x18a: {  	s11 =	simm.s32 $0x1F00;
	[sflag:s4] =	ssyncadd.s32 $0xFFFFFF80  }
0x18b: {  	[spmem:s2] =	stream.indirect.scatter.add.f32 [tilespmem:s5], [sflag:$0x1], $0x1, s11, s8, $0xb8;
	[tilespmem:$0x2B00] =	vst v63  }
0x18c: {  	_ =	swait.ge [sflag:s4], $0x80  }
0x18d: {  	[sflag:s4] =	ssyncset.done $0x0  }
0x18e: {  	s12 =	simm.s32 $0x1F80;
	[sflag:s4] =	ssyncadd.s32 $0xFFFFFF80  }
0x18f: {  	[spmem:s2] =	stream.indirect.scatter.add.f32 [tilespmem:s5], [sflag:$0x1], $0x1, s12, s8, $0xb8;
	[tilespmem:$0x2B00] =	vst v63  }
0x190: {  	_ =	swait.ge [sflag:s4], $0x80  }
0x191: {  	[sflag:s4] =	ssyncset.done $0x0  }
0x192: {  	s13 =	simm.s32 $0x2000;
	[sflag:s4] =	ssyncadd.s32 $0xFFFFFF80  }
0x193: {  	[spmem:s2] =	stream.indirect.scatter.add.f32 [tilespmem:s5], [sflag:$0x1], $0x1, s13, s8, $0xb8;
	[tilespmem:$0x2B00] =	vst v63  }
0x194: {  	_ =	swait.ge [sflag:s4], $0x80  }
0x195: {  	[sflag:s4] =	ssyncset.done $0x0  }
0x196: {  	s14 =	simm.s32 $0x2080;
	[sflag:s4] =	ssyncadd.s32 $0xFFFFFF80  }
0x197: {  	[spmem:s2] =	stream.indirect.scatter.add.f32 [tilespmem:s5], [sflag:$0x1], $0x1, s14, s8, $0xb8;
	[tilespmem:$0x2B00] =	vst v63  }
0x198: {  	_ =	swait.ge [sflag:s4], $0x80  }
0x199: {  	[sflag:s4] =	ssyncset.done $0x0  }
0x19a: {  	s15 =	simm.s32 $0x2100;
	[sflag:s4] =	ssyncadd.s32 $0xFFFFFF80  }
0x19b: {  	[spmem:s2] =	stream.indirect.scatter.add.f32 [tilespmem:s5], [sflag:$0x1], $0x1, s15, s8, $0xb8;
	[tilespmem:$0x2B00] =	vst v63  }
0x19c: {  	_ =	swait.ge [sflag:s4], $0x80  }
0x19d: {  	[sflag:s4] =	ssyncset.done $0x0  }
0x19e: {  	s16 =	simm.s32 $0x2180;
	[sflag:s4] =	ssyncadd.s32 $0xFFFFFF80  }
0x19f: {  	[spmem:s2] =	stream.indirect.scatter.add.f32 [tilespmem:s5], [sflag:$0x1], $0x1, s16, s8, $0xb8;
	[tilespmem:$0x2B00] =	vst v63  }
0x1a0: {  	_ =	swait.ge [sflag:s4], $0x80  }
0x1a1: {  	[sflag:s4] =	ssyncset.done $0x0  }
0x1a2: {  	s17 =	simm.s32 $0x2200;
	[sflag:s4] =	ssyncadd.s32 $0xFFFFFF80  }
0x1a3: {  	[spmem:s2] =	stream.indirect.scatter.add.f32 [tilespmem:s5], [sflag:$0x1], $0x1, s17, s8, $0xb8;
	[tilespmem:$0x2B00] =	vst v63  }
0x1a4: {  	_ =	swait.ge [sflag:s4], $0x80  }
0x1a5: {  	[sflag:s4] =	ssyncset.done $0x0  }
0x1a6: {  	s18 =	simm.s32 $0x2280;
	[sflag:s4] =	ssyncadd.s32 $0xFFFFFF80  }
0x1a7: {  	[spmem:s2] =	stream.indirect.scatter.add.f32 [tilespmem:s5], [sflag:$0x1], $0x1, s18, s8, $0xb8;
	[tilespmem:$0x2B00] =	vst v63  }
0x1a8: {  	_ =	swait.ge [sflag:s4], $0x80  }
0x1a9: {  	[sflag:s4] =	ssyncset.done $0x0  }
0x1aa: {  	s19 =	simm.s32 $0x2300;
	[sflag:s4] =	ssyncadd.s32 $0xFFFFFF80  }
0x1ab: {  	[spmem:s2] =	stream.indirect.scatter.add.f32 [tilespmem:s5], [sflag:$0x1], $0x1, s19, s8, $0xb8;
	[tilespmem:$0x2B00] =	vst v63  }
0x1ac: {  	_ =	swait.ge [sflag:s4], $0x80  }
0x1ad: {  	[sflag:s4] =	ssyncset.done $0x0  }
0x1ae: {  	s20 =	simm.s32 $0x2380;
	[sflag:s4] =	ssyncadd.s32 $0xFFFFFF80  }
0x1af: {  	[spmem:s2] =	stream.indirect.scatter.add.f32 [tilespmem:s5], [sflag:$0x1], $0x1, s20, s8, $0xb8;
	[tilespmem:$0x2B00] =	vst v63  }
0x1b0: {  	_ =	swait.ge [sflag:s4], $0x80  }
0x1b1: {  	[sflag:s4] =	ssyncset.done $0x0  }
0x1b2: {  	s21 =	simm.s32 $0x2400;
	[sflag:s4] =	ssyncadd.s32 $0xFFFFFF80  }
0x1b3: {  	[spmem:s2] =	stream.indirect.scatter.add.f32 [tilespmem:s5], [sflag:$0x1], $0x1, s21, s8, $0xb8;
	[tilespmem:$0x2B00] =	vst v63  }
0x1b4: {  	_ =	swait.ge [sflag:s4], $0x80  }
0x1b5: {  	[sflag:s4] =	ssyncset.done $0x0  }
0x1b6: {  	s22 =	simm.s32 $0x2480;
	[sflag:s4] =	ssyncadd.s32 $0xFFFFFF80  }
0x1b7: {  	[spmem:s2] =	stream.indirect.scatter.add.f32 [tilespmem:s5], [sflag:$0x1], $0x1, s22, s8, $0xb8;
	[tilespmem:$0x2B00] =	vst v63  }
0x1b8: {  	_ =	swait.ge [sflag:s4], $0x80  }
0x1b9: {  	[sflag:s4] =	ssyncset.done $0x0  }
0x1ba: {  	s23 =	simm.s32 $0x2500;
	[sflag:s4] =	ssyncadd.s32 $0xFFFFFF80  }
0x1bb: {  	[spmem:s2] =	stream.indirect.scatter.add.f32 [tilespmem:s5], [sflag:$0x1], $0x1, s23, s8, $0xb8;
	[tilespmem:$0x2B00] =	vst v63  }
0x1bc: {  	_ =	swait.ge [sflag:s4], $0x80  }
0x1bd: {  	[sflag:s4] =	ssyncset.done $0x0  }
0x1be: {  	s24 =	simm.s32 $0x2580;
	[sflag:s4] =	ssyncadd.s32 $0xFFFFFF80  }
0x1bf: {  	[spmem:s2] =	stream.indirect.scatter.add.f32 [tilespmem:s5], [sflag:$0x1], $0x1, s24, s8, $0xb8;
	[tilespmem:$0x2B00] =	vst v63  }
0x1c0: {  	_ =	swait.ge [sflag:s4], $0x80  }
0x1c1: {  	[sflag:s4] =	ssyncset.done $0x0  }
0x1c2: {  	s25 =	simm.s32 $0x2600;
	[sflag:s4] =	ssyncadd.s32 $0xFFFFFF80  }
0x1c3: {  	[spmem:s2] =	stream.indirect.scatter.add.f32 [tilespmem:s5], [sflag:$0x1], $0x1, s25, s8, $0xb8;
	[tilespmem:$0x2B00] =	vst v63  }
0x1c4: {  	_ =	swait.ge [sflag:s4], $0x80  }
0x1c5: {  	[sflag:s4] =	ssyncset.done $0x0  }
0x1c6: {  	s26 =	simm.s32 $0x2680;
	[sflag:s4] =	ssyncadd.s32 $0xFFFFFF80  }
0x1c7: {  	[spmem:s2] =	stream.indirect.scatter.add.f32 [tilespmem:s5], [sflag:$0x1], $0x1, s26, s8, $0xb8;
	[tilespmem:$0x2B00] =	vst v63  }
0x1c8: {  	_ =	swait.ge [sflag:s4], $0x80  }
0x1c9: {  	s0 =	ssub.s32 $0x2, s0;
	[sflag:s4] =	ssyncset.done $0x0  }
0x1ca: {  	s28 =	simm.s32 $0x2700;
	s9 =	sshrl.u32 s0, $0x1;
	[sflag:s4] =	ssyncadd.s32 $0xFFFFFF80  }
0x1cb: {  	[spmem:s2] =	stream.indirect.scatter.add.f32 [tilespmem:s5], [sflag:$0x1], $0x1, s28, s8, $0xb8;
	[tilespmem:$0x2B00] =	vst v63  }
0x1cc: {  	s0 =	ssub.s32 s0, s9;
	_ =	swait.ge [sflag:s4], $0x80  }
0x1cd: {  	s0 =	smax.u32 s0, $0x1;
	[sflag:s4] =	ssyncset.done $0x0  }
0x1ce: {  	s29 =	simm.s32 $0x2780;
	p0 =	sne.s32 s0, $0x1;
	[sflag:s4] =	ssyncadd.s32 $0xFFFFFF80  }
0x1cf: {  	[spmem:s2] =	stream.indirect.scatter.add.f32 [tilespmem:s5], [sflag:$0x1], $0x1, s29, s8, $0xb8;
	[tilespmem:$0x2B00] =	vst v63  }
.Ltmp0:
0x1d0: {  	_ =	swait.ge [sflag:s4], $0x80;
	(pc) =	sbr.rel @!p0 .LBB2_2-.Ltmp0, $4  }
0x1d1: {  	[sflag:s4] =	ssyncset.done $0x0  }
0x1d2: {  	[sflag:s4] =	ssyncadd.s32 $0xFFFFFF80  }
0x1d3: {  	s31 =	simm.s32 $0x20;
	[bflag:$0x0] =	sbarrier.arrive $0xFFFF  }
0x1d4: {  	s30 =	sadd.s32 $0xFFFFFFFF, s0;
	s0 =	simm.s32 $0x10;
	s1 =	rddreg [dreg:$0xb]  }
.LBB2_1:
0x1d5: {  	[hbm:s1@s31], [sflag:s6] =	dma.strided [spmem:s7@s0], $0x50, s4, $0x10   }
0x1d6: {  	_ =	swait.ge [sflag:s4], $0x50  }
0x1d7: {  	[sflag:s4] =	ssyncset.done $0x0  }
0x1d8: {  	s9 =	rddreg [dreg:$0x6];
	[sflag:s4] =	ssyncadd.s32 $0xFFFFFFB0  }
0x1d9: {  	[tilespmem:s3], [sflag:$0x1] =	stream.linear.gather [hbm4b:s9+s3], $0x2800, $0x38;
	[tilespmem:$0x2B00] =	vst v63  }
0x1da: {  	_ =	swait.ge [sflag:s4], $0x2800  }
0x1db: {  	[sflag:s4] =	ssyncset.done $0x0  }
0x1dc: {  	s9 =	rddreg [dreg:$0x5];
	[sflag:s4] =	ssyncadd.s32 $0xFFFFD800  }
0x1dd: {  	[tilespmem:s5], [sflag:$0x1] =	stream.linear.gather [hbm4b:s9+s3], $0x80, $0x38;
	[tilespmem:$0x2B00] =	vst v63  }
0x1de: {  	_ =	swait.ge [sflag:s4], $0x80  }
0x1df: {  	[sflag:s4] =	ssyncset.done $0x0  }
0x1e0: {  	s9 =	rddreg [dreg:$0x4];
	[sflag:s4] =	ssyncadd.s32 $0xFFFFFF80  }
0x1e1: {  	[spmem:s7], [sflag:s6] =	dma.local [hbm:s9], $0x10  }
0x1e2: {  	_ =	swait.ge [sflag:s4], $0x10  }
0x1e3: {  	[sflag:s4] =	ssyncset.done $0x0;
	s1 =	rddreg [dreg:$0x7]  }
0x1e4: {  	s9 =	rddreg [dreg:$0xc];
	[sflag:s4] =	ssyncadd.s32 $0xFFFFFFF0  }
0x1e5: {  	[spmem:s9], [sflag:s6] =	dma.local [hbm:s1], $0x10  }
0x1e6: {  	_ =	swait.ge [sflag:s4], $0x10  }
0x1e7: {  	[sflag:s4] =	ssyncset.done $0x0;
	s1 =	rddreg [dreg:$0x8]  }
0x1e8: {  	s9 =	rddreg [dreg:$0xd];
	[sflag:s4] =	ssyncadd.s32 $0xFFFFFFF0  }
0x1e9: {  	[spmem:s9], [sflag:s6] =	dma.local [hbm:s1], $0x10  }
0x1ea: {  	_ =	swait.ge [sflag:s4], $0x10  }
0x1eb: {  	[sflag:s4] =	ssyncset.done $0x0;
	s1 =	rddreg [dreg:$0x9]  }
0x1ec: {  	s9 =	rddreg [dreg:$0xe];
	[sflag:s4] =	ssyncadd.s32 $0xFFFFFFF0  }
0x1ed: {  	[spmem:s9], [sflag:s6] =	dma.local [hbm:s1], $0x10  }
0x1ee: {  	_ =	swait.ge [sflag:s4], $0x10  }
0x1ef: {  	[sflag:s4] =	ssyncset.done $0x0;
	s1 =	rddreg [dreg:$0xa]  }
0x1f0: {  	s9 =	rddreg [dreg:$0xf];
	[sflag:s4] =	ssyncadd.s32 $0xFFFFFFF0  }
0x1f1: {  	[spmem:s9], [sflag:s6] =	dma.local [hbm:s1], $0x10  }
0x1f2: {  	_ =	swait.ge [sflag:s4], $0x10  }
0x1f3: {  	[sflag:s4] =	ssyncset.done $0x0  }
0x1f4: {  	[sflag:s4] =	ssyncadd.s32 $0xFFFFFFF0  }
0x1f5: {  	[bflag:$0x0] =	sbarrier.arrive $0xFFFF  }
0x1f6: {  	[spmem:s2] =	stream.indirect.scatter.add.f32 [tilespmem:s5], [sflag:$0x1], $0x1, s3, s8, $0xb8;
	[tilespmem:$0x2B00] =	vst v63  }
0x1f7: {  	_ =	swait.ge [sflag:s4], $0x80  }
0x1f8: {  	[sflag:s4] =	ssyncset.done $0x0  }
0x1f9: {  	[sflag:s4] =	ssyncadd.s32 $0xFFFFFF80  }
0x1fa: {  	[spmem:s2] =	stream.indirect.scatter.add.f32 [tilespmem:s5], [sflag:$0x1], $0x1, s8, s8, $0xb8;
	[tilespmem:$0x2B00] =	vst v63  }
0x1fb: {  	_ =	swait.ge [sflag:s4], $0x80  }
0x1fc: {  	[sflag:s4] =	ssyncset.done $0x0  }
0x1fd: {  	s9 =	rddreg [dreg:$0x10];
	[sflag:s4] =	ssyncadd.s32 $0xFFFFFF80  }
0x1fe: {  	[spmem:s2] =	stream.indirect.scatter.add.f32 [tilespmem:s5], [sflag:$0x1], $0x1, s9, s8, $0xb8;
	[tilespmem:$0x2B00] =	vst v63  }
0x1ff: {  	_ =	swait.ge [sflag:s4], $0x80  }
0x200: {  	[sflag:s4] =	ssyncset.done $0x0  }
0x201: {  	s9 =	rddreg [dreg:$0x11];
	[sflag:s4] =	ssyncadd.s32 $0xFFFFFF80  }
0x202: {  	[spmem:s2] =	stream.indirect.scatter.add.f32 [tilespmem:s5], [sflag:$0x1], $0x1, s9, s8, $0xb8;
	[tilespmem:$0x2B00] =	vst v63  }
0x203: {  	_ =	swait.ge [sflag:s4], $0x80  }
0x204: {  	[sflag:s4] =	ssyncset.done $0x0  }
0x205: {  	s9 =	rddreg [dreg:$0x12];
	[sflag:s4] =	ssyncadd.s32 $0xFFFFFF80  }
0x206: {  	[spmem:s2] =	stream.indirect.scatter.add.f32 [tilespmem:s5], [sflag:$0x1], $0x1, s9, s8, $0xb8;
	[tilespmem:$0x2B00] =	vst v63  }
0x207: {  	_ =	swait.ge [sflag:s4], $0x80  }
0x208: {  	[sflag:s4] =	ssyncset.done $0x0  }
0x209: {  	s9 =	rddreg [dreg:$0x13];
	[sflag:s4] =	ssyncadd.s32 $0xFFFFFF80  }
0x20a: {  	[spmem:s2] =	stream.indirect.scatter.add.f32 [tilespmem:s5], [sflag:$0x1], $0x1, s9, s8, $0xb8;
	[tilespmem:$0x2B00] =	vst v63  }
0x20b: {  	_ =	swait.ge [sflag:s4], $0x80  }
0x20c: {  	[sflag:s4] =	ssyncset.done $0x0  }
0x20d: {  	s9 =	rddreg [dreg:$0x14];
	[sflag:s4] =	ssyncadd.s32 $0xFFFFFF80  }
0x20e: {  	[spmem:s2] =	stream.indirect.scatter.add.f32 [tilespmem:s5], [sflag:$0x1], $0x1, s9, s8, $0xb8;
	[tilespmem:$0x2B00] =	vst v63  }
0x20f: {  	_ =	swait.ge [sflag:s4], $0x80  }
0x210: {  	[sflag:s4] =	ssyncset.done $0x0  }
0x211: {  	s9 =	rddreg [dreg:$0x15];
	[sflag:s4] =	ssyncadd.s32 $0xFFFFFF80  }
0x212: {  	[spmem:s2] =	stream.indirect.scatter.add.f32 [tilespmem:s5], [sflag:$0x1], $0x1, s9, s8, $0xb8;
	[tilespmem:$0x2B00] =	vst v63  }
0x213: {  	_ =	swait.ge [sflag:s4], $0x80  }
0x214: {  	[sflag:s4] =	ssyncset.done $0x0  }
0x215: {  	s9 =	rddreg [dreg:$0x16];
	[sflag:s4] =	ssyncadd.s32 $0xFFFFFF80  }
0x216: {  	[spmem:s2] =	stream.indirect.scatter.add.f32 [tilespmem:s5], [sflag:$0x1], $0x1, s9, s8, $0xb8;
	[tilespmem:$0x2B00] =	vst v63  }
0x217: {  	_ =	swait.ge [sflag:s4], $0x80  }
0x218: {  	[sflag:s4] =	ssyncset.done $0x0  }
0x219: {  	s9 =	rddreg [dreg:$0x17];
	[sflag:s4] =	ssyncadd.s32 $0xFFFFFF80  }
0x21a: {  	[spmem:s2] =	stream.indirect.scatter.add.f32 [tilespmem:s5], [sflag:$0x1], $0x1, s9, s8, $0xb8;
	[tilespmem:$0x2B00] =	vst v63  }
0x21b: {  	_ =	swait.ge [sflag:s4], $0x80  }
0x21c: {  	[sflag:s4] =	ssyncset.done $0x0  }
0x21d: {  	s9 =	rddreg [dreg:$0x18];
	[sflag:s4] =	ssyncadd.s32 $0xFFFFFF80  }
0x21e: {  	[spmem:s2] =	stream.indirect.scatter.add.f32 [tilespmem:s5], [sflag:$0x1], $0x1, s9, s8, $0xb8;
	[tilespmem:$0x2B00] =	vst v63  }
0x21f: {  	_ =	swait.ge [sflag:s4], $0x80  }
0x220: {  	[sflag:s4] =	ssyncset.done $0x0  }
0x221: {  	s9 =	rddreg [dreg:$0x19];
	[sflag:s4] =	ssyncadd.s32 $0xFFFFFF80  }
0x222: {  	[spmem:s2] =	stream.indirect.scatter.add.f32 [tilespmem:s5], [sflag:$0x1], $0x1, s9, s8, $0xb8;
	[tilespmem:$0x2B00] =	vst v63  }
0x223: {  	_ =	swait.ge [sflag:s4], $0x80  }
0x224: {  	[sflag:s4] =	ssyncset.done $0x0  }
0x225: {  	s9 =	rddreg [dreg:$0x1a];
	[sflag:s4] =	ssyncadd.s32 $0xFFFFFF80  }
0x226: {  	[spmem:s2] =	stream.indirect.scatter.add.f32 [tilespmem:s5], [sflag:$0x1], $0x1, s9, s8, $0xb8;
	[tilespmem:$0x2B00] =	vst v63  }
0x227: {  	_ =	swait.ge [sflag:s4], $0x80  }
0x228: {  	[sflag:s4] =	ssyncset.done $0x0  }
0x229: {  	s9 =	rddreg [dreg:$0x1b];
	[sflag:s4] =	ssyncadd.s32 $0xFFFFFF80  }
0x22a: {  	[spmem:s2] =	stream.indirect.scatter.add.f32 [tilespmem:s5], [sflag:$0x1], $0x1, s9, s8, $0xb8;
	[tilespmem:$0x2B00] =	vst v63  }
0x22b: {  	_ =	swait.ge [sflag:s4], $0x80  }
0x22c: {  	[sflag:s4] =	ssyncset.done $0x0  }
0x22d: {  	s9 =	rddreg [dreg:$0x1c];
	[sflag:s4] =	ssyncadd.s32 $0xFFFFFF80  }
0x22e: {  	[spmem:s2] =	stream.indirect.scatter.add.f32 [tilespmem:s5], [sflag:$0x1], $0x1, s9, s8, $0xb8;
	[tilespmem:$0x2B00] =	vst v63  }
0x22f: {  	_ =	swait.ge [sflag:s4], $0x80  }
0x230: {  	[sflag:s4] =	ssyncset.done $0x0  }
0x231: {  	s9 =	rddreg [dreg:$0x1d];
	[sflag:s4] =	ssyncadd.s32 $0xFFFFFF80  }
0x232: {  	[spmem:s2] =	stream.indirect.scatter.add.f32 [tilespmem:s5], [sflag:$0x1], $0x1, s9, s8, $0xb8;
	[tilespmem:$0x2B00] =	vst v63  }
0x233: {  	_ =	swait.ge [sflag:s4], $0x80  }
0x234: {  	[sflag:s4] =	ssyncset.done $0x0  }
0x235: {  	s9 =	rddreg [dreg:$0x1e];
	[sflag:s4] =	ssyncadd.s32 $0xFFFFFF80  }
0x236: {  	[spmem:s2] =	stream.indirect.scatter.add.f32 [tilespmem:s5], [sflag:$0x1], $0x1, s9, s8, $0xb8;
	[tilespmem:$0x2B00] =	vst v63  }
0x237: {  	_ =	swait.ge [sflag:s4], $0x80  }
0x238: {  	[sflag:s4] =	ssyncset.done $0x0  }
0x239: {  	s9 =	rddreg [dreg:$0x1f];
	[sflag:s4] =	ssyncadd.s32 $0xFFFFFF80  }
0x23a: {  	[spmem:s2] =	stream.indirect.scatter.add.f32 [tilespmem:s5], [sflag:$0x1], $0x1, s9, s8, $0xb8;
	[tilespmem:$0x2B00] =	vst v63  }
0x23b: {  	_ =	swait.ge [sflag:s4], $0x80  }
0x23c: {  	s9 =	sld [smem:$0x7D4]  }
0x23d: {  	[sflag:s4] =	ssyncset.done $0x0  }
0x23e: {  	[sflag:s4] =	ssyncadd.s32 $0xFFFFFF80  }
0x23f: {  	[spmem:s2] =	stream.indirect.scatter.add.f32 [tilespmem:s5], [sflag:$0x1], $0x1, s9, s8, $0xb8;
	[tilespmem:$0x2B00] =	vst v63  }
0x240: {  	_ =	swait.ge [sflag:s4], $0x80  }
0x241: {  	s9 =	sld [smem:$0x7D5]  }
0x242: {  	[sflag:s4] =	ssyncset.done $0x0  }
0x243: {  	[sflag:s4] =	ssyncadd.s32 $0xFFFFFF80  }
0x244: {  	[spmem:s2] =	stream.indirect.scatter.add.f32 [tilespmem:s5], [sflag:$0x1], $0x1, s9, s8, $0xb8;
	[tilespmem:$0x2B00] =	vst v63  }
0x245: {  	_ =	swait.ge [sflag:s4], $0x80  }
0x246: {  	s9 =	sld [smem:$0x7D6]  }
0x247: {  	[sflag:s4] =	ssyncset.done $0x0  }
0x248: {  	[sflag:s4] =	ssyncadd.s32 $0xFFFFFF80  }
0x249: {  	[spmem:s2] =	stream.indirect.scatter.add.f32 [tilespmem:s5], [sflag:$0x1], $0x1, s9, s8, $0xb8;
	[tilespmem:$0x2B00] =	vst v63  }
0x24a: {  	_ =	swait.ge [sflag:s4], $0x80  }
0x24b: {  	s9 =	sld [smem:$0x7D7]  }
0x24c: {  	[sflag:s4] =	ssyncset.done $0x0  }
0x24d: {  	[sflag:s4] =	ssyncadd.s32 $0xFFFFFF80  }
0x24e: {  	[spmem:s2] =	stream.indirect.scatter.add.f32 [tilespmem:s5], [sflag:$0x1], $0x1, s9, s8, $0xb8;
	[tilespmem:$0x2B00] =	vst v63  }
0x24f: {  	_ =	swait.ge [sflag:s4], $0x80  }
0x250: {  	s9 =	sld [smem:$0x7D8]  }
0x251: {  	[sflag:s4] =	ssyncset.done $0x0  }
0x252: {  	[sflag:s4] =	ssyncadd.s32 $0xFFFFFF80  }
0x253: {  	[spmem:s2] =	stream.indirect.scatter.add.f32 [tilespmem:s5], [sflag:$0x1], $0x1, s9, s8, $0xb8;
	[tilespmem:$0x2B00] =	vst v63  }
0x254: {  	_ =	swait.ge [sflag:s4], $0x80  }
0x255: {  	s9 =	sld [smem:$0x7D9]  }
0x256: {  	[sflag:s4] =	ssyncset.done $0x0  }
0x257: {  	[sflag:s4] =	ssyncadd.s32 $0xFFFFFF80  }
0x258: {  	[spmem:s2] =	stream.indirect.scatter.add.f32 [tilespmem:s5], [sflag:$0x1], $0x1, s9, s8, $0xb8;
	[tilespmem:$0x2B00] =	vst v63  }
0x259: {  	_ =	swait.ge [sflag:s4], $0x80  }
0x25a: {  	s9 =	sld [smem:$0x7DA]  }
0x25b: {  	[sflag:s4] =	ssyncset.done $0x0  }
0x25c: {  	[sflag:s4] =	ssyncadd.s32 $0xFFFFFF80  }
0x25d: {  	[spmem:s2] =	stream.indirect.scatter.add.f32 [tilespmem:s5], [sflag:$0x1], $0x1, s9, s8, $0xb8;
	[tilespmem:$0x2B00] =	vst v63  }
0x25e: {  	_ =	swait.ge [sflag:s4], $0x80  }
0x25f: {  	s9 =	sld [smem:$0x7DB]  }
0x260: {  	[sflag:s4] =	ssyncset.done $0x0  }
0x261: {  	[sflag:s4] =	ssyncadd.s32 $0xFFFFFF80  }
0x262: {  	[spmem:s2] =	stream.indirect.scatter.add.f32 [tilespmem:s5], [sflag:$0x1], $0x1, s9, s8, $0xb8;
	[tilespmem:$0x2B00] =	vst v63  }
0x263: {  	_ =	swait.ge [sflag:s4], $0x80  }
0x264: {  	s9 =	sld [smem:$0x7DC]  }
0x265: {  	[sflag:s4] =	ssyncset.done $0x0  }
0x266: {  	[sflag:s4] =	ssyncadd.s32 $0xFFFFFF80  }
0x267: {  	[spmem:s2] =	stream.indirect.scatter.add.f32 [tilespmem:s5], [sflag:$0x1], $0x1, s9, s8, $0xb8;
	[tilespmem:$0x2B00] =	vst v63  }
0x268: {  	_ =	swait.ge [sflag:s4], $0x80  }
0x269: {  	s9 =	sld [smem:$0x7DD]  }
0x26a: {  	[sflag:s4] =	ssyncset.done $0x0  }
0x26b: {  	[sflag:s4] =	ssyncadd.s32 $0xFFFFFF80  }
0x26c: {  	[spmem:s2] =	stream.indirect.scatter.add.f32 [tilespmem:s5], [sflag:$0x1], $0x1, s9, s8, $0xb8;
	[tilespmem:$0x2B00] =	vst v63  }
0x26d: {  	_ =	swait.ge [sflag:s4], $0x80  }
0x26e: {  	s9 =	sld [smem:$0x7DE]  }
0x26f: {  	[sflag:s4] =	ssyncset.done $0x0  }
0x270: {  	[sflag:s4] =	ssyncadd.s32 $0xFFFFFF80  }
0x271: {  	[spmem:s2] =	stream.indirect.scatter.add.f32 [tilespmem:s5], [sflag:$0x1], $0x1, s9, s8, $0xb8;
	[tilespmem:$0x2B00] =	vst v63  }
0x272: {  	_ =	swait.ge [sflag:s4], $0x80  }
0x273: {  	s9 =	sld [smem:$0x7DF]  }
0x274: {  	[sflag:s4] =	ssyncset.done $0x0  }
0x275: {  	[sflag:s4] =	ssyncadd.s32 $0xFFFFFF80  }
0x276: {  	[spmem:s2] =	stream.indirect.scatter.add.f32 [tilespmem:s5], [sflag:$0x1], $0x1, s9, s8, $0xb8;
	[tilespmem:$0x2B00] =	vst v63  }
0x277: {  	_ =	swait.ge [sflag:s4], $0x80  }
0x278: {  	s9 =	sld [smem:$0x7E0]  }
0x279: {  	[sflag:s4] =	ssyncset.done $0x0  }
0x27a: {  	[sflag:s4] =	ssyncadd.s32 $0xFFFFFF80  }
0x27b: {  	[spmem:s2] =	stream.indirect.scatter.add.f32 [tilespmem:s5], [sflag:$0x1], $0x1, s9, s8, $0xb8;
	[tilespmem:$0x2B00] =	vst v63  }
0x27c: {  	_ =	swait.ge [sflag:s4], $0x80  }
0x27d: {  	s9 =	sld [smem:$0x7E1]  }
0x27e: {  	[sflag:s4] =	ssyncset.done $0x0  }
0x27f: {  	[sflag:s4] =	ssyncadd.s32 $0xFFFFFF80  }
0x280: {  	[spmem:s2] =	stream.indirect.scatter.add.f32 [tilespmem:s5], [sflag:$0x1], $0x1, s9, s8, $0xb8;
	[tilespmem:$0x2B00] =	vst v63  }
0x281: {  	_ =	swait.ge [sflag:s4], $0x80  }
0x282: {  	s9 =	sld [smem:$0x7E2]  }
0x283: {  	[sflag:s4] =	ssyncset.done $0x0  }
0x284: {  	[sflag:s4] =	ssyncadd.s32 $0xFFFFFF80  }
0x285: {  	[spmem:s2] =	stream.indirect.scatter.add.f32 [tilespmem:s5], [sflag:$0x1], $0x1, s9, s8, $0xb8;
	[tilespmem:$0x2B00] =	vst v63  }
0x286: {  	_ =	swait.ge [sflag:s4], $0x80  }
0x287: {  	s9 =	sld [smem:$0x7E3]  }
0x288: {  	[sflag:s4] =	ssyncset.done $0x0  }
0x289: {  	[sflag:s4] =	ssyncadd.s32 $0xFFFFFF80  }
0x28a: {  	[spmem:s2] =	stream.indirect.scatter.add.f32 [tilespmem:s5], [sflag:$0x1], $0x1, s9, s8, $0xb8;
	[tilespmem:$0x2B00] =	vst v63  }
0x28b: {  	_ =	swait.ge [sflag:s4], $0x80  }
0x28c: {  	s9 =	sld [smem:$0x7E4]  }
0x28d: {  	[sflag:s4] =	ssyncset.done $0x0  }
0x28e: {  	[sflag:s4] =	ssyncadd.s32 $0xFFFFFF80  }
0x28f: {  	[spmem:s2] =	stream.indirect.scatter.add.f32 [tilespmem:s5], [sflag:$0x1], $0x1, s9, s8, $0xb8;
	[tilespmem:$0x2B00] =	vst v63  }
0x290: {  	_ =	swait.ge [sflag:s4], $0x80  }
0x291: {  	s9 =	sld [smem:$0x7E5]  }
0x292: {  	[sflag:s4] =	ssyncset.done $0x0  }
0x293: {  	[sflag:s4] =	ssyncadd.s32 $0xFFFFFF80  }
0x294: {  	[spmem:s2] =	stream.indirect.scatter.add.f32 [tilespmem:s5], [sflag:$0x1], $0x1, s9, s8, $0xb8;
	[tilespmem:$0x2B00] =	vst v63  }
0x295: {  	_ =	swait.ge [sflag:s4], $0x80  }
0x296: {  	s9 =	sld [smem:$0x7E6]  }
0x297: {  	[sflag:s4] =	ssyncset.done $0x0  }
0x298: {  	[sflag:s4] =	ssyncadd.s32 $0xFFFFFF80  }
0x299: {  	[spmem:s2] =	stream.indirect.scatter.add.f32 [tilespmem:s5], [sflag:$0x1], $0x1, s9, s8, $0xb8;
	[tilespmem:$0x2B00] =	vst v63  }
0x29a: {  	_ =	swait.ge [sflag:s4], $0x80  }
0x29b: {  	s9 =	sld [smem:$0x7E7]  }
0x29c: {  	[sflag:s4] =	ssyncset.done $0x0  }
0x29d: {  	[sflag:s4] =	ssyncadd.s32 $0xFFFFFF80  }
0x29e: {  	[spmem:s2] =	stream.indirect.scatter.add.f32 [tilespmem:s5], [sflag:$0x1], $0x1, s9, s8, $0xb8;
	[tilespmem:$0x2B00] =	vst v63  }
0x29f: {  	_ =	swait.ge [sflag:s4], $0x80  }
0x2a0: {  	s9 =	sld [smem:$0x7E8]  }
0x2a1: {  	[sflag:s4] =	ssyncset.done $0x0  }
0x2a2: {  	[sflag:s4] =	ssyncadd.s32 $0xFFFFFF80  }
0x2a3: {  	[spmem:s2] =	stream.indirect.scatter.add.f32 [tilespmem:s5], [sflag:$0x1], $0x1, s9, s8, $0xb8;
	[tilespmem:$0x2B00] =	vst v63  }
0x2a4: {  	_ =	swait.ge [sflag:s4], $0x80  }
0x2a5: {  	s9 =	sld [smem:$0x7E9]  }
0x2a6: {  	[sflag:s4] =	ssyncset.done $0x0  }
0x2a7: {  	[sflag:s4] =	ssyncadd.s32 $0xFFFFFF80  }
0x2a8: {  	[spmem:s2] =	stream.indirect.scatter.add.f32 [tilespmem:s5], [sflag:$0x1], $0x1, s9, s8, $0xb8;
	[tilespmem:$0x2B00] =	vst v63  }
0x2a9: {  	_ =	swait.ge [sflag:s4], $0x80  }
0x2aa: {  	s9 =	sld [smem:$0x7EA]  }
0x2ab: {  	[sflag:s4] =	ssyncset.done $0x0  }
0x2ac: {  	[sflag:s4] =	ssyncadd.s32 $0xFFFFFF80  }
0x2ad: {  	[spmem:s2] =	stream.indirect.scatter.add.f32 [tilespmem:s5], [sflag:$0x1], $0x1, s9, s8, $0xb8;
	[tilespmem:$0x2B00] =	vst v63  }
0x2ae: {  	_ =	swait.ge [sflag:s4], $0x80  }
0x2af: {  	s9 =	sld [smem:$0x7EB]  }
0x2b0: {  	[sflag:s4] =	ssyncset.done $0x0  }
0x2b1: {  	[sflag:s4] =	ssyncadd.s32 $0xFFFFFF80  }
0x2b2: {  	[spmem:s2] =	stream.indirect.scatter.add.f32 [tilespmem:s5], [sflag:$0x1], $0x1, s9, s8, $0xb8;
	[tilespmem:$0x2B00] =	vst v63  }
0x2b3: {  	_ =	swait.ge [sflag:s4], $0x80  }
0x2b4: {  	s9 =	sld [smem:$0x7EC]  }
0x2b5: {  	[sflag:s4] =	ssyncset.done $0x0  }
0x2b6: {  	[sflag:s4] =	ssyncadd.s32 $0xFFFFFF80  }
0x2b7: {  	[spmem:s2] =	stream.indirect.scatter.add.f32 [tilespmem:s5], [sflag:$0x1], $0x1, s9, s8, $0xb8;
	[tilespmem:$0x2B00] =	vst v63  }
0x2b8: {  	_ =	swait.ge [sflag:s4], $0x80  }
0x2b9: {  	s9 =	sld [smem:$0x7ED]  }
0x2ba: {  	[sflag:s4] =	ssyncset.done $0x0  }
0x2bb: {  	[sflag:s4] =	ssyncadd.s32 $0xFFFFFF80  }
0x2bc: {  	[spmem:s2] =	stream.indirect.scatter.add.f32 [tilespmem:s5], [sflag:$0x1], $0x1, s9, s8, $0xb8;
	[tilespmem:$0x2B00] =	vst v63  }
0x2bd: {  	_ =	swait.ge [sflag:s4], $0x80  }
0x2be: {  	s9 =	sld [smem:$0x7EE]  }
0x2bf: {  	[sflag:s4] =	ssyncset.done $0x0  }
0x2c0: {  	[sflag:s4] =	ssyncadd.s32 $0xFFFFFF80  }
0x2c1: {  	[spmem:s2] =	stream.indirect.scatter.add.f32 [tilespmem:s5], [sflag:$0x1], $0x1, s9, s8, $0xb8;
	[tilespmem:$0x2B00] =	vst v63  }
0x2c2: {  	_ =	swait.ge [sflag:s4], $0x80  }
0x2c3: {  	s9 =	sld [smem:$0x7EF]  }
0x2c4: {  	[sflag:s4] =	ssyncset.done $0x0  }
0x2c5: {  	[sflag:s4] =	ssyncadd.s32 $0xFFFFFF80  }
0x2c6: {  	[spmem:s2] =	stream.indirect.scatter.add.f32 [tilespmem:s5], [sflag:$0x1], $0x1, s9, s8, $0xb8;
	[tilespmem:$0x2B00] =	vst v63  }
0x2c7: {  	_ =	swait.ge [sflag:s4], $0x80  }
0x2c8: {  	s9 =	sld [smem:$0x7F0]  }
0x2c9: {  	[sflag:s4] =	ssyncset.done $0x0  }
0x2ca: {  	[sflag:s4] =	ssyncadd.s32 $0xFFFFFF80  }
0x2cb: {  	[spmem:s2] =	stream.indirect.scatter.add.f32 [tilespmem:s5], [sflag:$0x1], $0x1, s9, s8, $0xb8;
	[tilespmem:$0x2B00] =	vst v63  }
0x2cc: {  	_ =	swait.ge [sflag:s4], $0x80  }
0x2cd: {  	s9 =	sld [smem:$0x7F1]  }
0x2ce: {  	[sflag:s4] =	ssyncset.done $0x0  }
0x2cf: {  	[sflag:s4] =	ssyncadd.s32 $0xFFFFFF80  }
0x2d0: {  	[spmem:s2] =	stream.indirect.scatter.add.f32 [tilespmem:s5], [sflag:$0x1], $0x1, s9, s8, $0xb8;
	[tilespmem:$0x2B00] =	vst v63  }
0x2d1: {  	_ =	swait.ge [sflag:s4], $0x80  }
0x2d2: {  	s9 =	sld [smem:$0x7F2]  }
0x2d3: {  	[sflag:s4] =	ssyncset.done $0x0  }
0x2d4: {  	[sflag:s4] =	ssyncadd.s32 $0xFFFFFF80  }
0x2d5: {  	[spmem:s2] =	stream.indirect.scatter.add.f32 [tilespmem:s5], [sflag:$0x1], $0x1, s9, s8, $0xb8;
	[tilespmem:$0x2B00] =	vst v63  }
0x2d6: {  	_ =	swait.ge [sflag:s4], $0x80  }
0x2d7: {  	s9 =	sld [smem:$0x7F3]  }
0x2d8: {  	[sflag:s4] =	ssyncset.done $0x0  }
0x2d9: {  	[sflag:s4] =	ssyncadd.s32 $0xFFFFFF80  }
0x2da: {  	[spmem:s2] =	stream.indirect.scatter.add.f32 [tilespmem:s5], [sflag:$0x1], $0x1, s9, s8, $0xb8;
	[tilespmem:$0x2B00] =	vst v63  }
0x2db: {  	_ =	swait.ge [sflag:s4], $0x80  }
0x2dc: {  	s9 =	sld [smem:$0x7F4]  }
0x2dd: {  	[sflag:s4] =	ssyncset.done $0x0  }
0x2de: {  	[sflag:s4] =	ssyncadd.s32 $0xFFFFFF80  }
0x2df: {  	[spmem:s2] =	stream.indirect.scatter.add.f32 [tilespmem:s5], [sflag:$0x1], $0x1, s9, s8, $0xb8;
	[tilespmem:$0x2B00] =	vst v63  }
0x2e0: {  	_ =	swait.ge [sflag:s4], $0x80  }
0x2e1: {  	s9 =	sld [smem:$0x7F5]  }
0x2e2: {  	[sflag:s4] =	ssyncset.done $0x0  }
0x2e3: {  	[sflag:s4] =	ssyncadd.s32 $0xFFFFFF80  }
0x2e4: {  	[spmem:s2] =	stream.indirect.scatter.add.f32 [tilespmem:s5], [sflag:$0x1], $0x1, s9, s8, $0xb8;
	[tilespmem:$0x2B00] =	vst v63  }
0x2e5: {  	_ =	swait.ge [sflag:s4], $0x80  }
0x2e6: {  	s9 =	sld [smem:$0x7F6]  }
0x2e7: {  	[sflag:s4] =	ssyncset.done $0x0  }
0x2e8: {  	[sflag:s4] =	ssyncadd.s32 $0xFFFFFF80  }
0x2e9: {  	[spmem:s2] =	stream.indirect.scatter.add.f32 [tilespmem:s5], [sflag:$0x1], $0x1, s9, s8, $0xb8;
	[tilespmem:$0x2B00] =	vst v63  }
0x2ea: {  	_ =	swait.ge [sflag:s4], $0x80  }
0x2eb: {  	s9 =	sld [smem:$0x7F7]  }
0x2ec: {  	[sflag:s4] =	ssyncset.done $0x0  }
0x2ed: {  	[sflag:s4] =	ssyncadd.s32 $0xFFFFFF80  }
0x2ee: {  	[spmem:s2] =	stream.indirect.scatter.add.f32 [tilespmem:s5], [sflag:$0x1], $0x1, s9, s8, $0xb8;
	[tilespmem:$0x2B00] =	vst v63  }
0x2ef: {  	_ =	swait.ge [sflag:s4], $0x80  }
0x2f0: {  	s9 =	sld [smem:$0x7F8]  }
0x2f1: {  	[sflag:s4] =	ssyncset.done $0x0  }
0x2f2: {  	[sflag:s4] =	ssyncadd.s32 $0xFFFFFF80  }
0x2f3: {  	[spmem:s2] =	stream.indirect.scatter.add.f32 [tilespmem:s5], [sflag:$0x1], $0x1, s9, s8, $0xb8;
	[tilespmem:$0x2B00] =	vst v63  }
0x2f4: {  	_ =	swait.ge [sflag:s4], $0x80  }
0x2f5: {  	s9 =	sld [smem:$0x7F9]  }
0x2f6: {  	[sflag:s4] =	ssyncset.done $0x0  }
0x2f7: {  	[sflag:s4] =	ssyncadd.s32 $0xFFFFFF80  }
0x2f8: {  	[spmem:s2] =	stream.indirect.scatter.add.f32 [tilespmem:s5], [sflag:$0x1], $0x1, s9, s8, $0xb8;
	[tilespmem:$0x2B00] =	vst v63  }
0x2f9: {  	_ =	swait.ge [sflag:s4], $0x80  }
0x2fa: {  	s9 =	sld [smem:$0x7FA]  }
0x2fb: {  	[sflag:s4] =	ssyncset.done $0x0  }
0x2fc: {  	[sflag:s4] =	ssyncadd.s32 $0xFFFFFF80  }
0x2fd: {  	[spmem:s2] =	stream.indirect.scatter.add.f32 [tilespmem:s5], [sflag:$0x1], $0x1, s9, s8, $0xb8;
	[tilespmem:$0x2B00] =	vst v63  }
0x2fe: {  	_ =	swait.ge [sflag:s4], $0x80  }
0x2ff: {  	s9 =	sld [smem:$0x7FB]  }
0x300: {  	[sflag:s4] =	ssyncset.done $0x0  }
0x301: {  	[sflag:s4] =	ssyncadd.s32 $0xFFFFFF80  }
0x302: {  	[spmem:s2] =	stream.indirect.scatter.add.f32 [tilespmem:s5], [sflag:$0x1], $0x1, s9, s8, $0xb8;
	[tilespmem:$0x2B00] =	vst v63  }
0x303: {  	_ =	swait.ge [sflag:s4], $0x80  }
0x304: {  	s9 =	sld [smem:$0x7FC]  }
0x305: {  	[sflag:s4] =	ssyncset.done $0x0  }
0x306: {  	[sflag:s4] =	ssyncadd.s32 $0xFFFFFF80  }
0x307: {  	[spmem:s2] =	stream.indirect.scatter.add.f32 [tilespmem:s5], [sflag:$0x1], $0x1, s9, s8, $0xb8;
	[tilespmem:$0x2B00] =	vst v63  }
0x308: {  	_ =	swait.ge [sflag:s4], $0x80  }
0x309: {  	s9 =	sld [smem:$0x7FD]  }
0x30a: {  	[sflag:s4] =	ssyncset.done $0x0  }
0x30b: {  	[sflag:s4] =	ssyncadd.s32 $0xFFFFFF80  }
0x30c: {  	[spmem:s2] =	stream.indirect.scatter.add.f32 [tilespmem:s5], [sflag:$0x1], $0x1, s9, s8, $0xb8;
	[tilespmem:$0x2B00] =	vst v63  }
0x30d: {  	_ =	swait.ge [sflag:s4], $0x80  }
0x30e: {  	[sflag:s4] =	ssyncset.done $0x0  }
0x30f: {  	s9 =	simm.s32 $0x1E00;
	[sflag:s4] =	ssyncadd.s32 $0xFFFFFF80  }
0x310: {  	[spmem:s2] =	stream.indirect.scatter.add.f32 [tilespmem:s5], [sflag:$0x1], $0x1, s9, s8, $0xb8;
	[tilespmem:$0x2B00] =	vst v63  }
0x311: {  	_ =	swait.ge [sflag:s4], $0x80  }
0x312: {  	[sflag:s4] =	ssyncset.done $0x0  }
0x313: {  	[sflag:s4] =	ssyncadd.s32 $0xFFFFFF80  }
0x314: {  	[spmem:s2] =	stream.indirect.scatter.add.f32 [tilespmem:s5], [sflag:$0x1], $0x1, s10, s8, $0xb8;
	[tilespmem:$0x2B00] =	vst v63  }
0x315: {  	_ =	swait.ge [sflag:s4], $0x80  }
0x316: {  	[sflag:s4] =	ssyncset.done $0x0  }
0x317: {  	[sflag:s4] =	ssyncadd.s32 $0xFFFFFF80  }
0x318: {  	[spmem:s2] =	stream.indirect.scatter.add.f32 [tilespmem:s5], [sflag:$0x1], $0x1, s11, s8, $0xb8;
	[tilespmem:$0x2B00] =	vst v63  }
0x319: {  	_ =	swait.ge [sflag:s4], $0x80  }
0x31a: {  	[sflag:s4] =	ssyncset.done $0x0  }
0x31b: {  	[sflag:s4] =	ssyncadd.s32 $0xFFFFFF80  }
0x31c: {  	[spmem:s2] =	stream.indirect.scatter.add.f32 [tilespmem:s5], [sflag:$0x1], $0x1, s12, s8, $0xb8;
	[tilespmem:$0x2B00] =	vst v63  }
0x31d: {  	_ =	swait.ge [sflag:s4], $0x80  }
0x31e: {  	[sflag:s4] =	ssyncset.done $0x0  }
0x31f: {  	[sflag:s4] =	ssyncadd.s32 $0xFFFFFF80  }
0x320: {  	[spmem:s2] =	stream.indirect.scatter.add.f32 [tilespmem:s5], [sflag:$0x1], $0x1, s13, s8, $0xb8;
	[tilespmem:$0x2B00] =	vst v63  }
0x321: {  	_ =	swait.ge [sflag:s4], $0x80  }
0x322: {  	[sflag:s4] =	ssyncset.done $0x0  }
0x323: {  	[sflag:s4] =	ssyncadd.s32 $0xFFFFFF80  }
0x324: {  	[spmem:s2] =	stream.indirect.scatter.add.f32 [tilespmem:s5], [sflag:$0x1], $0x1, s14, s8, $0xb8;
	[tilespmem:$0x2B00] =	vst v63  }
0x325: {  	_ =	swait.ge [sflag:s4], $0x80  }
0x326: {  	[sflag:s4] =	ssyncset.done $0x0  }
0x327: {  	[sflag:s4] =	ssyncadd.s32 $0xFFFFFF80  }
0x328: {  	[spmem:s2] =	stream.indirect.scatter.add.f32 [tilespmem:s5], [sflag:$0x1], $0x1, s15, s8, $0xb8;
	[tilespmem:$0x2B00] =	vst v63  }
0x329: {  	_ =	swait.ge [sflag:s4], $0x80  }
0x32a: {  	[sflag:s4] =	ssyncset.done $0x0  }
0x32b: {  	[sflag:s4] =	ssyncadd.s32 $0xFFFFFF80  }
0x32c: {  	[spmem:s2] =	stream.indirect.scatter.add.f32 [tilespmem:s5], [sflag:$0x1], $0x1, s16, s8, $0xb8;
	[tilespmem:$0x2B00] =	vst v63  }
0x32d: {  	_ =	swait.ge [sflag:s4], $0x80  }
0x32e: {  	[sflag:s4] =	ssyncset.done $0x0  }
0x32f: {  	[sflag:s4] =	ssyncadd.s32 $0xFFFFFF80  }
0x330: {  	[spmem:s2] =	stream.indirect.scatter.add.f32 [tilespmem:s5], [sflag:$0x1], $0x1, s17, s8, $0xb8;
	[tilespmem:$0x2B00] =	vst v63  }
0x331: {  	_ =	swait.ge [sflag:s4], $0x80  }
0x332: {  	[sflag:s4] =	ssyncset.done $0x0  }
0x333: {  	[sflag:s4] =	ssyncadd.s32 $0xFFFFFF80  }
0x334: {  	[spmem:s2] =	stream.indirect.scatter.add.f32 [tilespmem:s5], [sflag:$0x1], $0x1, s18, s8, $0xb8;
	[tilespmem:$0x2B00] =	vst v63  }
0x335: {  	_ =	swait.ge [sflag:s4], $0x80  }
0x336: {  	[sflag:s4] =	ssyncset.done $0x0  }
0x337: {  	[sflag:s4] =	ssyncadd.s32 $0xFFFFFF80  }
0x338: {  	[spmem:s2] =	stream.indirect.scatter.add.f32 [tilespmem:s5], [sflag:$0x1], $0x1, s19, s8, $0xb8;
	[tilespmem:$0x2B00] =	vst v63  }
0x339: {  	_ =	swait.ge [sflag:s4], $0x80  }
0x33a: {  	[sflag:s4] =	ssyncset.done $0x0  }
0x33b: {  	[sflag:s4] =	ssyncadd.s32 $0xFFFFFF80  }
0x33c: {  	[spmem:s2] =	stream.indirect.scatter.add.f32 [tilespmem:s5], [sflag:$0x1], $0x1, s20, s8, $0xb8;
	[tilespmem:$0x2B00] =	vst v63  }
0x33d: {  	_ =	swait.ge [sflag:s4], $0x80  }
0x33e: {  	[sflag:s4] =	ssyncset.done $0x0  }
0x33f: {  	[sflag:s4] =	ssyncadd.s32 $0xFFFFFF80  }
0x340: {  	[spmem:s2] =	stream.indirect.scatter.add.f32 [tilespmem:s5], [sflag:$0x1], $0x1, s21, s8, $0xb8;
	[tilespmem:$0x2B00] =	vst v63  }
0x341: {  	_ =	swait.ge [sflag:s4], $0x80  }
0x342: {  	[sflag:s4] =	ssyncset.done $0x0  }
0x343: {  	[sflag:s4] =	ssyncadd.s32 $0xFFFFFF80  }
0x344: {  	[spmem:s2] =	stream.indirect.scatter.add.f32 [tilespmem:s5], [sflag:$0x1], $0x1, s22, s8, $0xb8;
	[tilespmem:$0x2B00] =	vst v63  }
0x345: {  	_ =	swait.ge [sflag:s4], $0x80  }
0x346: {  	[sflag:s4] =	ssyncset.done $0x0  }
0x347: {  	[sflag:s4] =	ssyncadd.s32 $0xFFFFFF80  }
0x348: {  	[spmem:s2] =	stream.indirect.scatter.add.f32 [tilespmem:s5], [sflag:$0x1], $0x1, s23, s8, $0xb8;
	[tilespmem:$0x2B00] =	vst v63  }
0x349: {  	_ =	swait.ge [sflag:s4], $0x80  }
0x34a: {  	[sflag:s4] =	ssyncset.done $0x0  }
0x34b: {  	[sflag:s4] =	ssyncadd.s32 $0xFFFFFF80  }
0x34c: {  	[spmem:s2] =	stream.indirect.scatter.add.f32 [tilespmem:s5], [sflag:$0x1], $0x1, s24, s8, $0xb8;
	[tilespmem:$0x2B00] =	vst v63  }
0x34d: {  	_ =	swait.ge [sflag:s4], $0x80  }
0x34e: {  	[sflag:s4] =	ssyncset.done $0x0  }
0x34f: {  	[sflag:s4] =	ssyncadd.s32 $0xFFFFFF80  }
0x350: {  	[spmem:s2] =	stream.indirect.scatter.add.f32 [tilespmem:s5], [sflag:$0x1], $0x1, s25, s8, $0xb8;
	[tilespmem:$0x2B00] =	vst v63  }
0x351: {  	_ =	swait.ge [sflag:s4], $0x80  }
0x352: {  	[sflag:s4] =	ssyncset.done $0x0  }
0x353: {  	[sflag:s4] =	ssyncadd.s32 $0xFFFFFF80  }
0x354: {  	[spmem:s2] =	stream.indirect.scatter.add.f32 [tilespmem:s5], [sflag:$0x1], $0x1, s26, s8, $0xb8;
	[tilespmem:$0x2B00] =	vst v63  }
0x355: {  	_ =	swait.ge [sflag:s4], $0x80  }
0x356: {  	[sflag:s4] =	ssyncset.done $0x0  }
0x357: {  	[sflag:s4] =	ssyncadd.s32 $0xFFFFFF80  }
0x358: {  	[spmem:s2] =	stream.indirect.scatter.add.f32 [tilespmem:s5], [sflag:$0x1], $0x1, s28, s8, $0xb8;
	[tilespmem:$0x2B00] =	vst v63  }
0x359: {  	_ =	swait.ge [sflag:s4], $0x80  }
0x35a: {  	[sflag:s4] =	ssyncset.done $0x0  }
0x35b: {  	p0 =	sne.s32 s30, $0x1;
	[sflag:s4] =	ssyncadd.s32 $0xFFFFFF80  }
0x35c: {  	[spmem:s2] =	stream.indirect.scatter.add.f32 [tilespmem:s5], [sflag:$0x1], $0x1, s29, s8, $0xb8;
	[tilespmem:$0x2B00] =	vst v63  }
.Ltmp1:
0x35d: {  	_ =	swait.ge [sflag:s4], $0x80;
	(pc) =	sbr.rel @p0 .LBB2_1-.Ltmp1, $4  }
0x35e: {  	[sflag:s4] =	ssyncset.done $0x0  }
0x35f: {  	[sflag:s4] =	ssyncadd.s32 $0xFFFFFF80  }
0x360: {  	[bflag:$0x0] =	sbarrier.arrive $0xFFFF  }
0x361: {  	s30 =	sadd.s32 $0xFFFFFFFF, s30;
	s1 =	rddreg [dreg:$0xb]  }
.LBB2_2:
0x362: {  	[hbm:s1@s31], [sflag:s6] =	dma.strided [spmem:s7@s0], $0x50, s4, $0x10   }
0x363: {  	_ =	swait.ge [sflag:s4], $0x50  }
0x364: {  	[sflag:s4] =	ssyncset.done $0x0  }
0x365: {  	[sflag:s4] =	ssyncadd.s32 $0xFFFFFFB0  }
0x366: {  	_ =	sfence.sel $0x180000  }
0x367: {  	[bflag:$0x0] =	sbarrier.arrive $0xFFFF  }
0x368: {  	_ =	strace $0x90000047  }
0x369: {  	s31 =	stileid.u32;
	[bflag:$0x2] =	sbarrier.arrive $0xFFFF  }
0x36a: {  	p0 =	sne.s32 s31, $0x0;
	s0 =	rddreg [dreg:$0x3]  }
0x36b: {  	s0 =	sadd.s32 @!p0 $0x100000, s0  }
0x36c: {  	[sflag:s0] =	ssyncadd.tile.s32 @!p0 $0x1;
	_ =	shalt  }
.Lfunc_end2:
_tile_overlayer_lowered:
.L_overlay_start_2:
0x36d: {  	(tag) =	ssettag $0x2  }
0x36e: {  	s0 =	rddreg [dreg:$0x0];
	s2 =	stileid.u32  }
0x36f: {  	s1 =	rddreg [dreg:$0x1];
	p0 =	sne.s32 s2, $0x0  }
0x370: {  	s3 =	rddreg [dreg:$0x2];
	[bflag:$0x3] =	sbarrier.arrive $0xFFFF;
	s2 =	simm.s32 @!p0 $0x1C01  }
0x371: {  	[timem:s3], [sflag:s2] =	dma.local @!p0 [hbm:s0], s1  }
0x372: {  	s0 =	simm.s32 @!p0 $0x1  }
0x373: {  	_ =	swait.ge @!p0 [sflag:s0], s1  }
0x374: {  	s1 =	ssub.s32 @!p0 $0x0, s1;
	[sflag:s0] =	ssyncset.done @!p0 $0x0  }
0x375: {  	[sflag:s0] =	ssyncadd.s32 @!p0 s1  }
0x376: {  	[bflag:$0x3] =	sbarrier.arrive $0xFFFF  }
0x377: {  	_ =	shalt  }

</sc_bundles>
